<compile_context>
chip_gen: v7x
topology: tpu7x:2x2x1
jax: 0.10.2.dev20260603
libtpu: 0.0.44.dev20260713+nightly
codegen_flags: <defaults>
</compile_context>

<pallas_src>
import functools

import jax
import jax.numpy as jnp
from jax import lax
from jax.experimental import pallas as pl
from jax.experimental.pallas import tpu as pltpu
from jax.experimental.pallas import tpu_sc as plsc

_ATTRIBUTES_NUM = 8


@functools.lru_cache(maxsize=None)
def _make_scs_gather(seq_len, e_dims, table_rows):
    mesh = plsc.ScalarSubcoreMesh(axis_name="c")
    half = ((seq_len // 2 + 7) // 8) * 8

    @functools.partial(
        pl.kernel,
        mesh=mesh,
        out_type=jax.ShapeDtypeStruct((seq_len, e_dims), jnp.float32),
        scratch_types=[
            pltpu.VMEM_SHARED((seq_len, e_dims), jnp.float32),
            pltpu.SemaphoreType.DMA,
        ],
    )
    def scs_gather(table_hbm, seq_hbm, stage, gsem):
        cid = lax.axis_index("c")

        for core, lo, ln in ((0, 0, half), (1, half, seq_len - half)):
            @pl.when(cid == core)
            def _(lo=lo, ln=ln):
                gathers = [
                    pltpu.async_copy(
                        table_hbm.at[pl.ds(t // _ATTRIBUTES_NUM, 1)],
                        seq_hbm.at[pl.ds(t, 1)],
                        gsem,
                    )
                    for t in range(lo, lo + ln)
                ]
                for g in gathers:
                    g.wait()

    return scs_gather


@functools.lru_cache(maxsize=None)
def _make_tc_broadcast(batch, seq_len, e_dims, k_rep):
    nchunks = batch // k_rep

    def body(seq_ref, out_ref, scratch_ref, sem):
        seq = seq_ref[:]
        for i in range(k_rep):
            scratch_ref[i] = seq
        copies = [
            pltpu.make_async_copy(
                scratch_ref,
                out_ref.at[pl.ds(c * k_rep, k_rep)],
                sem.at[c % 2],
            )
            for c in range(nchunks)
        ]
        for cp in copies:
            cp.start()
        for cp in copies:
            cp.wait()

    return pl.pallas_call(
        body,
        in_specs=[pl.BlockSpec(memory_space=pltpu.VMEM)],
        out_specs=pl.BlockSpec(memory_space=pltpu.MemorySpace.HBM),
        out_shape=jax.ShapeDtypeStruct((batch, seq_len, e_dims),
                                       jnp.float32),
        scratch_shapes=[
            pltpu.VMEM((k_rep, seq_len, e_dims), jnp.float32),
            pltpu.SemaphoreType.DMA((2,)),
        ],
    )


def kernel(x, E_object_index):
    batch, seq_len = x.shape
    table_rows, e_dims = E_object_index.shape
    gather = _make_scs_gather(seq_len, e_dims, table_rows)
    seq = gather(E_object_index)
    broadcast = _make_tc_broadcast(batch, seq_len, e_dims, k_rep=16)
    return broadcast(seq)

# --- scband reference (transcript-rebuilt; emitter-appended) ---
"""Pipeline reference for scband-object-index-encoding-40252433498314 (READ-ONLY COPY).

The authoritative reference and input builder live on the scoring server;
editing this copy changes nothing except your own understanding.
"""

import jax, jax.numpy as jnp
import numpy as np

OBJECT_MAX_NUM = 1000
ATTRIBUTES_NUM = 8
E_DIMS = 128

def setup_inputs(seed: int = 0) -> dict:
    key = jax.random.key(seed)
    k1, k2 = jax.random.split(key)
    x = jax.random.randint(k1, (1024, 200), 0, 1000, dtype=jnp.int64)
    E_object_index = jax.random.normal(k2, (OBJECT_MAX_NUM, E_DIMS), dtype=jnp.float32)
    return {"x": x, "E_object_index": E_object_index}

def reference(x, E_object_index):
    # Faithful translation: sequence[b, t] = E_object_index[t // attributes_num]
    # x is used only for its shape (batch_size, sequence_length).
    batch_size = x.shape[0]
    sequence_length = x.shape[1]
    idx = jnp.arange(sequence_length) // ATTRIBUTES_NUM  # int token->object index
    seq = jnp.take(E_object_index, idx, axis=0)  # [seq_len, E_dims] gather
    out = jnp.broadcast_to(seq[None, :, :], (batch_size, sequence_length, E_DIMS))
    return out

if __name__ == "__main__":
    import jax
    _d = setup_inputs()
    print(jax.jit(kernel)(*tuple(_d.values())))

</pallas_src>

<mosaic_0001>
#map = affine_map<(d0) -> (0, 0)>
module attributes {stable_mosaic.version = 14 : i64} {
  func.func @scs_gather(%arg0: i32, %arg1: memref<1000x128xf32, #tpu.memory_space<hbm>>, %arg2: memref<200x128xf32, #tpu.memory_space<hbm>>, %arg3: memref<200x128xf32, #tpu.memory_space<vmem_shared>>, %arg4: memref<!tpu.dma_semaphore, #tpu.memory_space<semaphore_mem>>) attributes {dimension_semantics = [#tpu.dimension_semantics<core_parallel>], iteration_bounds = array<i64: 2>, scalar_prefetch = 0 : i64, scratch_operands = 2 : i64, tpu.core_type = #tpu.core_type<sc_scalar_subcore>, window_params = [{transform_indices = #map}, {transform_indices = #map}]} {
    %eq3A = arith.constant 0 : i32
    %eq3A_0 = arith.cmpi eq, %arg0, %eq3A : i32
    %convert_element_type3A = arith.extui %eq3A_0 : i1 to i32
    %cond3A = arith.constant 0 : i32
    %cond3A_1 = arith.cmpi ne, %convert_element_type3A, %cond3A : i32
    scf.if %cond3A_1 {
      %dma_start3A = arith.constant 0 : i32
      %dma_start3A_7 = arith.constant 0 : i32
      %dma_start3A_8 = tpu.memref_slice %arg2[%dma_start3A, %dma_start3A_7] : memref<200x128xf32, #tpu.memory_space<hbm>> -> memref<1x128xf32, #tpu.memory_space<hbm>>
      %dma_start3A_9 = arith.constant 0 : i32
      %dma_start3A_10 = arith.constant 0 : i32
      %dma_start3A_11 = tpu.memref_slice %arg1[%dma_start3A_9, %dma_start3A_10] : memref<1000x128xf32, #tpu.memory_space<hbm>> -> memref<1x128xf32, #tpu.memory_space<hbm>>
      tpu.enqueue_dma source(%dma_start3A_11 : memref<1x128xf32, #tpu.memory_space<hbm>>) target(%dma_start3A_8 : memref<1x128xf32, #tpu.memory_space<hbm>>) target_semaphore(%arg4 : memref<!tpu.dma_semaphore, #tpu.memory_space<semaphore_mem>>)
      %dma_start3A_12 = arith.constant 1 : i32
      %dma_start3A_13 = arith.constant 0 : i32
      %dma_start3A_14 = tpu.memref_slice %arg2[%dma_start3A_12, %dma_start3A_13] : memref<200x128xf32, #tpu.memory_space<hbm>> -> memref<1x128xf32, #tpu.memory_space<hbm>>
      %dma_start3A_15 = arith.constant 0 : i32
      %dma_start3A_16 = arith.constant 0 : i32
      %dma_start3A_17 = tpu.memref_slice %arg1[%dma_start3A_15, %dma_start3A_16] : memref<1000x128xf32, #tpu.memory_space<hbm>> -> memref<1x128xf32, #tpu.memory_space<hbm>>
      tpu.enqueue_dma source(%dma_start3A_17 : memref<1x128xf32, #tpu.memory_space<hbm>>) target(%dma_start3A_14 : memref<1x128xf32, #tpu.memory_space<hbm>>) target_semaphore(%arg4 : memref<!tpu.dma_semaphore, #tpu.memory_space<semaphore_mem>>)
      %dma_start3A_18 = arith.constant 2 : i32
      %dma_start3A_19 = arith.constant 0 : i32
      %dma_start3A_20 = tpu.memref_slice %arg2[%dma_start3A_18, %dma_start3A_19] : memref<200x128xf32, #tpu.memory_space<hbm>> -> memref<1x128xf32, #tpu.memory_space<hbm>>
      %dma_start3A_21 = arith.constant 0 : i32
      %dma_start3A_22 = arith.constant 0 : i32
      %dma_start3A_23 = tpu.memref_slice %arg1[%dma_start3A_21, %dma_start3A_22] : memref<1000x128xf32, #tpu.memory_space<hbm>> -> memref<1x128xf32, #tpu.memory_space<hbm>>
      tpu.enqueue_dma source(%dma_start3A_23 : memref<1x128xf32, #tpu.memory_space<hbm>>) target(%dma_start3A_20 : memref<1x128xf32, #tpu.memory_space<hbm>>) target_semaphore(%arg4 : memref<!tpu.dma_semaphore, #tpu.memory_space<semaphore_mem>>)
      %dma_start3A_24 = arith.constant 3 : i32
      %dma_start3A_25 = arith.constant 0 : i32
      %dma_start3A_26 = tpu.memref_slice %arg2[%dma_start3A_24, %dma_start3A_25] : memref<200x128xf32, #tpu.memory_space<hbm>> -> memref<1x128xf32, #tpu.memory_space<hbm>>
      %dma_start3A_27 = arith.constant 0 : i32
      %dma_start3A_28 = arith.constant 0 : i32
      %dma_start3A_29 = tpu.memref_slice %arg1[%dma_start3A_27, %dma_start3A_28] : memref<1000x128xf32, #tpu.memory_space<hbm>> -> memref<1x128xf32, #tpu.memory_space<hbm>>
      tpu.enqueue_dma source(%dma_start3A_29 : memref<1x128xf32, #tpu.memory_space<hbm>>) target(%dma_start3A_26 : memref<1x128xf32, #tpu.memory_space<hbm>>) target_semaphore(%arg4 : memref<!tpu.dma_semaphore, #tpu.memory_space<semaphore_mem>>)
      %dma_start3A_30 = arith.constant 4 : i32
      %dma_start3A_31 = arith.constant 0 : i32
      %dma_start3A_32 = tpu.memref_slice %arg2[%dma_start3A_30, %dma_start3A_31] : memref<200x128xf32, #tpu.memory_space<hbm>> -> memref<1x128xf32, #tpu.memory_space<hbm>>
      %dma_start3A_33 = arith.constant 0 : i32
      %dma_start3A_34 = arith.constant 0 : i32
      %dma_start3A_35 = tpu.memref_slice %arg1[%dma_start3A_33, %dma_start3A_34] : memref<1000x128xf32, #tpu.memory_space<hbm>> -> memref<1x128xf32, #tpu.memory_space<hbm>>
      tpu.enqueue_dma source(%dma_start3A_35 : memref<1x128xf32, #tpu.memory_space<hbm>>) target(%dma_start3A_32 : memref<1x128xf32, #tpu.memory_space<hbm>>) target_semaphore(%arg4 : memref<!tpu.dma_semaphore, #tpu.memory_space<semaphore_mem>>)
      %dma_start3A_36 = arith.constant 5 : i32
      %dma_start3A_37 = arith.constant 0 : i32
      %dma_start3A_38 = tpu.memref_slice %arg2[%dma_start3A_36, %dma_start3A_37] : memref<200x128xf32, #tpu.memory_space<hbm>> -> memref<1x128xf32, #tpu.memory_space<hbm>>
      %dma_start3A_39 = arith.constant 0 : i32
      %dma_start3A_40 = arith.constant 0 : i32
      %dma_start3A_41 = tpu.memref_slice %arg1[%dma_start3A_39, %dma_start3A_40] : memref<1000x128xf32, #tpu.memory_space<hbm>> -> memref<1x128xf32, #tpu.memory_space<hbm>>
      tpu.enqueue_dma source(%dma_start3A_41 : memref<1x128xf32, #tpu.memory_space<hbm>>) target(%dma_start3A_38 : memref<1x128xf32, #tpu.memory_space<hbm>>) target_semaphore(%arg4 : memref<!tpu.dma_semaphore, #tpu.memory_space<semaphore_mem>>)
      %dma_start3A_42 = arith.constant 6 : i32
      %dma_start3A_43 = arith.constant 0 : i32
      %dma_start3A_44 = tpu.memref_slice %arg2[%dma_start3A_42, %dma_start3A_43] : memref<200x128xf32, #tpu.memory_space<hbm>> -> memref<1x128xf32, #tpu.memory_space<hbm>>
      %dma_start3A_45 = arith.constant 0 : i32
      %dma_start3A_46 = arith.constant 0 : i32
      %dma_start3A_47 = tpu.memref_slice %arg1[%dma_start3A_45, %dma_start3A_46] : memref<1000x128xf32, #tpu.memory_space<hbm>> -> memref<1x128xf32, #tpu.memory_space<hbm>>
      tpu.enqueue_dma source(%dma_start3A_47 : memref<1x128xf32, #tpu.memory_space<hbm>>) target(%dma_start3A_44 : memref<1x128xf32, #tpu.memory_space<hbm>>) target_semaphore(%arg4 : memref<!tpu.dma_semaphore, #tpu.memory_space<semaphore_mem>>)
      %dma_start3A_48 = arith.constant 7 : i32
      %dma_start3A_49 = arith.constant 0 : i32
      %dma_start3A_50 = tpu.memref_slice %arg2[%dma_start3A_48, %dma_start3A_49] : memref<200x128xf32, #tpu.memory_space<hbm>> -> memref<1x128xf32, #tpu.memory_space<hbm>>
      %dma_start3A_51 = arith.constant 0 : i32
      %dma_start3A_52 = arith.constant 0 : i32
      %dma_start3A_53 = tpu.memref_slice %arg1[%dma_start3A_51, %dma_start3A_52] : memref<1000x128xf32, #tpu.memory_space<hbm>> -> memref<1x128xf32, #tpu.memory_space<hbm>>
      tpu.enqueue_dma source(%dma_start3A_53 : memref<1x128xf32, #tpu.memory_space<hbm>>) target(%dma_start3A_50 : memref<1x128xf32, #tpu.memory_space<hbm>>) target_semaphore(%arg4 : memref<!tpu.dma_semaphore, #tpu.memory_space<semaphore_mem>>)
      %dma_start3A_54 = arith.constant 8 : i32
      %dma_start3A_55 = arith.constant 0 : i32
      %dma_start3A_56 = tpu.memref_slice %arg2[%dma_start3A_54, %dma_start3A_55] : memref<200x128xf32, #tpu.memory_space<hbm>> -> memref<1x128xf32, #tpu.memory_space<hbm>>
      %dma_start3A_57 = arith.constant 1 : i32
      %dma_start3A_58 = arith.constant 0 : i32
      %dma_start3A_59 = tpu.memref_slice %arg1[%dma_start3A_57, %dma_start3A_58] : memref<1000x128xf32, #tpu.memory_space<hbm>> -> memref<1x128xf32, #tpu.memory_space<hbm>>
      tpu.enqueue_dma source(%dma_start3A_59 : memref<1x128xf32, #tpu.memory_space<hbm>>) target(%dma_start3A_56 : memref<1x128xf32, #tpu.memory_space<hbm>>) target_semaphore(%arg4 : memref<!tpu.dma_semaphore, #tpu.memory_space<semaphore_mem>>)
      %dma_start3A_60 = arith.constant 9 : i32
      %dma_start3A_61 = arith.constant 0 : i32
      %dma_start3A_62 = tpu.memref_slice %arg2[%dma_start3A_60, %dma_start3A_61] : memref<200x128xf32, #tpu.memory_space<hbm>> -> memref<1x128xf32, #tpu.memory_space<hbm>>
      %dma_start3A_63 = arith.constant 1 : i32
      %dma_start3A_64 = arith.constant 0 : i32
      %dma_start3A_65 = tpu.memref_slice %arg1[%dma_start3A_63, %dma_start3A_64] : memref<1000x128xf32, #tpu.memory_space<hbm>> -> memref<1x128xf32, #tpu.memory_space<hbm>>
      tpu.enqueue_dma source(%dma_start3A_65 : memref<1x128xf32, #tpu.memory_space<hbm>>) target(%dma_start3A_62 : memref<1x128xf32, #tpu.memory_space<hbm>>) target_semaphore(%arg4 : memref<!tpu.dma_semaphore, #tpu.memory_space<semaphore_mem>>)
      %dma_start3A_66 = arith.constant 10 : i32
      %dma_start3A_67 = arith.constant 0 : i32
      %dma_start3A_68 = tpu.memref_slice %arg2[%dma_start3A_66, %dma_start3A_67] : memref<200x128xf32, #tpu.memory_space<hbm>> -> memref<1x128xf32, #tpu.memory_space<hbm>>
      %dma_start3A_69 = arith.constant 1 : i32
      %dma_start3A_70 = arith.constant 0 : i32
      %dma_start3A_71 = tpu.memref_slice %arg1[%dma_start3A_69, %dma_start3A_70] : memref<1000x128xf32, #tpu.memory_space<hbm>> -> memref<1x128xf32, #tpu.memory_space<hbm>>
      tpu.enqueue_dma source(%dma_start3A_71 : memref<1x128xf32, #tpu.memory_space<hbm>>) target(%dma_start3A_68 : memref<1x128xf32, #tpu.memory_space<hbm>>) target_semaphore(%arg4 : memref<!tpu.dma_semaphore, #tpu.memory_space<semaphore_mem>>)
      %dma_start3A_72 = arith.constant 11 : i32
      %dma_start3A_73 = arith.constant 0 : i32
      %dma_start3A_74 = tpu.memref_slice %arg2[%dma_start3A_72, %dma_start3A_73] : memref<200x128xf32, #tpu.memory_space<hbm>> -> memref<1x128xf32, #tpu.memory_space<hbm>>
      %dma_start3A_75 = arith.constant 1 : i32
      %dma_start3A_76 = arith.constant 0 : i32
      %dma_start3A_77 = tpu.memref_slice %arg1[%dma_start3A_75, %dma_start3A_76] : memref<1000x128xf32, #tpu.memory_space<hbm>> -> memref<1x128xf32, #tpu.memory_space<hbm>>
      tpu.enqueue_dma source(%dma_start3A_77 : memref<1x128xf32, #tpu.memory_space<hbm>>) target(%dma_start3A_74 : memref<1x128xf32, #tpu.memory_space<hbm>>) target_semaphore(%arg4 : memref<!tpu.dma_semaphore, #tpu.memory_space<semaphore_mem>>)
      %dma_start3A_78 = arith.constant 12 : i32
      %dma_start3A_79 = arith.constant 0 : i32
      %dma_start3A_80 = tpu.memref_slice %arg2[%dma_start3A_78, %dma_start3A_79] : memref<200x128xf32, #tpu.memory_space<hbm>> -> memref<1x128xf32, #tpu.memory_space<hbm>>
      %dma_start3A_81 = arith.constant 1 : i32
      %dma_start3A_82 = arith.constant 0 : i32
      %dma_start3A_83 = tpu.memref_slice %arg1[%dma_start3A_81, %dma_start3A_82] : memref<1000x128xf32, #tpu.memory_space<hbm>> -> memref<1x128xf32, #tpu.memory_space<hbm>>
      tpu.enqueue_dma source(%dma_start3A_83 : memref<1x128xf32, #tpu.memory_space<hbm>>) target(%dma_start3A_80 : memref<1x128xf32, #tpu.memory_space<hbm>>) target_semaphore(%arg4 : memref<!tpu.dma_semaphore, #tpu.memory_space<semaphore_mem>>)
      %dma_start3A_84 = arith.constant 13 : i32
      %dma_start3A_85 = arith.constant 0 : i32
      %dma_start3A_86 = tpu.memref_slice %arg2[%dma_start3A_84, %dma_start3A_85] : memref<200x128xf32, #tpu.memory_space<hbm>> -> memref<1x128xf32, #tpu.memory_space<hbm>>
      %dma_start3A_87 = arith.constant 1 : i32
      %dma_start3A_88 = arith.constant 0 : i32
      %dma_start3A_89 = tpu.memref_slice %arg1[%dma_start3A_87, %dma_start3A_88] : memref<1000x128xf32, #tpu.memory_space<hbm>> -> memref<1x128xf32, #tpu.memory_space<hbm>>
      tpu.enqueue_dma source(%dma_start3A_89 : memref<1x128xf32, #tpu.memory_space<hbm>>) target(%dma_start3A_86 : memref<1x128xf32, #tpu.memory_space<hbm>>) target_semaphore(%arg4 : memref<!tpu.dma_semaphore, #tpu.memory_space<semaphore_mem>>)
      %dma_start3A_90 = arith.constant 14 : i32
      %dma_start3A_91 = arith.constant 0 : i32
      %dma_start3A_92 = tpu.memref_slice %arg2[%dma_start3A_90, %dma_start3A_91] : memref<200x128xf32, #tpu.memory_space<hbm>> -> memref<1x128xf32, #tpu.memory_space<hbm>>
      %dma_start3A_93 = arith.constant 1 : i32
      %dma_start3A_94 = arith.constant 0 : i32
      %dma_start3A_95 = tpu.memref_slice %arg1[%dma_start3A_93, %dma_start3A_94] : memref<1000x128xf32, #tpu.memory_space<hbm>> -> memref<1x128xf32, #tpu.memory_space<hbm>>
      tpu.enqueue_dma source(%dma_start3A_95 : memref<1x128xf32, #tpu.memory_space<hbm>>) target(%dma_start3A_92 : memref<1x128xf32, #tpu.memory_space<hbm>>) target_semaphore(%arg4 : memref<!tpu.dma_semaphore, #tpu.memory_space<semaphore_mem>>)
      %dma_start3A_96 = arith.constant 15 : i32
      %dma_start3A_97 = arith.constant 0 : i32
      %dma_start3A_98 = tpu.memref_slice %arg2[%dma_start3A_96, %dma_start3A_97] : memref<200x128xf32, #tpu.memory_space<hbm>> -> memref<1x128xf32, #tpu.memory_space<hbm>>
      %dma_start3A_99 = arith.constant 1 : i32
      %dma_start3A_100 = arith.constant 0 : i32
      %dma_start3A_101 = tpu.memref_slice %arg1[%dma_start3A_99, %dma_start3A_100] : memref<1000x128xf32, #tpu.memory_space<hbm>> -> memref<1x128xf32, #tpu.memory_space<hbm>>
      tpu.enqueue_dma source(%dma_start3A_101 : memref<1x128xf32, #tpu.memory_space<hbm>>) target(%dma_start3A_98 : memref<1x128xf32, #tpu.memory_space<hbm>>) target_semaphore(%arg4 : memref<!tpu.dma_semaphore, #tpu.memory_space<semaphore_mem>>)
      %dma_start3A_102 = arith.constant 16 : i32
      %dma_start3A_103 = arith.constant 0 : i32
      %dma_start3A_104 = tpu.memref_slice %arg2[%dma_start3A_102, %dma_start3A_103] : memref<200x128xf32, #tpu.memory_space<hbm>> -> memref<1x128xf32, #tpu.memory_space<hbm>>
      %dma_start3A_105 = arith.constant 2 : i32
      %dma_start3A_106 = arith.constant 0 : i32
      %dma_start3A_107 = tpu.memref_slice %arg1[%dma_start3A_105, %dma_start3A_106] : memref<1000x128xf32, #tpu.memory_space<hbm>> -> memref<1x128xf32, #tpu.memory_space<hbm>>
      tpu.enqueue_dma source(%dma_start3A_107 : memref<1x128xf32, #tpu.memory_space<hbm>>) target(%dma_start3A_104 : memref<1x128xf32, #tpu.memory_space<hbm>>) target_semaphore(%arg4 : memref<!tpu.dma_semaphore, #tpu.memory_space<semaphore_mem>>)
      %dma_start3A_108 = arith.constant 17 : i32
      %dma_start3A_109 = arith.constant 0 : i32
      %dma_start3A_110 = tpu.memref_slice %arg2[%dma_start3A_108, %dma_start3A_109] : memref<200x128xf32, #tpu.memory_space<hbm>> -> memref<1x128xf32, #tpu.memory_space<hbm>>
      %dma_start3A_111 = arith.constant 2 : i32
      %dma_start3A_112 = arith.constant 0 : i32
      %dma_start3A_113 = tpu.memref_slice %arg1[%dma_start3A_111, %dma_start3A_112] : memref<1000x128xf32, #tpu.memory_space<hbm>> -> memref<1x128xf32, #tpu.memory_space<hbm>>
      tpu.enqueue_dma source(%dma_start3A_113 : memref<1x128xf32, #tpu.memory_space<hbm>>) target(%dma_start3A_110 : memref<1x128xf32, #tpu.memory_space<hbm>>) target_semaphore(%arg4 : memref<!tpu.dma_semaphore, #tpu.memory_space<semaphore_mem>>)
      %dma_start3A_114 = arith.constant 18 : i32
      %dma_start3A_115 = arith.constant 0 : i32
      %dma_start3A_116 = tpu.memref_slice %arg2[%dma_start3A_114, %dma_start3A_115] : memref<200x128xf32, #tpu.memory_space<hbm>> -> memref<1x128xf32, #tpu.memory_space<hbm>>
      %dma_start3A_117 = arith.constant 2 : i32
      %dma_start3A_118 = arith.constant 0 : i32
      %dma_start3A_119 = tpu.memref_slice %arg1[%dma_start3A_117, %dma_start3A_118] : memref<1000x128xf32, #tpu.memory_space<hbm>> -> memref<1x128xf32, #tpu.memory_space<hbm>>
      tpu.enqueue_dma source(%dma_start3A_119 : memref<1x128xf32, #tpu.memory_space<hbm>>) target(%dma_start3A_116 : memref<1x128xf32, #tpu.memory_space<hbm>>) target_semaphore(%arg4 : memref<!tpu.dma_semaphore, #tpu.memory_space<semaphore_mem>>)
      %dma_start3A_120 = arith.constant 19 : i32
      %dma_start3A_121 = arith.constant 0 : i32
      %dma_start3A_122 = tpu.memref_slice %arg2[%dma_start3A_120, %dma_start3A_121] : memref<200x128xf32, #tpu.memory_space<hbm>> -> memref<1x128xf32, #tpu.memory_space<hbm>>
      %dma_start3A_123 = arith.constant 2 : i32
      %dma_start3A_124 = arith.constant 0 : i32
      %dma_start3A_125 = tpu.memref_slice %arg1[%dma_start3A_123, %dma_start3A_124] : memref<1000x128xf32, #tpu.memory_space<hbm>> -> memref<1x128xf32, #tpu.memory_space<hbm>>
      tpu.enqueue_dma source(%dma_start3A_125 : memref<1x128xf32, #tpu.memory_space<hbm>>) target(%dma_start3A_122 : memref<1x128xf32, #tpu.memory_space<hbm>>) target_semaphore(%arg4 : memref<!tpu.dma_semaphore, #tpu.memory_space<semaphore_mem>>)
      %dma_start3A_126 = arith.constant 20 : i32
      %dma_start3A_127 = arith.constant 0 : i32
      %dma_start3A_128 = tpu.memref_slice %arg2[%dma_start3A_126, %dma_start3A_127] : memref<200x128xf32, #tpu.memory_space<hbm>> -> memref<1x128xf32, #tpu.memory_space<hbm>>
      %dma_start3A_129 = arith.constant 2 : i32
      %dma_start3A_130 = arith.constant 0 : i32
      %dma_start3A_131 = tpu.memref_slice %arg1[%dma_start3A_129, %dma_start3A_130] : memref<1000x128xf32, #tpu.memory_space<hbm>> -> memref<1x128xf32, #tpu.memory_space<hbm>>
      tpu.enqueue_dma source(%dma_start3A_131 : memref<1x128xf32, #tpu.memory_space<hbm>>) target(%dma_start3A_128 : memref<1x128xf32, #tpu.memory_space<hbm>>) target_semaphore(%arg4 : memref<!tpu.dma_semaphore, #tpu.memory_space<semaphore_mem>>)
      %dma_start3A_132 = arith.constant 21 : i32
      %dma_start3A_133 = arith.constant 0 : i32
      %dma_start3A_134 = tpu.memref_slice %arg2[%dma_start3A_132, %dma_start3A_133] : memref<200x128xf32, #tpu.memory_space<hbm>> -> memref<1x128xf32, #tpu.memory_space<hbm>>
      %dma_start3A_135 = arith.constant 2 : i32
      %dma_start3A_136 = arith.constant 0 : i32
      %dma_start3A_137 = tpu.memref_slice %arg1[%dma_start3A_135, %dma_start3A_136] : memref<1000x128xf32, #tpu.memory_space<hbm>> -> memref<1x128xf32, #tpu.memory_space<hbm>>
      tpu.enqueue_dma source(%dma_start3A_137 : memref<1x128xf32, #tpu.memory_space<hbm>>) target(%dma_start3A_134 : memref<1x128xf32, #tpu.memory_space<hbm>>) target_semaphore(%arg4 : memref<!tpu.dma_semaphore, #tpu.memory_space<semaphore_mem>>)
      %dma_start3A_138 = arith.constant 22 : i32
      %dma_start3A_139 = arith.constant 0 : i32
      %dma_start3A_140 = tpu.memref_slice %arg2[%dma_start3A_138, %dma_start3A_139] : memref<200x128xf32, #tpu.memory_space<hbm>> -> memref<1x128xf32, #tpu.memory_space<hbm>>
      %dma_start3A_141 = arith.constant 2 : i32
      %dma_start3A_142 = arith.constant 0 : i32
      %dma_start3A_143 = tpu.memref_slice %arg1[%dma_start3A_141, %dma_start3A_142] : memref<1000x128xf32, #tpu.memory_space<hbm>> -> memref<1x128xf32, #tpu.memory_space<hbm>>
      tpu.enqueue_dma source(%dma_start3A_143 : memref<1x128xf32, #tpu.memory_space<hbm>>) target(%dma_start3A_140 : memref<1x128xf32, #tpu.memory_space<hbm>>) target_semaphore(%arg4 : memref<!tpu.dma_semaphore, #tpu.memory_space<semaphore_mem>>)
      %dma_start3A_144 = arith.constant 23 : i32
      %dma_start3A_145 = arith.constant 0 : i32
      %dma_start3A_146 = tpu.memref_slice %arg2[%dma_start3A_144, %dma_start3A_145] : memref<200x128xf32, #tpu.memory_space<hbm>> -> memref<1x128xf32, #tpu.memory_space<hbm>>
      %dma_start3A_147 = arith.constant 2 : i32
      %dma_start3A_148 = arith.constant 0 : i32
      %dma_start3A_149 = tpu.memref_slice %arg1[%dma_start3A_147, %dma_start3A_148] : memref<1000x128xf32, #tpu.memory_space<hbm>> -> memref<1x128xf32, #tpu.memory_space<hbm>>
      tpu.enqueue_dma source(%dma_start3A_149 : memref<1x128xf32, #tpu.memory_space<hbm>>) target(%dma_start3A_146 : memref<1x128xf32, #tpu.memory_space<hbm>>) target_semaphore(%arg4 : memref<!tpu.dma_semaphore, #tpu.memory_space<semaphore_mem>>)
      %dma_start3A_150 = arith.constant 24 : i32
      %dma_start3A_151 = arith.constant 0 : i32
      %dma_start3A_152 = tpu.memref_slice %arg2[%dma_start3A_150, %dma_start3A_151] : memref<200x128xf32, #tpu.memory_space<hbm>> -> memref<1x128xf32, #tpu.memory_space<hbm>>
      %dma_start3A_153 = arith.constant 3 : i32
      %dma_start3A_154 = arith.constant 0 : i32
      %dma_start3A_155 = tpu.memref_slice %arg1[%dma_start3A_153, %dma_start3A_154] : memref<1000x128xf32, #tpu.memory_space<hbm>> -> memref<1x128xf32, #tpu.memory_space<hbm>>
      tpu.enqueue_dma source(%dma_start3A_155 : memref<1x128xf32, #tpu.memory_space<hbm>>) target(%dma_start3A_152 : memref<1x128xf32, #tpu.memory_space<hbm>>) target_semaphore(%arg4 : memref<!tpu.dma_semaphore, #tpu.memory_space<semaphore_mem>>)
      %dma_start3A_156 = arith.constant 25 : i32
      %dma_start3A_157 = arith.constant 0 : i32
      %dma_start3A_158 = tpu.memref_slice %arg2[%dma_start3A_156, %dma_start3A_157] : memref<200x128xf32, #tpu.memory_space<hbm>> -> memref<1x128xf32, #tpu.memory_space<hbm>>
      %dma_start3A_159 = arith.constant 3 : i32
      %dma_start3A_160 = arith.constant 0 : i32
      %dma_start3A_161 = tpu.memref_slice %arg1[%dma_start3A_159, %dma_start3A_160] : memref<1000x128xf32, #tpu.memory_space<hbm>> -> memref<1x128xf32, #tpu.memory_space<hbm>>
      tpu.enqueue_dma source(%dma_start3A_161 : memref<1x128xf32, #tpu.memory_space<hbm>>) target(%dma_start3A_158 : memref<1x128xf32, #tpu.memory_space<hbm>>) target_semaphore(%arg4 : memref<!tpu.dma_semaphore, #tpu.memory_space<semaphore_mem>>)
      %dma_start3A_162 = arith.constant 26 : i32
      %dma_start3A_163 = arith.constant 0 : i32
      %dma_start3A_164 = tpu.memref_slice %arg2[%dma_start3A_162, %dma_start3A_163] : memref<200x128xf32, #tpu.memory_space<hbm>> -> memref<1x128xf32, #tpu.memory_space<hbm>>
      %dma_start3A_165 = arith.constant 3 : i32
      %dma_start3A_166 = arith.constant 0 : i32
      %dma_start3A_167 = tpu.memref_slice %arg1[%dma_start3A_165, %dma_start3A_166] : memref<1000x128xf32, #tpu.memory_space<hbm>> -> memref<1x128xf32, #tpu.memory_space<hbm>>
      tpu.enqueue_dma source(%dma_start3A_167 : memref<1x128xf32, #tpu.memory_space<hbm>>) target(%dma_start3A_164 : memref<1x128xf32, #tpu.memory_space<hbm>>) target_semaphore(%arg4 : memref<!tpu.dma_semaphore, #tpu.memory_space<semaphore_mem>>)
      %dma_start3A_168 = arith.constant 27 : i32
      %dma_start3A_169 = arith.constant 0 : i32
      %dma_start3A_170 = tpu.memref_slice %arg2[%dma_start3A_168, %dma_start3A_169] : memref<200x128xf32, #tpu.memory_space<hbm>> -> memref<1x128xf32, #tpu.memory_space<hbm>>
      %dma_start3A_171 = arith.constant 3 : i32
      %dma_start3A_172 = arith.constant 0 : i32
      %dma_start3A_173 = tpu.memref_slice %arg1[%dma_start3A_171, %dma_start3A_172] : memref<1000x128xf32, #tpu.memory_space<hbm>> -> memref<1x128xf32, #tpu.memory_space<hbm>>
      tpu.enqueue_dma source(%dma_start3A_173 : memref<1x128xf32, #tpu.memory_space<hbm>>) target(%dma_start3A_170 : memref<1x128xf32, #tpu.memory_space<hbm>>) target_semaphore(%arg4 : memref<!tpu.dma_semaphore, #tpu.memory_space<semaphore_mem>>)
      %dma_start3A_174 = arith.constant 28 : i32
      %dma_start3A_175 = arith.constant 0 : i32
      %dma_start3A_176 = tpu.memref_slice %arg2[%dma_start3A_174, %dma_start3A_175] : memref<200x128xf32, #tpu.memory_space<hbm>> -> memref<1x128xf32, #tpu.memory_space<hbm>>
      %dma_start3A_177 = arith.constant 3 : i32
      %dma_start3A_178 = arith.constant 0 : i32
      %dma_start3A_179 = tpu.memref_slice %arg1[%dma_start3A_177, %dma_start3A_178] : memref<1000x128xf32, #tpu.memory_space<hbm>> -> memref<1x128xf32, #tpu.memory_space<hbm>>
      tpu.enqueue_dma source(%dma_start3A_179 : memref<1x128xf32, #tpu.memory_space<hbm>>) target(%dma_start3A_176 : memref<1x128xf32, #tpu.memory_space<hbm>>) target_semaphore(%arg4 : memref<!tpu.dma_semaphore, #tpu.memory_space<semaphore_mem>>)
      %dma_start3A_180 = arith.constant 29 : i32
      %dma_start3A_181 = arith.constant 0 : i32
      %dma_start3A_182 = tpu.memref_slice %arg2[%dma_start3A_180, %dma_start3A_181] : memref<200x128xf32, #tpu.memory_space<hbm>> -> memref<1x128xf32, #tpu.memory_space<hbm>>
      %dma_start3A_183 = arith.constant 3 : i32
      %dma_start3A_184 = arith.constant 0 : i32
      %dma_start3A_185 = tpu.memref_slice %arg1[%dma_start3A_183, %dma_start3A_184] : memref<1000x128xf32, #tpu.memory_space<hbm>> -> memref<1x128xf32, #tpu.memory_space<hbm>>
      tpu.enqueue_dma source(%dma_start3A_185 : memref<1x128xf32, #tpu.memory_space<hbm>>) target(%dma_start3A_182 : memref<1x128xf32, #tpu.memory_space<hbm>>) target_semaphore(%arg4 : memref<!tpu.dma_semaphore, #tpu.memory_space<semaphore_mem>>)
      %dma_start3A_186 = arith.constant 30 : i32
      %dma_start3A_187 = arith.constant 0 : i32
      %dma_start3A_188 = tpu.memref_slice %arg2[%dma_start3A_186, %dma_start3A_187] : memref<200x128xf32, #tpu.memory_space<hbm>> -> memref<1x128xf32, #tpu.memory_space<hbm>>
      %dma_start3A_189 = arith.constant 3 : i32
      %dma_start3A_190 = arith.constant 0 : i32
      %dma_start3A_191 = tpu.memref_slice %arg1[%dma_start3A_189, %dma_start3A_190] : memref<1000x128xf32, #tpu.memory_space<hbm>> -> memref<1x128xf32, #tpu.memory_space<hbm>>
      tpu.enqueue_dma source(%dma_start3A_191 : memref<1x128xf32, #tpu.memory_space<hbm>>) target(%dma_start3A_188 : memref<1x128xf32, #tpu.memory_space<hbm>>) target_semaphore(%arg4 : memref<!tpu.dma_semaphore, #tpu.memory_space<semaphore_mem>>)
      %dma_start3A_192 = arith.constant 31 : i32
      %dma_start3A_193 = arith.constant 0 : i32
      %dma_start3A_194 = tpu.memref_slice %arg2[%dma_start3A_192, %dma_start3A_193] : memref<200x128xf32, #tpu.memory_space<hbm>> -> memref<1x128xf32, #tpu.memory_space<hbm>>
      %dma_start3A_195 = arith.constant 3 : i32
      %dma_start3A_196 = arith.constant 0 : i32
      %dma_start3A_197 = tpu.memref_slice %arg1[%dma_start3A_195, %dma_start3A_196] : memref<1000x128xf32, #tpu.memory_space<hbm>> -> memref<1x128xf32, #tpu.memory_space<hbm>>
      tpu.enqueue_dma source(%dma_start3A_197 : memref<1x128xf32, #tpu.memory_space<hbm>>) target(%dma_start3A_194 : memref<1x128xf32, #tpu.memory_space<hbm>>) target_semaphore(%arg4 : memref<!tpu.dma_semaphore, #tpu.memory_space<semaphore_mem>>)
      %dma_start3A_198 = arith.constant 32 : i32
      %dma_start3A_199 = arith.constant 0 : i32
      %dma_start3A_200 = tpu.memref_slice %arg2[%dma_start3A_198, %dma_start3A_199] : memref<200x128xf32, #tpu.memory_space<hbm>> -> memref<1x128xf32, #tpu.memory_space<hbm>>
      %dma_start3A_201 = arith.constant 4 : i32
      %dma_start3A_202 = arith.constant 0 : i32
      %dma_start3A_203 = tpu.memref_slice %arg1[%dma_start3A_201, %dma_start3A_202] : memref<1000x128xf32, #tpu.memory_space<hbm>> -> memref<1x128xf32, #tpu.memory_space<hbm>>
      tpu.enqueue_dma source(%dma_start3A_203 : memref<1x128xf32, #tpu.memory_space<hbm>>) target(%dma_start3A_200 : memref<1x128xf32, #tpu.memory_space<hbm>>) target_semaphore(%arg4 : memref<!tpu.dma_semaphore, #tpu.memory_space<semaphore_mem>>)
      %dma_start3A_204 = arith.constant 33 : i32
      %dma_start3A_205 = arith.constant 0 : i32
      %dma_start3A_206 = tpu.memref_slice %arg2[%dma_start3A_204, %dma_start3A_205] : memref<200x128xf32, #tpu.memory_space<hbm>> -> memref<1x128xf32, #tpu.memory_space<hbm>>
      %dma_start3A_207 = arith.constant 4 : i32
      %dma_start3A_208 = arith.constant 0 : i32
      %dma_start3A_209 = tpu.memref_slice %arg1[%dma_start3A_207, %dma_start3A_208] : memref<1000x128xf32, #tpu.memory_space<hbm>> -> memref<1x128xf32, #tpu.memory_space<hbm>>
      tpu.enqueue_dma source(%dma_start3A_209 : memref<1x128xf32, #tpu.memory_space<hbm>>) target(%dma_start3A_206 : memref<1x128xf32, #tpu.memory_space<hbm>>) target_semaphore(%arg4 : memref<!tpu.dma_semaphore, #tpu.memory_space<semaphore_mem>>)
      %dma_start3A_210 = arith.constant 34 : i32
      %dma_start3A_211 = arith.constant 0 : i32
      %dma_start3A_212 = tpu.memref_slice %arg2[%dma_start3A_210, %dma_start3A_211] : memref<200x128xf32, #tpu.memory_space<hbm>> -> memref<1x128xf32, #tpu.memory_space<hbm>>
      %dma_start3A_213 = arith.constant 4 : i32
      %dma_start3A_214 = arith.constant 0 : i32
      %dma_start3A_215 = tpu.memref_slice %arg1[%dma_start3A_213, %dma_start3A_214] : memref<1000x128xf32, #tpu.memory_space<hbm>> -> memref<1x128xf32, #tpu.memory_space<hbm>>
      tpu.enqueue_dma source(%dma_start3A_215 : memref<1x128xf32, #tpu.memory_space<hbm>>) target(%dma_start3A_212 : memref<1x128xf32, #tpu.memory_space<hbm>>) target_semaphore(%arg4 : memref<!tpu.dma_semaphore, #tpu.memory_space<semaphore_mem>>)
      %dma_start3A_216 = arith.constant 35 : i32
      %dma_start3A_217 = arith.constant 0 : i32
      %dma_start3A_218 = tpu.memref_slice %arg2[%dma_start3A_216, %dma_start3A_217] : memref<200x128xf32, #tpu.memory_space<hbm>> -> memref<1x128xf32, #tpu.memory_space<hbm>>
      %dma_start3A_219 = arith.constant 4 : i32
      %dma_start3A_220 = arith.constant 0 : i32
      %dma_start3A_221 = tpu.memref_slice %arg1[%dma_start3A_219, %dma_start3A_220] : memref<1000x128xf32, #tpu.memory_space<hbm>> -> memref<1x128xf32, #tpu.memory_space<hbm>>
      tpu.enqueue_dma source(%dma_start3A_221 : memref<1x128xf32, #tpu.memory_space<hbm>>) target(%dma_start3A_218 : memref<1x128xf32, #tpu.memory_space<hbm>>) target_semaphore(%arg4 : memref<!tpu.dma_semaphore, #tpu.memory_space<semaphore_mem>>)
      %dma_start3A_222 = arith.constant 36 : i32
      %dma_start3A_223 = arith.constant 0 : i32
      %dma_start3A_224 = tpu.memref_slice %arg2[%dma_start3A_222, %dma_start3A_223] : memref<200x128xf32, #tpu.memory_space<hbm>> -> memref<1x128xf32, #tpu.memory_space<hbm>>
      %dma_start3A_225 = arith.constant 4 : i32
      %dma_start3A_226 = arith.constant 0 : i32
      %dma_start3A_227 = tpu.memref_slice %arg1[%dma_start3A_225, %dma_start3A_226] : memref<1000x128xf32, #tpu.memory_space<hbm>> -> memref<1x128xf32, #tpu.memory_space<hbm>>
      tpu.enqueue_dma source(%dma_start3A_227 : memref<1x128xf32, #tpu.memory_space<hbm>>) target(%dma_start3A_224 : memref<1x128xf32, #tpu.memory_space<hbm>>) target_semaphore(%arg4 : memref<!tpu.dma_semaphore, #tpu.memory_space<semaphore_mem>>)
      %dma_start3A_228 = arith.constant 37 : i32
      %dma_start3A_229 = arith.constant 0 : i32
      %dma_start3A_230 = tpu.memref_slice %arg2[%dma_start3A_228, %dma_start3A_229] : memref<200x128xf32, #tpu.memory_space<hbm>> -> memref<1x128xf32, #tpu.memory_space<hbm>>
      %dma_start3A_231 = arith.constant 4 : i32
      %dma_start3A_232 = arith.constant 0 : i32
      %dma_start3A_233 = tpu.memref_slice %arg1[%dma_start3A_231, %dma_start3A_232] : memref<1000x128xf32, #tpu.memory_space<hbm>> -> memref<1x128xf32, #tpu.memory_space<hbm>>
      tpu.enqueue_dma source(%dma_start3A_233 : memref<1x128xf32, #tpu.memory_space<hbm>>) target(%dma_start3A_230 : memref<1x128xf32, #tpu.memory_space<hbm>>) target_semaphore(%arg4 : memref<!tpu.dma_semaphore, #tpu.memory_space<semaphore_mem>>)
      %dma_start3A_234 = arith.constant 38 : i32
      %dma_start3A_235 = arith.constant 0 : i32
      %dma_start3A_236 = tpu.memref_slice %arg2[%dma_start3A_234, %dma_start3A_235] : memref<200x128xf32, #tpu.memory_space<hbm>> -> memref<1x128xf32, #tpu.memory_space<hbm>>
      %dma_start3A_237 = arith.constant 4 : i32
      %dma_start3A_238 = arith.constant 0 : i32
      %dma_start3A_239 = tpu.memref_slice %arg1[%dma_start3A_237, %dma_start3A_238] : memref<1000x128xf32, #tpu.memory_space<hbm>> -> memref<1x128xf32, #tpu.memory_space<hbm>>
      tpu.enqueue_dma source(%dma_start3A_239 : memref<1x128xf32, #tpu.memory_space<hbm>>) target(%dma_start3A_236 : memref<1x128xf32, #tpu.memory_space<hbm>>) target_semaphore(%arg4 : memref<!tpu.dma_semaphore, #tpu.memory_space<semaphore_mem>>)
      %dma_start3A_240 = arith.constant 39 : i32
      %dma_start3A_241 = arith.constant 0 : i32
      %dma_start3A_242 = tpu.memref_slice %arg2[%dma_start3A_240, %dma_start3A_241] : memref<200x128xf32, #tpu.memory_space<hbm>> -> memref<1x128xf32, #tpu.memory_space<hbm>>
      %dma_start3A_243 = arith.constant 4 : i32
      %dma_start3A_244 = arith.constant 0 : i32
      %dma_start3A_245 = tpu.memref_slice %arg1[%dma_start3A_243, %dma_start3A_244] : memref<1000x128xf32, #tpu.memory_space<hbm>> -> memref<1x128xf32, #tpu.memory_space<hbm>>
      tpu.enqueue_dma source(%dma_start3A_245 : memref<1x128xf32, #tpu.memory_space<hbm>>) target(%dma_start3A_242 : memref<1x128xf32, #tpu.memory_space<hbm>>) target_semaphore(%arg4 : memref<!tpu.dma_semaphore, #tpu.memory_space<semaphore_mem>>)
      %dma_start3A_246 = arith.constant 40 : i32
      %dma_start3A_247 = arith.constant 0 : i32
      %dma_start3A_248 = tpu.memref_slice %arg2[%dma_start3A_246, %dma_start3A_247] : memref<200x128xf32, #tpu.memory_space<hbm>> -> memref<1x128xf32, #tpu.memory_space<hbm>>
      %dma_start3A_249 = arith.constant 5 : i32
      %dma_start3A_250 = arith.constant 0 : i32
      %dma_start3A_251 = tpu.memref_slice %arg1[%dma_start3A_249, %dma_start3A_250] : memref<1000x128xf32, #tpu.memory_space<hbm>> -> memref<1x128xf32, #tpu.memory_space<hbm>>
      tpu.enqueue_dma source(%dma_start3A_251 : memref<1x128xf32, #tpu.memory_space<hbm>>) target(%dma_start3A_248 : memref<1x128xf32, #tpu.memory_space<hbm>>) target_semaphore(%arg4 : memref<!tpu.dma_semaphore, #tpu.memory_space<semaphore_mem>>)
      %dma_start3A_252 = arith.constant 41 : i32
      %dma_start3A_253 = arith.constant 0 : i32
      %dma_start3A_254 = tpu.memref_slice %arg2[%dma_start3A_252, %dma_start3A_253] : memref<200x128xf32, #tpu.memory_space<hbm>> -> memref<1x128xf32, #tpu.memory_space<hbm>>
      %dma_start3A_255 = arith.constant 5 : i32
      %dma_start3A_256 = arith.constant 0 : i32
      %dma_start3A_257 = tpu.memref_slice %arg1[%dma_start3A_255, %dma_start3A_256] : memref<1000x128xf32, #tpu.memory_space<hbm>> -> memref<1x128xf32, #tpu.memory_space<hbm>>
      tpu.enqueue_dma source(%dma_start3A_257 : memref<1x128xf32, #tpu.memory_space<hbm>>) target(%dma_start3A_254 : memref<1x128xf32, #tpu.memory_space<hbm>>) target_semaphore(%arg4 : memref<!tpu.dma_semaphore, #tpu.memory_space<semaphore_mem>>)
      %dma_start3A_258 = arith.constant 42 : i32
      %dma_start3A_259 = arith.constant 0 : i32
      %dma_start3A_260 = tpu.memref_slice %arg2[%dma_start3A_258, %dma_start3A_259] : memref<200x128xf32, #tpu.memory_space<hbm>> -> memref<1x128xf32, #tpu.memory_space<hbm>>
      %dma_start3A_261 = arith.constant 5 : i32
      %dma_start3A_262 = arith.constant 0 : i32
      %dma_start3A_263 = tpu.memref_slice %arg1[%dma_start3A_261, %dma_start3A_262] : memref<1000x128xf32, #tpu.memory_space<hbm>> -> memref<1x128xf32, #tpu.memory_space<hbm>>
      tpu.enqueue_dma source(%dma_start3A_263 : memref<1x128xf32, #tpu.memory_space<hbm>>) target(%dma_start3A_260 : memref<1x128xf32, #tpu.memory_space<hbm>>) target_semaphore(%arg4 : memref<!tpu.dma_semaphore, #tpu.memory_space<semaphore_mem>>)
      %dma_start3A_264 = arith.constant 43 : i32
      %dma_start3A_265 = arith.constant 0 : i32
      %dma_start3A_266 = tpu.memref_slice %arg2[%dma_start3A_264, %dma_start3A_265] : memref<200x128xf32, #tpu.memory_space<hbm>> -> memref<1x128xf32, #tpu.memory_space<hbm>>
      %dma_start3A_267 = arith.constant 5 : i32
      %dma_start3A_268 = arith.constant 0 : i32
      %dma_start3A_269 = tpu.memref_slice %arg1[%dma_start3A_267, %dma_start3A_268] : memref<1000x128xf32, #tpu.memory_space<hbm>> -> memref<1x128xf32, #tpu.memory_space<hbm>>
      tpu.enqueue_dma source(%dma_start3A_269 : memref<1x128xf32, #tpu.memory_space<hbm>>) target(%dma_start3A_266 : memref<1x128xf32, #tpu.memory_space<hbm>>) target_semaphore(%arg4 : memref<!tpu.dma_semaphore, #tpu.memory_space<semaphore_mem>>)
      %dma_start3A_270 = arith.constant 44 : i32
      %dma_start3A_271 = arith.constant 0 : i32
      %dma_start3A_272 = tpu.memref_slice %arg2[%dma_start3A_270, %dma_start3A_271] : memref<200x128xf32, #tpu.memory_space<hbm>> -> memref<1x128xf32, #tpu.memory_space<hbm>>
      %dma_start3A_273 = arith.constant 5 : i32
      %dma_start3A_274 = arith.constant 0 : i32
      %dma_start3A_275 = tpu.memref_slice %arg1[%dma_start3A_273, %dma_start3A_274] : memref<1000x128xf32, #tpu.memory_space<hbm>> -> memref<1x128xf32, #tpu.memory_space<hbm>>
      tpu.enqueue_dma source(%dma_start3A_275 : memref<1x128xf32, #tpu.memory_space<hbm>>) target(%dma_start3A_272 : memref<1x128xf32, #tpu.memory_space<hbm>>) target_semaphore(%arg4 : memref<!tpu.dma_semaphore, #tpu.memory_space<semaphore_mem>>)
      %dma_start3A_276 = arith.constant 45 : i32
      %dma_start3A_277 = arith.constant 0 : i32
      %dma_start3A_278 = tpu.memref_slice %arg2[%dma_start3A_276, %dma_start3A_277] : memref<200x128xf32, #tpu.memory_space<hbm>> -> memref<1x128xf32, #tpu.memory_space<hbm>>
      %dma_start3A_279 = arith.constant 5 : i32
      %dma_start3A_280 = arith.constant 0 : i32
      %dma_start3A_281 = tpu.memref_slice %arg1[%dma_start3A_279, %dma_start3A_280] : memref<1000x128xf32, #tpu.memory_space<hbm>> -> memref<1x128xf32, #tpu.memory_space<hbm>>
      tpu.enqueue_dma source(%dma_start3A_281 : memref<1x128xf32, #tpu.memory_space<hbm>>) target(%dma_start3A_278 : memref<1x128xf32, #tpu.memory_space<hbm>>) target_semaphore(%arg4 : memref<!tpu.dma_semaphore, #tpu.memory_space<semaphore_mem>>)
      %dma_start3A_282 = arith.constant 46 : i32
      %dma_start3A_283 = arith.constant 0 : i32
      %dma_start3A_284 = tpu.memref_slice %arg2[%dma_start3A_282, %dma_start3A_283] : memref<200x128xf32, #tpu.memory_space<hbm>> -> memref<1x128xf32, #tpu.memory_space<hbm>>
      %dma_start3A_285 = arith.constant 5 : i32
      %dma_start3A_286 = arith.constant 0 : i32
      %dma_start3A_287 = tpu.memref_slice %arg1[%dma_start3A_285, %dma_start3A_286] : memref<1000x128xf32, #tpu.memory_space<hbm>> -> memref<1x128xf32, #tpu.memory_space<hbm>>
      tpu.enqueue_dma source(%dma_start3A_287 : memref<1x128xf32, #tpu.memory_space<hbm>>) target(%dma_start3A_284 : memref<1x128xf32, #tpu.memory_space<hbm>>) target_semaphore(%arg4 : memref<!tpu.dma_semaphore, #tpu.memory_space<semaphore_mem>>)
      %dma_start3A_288 = arith.constant 47 : i32
      %dma_start3A_289 = arith.constant 0 : i32
      %dma_start3A_290 = tpu.memref_slice %arg2[%dma_start3A_288, %dma_start3A_289] : memref<200x128xf32, #tpu.memory_space<hbm>> -> memref<1x128xf32, #tpu.memory_space<hbm>>
      %dma_start3A_291 = arith.constant 5 : i32
      %dma_start3A_292 = arith.constant 0 : i32
      %dma_start3A_293 = tpu.memref_slice %arg1[%dma_start3A_291, %dma_start3A_292] : memref<1000x128xf32, #tpu.memory_space<hbm>> -> memref<1x128xf32, #tpu.memory_space<hbm>>
      tpu.enqueue_dma source(%dma_start3A_293 : memref<1x128xf32, #tpu.memory_space<hbm>>) target(%dma_start3A_290 : memref<1x128xf32, #tpu.memory_space<hbm>>) target_semaphore(%arg4 : memref<!tpu.dma_semaphore, #tpu.memory_space<semaphore_mem>>)
      %dma_start3A_294 = arith.constant 48 : i32
      %dma_start3A_295 = arith.constant 0 : i32
      %dma_start3A_296 = tpu.memref_slice %arg2[%dma_start3A_294, %dma_start3A_295] : memref<200x128xf32, #tpu.memory_space<hbm>> -> memref<1x128xf32, #tpu.memory_space<hbm>>
      %dma_start3A_297 = arith.constant 6 : i32
      %dma_start3A_298 = arith.constant 0 : i32
      %dma_start3A_299 = tpu.memref_slice %arg1[%dma_start3A_297, %dma_start3A_298] : memref<1000x128xf32, #tpu.memory_space<hbm>> -> memref<1x128xf32, #tpu.memory_space<hbm>>
      tpu.enqueue_dma source(%dma_start3A_299 : memref<1x128xf32, #tpu.memory_space<hbm>>) target(%dma_start3A_296 : memref<1x128xf32, #tpu.memory_space<hbm>>) target_semaphore(%arg4 : memref<!tpu.dma_semaphore, #tpu.memory_space<semaphore_mem>>)
      %dma_start3A_300 = arith.constant 49 : i32
      %dma_start3A_301 = arith.constant 0 : i32
      %dma_start3A_302 = tpu.memref_slice %arg2[%dma_start3A_300, %dma_start3A_301] : memref<200x128xf32, #tpu.memory_space<hbm>> -> memref<1x128xf32, #tpu.memory_space<hbm>>
      %dma_start3A_303 = arith.constant 6 : i32
      %dma_start3A_304 = arith.constant 0 : i32
      %dma_start3A_305 = tpu.memref_slice %arg1[%dma_start3A_303, %dma_start3A_304] : memref<1000x128xf32, #tpu.memory_space<hbm>> -> memref<1x128xf32, #tpu.memory_space<hbm>>
      tpu.enqueue_dma source(%dma_start3A_305 : memref<1x128xf32, #tpu.memory_space<hbm>>) target(%dma_start3A_302 : memref<1x128xf32, #tpu.memory_space<hbm>>) target_semaphore(%arg4 : memref<!tpu.dma_semaphore, #tpu.memory_space<semaphore_mem>>)
      %dma_start3A_306 = arith.constant 50 : i32
      %dma_start3A_307 = arith.constant 0 : i32
      %dma_start3A_308 = tpu.memref_slice %arg2[%dma_start3A_306, %dma_start3A_307] : memref<200x128xf32, #tpu.memory_space<hbm>> -> memref<1x128xf32, #tpu.memory_space<hbm>>
      %dma_start3A_309 = arith.constant 6 : i32
      %dma_start3A_310 = arith.constant 0 : i32
      %dma_start3A_311 = tpu.memref_slice %arg1[%dma_start3A_309, %dma_start3A_310] : memref<1000x128xf32, #tpu.memory_space<hbm>> -> memref<1x128xf32, #tpu.memory_space<hbm>>
      tpu.enqueue_dma source(%dma_start3A_311 : memref<1x128xf32, #tpu.memory_space<hbm>>) target(%dma_start3A_308 : memref<1x128xf32, #tpu.memory_space<hbm>>) target_semaphore(%arg4 : memref<!tpu.dma_semaphore, #tpu.memory_space<semaphore_mem>>)
      %dma_start3A_312 = arith.constant 51 : i32
      %dma_start3A_313 = arith.constant 0 : i32
      %dma_start3A_314 = tpu.memref_slice %arg2[%dma_start3A_312, %dma_start3A_313] : memref<200x128xf32, #tpu.memory_space<hbm>> -> memref<1x128xf32, #tpu.memory_space<hbm>>
      %dma_start3A_315 = arith.constant 6 : i32
      %dma_start3A_316 = arith.constant 0 : i32
      %dma_start3A_317 = tpu.memref_slice %arg1[%dma_start3A_315, %dma_start3A_316] : memref<1000x128xf32, #tpu.memory_space<hbm>> -> memref<1x128xf32, #tpu.memory_space<hbm>>
      tpu.enqueue_dma source(%dma_start3A_317 : memref<1x128xf32, #tpu.memory_space<hbm>>) target(%dma_start3A_314 : memref<1x128xf32, #tpu.memory_space<hbm>>) target_semaphore(%arg4 : memref<!tpu.dma_semaphore, #tpu.memory_space<semaphore_mem>>)
      %dma_start3A_318 = arith.constant 52 : i32
      %dma_start3A_319 = arith.constant 0 : i32
      %dma_start3A_320 = tpu.memref_slice %arg2[%dma_start3A_318, %dma_start3A_319] : memref<200x128xf32, #tpu.memory_space<hbm>> -> memref<1x128xf32, #tpu.memory_space<hbm>>
      %dma_start3A_321 = arith.constant 6 : i32
      %dma_start3A_322 = arith.constant 0 : i32
      %dma_start3A_323 = tpu.memref_slice %arg1[%dma_start3A_321, %dma_start3A_322] : memref<1000x128xf32, #tpu.memory_space<hbm>> -> memref<1x128xf32, #tpu.memory_space<hbm>>
      tpu.enqueue_dma source(%dma_start3A_323 : memref<1x128xf32, #tpu.memory_space<hbm>>) target(%dma_start3A_320 : memref<1x128xf32, #tpu.memory_space<hbm>>) target_semaphore(%arg4 : memref<!tpu.dma_semaphore, #tpu.memory_space<semaphore_mem>>)
      %dma_start3A_324 = arith.constant 53 : i32
      %dma_start3A_325 = arith.constant 0 : i32
      %dma_start3A_326 = tpu.memref_slice %arg2[%dma_start3A_324, %dma_start3A_325] : memref<200x128xf32, #tpu.memory_space<hbm>> -> memref<1x128xf32, #tpu.memory_space<hbm>>
      %dma_start3A_327 = arith.constant 6 : i32
      %dma_start3A_328 = arith.constant 0 : i32
      %dma_start3A_329 = tpu.memref_slice %arg1[%dma_start3A_327, %dma_start3A_328] : memref<1000x128xf32, #tpu.memory_space<hbm>> -> memref<1x128xf32, #tpu.memory_space<hbm>>
      tpu.enqueue_dma source(%dma_start3A_329 : memref<1x128xf32, #tpu.memory_space<hbm>>) target(%dma_start3A_326 : memref<1x128xf32, #tpu.memory_space<hbm>>) target_semaphore(%arg4 : memref<!tpu.dma_semaphore, #tpu.memory_space<semaphore_mem>>)
      %dma_start3A_330 = arith.constant 54 : i32
      %dma_start3A_331 = arith.constant 0 : i32
      %dma_start3A_332 = tpu.memref_slice %arg2[%dma_start3A_330, %dma_start3A_331] : memref<200x128xf32, #tpu.memory_space<hbm>> -> memref<1x128xf32, #tpu.memory_space<hbm>>
      %dma_start3A_333 = arith.constant 6 : i32
      %dma_start3A_334 = arith.constant 0 : i32
      %dma_start3A_335 = tpu.memref_slice %arg1[%dma_start3A_333, %dma_start3A_334] : memref<1000x128xf32, #tpu.memory_space<hbm>> -> memref<1x128xf32, #tpu.memory_space<hbm>>
      tpu.enqueue_dma source(%dma_start3A_335 : memref<1x128xf32, #tpu.memory_space<hbm>>) target(%dma_start3A_332 : memref<1x128xf32, #tpu.memory_space<hbm>>) target_semaphore(%arg4 : memref<!tpu.dma_semaphore, #tpu.memory_space<semaphore_mem>>)
      %dma_start3A_336 = arith.constant 55 : i32
      %dma_start3A_337 = arith.constant 0 : i32
      %dma_start3A_338 = tpu.memref_slice %arg2[%dma_start3A_336, %dma_start3A_337] : memref<200x128xf32, #tpu.memory_space<hbm>> -> memref<1x128xf32, #tpu.memory_space<hbm>>
      %dma_start3A_339 = arith.constant 6 : i32
      %dma_start3A_340 = arith.constant 0 : i32
      %dma_start3A_341 = tpu.memref_slice %arg1[%dma_start3A_339, %dma_start3A_340] : memref<1000x128xf32, #tpu.memory_space<hbm>> -> memref<1x128xf32, #tpu.memory_space<hbm>>
      tpu.enqueue_dma source(%dma_start3A_341 : memref<1x128xf32, #tpu.memory_space<hbm>>) target(%dma_start3A_338 : memref<1x128xf32, #tpu.memory_space<hbm>>) target_semaphore(%arg4 : memref<!tpu.dma_semaphore, #tpu.memory_space<semaphore_mem>>)
      %dma_start3A_342 = arith.constant 56 : i32
      %dma_start3A_343 = arith.constant 0 : i32
      %dma_start3A_344 = tpu.memref_slice %arg2[%dma_start3A_342, %dma_start3A_343] : memref<200x128xf32, #tpu.memory_space<hbm>> -> memref<1x128xf32, #tpu.memory_space<hbm>>
      %dma_start3A_345 = arith.constant 7 : i32
      %dma_start3A_346 = arith.constant 0 : i32
      %dma_start3A_347 = tpu.memref_slice %arg1[%dma_start3A_345, %dma_start3A_346] : memref<1000x128xf32, #tpu.memory_space<hbm>> -> memref<1x128xf32, #tpu.memory_space<hbm>>
      tpu.enqueue_dma source(%dma_start3A_347 : memref<1x128xf32, #tpu.memory_space<hbm>>) target(%dma_start3A_344 : memref<1x128xf32, #tpu.memory_space<hbm>>) target_semaphore(%arg4 : memref<!tpu.dma_semaphore, #tpu.memory_space<semaphore_mem>>)
      %dma_start3A_348 = arith.constant 57 : i32
      %dma_start3A_349 = arith.constant 0 : i32
      %dma_start3A_350 = tpu.memref_slice %arg2[%dma_start3A_348, %dma_start3A_349] : memref<200x128xf32, #tpu.memory_space<hbm>> -> memref<1x128xf32, #tpu.memory_space<hbm>>
      %dma_start3A_351 = arith.constant 7 : i32
      %dma_start3A_352 = arith.constant 0 : i32
      %dma_start3A_353 = tpu.memref_slice %arg1[%dma_start3A_351, %dma_start3A_352] : memref<1000x128xf32, #tpu.memory_space<hbm>> -> memref<1x128xf32, #tpu.memory_space<hbm>>
      tpu.enqueue_dma source(%dma_start3A_353 : memref<1x128xf32, #tpu.memory_space<hbm>>) target(%dma_start3A_350 : memref<1x128xf32, #tpu.memory_space<hbm>>) target_semaphore(%arg4 : memref<!tpu.dma_semaphore, #tpu.memory_space<semaphore_mem>>)
      %dma_start3A_354 = arith.constant 58 : i32
      %dma_start3A_355 = arith.constant 0 : i32
      %dma_start3A_356 = tpu.memref_slice %arg2[%dma_start3A_354, %dma_start3A_355] : memref<200x128xf32, #tpu.memory_space<hbm>> -> memref<1x128xf32, #tpu.memory_space<hbm>>
      %dma_start3A_357 = arith.constant 7 : i32
      %dma_start3A_358 = arith.constant 0 : i32
      %dma_start3A_359 = tpu.memref_slice %arg1[%dma_start3A_357, %dma_start3A_358] : memref<1000x128xf32, #tpu.memory_space<hbm>> -> memref<1x128xf32, #tpu.memory_space<hbm>>
      tpu.enqueue_dma source(%dma_start3A_359 : memref<1x128xf32, #tpu.memory_space<hbm>>) target(%dma_start3A_356 : memref<1x128xf32, #tpu.memory_space<hbm>>) target_semaphore(%arg4 : memref<!tpu.dma_semaphore, #tpu.memory_space<semaphore_mem>>)
      %dma_start3A_360 = arith.constant 59 : i32
      %dma_start3A_361 = arith.constant 0 : i32
      %dma_start3A_362 = tpu.memref_slice %arg2[%dma_start3A_360, %dma_start3A_361] : memref<200x128xf32, #tpu.memory_space<hbm>> -> memref<1x128xf32, #tpu.memory_space<hbm>>
      %dma_start3A_363 = arith.constant 7 : i32
      %dma_start3A_364 = arith.constant 0 : i32
      %dma_start3A_365 = tpu.memref_slice %arg1[%dma_start3A_363, %dma_start3A_364] : memref<1000x128xf32, #tpu.memory_space<hbm>> -> memref<1x128xf32, #tpu.memory_space<hbm>>
      tpu.enqueue_dma source(%dma_start3A_365 : memref<1x128xf32, #tpu.memory_space<hbm>>) target(%dma_start3A_362 : memref<1x128xf32, #tpu.memory_space<hbm>>) target_semaphore(%arg4 : memref<!tpu.dma_semaphore, #tpu.memory_space<semaphore_mem>>)
      %dma_start3A_366 = arith.constant 60 : i32
      %dma_start3A_367 = arith.constant 0 : i32
      %dma_start3A_368 = tpu.memref_slice %arg2[%dma_start3A_366, %dma_start3A_367] : memref<200x128xf32, #tpu.memory_space<hbm>> -> memref<1x128xf32, #tpu.memory_space<hbm>>
      %dma_start3A_369 = arith.constant 7 : i32
      %dma_start3A_370 = arith.constant 0 : i32
      %dma_start3A_371 = tpu.memref_slice %arg1[%dma_start3A_369, %dma_start3A_370] : memref<1000x128xf32, #tpu.memory_space<hbm>> -> memref<1x128xf32, #tpu.memory_space<hbm>>
      tpu.enqueue_dma source(%dma_start3A_371 : memref<1x128xf32, #tpu.memory_space<hbm>>) target(%dma_start3A_368 : memref<1x128xf32, #tpu.memory_space<hbm>>) target_semaphore(%arg4 : memref<!tpu.dma_semaphore, #tpu.memory_space<semaphore_mem>>)
      %dma_start3A_372 = arith.constant 61 : i32
      %dma_start3A_373 = arith.constant 0 : i32
      %dma_start3A_374 = tpu.memref_slice %arg2[%dma_start3A_372, %dma_start3A_373] : memref<200x128xf32, #tpu.memory_space<hbm>> -> memref<1x128xf32, #tpu.memory_space<hbm>>
      %dma_start3A_375 = arith.constant 7 : i32
      %dma_start3A_376 = arith.constant 0 : i32
      %dma_start3A_377 = tpu.memref_slice %arg1[%dma_start3A_375, %dma_start3A_376] : memref<1000x128xf32, #tpu.memory_space<hbm>> -> memref<1x128xf32, #tpu.memory_space<hbm>>
      tpu.enqueue_dma source(%dma_start3A_377 : memref<1x128xf32, #tpu.memory_space<hbm>>) target(%dma_start3A_374 : memref<1x128xf32, #tpu.memory_space<hbm>>) target_semaphore(%arg4 : memref<!tpu.dma_semaphore, #tpu.memory_space<semaphore_mem>>)
      %dma_start3A_378 = arith.constant 62 : i32
      %dma_start3A_379 = arith.constant 0 : i32
      %dma_start3A_380 = tpu.memref_slice %arg2[%dma_start3A_378, %dma_start3A_379] : memref<200x128xf32, #tpu.memory_space<hbm>> -> memref<1x128xf32, #tpu.memory_space<hbm>>
      %dma_start3A_381 = arith.constant 7 : i32
      %dma_start3A_382 = arith.constant 0 : i32
      %dma_start3A_383 = tpu.memref_slice %arg1[%dma_start3A_381, %dma_start3A_382] : memref<1000x128xf32, #tpu.memory_space<hbm>> -> memref<1x128xf32, #tpu.memory_space<hbm>>
      tpu.enqueue_dma source(%dma_start3A_383 : memref<1x128xf32, #tpu.memory_space<hbm>>) target(%dma_start3A_380 : memref<1x128xf32, #tpu.memory_space<hbm>>) target_semaphore(%arg4 : memref<!tpu.dma_semaphore, #tpu.memory_space<semaphore_mem>>)
      %dma_start3A_384 = arith.constant 63 : i32
      %dma_start3A_385 = arith.constant 0 : i32
      %dma_start3A_386 = tpu.memref_slice %arg2[%dma_start3A_384, %dma_start3A_385] : memref<200x128xf32, #tpu.memory_space<hbm>> -> memref<1x128xf32, #tpu.memory_space<hbm>>
      %dma_start3A_387 = arith.constant 7 : i32
      %dma_start3A_388 = arith.constant 0 : i32
      %dma_start3A_389 = tpu.memref_slice %arg1[%dma_start3A_387, %dma_start3A_388] : memref<1000x128xf32, #tpu.memory_space<hbm>> -> memref<1x128xf32, #tpu.memory_space<hbm>>
      tpu.enqueue_dma source(%dma_start3A_389 : memref<1x128xf32, #tpu.memory_space<hbm>>) target(%dma_start3A_386 : memref<1x128xf32, #tpu.memory_space<hbm>>) target_semaphore(%arg4 : memref<!tpu.dma_semaphore, #tpu.memory_space<semaphore_mem>>)
      %dma_start3A_390 = arith.constant 64 : i32
      %dma_start3A_391 = arith.constant 0 : i32
      %dma_start3A_392 = tpu.memref_slice %arg2[%dma_start3A_390, %dma_start3A_391] : memref<200x128xf32, #tpu.memory_space<hbm>> -> memref<1x128xf32, #tpu.memory_space<hbm>>
      %dma_start3A_393 = arith.constant 8 : i32
      %dma_start3A_394 = arith.constant 0 : i32
      %dma_start3A_395 = tpu.memref_slice %arg1[%dma_start3A_393, %dma_start3A_394] : memref<1000x128xf32, #tpu.memory_space<hbm>> -> memref<1x128xf32, #tpu.memory_space<hbm>>
      tpu.enqueue_dma source(%dma_start3A_395 : memref<1x128xf32, #tpu.memory_space<hbm>>) target(%dma_start3A_392 : memref<1x128xf32, #tpu.memory_space<hbm>>) target_semaphore(%arg4 : memref<!tpu.dma_semaphore, #tpu.memory_space<semaphore_mem>>)
      %dma_start3A_396 = arith.constant 65 : i32
      %dma_start3A_397 = arith.constant 0 : i32
      %dma_start3A_398 = tpu.memref_slice %arg2[%dma_start3A_396, %dma_start3A_397] : memref<200x128xf32, #tpu.memory_space<hbm>> -> memref<1x128xf32, #tpu.memory_space<hbm>>
      %dma_start3A_399 = arith.constant 8 : i32
      %dma_start3A_400 = arith.constant 0 : i32
      %dma_start3A_401 = tpu.memref_slice %arg1[%dma_start3A_399, %dma_start3A_400] : memref<1000x128xf32, #tpu.memory_space<hbm>> -> memref<1x128xf32, #tpu.memory_space<hbm>>
      tpu.enqueue_dma source(%dma_start3A_401 : memref<1x128xf32, #tpu.memory_space<hbm>>) target(%dma_start3A_398 : memref<1x128xf32, #tpu.memory_space<hbm>>) target_semaphore(%arg4 : memref<!tpu.dma_semaphore, #tpu.memory_space<semaphore_mem>>)
      %dma_start3A_402 = arith.constant 66 : i32
      %dma_start3A_403 = arith.constant 0 : i32
      %dma_start3A_404 = tpu.memref_slice %arg2[%dma_start3A_402, %dma_start3A_403] : memref<200x128xf32, #tpu.memory_space<hbm>> -> memref<1x128xf32, #tpu.memory_space<hbm>>
      %dma_start3A_405 = arith.constant 8 : i32
      %dma_start3A_406 = arith.constant 0 : i32
      %dma_start3A_407 = tpu.memref_slice %arg1[%dma_start3A_405, %dma_start3A_406] : memref<1000x128xf32, #tpu.memory_space<hbm>> -> memref<1x128xf32, #tpu.memory_space<hbm>>
      tpu.enqueue_dma source(%dma_start3A_407 : memref<1x128xf32, #tpu.memory_space<hbm>>) target(%dma_start3A_404 : memref<1x128xf32, #tpu.memory_space<hbm>>) target_semaphore(%arg4 : memref<!tpu.dma_semaphore, #tpu.memory_space<semaphore_mem>>)
      %dma_start3A_408 = arith.constant 67 : i32
      %dma_start3A_409 = arith.constant 0 : i32
      %dma_start3A_410 = tpu.memref_slice %arg2[%dma_start3A_408, %dma_start3A_409] : memref<200x128xf32, #tpu.memory_space<hbm>> -> memref<1x128xf32, #tpu.memory_space<hbm>>
      %dma_start3A_411 = arith.constant 8 : i32
      %dma_start3A_412 = arith.constant 0 : i32
      %dma_start3A_413 = tpu.memref_slice %arg1[%dma_start3A_411, %dma_start3A_412] : memref<1000x128xf32, #tpu.memory_space<hbm>> -> memref<1x128xf32, #tpu.memory_space<hbm>>
      tpu.enqueue_dma source(%dma_start3A_413 : memref<1x128xf32, #tpu.memory_space<hbm>>) target(%dma_start3A_410 : memref<1x128xf32, #tpu.memory_space<hbm>>) target_semaphore(%arg4 : memref<!tpu.dma_semaphore, #tpu.memory_space<semaphore_mem>>)
      %dma_start3A_414 = arith.constant 68 : i32
      %dma_start3A_415 = arith.constant 0 : i32
      %dma_start3A_416 = tpu.memref_slice %arg2[%dma_start3A_414, %dma_start3A_415] : memref<200x128xf32, #tpu.memory_space<hbm>> -> memref<1x128xf32, #tpu.memory_space<hbm>>
      %dma_start3A_417 = arith.constant 8 : i32
      %dma_start3A_418 = arith.constant 0 : i32
      %dma_start3A_419 = tpu.memref_slice %arg1[%dma_start3A_417, %dma_start3A_418] : memref<1000x128xf32, #tpu.memory_space<hbm>> -> memref<1x128xf32, #tpu.memory_space<hbm>>
      tpu.enqueue_dma source(%dma_start3A_419 : memref<1x128xf32, #tpu.memory_space<hbm>>) target(%dma_start3A_416 : memref<1x128xf32, #tpu.memory_space<hbm>>) target_semaphore(%arg4 : memref<!tpu.dma_semaphore, #tpu.memory_space<semaphore_mem>>)
      %dma_start3A_420 = arith.constant 69 : i32
      %dma_start3A_421 = arith.constant 0 : i32
      %dma_start3A_422 = tpu.memref_slice %arg2[%dma_start3A_420, %dma_start3A_421] : memref<200x128xf32, #tpu.memory_space<hbm>> -> memref<1x128xf32, #tpu.memory_space<hbm>>
      %dma_start3A_423 = arith.constant 8 : i32
      %dma_start3A_424 = arith.constant 0 : i32
      %dma_start3A_425 = tpu.memref_slice %arg1[%dma_start3A_423, %dma_start3A_424] : memref<1000x128xf32, #tpu.memory_space<hbm>> -> memref<1x128xf32, #tpu.memory_space<hbm>>
      tpu.enqueue_dma source(%dma_start3A_425 : memref<1x128xf32, #tpu.memory_space<hbm>>) target(%dma_start3A_422 : memref<1x128xf32, #tpu.memory_space<hbm>>) target_semaphore(%arg4 : memref<!tpu.dma_semaphore, #tpu.memory_space<semaphore_mem>>)
      %dma_start3A_426 = arith.constant 70 : i32
      %dma_start3A_427 = arith.constant 0 : i32
      %dma_start3A_428 = tpu.memref_slice %arg2[%dma_start3A_426, %dma_start3A_427] : memref<200x128xf32, #tpu.memory_space<hbm>> -> memref<1x128xf32, #tpu.memory_space<hbm>>
      %dma_start3A_429 = arith.constant 8 : i32
      %dma_start3A_430 = arith.constant 0 : i32
      %dma_start3A_431 = tpu.memref_slice %arg1[%dma_start3A_429, %dma_start3A_430] : memref<1000x128xf32, #tpu.memory_space<hbm>> -> memref<1x128xf32, #tpu.memory_space<hbm>>
      tpu.enqueue_dma source(%dma_start3A_431 : memref<1x128xf32, #tpu.memory_space<hbm>>) target(%dma_start3A_428 : memref<1x128xf32, #tpu.memory_space<hbm>>) target_semaphore(%arg4 : memref<!tpu.dma_semaphore, #tpu.memory_space<semaphore_mem>>)
      %dma_start3A_432 = arith.constant 71 : i32
      %dma_start3A_433 = arith.constant 0 : i32
      %dma_start3A_434 = tpu.memref_slice %arg2[%dma_start3A_432, %dma_start3A_433] : memref<200x128xf32, #tpu.memory_space<hbm>> -> memref<1x128xf32, #tpu.memory_space<hbm>>
      %dma_start3A_435 = arith.constant 8 : i32
      %dma_start3A_436 = arith.constant 0 : i32
      %dma_start3A_437 = tpu.memref_slice %arg1[%dma_start3A_435, %dma_start3A_436] : memref<1000x128xf32, #tpu.memory_space<hbm>> -> memref<1x128xf32, #tpu.memory_space<hbm>>
      tpu.enqueue_dma source(%dma_start3A_437 : memref<1x128xf32, #tpu.memory_space<hbm>>) target(%dma_start3A_434 : memref<1x128xf32, #tpu.memory_space<hbm>>) target_semaphore(%arg4 : memref<!tpu.dma_semaphore, #tpu.memory_space<semaphore_mem>>)
      %dma_start3A_438 = arith.constant 72 : i32
      %dma_start3A_439 = arith.constant 0 : i32
      %dma_start3A_440 = tpu.memref_slice %arg2[%dma_start3A_438, %dma_start3A_439] : memref<200x128xf32, #tpu.memory_space<hbm>> -> memref<1x128xf32, #tpu.memory_space<hbm>>
      %dma_start3A_441 = arith.constant 9 : i32
      %dma_start3A_442 = arith.constant 0 : i32
      %dma_start3A_443 = tpu.memref_slice %arg1[%dma_start3A_441, %dma_start3A_442] : memref<1000x128xf32, #tpu.memory_space<hbm>> -> memref<1x128xf32, #tpu.memory_space<hbm>>
      tpu.enqueue_dma source(%dma_start3A_443 : memref<1x128xf32, #tpu.memory_space<hbm>>) target(%dma_start3A_440 : memref<1x128xf32, #tpu.memory_space<hbm>>) target_semaphore(%arg4 : memref<!tpu.dma_semaphore, #tpu.memory_space<semaphore_mem>>)
      %dma_start3A_444 = arith.constant 73 : i32
      %dma_start3A_445 = arith.constant 0 : i32
      %dma_start3A_446 = tpu.memref_slice %arg2[%dma_start3A_444, %dma_start3A_445] : memref<200x128xf32, #tpu.memory_space<hbm>> -> memref<1x128xf32, #tpu.memory_space<hbm>>
      %dma_start3A_447 = arith.constant 9 : i32
      %dma_start3A_448 = arith.constant 0 : i32
      %dma_start3A_449 = tpu.memref_slice %arg1[%dma_start3A_447, %dma_start3A_448] : memref<1000x128xf32, #tpu.memory_space<hbm>> -> memref<1x128xf32, #tpu.memory_space<hbm>>
      tpu.enqueue_dma source(%dma_start3A_449 : memref<1x128xf32, #tpu.memory_space<hbm>>) target(%dma_start3A_446 : memref<1x128xf32, #tpu.memory_space<hbm>>) target_semaphore(%arg4 : memref<!tpu.dma_semaphore, #tpu.memory_space<semaphore_mem>>)
      %dma_start3A_450 = arith.constant 74 : i32
      %dma_start3A_451 = arith.constant 0 : i32
      %dma_start3A_452 = tpu.memref_slice %arg2[%dma_start3A_450, %dma_start3A_451] : memref<200x128xf32, #tpu.memory_space<hbm>> -> memref<1x128xf32, #tpu.memory_space<hbm>>
      %dma_start3A_453 = arith.constant 9 : i32
      %dma_start3A_454 = arith.constant 0 : i32
      %dma_start3A_455 = tpu.memref_slice %arg1[%dma_start3A_453, %dma_start3A_454] : memref<1000x128xf32, #tpu.memory_space<hbm>> -> memref<1x128xf32, #tpu.memory_space<hbm>>
      tpu.enqueue_dma source(%dma_start3A_455 : memref<1x128xf32, #tpu.memory_space<hbm>>) target(%dma_start3A_452 : memref<1x128xf32, #tpu.memory_space<hbm>>) target_semaphore(%arg4 : memref<!tpu.dma_semaphore, #tpu.memory_space<semaphore_mem>>)
      %dma_start3A_456 = arith.constant 75 : i32
      %dma_start3A_457 = arith.constant 0 : i32
      %dma_start3A_458 = tpu.memref_slice %arg2[%dma_start3A_456, %dma_start3A_457] : memref<200x128xf32, #tpu.memory_space<hbm>> -> memref<1x128xf32, #tpu.memory_space<hbm>>
      %dma_start3A_459 = arith.constant 9 : i32
      %dma_start3A_460 = arith.constant 0 : i32
      %dma_start3A_461 = tpu.memref_slice %arg1[%dma_start3A_459, %dma_start3A_460] : memref<1000x128xf32, #tpu.memory_space<hbm>> -> memref<1x128xf32, #tpu.memory_space<hbm>>
      tpu.enqueue_dma source(%dma_start3A_461 : memref<1x128xf32, #tpu.memory_space<hbm>>) target(%dma_start3A_458 : memref<1x128xf32, #tpu.memory_space<hbm>>) target_semaphore(%arg4 : memref<!tpu.dma_semaphore, #tpu.memory_space<semaphore_mem>>)
      %dma_start3A_462 = arith.constant 76 : i32
      %dma_start3A_463 = arith.constant 0 : i32
      %dma_start3A_464 = tpu.memref_slice %arg2[%dma_start3A_462, %dma_start3A_463] : memref<200x128xf32, #tpu.memory_space<hbm>> -> memref<1x128xf32, #tpu.memory_space<hbm>>
      %dma_start3A_465 = arith.constant 9 : i32
      %dma_start3A_466 = arith.constant 0 : i32
      %dma_start3A_467 = tpu.memref_slice %arg1[%dma_start3A_465, %dma_start3A_466] : memref<1000x128xf32, #tpu.memory_space<hbm>> -> memref<1x128xf32, #tpu.memory_space<hbm>>
      tpu.enqueue_dma source(%dma_start3A_467 : memref<1x128xf32, #tpu.memory_space<hbm>>) target(%dma_start3A_464 : memref<1x128xf32, #tpu.memory_space<hbm>>) target_semaphore(%arg4 : memref<!tpu.dma_semaphore, #tpu.memory_space<semaphore_mem>>)
      %dma_start3A_468 = arith.constant 77 : i32
      %dma_start3A_469 = arith.constant 0 : i32
      %dma_start3A_470 = tpu.memref_slice %arg2[%dma_start3A_468, %dma_start3A_469] : memref<200x128xf32, #tpu.memory_space<hbm>> -> memref<1x128xf32, #tpu.memory_space<hbm>>
      %dma_start3A_471 = arith.constant 9 : i32
      %dma_start3A_472 = arith.constant 0 : i32
      %dma_start3A_473 = tpu.memref_slice %arg1[%dma_start3A_471, %dma_start3A_472] : memref<1000x128xf32, #tpu.memory_space<hbm>> -> memref<1x128xf32, #tpu.memory_space<hbm>>
      tpu.enqueue_dma source(%dma_start3A_473 : memref<1x128xf32, #tpu.memory_space<hbm>>) target(%dma_start3A_470 : memref<1x128xf32, #tpu.memory_space<hbm>>) target_semaphore(%arg4 : memref<!tpu.dma_semaphore, #tpu.memory_space<semaphore_mem>>)
      %dma_start3A_474 = arith.constant 78 : i32
      %dma_start3A_475 = arith.constant 0 : i32
      %dma_start3A_476 = tpu.memref_slice %arg2[%dma_start3A_474, %dma_start3A_475] : memref<200x128xf32, #tpu.memory_space<hbm>> -> memref<1x128xf32, #tpu.memory_space<hbm>>
      %dma_start3A_477 = arith.constant 9 : i32
      %dma_start3A_478 = arith.constant 0 : i32
      %dma_start3A_479 = tpu.memref_slice %arg1[%dma_start3A_477, %dma_start3A_478] : memref<1000x128xf32, #tpu.memory_space<hbm>> -> memref<1x128xf32, #tpu.memory_space<hbm>>
      tpu.enqueue_dma source(%dma_start3A_479 : memref<1x128xf32, #tpu.memory_space<hbm>>) target(%dma_start3A_476 : memref<1x128xf32, #tpu.memory_space<hbm>>) target_semaphore(%arg4 : memref<!tpu.dma_semaphore, #tpu.memory_space<semaphore_mem>>)
      %dma_start3A_480 = arith.constant 79 : i32
      %dma_start3A_481 = arith.constant 0 : i32
      %dma_start3A_482 = tpu.memref_slice %arg2[%dma_start3A_480, %dma_start3A_481] : memref<200x128xf32, #tpu.memory_space<hbm>> -> memref<1x128xf32, #tpu.memory_space<hbm>>
      %dma_start3A_483 = arith.constant 9 : i32
      %dma_start3A_484 = arith.constant 0 : i32
      %dma_start3A_485 = tpu.memref_slice %arg1[%dma_start3A_483, %dma_start3A_484] : memref<1000x128xf32, #tpu.memory_space<hbm>> -> memref<1x128xf32, #tpu.memory_space<hbm>>
      tpu.enqueue_dma source(%dma_start3A_485 : memref<1x128xf32, #tpu.memory_space<hbm>>) target(%dma_start3A_482 : memref<1x128xf32, #tpu.memory_space<hbm>>) target_semaphore(%arg4 : memref<!tpu.dma_semaphore, #tpu.memory_space<semaphore_mem>>)
      %dma_start3A_486 = arith.constant 80 : i32
      %dma_start3A_487 = arith.constant 0 : i32
      %dma_start3A_488 = tpu.memref_slice %arg2[%dma_start3A_486, %dma_start3A_487] : memref<200x128xf32, #tpu.memory_space<hbm>> -> memref<1x128xf32, #tpu.memory_space<hbm>>
      %dma_start3A_489 = arith.constant 10 : i32
      %dma_start3A_490 = arith.constant 0 : i32
      %dma_start3A_491 = tpu.memref_slice %arg1[%dma_start3A_489, %dma_start3A_490] : memref<1000x128xf32, #tpu.memory_space<hbm>> -> memref<1x128xf32, #tpu.memory_space<hbm>>
      tpu.enqueue_dma source(%dma_start3A_491 : memref<1x128xf32, #tpu.memory_space<hbm>>) target(%dma_start3A_488 : memref<1x128xf32, #tpu.memory_space<hbm>>) target_semaphore(%arg4 : memref<!tpu.dma_semaphore, #tpu.memory_space<semaphore_mem>>)
      %dma_start3A_492 = arith.constant 81 : i32
      %dma_start3A_493 = arith.constant 0 : i32
      %dma_start3A_494 = tpu.memref_slice %arg2[%dma_start3A_492, %dma_start3A_493] : memref<200x128xf32, #tpu.memory_space<hbm>> -> memref<1x128xf32, #tpu.memory_space<hbm>>
      %dma_start3A_495 = arith.constant 10 : i32
      %dma_start3A_496 = arith.constant 0 : i32
      %dma_start3A_497 = tpu.memref_slice %arg1[%dma_start3A_495, %dma_start3A_496] : memref<1000x128xf32, #tpu.memory_space<hbm>> -> memref<1x128xf32, #tpu.memory_space<hbm>>
      tpu.enqueue_dma source(%dma_start3A_497 : memref<1x128xf32, #tpu.memory_space<hbm>>) target(%dma_start3A_494 : memref<1x128xf32, #tpu.memory_space<hbm>>) target_semaphore(%arg4 : memref<!tpu.dma_semaphore, #tpu.memory_space<semaphore_mem>>)
      %dma_start3A_498 = arith.constant 82 : i32
      %dma_start3A_499 = arith.constant 0 : i32
      %dma_start3A_500 = tpu.memref_slice %arg2[%dma_start3A_498, %dma_start3A_499] : memref<200x128xf32, #tpu.memory_space<hbm>> -> memref<1x128xf32, #tpu.memory_space<hbm>>
      %dma_start3A_501 = arith.constant 10 : i32
      %dma_start3A_502 = arith.constant 0 : i32
      %dma_start3A_503 = tpu.memref_slice %arg1[%dma_start3A_501, %dma_start3A_502] : memref<1000x128xf32, #tpu.memory_space<hbm>> -> memref<1x128xf32, #tpu.memory_space<hbm>>
      tpu.enqueue_dma source(%dma_start3A_503 : memref<1x128xf32, #tpu.memory_space<hbm>>) target(%dma_start3A_500 : memref<1x128xf32, #tpu.memory_space<hbm>>) target_semaphore(%arg4 : memref<!tpu.dma_semaphore, #tpu.memory_space<semaphore_mem>>)
      %dma_start3A_504 = arith.constant 83 : i32
      %dma_start3A_505 = arith.constant 0 : i32
      %dma_start3A_506 = tpu.memref_slice %arg2[%dma_start3A_504, %dma_start3A_505] : memref<200x128xf32, #tpu.memory_space<hbm>> -> memref<1x128xf32, #tpu.memory_space<hbm>>
      %dma_start3A_507 = arith.constant 10 : i32
      %dma_start3A_508 = arith.constant 0 : i32
      %dma_start3A_509 = tpu.memref_slice %arg1[%dma_start3A_507, %dma_start3A_508] : memref<1000x128xf32, #tpu.memory_space<hbm>> -> memref<1x128xf32, #tpu.memory_space<hbm>>
      tpu.enqueue_dma source(%dma_start3A_509 : memref<1x128xf32, #tpu.memory_space<hbm>>) target(%dma_start3A_506 : memref<1x128xf32, #tpu.memory_space<hbm>>) target_semaphore(%arg4 : memref<!tpu.dma_semaphore, #tpu.memory_space<semaphore_mem>>)
      %dma_start3A_510 = arith.constant 84 : i32
      %dma_start3A_511 = arith.constant 0 : i32
      %dma_start3A_512 = tpu.memref_slice %arg2[%dma_start3A_510, %dma_start3A_511] : memref<200x128xf32, #tpu.memory_space<hbm>> -> memref<1x128xf32, #tpu.memory_space<hbm>>
      %dma_start3A_513 = arith.constant 10 : i32
      %dma_start3A_514 = arith.constant 0 : i32
      %dma_start3A_515 = tpu.memref_slice %arg1[%dma_start3A_513, %dma_start3A_514] : memref<1000x128xf32, #tpu.memory_space<hbm>> -> memref<1x128xf32, #tpu.memory_space<hbm>>
      tpu.enqueue_dma source(%dma_start3A_515 : memref<1x128xf32, #tpu.memory_space<hbm>>) target(%dma_start3A_512 : memref<1x128xf32, #tpu.memory_space<hbm>>) target_semaphore(%arg4 : memref<!tpu.dma_semaphore, #tpu.memory_space<semaphore_mem>>)
      %dma_start3A_516 = arith.constant 85 : i32
      %dma_start3A_517 = arith.constant 0 : i32
      %dma_start3A_518 = tpu.memref_slice %arg2[%dma_start3A_516, %dma_start3A_517] : memref<200x128xf32, #tpu.memory_space<hbm>> -> memref<1x128xf32, #tpu.memory_space<hbm>>
      %dma_start3A_519 = arith.constant 10 : i32
      %dma_start3A_520 = arith.constant 0 : i32
      %dma_start3A_521 = tpu.memref_slice %arg1[%dma_start3A_519, %dma_start3A_520] : memref<1000x128xf32, #tpu.memory_space<hbm>> -> memref<1x128xf32, #tpu.memory_space<hbm>>
      tpu.enqueue_dma source(%dma_start3A_521 : memref<1x128xf32, #tpu.memory_space<hbm>>) target(%dma_start3A_518 : memref<1x128xf32, #tpu.memory_space<hbm>>) target_semaphore(%arg4 : memref<!tpu.dma_semaphore, #tpu.memory_space<semaphore_mem>>)
      %dma_start3A_522 = arith.constant 86 : i32
      %dma_start3A_523 = arith.constant 0 : i32
      %dma_start3A_524 = tpu.memref_slice %arg2[%dma_start3A_522, %dma_start3A_523] : memref<200x128xf32, #tpu.memory_space<hbm>> -> memref<1x128xf32, #tpu.memory_space<hbm>>
      %dma_start3A_525 = arith.constant 10 : i32
      %dma_start3A_526 = arith.constant 0 : i32
      %dma_start3A_527 = tpu.memref_slice %arg1[%dma_start3A_525, %dma_start3A_526] : memref<1000x128xf32, #tpu.memory_space<hbm>> -> memref<1x128xf32, #tpu.memory_space<hbm>>
      tpu.enqueue_dma source(%dma_start3A_527 : memref<1x128xf32, #tpu.memory_space<hbm>>) target(%dma_start3A_524 : memref<1x128xf32, #tpu.memory_space<hbm>>) target_semaphore(%arg4 : memref<!tpu.dma_semaphore, #tpu.memory_space<semaphore_mem>>)
      %dma_start3A_528 = arith.constant 87 : i32
      %dma_start3A_529 = arith.constant 0 : i32
      %dma_start3A_530 = tpu.memref_slice %arg2[%dma_start3A_528, %dma_start3A_529] : memref<200x128xf32, #tpu.memory_space<hbm>> -> memref<1x128xf32, #tpu.memory_space<hbm>>
      %dma_start3A_531 = arith.constant 10 : i32
      %dma_start3A_532 = arith.constant 0 : i32
      %dma_start3A_533 = tpu.memref_slice %arg1[%dma_start3A_531, %dma_start3A_532] : memref<1000x128xf32, #tpu.memory_space<hbm>> -> memref<1x128xf32, #tpu.memory_space<hbm>>
      tpu.enqueue_dma source(%dma_start3A_533 : memref<1x128xf32, #tpu.memory_space<hbm>>) target(%dma_start3A_530 : memref<1x128xf32, #tpu.memory_space<hbm>>) target_semaphore(%arg4 : memref<!tpu.dma_semaphore, #tpu.memory_space<semaphore_mem>>)
      %dma_start3A_534 = arith.constant 88 : i32
      %dma_start3A_535 = arith.constant 0 : i32
      %dma_start3A_536 = tpu.memref_slice %arg2[%dma_start3A_534, %dma_start3A_535] : memref<200x128xf32, #tpu.memory_space<hbm>> -> memref<1x128xf32, #tpu.memory_space<hbm>>
      %dma_start3A_537 = arith.constant 11 : i32
      %dma_start3A_538 = arith.constant 0 : i32
      %dma_start3A_539 = tpu.memref_slice %arg1[%dma_start3A_537, %dma_start3A_538] : memref<1000x128xf32, #tpu.memory_space<hbm>> -> memref<1x128xf32, #tpu.memory_space<hbm>>
      tpu.enqueue_dma source(%dma_start3A_539 : memref<1x128xf32, #tpu.memory_space<hbm>>) target(%dma_start3A_536 : memref<1x128xf32, #tpu.memory_space<hbm>>) target_semaphore(%arg4 : memref<!tpu.dma_semaphore, #tpu.memory_space<semaphore_mem>>)
      %dma_start3A_540 = arith.constant 89 : i32
      %dma_start3A_541 = arith.constant 0 : i32
      %dma_start3A_542 = tpu.memref_slice %arg2[%dma_start3A_540, %dma_start3A_541] : memref<200x128xf32, #tpu.memory_space<hbm>> -> memref<1x128xf32, #tpu.memory_space<hbm>>
      %dma_start3A_543 = arith.constant 11 : i32
      %dma_start3A_544 = arith.constant 0 : i32
      %dma_start3A_545 = tpu.memref_slice %arg1[%dma_start3A_543, %dma_start3A_544] : memref<1000x128xf32, #tpu.memory_space<hbm>> -> memref<1x128xf32, #tpu.memory_space<hbm>>
      tpu.enqueue_dma source(%dma_start3A_545 : memref<1x128xf32, #tpu.memory_space<hbm>>) target(%dma_start3A_542 : memref<1x128xf32, #tpu.memory_space<hbm>>) target_semaphore(%arg4 : memref<!tpu.dma_semaphore, #tpu.memory_space<semaphore_mem>>)
      %dma_start3A_546 = arith.constant 90 : i32
      %dma_start3A_547 = arith.constant 0 : i32
      %dma_start3A_548 = tpu.memref_slice %arg2[%dma_start3A_546, %dma_start3A_547] : memref<200x128xf32, #tpu.memory_space<hbm>> -> memref<1x128xf32, #tpu.memory_space<hbm>>
      %dma_start3A_549 = arith.constant 11 : i32
      %dma_start3A_550 = arith.constant 0 : i32
      %dma_start3A_551 = tpu.memref_slice %arg1[%dma_start3A_549, %dma_start3A_550] : memref<1000x128xf32, #tpu.memory_space<hbm>> -> memref<1x128xf32, #tpu.memory_space<hbm>>
      tpu.enqueue_dma source(%dma_start3A_551 : memref<1x128xf32, #tpu.memory_space<hbm>>) target(%dma_start3A_548 : memref<1x128xf32, #tpu.memory_space<hbm>>) target_semaphore(%arg4 : memref<!tpu.dma_semaphore, #tpu.memory_space<semaphore_mem>>)
      %dma_start3A_552 = arith.constant 91 : i32
      %dma_start3A_553 = arith.constant 0 : i32
      %dma_start3A_554 = tpu.memref_slice %arg2[%dma_start3A_552, %dma_start3A_553] : memref<200x128xf32, #tpu.memory_space<hbm>> -> memref<1x128xf32, #tpu.memory_space<hbm>>
      %dma_start3A_555 = arith.constant 11 : i32
      %dma_start3A_556 = arith.constant 0 : i32
      %dma_start3A_557 = tpu.memref_slice %arg1[%dma_start3A_555, %dma_start3A_556] : memref<1000x128xf32, #tpu.memory_space<hbm>> -> memref<1x128xf32, #tpu.memory_space<hbm>>
      tpu.enqueue_dma source(%dma_start3A_557 : memref<1x128xf32, #tpu.memory_space<hbm>>) target(%dma_start3A_554 : memref<1x128xf32, #tpu.memory_space<hbm>>) target_semaphore(%arg4 : memref<!tpu.dma_semaphore, #tpu.memory_space<semaphore_mem>>)
      %dma_start3A_558 = arith.constant 92 : i32
      %dma_start3A_559 = arith.constant 0 : i32
      %dma_start3A_560 = tpu.memref_slice %arg2[%dma_start3A_558, %dma_start3A_559] : memref<200x128xf32, #tpu.memory_space<hbm>> -> memref<1x128xf32, #tpu.memory_space<hbm>>
      %dma_start3A_561 = arith.constant 11 : i32
      %dma_start3A_562 = arith.constant 0 : i32
      %dma_start3A_563 = tpu.memref_slice %arg1[%dma_start3A_561, %dma_start3A_562] : memref<1000x128xf32, #tpu.memory_space<hbm>> -> memref<1x128xf32, #tpu.memory_space<hbm>>
      tpu.enqueue_dma source(%dma_start3A_563 : memref<1x128xf32, #tpu.memory_space<hbm>>) target(%dma_start3A_560 : memref<1x128xf32, #tpu.memory_space<hbm>>) target_semaphore(%arg4 : memref<!tpu.dma_semaphore, #tpu.memory_space<semaphore_mem>>)
      %dma_start3A_564 = arith.constant 93 : i32
      %dma_start3A_565 = arith.constant 0 : i32
      %dma_start3A_566 = tpu.memref_slice %arg2[%dma_start3A_564, %dma_start3A_565] : memref<200x128xf32, #tpu.memory_space<hbm>> -> memref<1x128xf32, #tpu.memory_space<hbm>>
      %dma_start3A_567 = arith.constant 11 : i32
      %dma_start3A_568 = arith.constant 0 : i32
      %dma_start3A_569 = tpu.memref_slice %arg1[%dma_start3A_567, %dma_start3A_568] : memref<1000x128xf32, #tpu.memory_space<hbm>> -> memref<1x128xf32, #tpu.memory_space<hbm>>
      tpu.enqueue_dma source(%dma_start3A_569 : memref<1x128xf32, #tpu.memory_space<hbm>>) target(%dma_start3A_566 : memref<1x128xf32, #tpu.memory_space<hbm>>) target_semaphore(%arg4 : memref<!tpu.dma_semaphore, #tpu.memory_space<semaphore_mem>>)
      %dma_start3A_570 = arith.constant 94 : i32
      %dma_start3A_571 = arith.constant 0 : i32
      %dma_start3A_572 = tpu.memref_slice %arg2[%dma_start3A_570, %dma_start3A_571] : memref<200x128xf32, #tpu.memory_space<hbm>> -> memref<1x128xf32, #tpu.memory_space<hbm>>
      %dma_start3A_573 = arith.constant 11 : i32
      %dma_start3A_574 = arith.constant 0 : i32
      %dma_start3A_575 = tpu.memref_slice %arg1[%dma_start3A_573, %dma_start3A_574] : memref<1000x128xf32, #tpu.memory_space<hbm>> -> memref<1x128xf32, #tpu.memory_space<hbm>>
      tpu.enqueue_dma source(%dma_start3A_575 : memref<1x128xf32, #tpu.memory_space<hbm>>) target(%dma_start3A_572 : memref<1x128xf32, #tpu.memory_space<hbm>>) target_semaphore(%arg4 : memref<!tpu.dma_semaphore, #tpu.memory_space<semaphore_mem>>)
      %dma_start3A_576 = arith.constant 95 : i32
      %dma_start3A_577 = arith.constant 0 : i32
      %dma_start3A_578 = tpu.memref_slice %arg2[%dma_start3A_576, %dma_start3A_577] : memref<200x128xf32, #tpu.memory_space<hbm>> -> memref<1x128xf32, #tpu.memory_space<hbm>>
      %dma_start3A_579 = arith.constant 11 : i32
      %dma_start3A_580 = arith.constant 0 : i32
      %dma_start3A_581 = tpu.memref_slice %arg1[%dma_start3A_579, %dma_start3A_580] : memref<1000x128xf32, #tpu.memory_space<hbm>> -> memref<1x128xf32, #tpu.memory_space<hbm>>
      tpu.enqueue_dma source(%dma_start3A_581 : memref<1x128xf32, #tpu.memory_space<hbm>>) target(%dma_start3A_578 : memref<1x128xf32, #tpu.memory_space<hbm>>) target_semaphore(%arg4 : memref<!tpu.dma_semaphore, #tpu.memory_space<semaphore_mem>>)
      %dma_start3A_582 = arith.constant 96 : i32
      %dma_start3A_583 = arith.constant 0 : i32
      %dma_start3A_584 = tpu.memref_slice %arg2[%dma_start3A_582, %dma_start3A_583] : memref<200x128xf32, #tpu.memory_space<hbm>> -> memref<1x128xf32, #tpu.memory_space<hbm>>
      %dma_start3A_585 = arith.constant 12 : i32
      %dma_start3A_586 = arith.constant 0 : i32
      %dma_start3A_587 = tpu.memref_slice %arg1[%dma_start3A_585, %dma_start3A_586] : memref<1000x128xf32, #tpu.memory_space<hbm>> -> memref<1x128xf32, #tpu.memory_space<hbm>>
      tpu.enqueue_dma source(%dma_start3A_587 : memref<1x128xf32, #tpu.memory_space<hbm>>) target(%dma_start3A_584 : memref<1x128xf32, #tpu.memory_space<hbm>>) target_semaphore(%arg4 : memref<!tpu.dma_semaphore, #tpu.memory_space<semaphore_mem>>)
      %dma_start3A_588 = arith.constant 97 : i32
      %dma_start3A_589 = arith.constant 0 : i32
      %dma_start3A_590 = tpu.memref_slice %arg2[%dma_start3A_588, %dma_start3A_589] : memref<200x128xf32, #tpu.memory_space<hbm>> -> memref<1x128xf32, #tpu.memory_space<hbm>>
      %dma_start3A_591 = arith.constant 12 : i32
      %dma_start3A_592 = arith.constant 0 : i32
      %dma_start3A_593 = tpu.memref_slice %arg1[%dma_start3A_591, %dma_start3A_592] : memref<1000x128xf32, #tpu.memory_space<hbm>> -> memref<1x128xf32, #tpu.memory_space<hbm>>
      tpu.enqueue_dma source(%dma_start3A_593 : memref<1x128xf32, #tpu.memory_space<hbm>>) target(%dma_start3A_590 : memref<1x128xf32, #tpu.memory_space<hbm>>) target_semaphore(%arg4 : memref<!tpu.dma_semaphore, #tpu.memory_space<semaphore_mem>>)
      %dma_start3A_594 = arith.constant 98 : i32
      %dma_start3A_595 = arith.constant 0 : i32
      %dma_start3A_596 = tpu.memref_slice %arg2[%dma_start3A_594, %dma_start3A_595] : memref<200x128xf32, #tpu.memory_space<hbm>> -> memref<1x128xf32, #tpu.memory_space<hbm>>
      %dma_start3A_597 = arith.constant 12 : i32
      %dma_start3A_598 = arith.constant 0 : i32
      %dma_start3A_599 = tpu.memref_slice %arg1[%dma_start3A_597, %dma_start3A_598] : memref<1000x128xf32, #tpu.memory_space<hbm>> -> memref<1x128xf32, #tpu.memory_space<hbm>>
      tpu.enqueue_dma source(%dma_start3A_599 : memref<1x128xf32, #tpu.memory_space<hbm>>) target(%dma_start3A_596 : memref<1x128xf32, #tpu.memory_space<hbm>>) target_semaphore(%arg4 : memref<!tpu.dma_semaphore, #tpu.memory_space<semaphore_mem>>)
      %dma_start3A_600 = arith.constant 99 : i32
      %dma_start3A_601 = arith.constant 0 : i32
      %dma_start3A_602 = tpu.memref_slice %arg2[%dma_start3A_600, %dma_start3A_601] : memref<200x128xf32, #tpu.memory_space<hbm>> -> memref<1x128xf32, #tpu.memory_space<hbm>>
      %dma_start3A_603 = arith.constant 12 : i32
      %dma_start3A_604 = arith.constant 0 : i32
      %dma_start3A_605 = tpu.memref_slice %arg1[%dma_start3A_603, %dma_start3A_604] : memref<1000x128xf32, #tpu.memory_space<hbm>> -> memref<1x128xf32, #tpu.memory_space<hbm>>
      tpu.enqueue_dma source(%dma_start3A_605 : memref<1x128xf32, #tpu.memory_space<hbm>>) target(%dma_start3A_602 : memref<1x128xf32, #tpu.memory_space<hbm>>) target_semaphore(%arg4 : memref<!tpu.dma_semaphore, #tpu.memory_space<semaphore_mem>>)
      %dma_start3A_606 = arith.constant 100 : i32
      %dma_start3A_607 = arith.constant 0 : i32
      %dma_start3A_608 = tpu.memref_slice %arg2[%dma_start3A_606, %dma_start3A_607] : memref<200x128xf32, #tpu.memory_space<hbm>> -> memref<1x128xf32, #tpu.memory_space<hbm>>
      %dma_start3A_609 = arith.constant 12 : i32
      %dma_start3A_610 = arith.constant 0 : i32
      %dma_start3A_611 = tpu.memref_slice %arg1[%dma_start3A_609, %dma_start3A_610] : memref<1000x128xf32, #tpu.memory_space<hbm>> -> memref<1x128xf32, #tpu.memory_space<hbm>>
      tpu.enqueue_dma source(%dma_start3A_611 : memref<1x128xf32, #tpu.memory_space<hbm>>) target(%dma_start3A_608 : memref<1x128xf32, #tpu.memory_space<hbm>>) target_semaphore(%arg4 : memref<!tpu.dma_semaphore, #tpu.memory_space<semaphore_mem>>)
      %dma_start3A_612 = arith.constant 101 : i32
      %dma_start3A_613 = arith.constant 0 : i32
      %dma_start3A_614 = tpu.memref_slice %arg2[%dma_start3A_612, %dma_start3A_613] : memref<200x128xf32, #tpu.memory_space<hbm>> -> memref<1x128xf32, #tpu.memory_space<hbm>>
      %dma_start3A_615 = arith.constant 12 : i32
      %dma_start3A_616 = arith.constant 0 : i32
      %dma_start3A_617 = tpu.memref_slice %arg1[%dma_start3A_615, %dma_start3A_616] : memref<1000x128xf32, #tpu.memory_space<hbm>> -> memref<1x128xf32, #tpu.memory_space<hbm>>
      tpu.enqueue_dma source(%dma_start3A_617 : memref<1x128xf32, #tpu.memory_space<hbm>>) target(%dma_start3A_614 : memref<1x128xf32, #tpu.memory_space<hbm>>) target_semaphore(%arg4 : memref<!tpu.dma_semaphore, #tpu.memory_space<semaphore_mem>>)
      %dma_start3A_618 = arith.constant 102 : i32
      %dma_start3A_619 = arith.constant 0 : i32
      %dma_start3A_620 = tpu.memref_slice %arg2[%dma_start3A_618, %dma_start3A_619] : memref<200x128xf32, #tpu.memory_space<hbm>> -> memref<1x128xf32, #tpu.memory_space<hbm>>
      %dma_start3A_621 = arith.constant 12 : i32
      %dma_start3A_622 = arith.constant 0 : i32
      %dma_start3A_623 = tpu.memref_slice %arg1[%dma_start3A_621, %dma_start3A_622] : memref<1000x128xf32, #tpu.memory_space<hbm>> -> memref<1x128xf32, #tpu.memory_space<hbm>>
      tpu.enqueue_dma source(%dma_start3A_623 : memref<1x128xf32, #tpu.memory_space<hbm>>) target(%dma_start3A_620 : memref<1x128xf32, #tpu.memory_space<hbm>>) target_semaphore(%arg4 : memref<!tpu.dma_semaphore, #tpu.memory_space<semaphore_mem>>)
      %dma_start3A_624 = arith.constant 103 : i32
      %dma_start3A_625 = arith.constant 0 : i32
      %dma_start3A_626 = tpu.memref_slice %arg2[%dma_start3A_624, %dma_start3A_625] : memref<200x128xf32, #tpu.memory_space<hbm>> -> memref<1x128xf32, #tpu.memory_space<hbm>>
      %dma_start3A_627 = arith.constant 12 : i32
      %dma_start3A_628 = arith.constant 0 : i32
      %dma_start3A_629 = tpu.memref_slice %arg1[%dma_start3A_627, %dma_start3A_628] : memref<1000x128xf32, #tpu.memory_space<hbm>> -> memref<1x128xf32, #tpu.memory_space<hbm>>
      tpu.enqueue_dma source(%dma_start3A_629 : memref<1x128xf32, #tpu.memory_space<hbm>>) target(%dma_start3A_626 : memref<1x128xf32, #tpu.memory_space<hbm>>) target_semaphore(%arg4 : memref<!tpu.dma_semaphore, #tpu.memory_space<semaphore_mem>>)
      %dma_wait3A = arith.constant 0 : i32
      %dma_wait3A_630 = arith.constant 0 : i32
      %dma_wait3A_631 = tpu.memref_slice %arg2[%dma_wait3A, %dma_wait3A_630] : memref<200x128xf32, #tpu.memory_space<hbm>> -> memref<1x128xf32, #tpu.memory_space<hbm>>
      %dma_wait3A_632 = arith.constant 0 : i32
      %dma_wait3A_633 = arith.constant 0 : i32
      %dma_wait3A_634 = tpu.memref_slice %arg1[%dma_wait3A_632, %dma_wait3A_633] : memref<1000x128xf32, #tpu.memory_space<hbm>> -> memref<1x128xf32, #tpu.memory_space<hbm>>
      tpu.wait_dma2 semaphore(%arg4 : memref<!tpu.dma_semaphore, #tpu.memory_space<semaphore_mem>>) src(%dma_wait3A_634 : memref<1x128xf32, #tpu.memory_space<hbm>>) dst(%dma_wait3A_631 : memref<1x128xf32, #tpu.memory_space<hbm>>)
      %dma_wait3A_635 = arith.constant 1 : i32
      %dma_wait3A_636 = arith.constant 0 : i32
      %dma_wait3A_637 = tpu.memref_slice %arg2[%dma_wait3A_635, %dma_wait3A_636] : memref<200x128xf32, #tpu.memory_space<hbm>> -> memref<1x128xf32, #tpu.memory_space<hbm>>
      %dma_wait3A_638 = arith.constant 0 : i32
      %dma_wait3A_639 = arith.constant 0 : i32
      %dma_wait3A_640 = tpu.memref_slice %arg1[%dma_wait3A_638, %dma_wait3A_639] : memref<1000x128xf32, #tpu.memory_space<hbm>> -> memref<1x128xf32, #tpu.memory_space<hbm>>
      tpu.wait_dma2 semaphore(%arg4 : memref<!tpu.dma_semaphore, #tpu.memory_space<semaphore_mem>>) src(%dma_wait3A_640 : memref<1x128xf32, #tpu.memory_space<hbm>>) dst(%dma_wait3A_637 : memref<1x128xf32, #tpu.memory_space<hbm>>)
      %dma_wait3A_641 = arith.constant 2 : i32
      %dma_wait3A_642 = arith.constant 0 : i32
      %dma_wait3A_643 = tpu.memref_slice %arg2[%dma_wait3A_641, %dma_wait3A_642] : memref<200x128xf32, #tpu.memory_space<hbm>> -> memref<1x128xf32, #tpu.memory_space<hbm>>
      %dma_wait3A_644 = arith.constant 0 : i32
      %dma_wait3A_645 = arith.constant 0 : i32
      %dma_wait3A_646 = tpu.memref_slice %arg1[%dma_wait3A_644, %dma_wait3A_645] : memref<1000x128xf32, #tpu.memory_space<hbm>> -> memref<1x128xf32, #tpu.memory_space<hbm>>
      tpu.wait_dma2 semaphore(%arg4 : memref<!tpu.dma_semaphore, #tpu.memory_space<semaphore_mem>>) src(%dma_wait3A_646 : memref<1x128xf32, #tpu.memory_space<hbm>>) dst(%dma_wait3A_643 : memref<1x128xf32, #tpu.memory_space<hbm>>)
      %dma_wait3A_647 = arith.constant 3 : i32
      %dma_wait3A_648 = arith.constant 0 : i32
      %dma_wait3A_649 = tpu.memref_slice %arg2[%dma_wait3A_647, %dma_wait3A_648] : memref<200x128xf32, #tpu.memory_space<hbm>> -> memref<1x128xf32, #tpu.memory_space<hbm>>
      %dma_wait3A_650 = arith.constant 0 : i32
      %dma_wait3A_651 = arith.constant 0 : i32
      %dma_wait3A_652 = tpu.memref_slice %arg1[%dma_wait3A_650, %dma_wait3A_651] : memref<1000x128xf32, #tpu.memory_space<hbm>> -> memref<1x128xf32, #tpu.memory_space<hbm>>
      tpu.wait_dma2 semaphore(%arg4 : memref<!tpu.dma_semaphore, #tpu.memory_space<semaphore_mem>>) src(%dma_wait3A_652 : memref<1x128xf32, #tpu.memory_space<hbm>>) dst(%dma_wait3A_649 : memref<1x128xf32, #tpu.memory_space<hbm>>)
      %dma_wait3A_653 = arith.constant 4 : i32
      %dma_wait3A_654 = arith.constant 0 : i32
      %dma_wait3A_655 = tpu.memref_slice %arg2[%dma_wait3A_653, %dma_wait3A_654] : memref<200x128xf32, #tpu.memory_space<hbm>> -> memref<1x128xf32, #tpu.memory_space<hbm>>
      %dma_wait3A_656 = arith.constant 0 : i32
      %dma_wait3A_657 = arith.constant 0 : i32
      %dma_wait3A_658 = tpu.memref_slice %arg1[%dma_wait3A_656, %dma_wait3A_657] : memref<1000x128xf32, #tpu.memory_space<hbm>> -> memref<1x128xf32, #tpu.memory_space<hbm>>
      tpu.wait_dma2 semaphore(%arg4 : memref<!tpu.dma_semaphore, #tpu.memory_space<semaphore_mem>>) src(%dma_wait3A_658 : memref<1x128xf32, #tpu.memory_space<hbm>>) dst(%dma_wait3A_655 : memref<1x128xf32, #tpu.memory_space<hbm>>)
      %dma_wait3A_659 = arith.constant 5 : i32
      %dma_wait3A_660 = arith.constant 0 : i32
      %dma_wait3A_661 = tpu.memref_slice %arg2[%dma_wait3A_659, %dma_wait3A_660] : memref<200x128xf32, #tpu.memory_space<hbm>> -> memref<1x128xf32, #tpu.memory_space<hbm>>
      %dma_wait3A_662 = arith.constant 0 : i32
      %dma_wait3A_663 = arith.constant 0 : i32
      %dma_wait3A_664 = tpu.memref_slice %arg1[%dma_wait3A_662, %dma_wait3A_663] : memref<1000x128xf32, #tpu.memory_space<hbm>> -> memref<1x128xf32, #tpu.memory_space<hbm>>
      tpu.wait_dma2 semaphore(%arg4 : memref<!tpu.dma_semaphore, #tpu.memory_space<semaphore_mem>>) src(%dma_wait3A_664 : memref<1x128xf32, #tpu.memory_space<hbm>>) dst(%dma_wait3A_661 : memref<1x128xf32, #tpu.memory_space<hbm>>)
      %dma_wait3A_665 = arith.constant 6 : i32
      %dma_wait3A_666 = arith.constant 0 : i32
      %dma_wait3A_667 = tpu.memref_slice %arg2[%dma_wait3A_665, %dma_wait3A_666] : memref<200x128xf32, #tpu.memory_space<hbm>> -> memref<1x128xf32, #tpu.memory_space<hbm>>
      %dma_wait3A_668 = arith.constant 0 : i32
      %dma_wait3A_669 = arith.constant 0 : i32
      %dma_wait3A_670 = tpu.memref_slice %arg1[%dma_wait3A_668, %dma_wait3A_669] : memref<1000x128xf32, #tpu.memory_space<hbm>> -> memref<1x128xf32, #tpu.memory_space<hbm>>
      tpu.wait_dma2 semaphore(%arg4 : memref<!tpu.dma_semaphore, #tpu.memory_space<semaphore_mem>>) src(%dma_wait3A_670 : memref<1x128xf32, #tpu.memory_space<hbm>>) dst(%dma_wait3A_667 : memref<1x128xf32, #tpu.memory_space<hbm>>)
      %dma_wait3A_671 = arith.constant 7 : i32
      %dma_wait3A_672 = arith.constant 0 : i32
      %dma_wait3A_673 = tpu.memref_slice %arg2[%dma_wait3A_671, %dma_wait3A_672] : memref<200x128xf32, #tpu.memory_space<hbm>> -> memref<1x128xf32, #tpu.memory_space<hbm>>
      %dma_wait3A_674 = arith.constant 0 : i32
      %dma_wait3A_675 = arith.constant 0 : i32
      %dma_wait3A_676 = tpu.memref_slice %arg1[%dma_wait3A_674, %dma_wait3A_675] : memref<1000x128xf32, #tpu.memory_space<hbm>> -> memref<1x128xf32, #tpu.memory_space<hbm>>
      tpu.wait_dma2 semaphore(%arg4 : memref<!tpu.dma_semaphore, #tpu.memory_space<semaphore_mem>>) src(%dma_wait3A_676 : memref<1x128xf32, #tpu.memory_space<hbm>>) dst(%dma_wait3A_673 : memref<1x128xf32, #tpu.memory_space<hbm>>)
      %dma_wait3A_677 = arith.constant 8 : i32
      %dma_wait3A_678 = arith.constant 0 : i32
      %dma_wait3A_679 = tpu.memref_slice %arg2[%dma_wait3A_677, %dma_wait3A_678] : memref<200x128xf32, #tpu.memory_space<hbm>> -> memref<1x128xf32, #tpu.memory_space<hbm>>
      %dma_wait3A_680 = arith.constant 1 : i32
      %dma_wait3A_681 = arith.constant 0 : i32
      %dma_wait3A_682 = tpu.memref_slice %arg1[%dma_wait3A_680, %dma_wait3A_681] : memref<1000x128xf32, #tpu.memory_space<hbm>> -> memref<1x128xf32, #tpu.memory_space<hbm>>
      tpu.wait_dma2 semaphore(%arg4 : memref<!tpu.dma_semaphore, #tpu.memory_space<semaphore_mem>>) src(%dma_wait3A_682 : memref<1x128xf32, #tpu.memory_space<hbm>>) dst(%dma_wait3A_679 : memref<1x128xf32, #tpu.memory_space<hbm>>)
      %dma_wait3A_683 = arith.constant 9 : i32
      %dma_wait3A_684 = arith.constant 0 : i32
      %dma_wait3A_685 = tpu.memref_slice %arg2[%dma_wait3A_683, %dma_wait3A_684] : memref<200x128xf32, #tpu.memory_space<hbm>> -> memref<1x128xf32, #tpu.memory_space<hbm>>
      %dma_wait3A_686 = arith.constant 1 : i32
      %dma_wait3A_687 = arith.constant 0 : i32
      %dma_wait3A_688 = tpu.memref_slice %arg1[%dma_wait3A_686, %dma_wait3A_687] : memref<1000x128xf32, #tpu.memory_space<hbm>> -> memref<1x128xf32, #tpu.memory_space<hbm>>
      tpu.wait_dma2 semaphore(%arg4 : memref<!tpu.dma_semaphore, #tpu.memory_space<semaphore_mem>>) src(%dma_wait3A_688 : memref<1x128xf32, #tpu.memory_space<hbm>>) dst(%dma_wait3A_685 : memref<1x128xf32, #tpu.memory_space<hbm>>)
      %dma_wait3A_689 = arith.constant 10 : i32
      %dma_wait3A_690 = arith.constant 0 : i32
      %dma_wait3A_691 = tpu.memref_slice %arg2[%dma_wait3A_689, %dma_wait3A_690] : memref<200x128xf32, #tpu.memory_space<hbm>> -> memref<1x128xf32, #tpu.memory_space<hbm>>
      %dma_wait3A_692 = arith.constant 1 : i32
      %dma_wait3A_693 = arith.constant 0 : i32
      %dma_wait3A_694 = tpu.memref_slice %arg1[%dma_wait3A_692, %dma_wait3A_693] : memref<1000x128xf32, #tpu.memory_space<hbm>> -> memref<1x128xf32, #tpu.memory_space<hbm>>
      tpu.wait_dma2 semaphore(%arg4 : memref<!tpu.dma_semaphore, #tpu.memory_space<semaphore_mem>>) src(%dma_wait3A_694 : memref<1x128xf32, #tpu.memory_space<hbm>>) dst(%dma_wait3A_691 : memref<1x128xf32, #tpu.memory_space<hbm>>)
      %dma_wait3A_695 = arith.constant 11 : i32
      %dma_wait3A_696 = arith.constant 0 : i32
      %dma_wait3A_697 = tpu.memref_slice %arg2[%dma_wait3A_695, %dma_wait3A_696] : memref<200x128xf32, #tpu.memory_space<hbm>> -> memref<1x128xf32, #tpu.memory_space<hbm>>
      %dma_wait3A_698 = arith.constant 1 : i32
      %dma_wait3A_699 = arith.constant 0 : i32
      %dma_wait3A_700 = tpu.memref_slice %arg1[%dma_wait3A_698, %dma_wait3A_699] : memref<1000x128xf32, #tpu.memory_space<hbm>> -> memref<1x128xf32, #tpu.memory_space<hbm>>
      tpu.wait_dma2 semaphore(%arg4 : memref<!tpu.dma_semaphore, #tpu.memory_space<semaphore_mem>>) src(%dma_wait3A_700 : memref<1x128xf32, #tpu.memory_space<hbm>>) dst(%dma_wait3A_697 : memref<1x128xf32, #tpu.memory_space<hbm>>)
      %dma_wait3A_701 = arith.constant 12 : i32
      %dma_wait3A_702 = arith.constant 0 : i32
      %dma_wait3A_703 = tpu.memref_slice %arg2[%dma_wait3A_701, %dma_wait3A_702] : memref<200x128xf32, #tpu.memory_space<hbm>> -> memref<1x128xf32, #tpu.memory_space<hbm>>
      %dma_wait3A_704 = arith.constant 1 : i32
      %dma_wait3A_705 = arith.constant 0 : i32
      %dma_wait3A_706 = tpu.memref_slice %arg1[%dma_wait3A_704, %dma_wait3A_705] : memref<1000x128xf32, #tpu.memory_space<hbm>> -> memref<1x128xf32, #tpu.memory_space<hbm>>
      tpu.wait_dma2 semaphore(%arg4 : memref<!tpu.dma_semaphore, #tpu.memory_space<semaphore_mem>>) src(%dma_wait3A_706 : memref<1x128xf32, #tpu.memory_space<hbm>>) dst(%dma_wait3A_703 : memref<1x128xf32, #tpu.memory_space<hbm>>)
      %dma_wait3A_707 = arith.constant 13 : i32
      %dma_wait3A_708 = arith.constant 0 : i32
      %dma_wait3A_709 = tpu.memref_slice %arg2[%dma_wait3A_707, %dma_wait3A_708] : memref<200x128xf32, #tpu.memory_space<hbm>> -> memref<1x128xf32, #tpu.memory_space<hbm>>
      %dma_wait3A_710 = arith.constant 1 : i32
      %dma_wait3A_711 = arith.constant 0 : i32
      %dma_wait3A_712 = tpu.memref_slice %arg1[%dma_wait3A_710, %dma_wait3A_711] : memref<1000x128xf32, #tpu.memory_space<hbm>> -> memref<1x128xf32, #tpu.memory_space<hbm>>
      tpu.wait_dma2 semaphore(%arg4 : memref<!tpu.dma_semaphore, #tpu.memory_space<semaphore_mem>>) src(%dma_wait3A_712 : memref<1x128xf32, #tpu.memory_space<hbm>>) dst(%dma_wait3A_709 : memref<1x128xf32, #tpu.memory_space<hbm>>)
      %dma_wait3A_713 = arith.constant 14 : i32
      %dma_wait3A_714 = arith.constant 0 : i32
      %dma_wait3A_715 = tpu.memref_slice %arg2[%dma_wait3A_713, %dma_wait3A_714] : memref<200x128xf32, #tpu.memory_space<hbm>> -> memref<1x128xf32, #tpu.memory_space<hbm>>
      %dma_wait3A_716 = arith.constant 1 : i32
      %dma_wait3A_717 = arith.constant 0 : i32
      %dma_wait3A_718 = tpu.memref_slice %arg1[%dma_wait3A_716, %dma_wait3A_717] : memref<1000x128xf32, #tpu.memory_space<hbm>> -> memref<1x128xf32, #tpu.memory_space<hbm>>
      tpu.wait_dma2 semaphore(%arg4 : memref<!tpu.dma_semaphore, #tpu.memory_space<semaphore_mem>>) src(%dma_wait3A_718 : memref<1x128xf32, #tpu.memory_space<hbm>>) dst(%dma_wait3A_715 : memref<1x128xf32, #tpu.memory_space<hbm>>)
      %dma_wait3A_719 = arith.constant 15 : i32
      %dma_wait3A_720 = arith.constant 0 : i32
      %dma_wait3A_721 = tpu.memref_slice %arg2[%dma_wait3A_719, %dma_wait3A_720] : memref<200x128xf32, #tpu.memory_space<hbm>> -> memref<1x128xf32, #tpu.memory_space<hbm>>
      %dma_wait3A_722 = arith.constant 1 : i32
      %dma_wait3A_723 = arith.constant 0 : i32
      %dma_wait3A_724 = tpu.memref_slice %arg1[%dma_wait3A_722, %dma_wait3A_723] : memref<1000x128xf32, #tpu.memory_space<hbm>> -> memref<1x128xf32, #tpu.memory_space<hbm>>
      tpu.wait_dma2 semaphore(%arg4 : memref<!tpu.dma_semaphore, #tpu.memory_space<semaphore_mem>>) src(%dma_wait3A_724 : memref<1x128xf32, #tpu.memory_space<hbm>>) dst(%dma_wait3A_721 : memref<1x128xf32, #tpu.memory_space<hbm>>)
      %dma_wait3A_725 = arith.constant 16 : i32
      %dma_wait3A_726 = arith.constant 0 : i32
      %dma_wait3A_727 = tpu.memref_slice %arg2[%dma_wait3A_725, %dma_wait3A_726] : memref<200x128xf32, #tpu.memory_space<hbm>> -> memref<1x128xf32, #tpu.memory_space<hbm>>
      %dma_wait3A_728 = arith.constant 2 : i32
      %dma_wait3A_729 = arith.constant 0 : i32
      %dma_wait3A_730 = tpu.memref_slice %arg1[%dma_wait3A_728, %dma_wait3A_729] : memref<1000x128xf32, #tpu.memory_space<hbm>> -> memref<1x128xf32, #tpu.memory_space<hbm>>
      tpu.wait_dma2 semaphore(%arg4 : memref<!tpu.dma_semaphore, #tpu.memory_space<semaphore_mem>>) src(%dma_wait3A_730 : memref<1x128xf32, #tpu.memory_space<hbm>>) dst(%dma_wait3A_727 : memref<1x128xf32, #tpu.memory_space<hbm>>)
      %dma_wait3A_731 = arith.constant 17 : i32
      %dma_wait3A_732 = arith.constant 0 : i32
      %dma_wait3A_733 = tpu.memref_slice %arg2[%dma_wait3A_731, %dma_wait3A_732] : memref<200x128xf32, #tpu.memory_space<hbm>> -> memref<1x128xf32, #tpu.memory_space<hbm>>
      %dma_wait3A_734 = arith.constant 2 : i32
      %dma_wait3A_735 = arith.constant 0 : i32
      %dma_wait3A_736 = tpu.memref_slice %arg1[%dma_wait3A_734, %dma_wait3A_735] : memref<1000x128xf32, #tpu.memory_space<hbm>> -> memref<1x128xf32, #tpu.memory_space<hbm>>
      tpu.wait_dma2 semaphore(%arg4 : memref<!tpu.dma_semaphore, #tpu.memory_space<semaphore_mem>>) src(%dma_wait3A_736 : memref<1x128xf32, #tpu.memory_space<hbm>>) dst(%dma_wait3A_733 : memref<1x128xf32, #tpu.memory_space<hbm>>)
      %dma_wait3A_737 = arith.constant 18 : i32
      %dma_wait3A_738 = arith.constant 0 : i32
      %dma_wait3A_739 = tpu.memref_slice %arg2[%dma_wait3A_737, %dma_wait3A_738] : memref<200x128xf32, #tpu.memory_space<hbm>> -> memref<1x128xf32, #tpu.memory_space<hbm>>
      %dma_wait3A_740 = arith.constant 2 : i32
      %dma_wait3A_741 = arith.constant 0 : i32
      %dma_wait3A_742 = tpu.memref_slice %arg1[%dma_wait3A_740, %dma_wait3A_741] : memref<1000x128xf32, #tpu.memory_space<hbm>> -> memref<1x128xf32, #tpu.memory_space<hbm>>
      tpu.wait_dma2 semaphore(%arg4 : memref<!tpu.dma_semaphore, #tpu.memory_space<semaphore_mem>>) src(%dma_wait3A_742 : memref<1x128xf32, #tpu.memory_space<hbm>>) dst(%dma_wait3A_739 : memref<1x128xf32, #tpu.memory_space<hbm>>)
      %dma_wait3A_743 = arith.constant 19 : i32
      %dma_wait3A_744 = arith.constant 0 : i32
      %dma_wait3A_745 = tpu.memref_slice %arg2[%dma_wait3A_743, %dma_wait3A_744] : memref<200x128xf32, #tpu.memory_space<hbm>> -> memref<1x128xf32, #tpu.memory_space<hbm>>
      %dma_wait3A_746 = arith.constant 2 : i32
      %dma_wait3A_747 = arith.constant 0 : i32
      %dma_wait3A_748 = tpu.memref_slice %arg1[%dma_wait3A_746, %dma_wait3A_747] : memref<1000x128xf32, #tpu.memory_space<hbm>> -> memref<1x128xf32, #tpu.memory_space<hbm>>
      tpu.wait_dma2 semaphore(%arg4 : memref<!tpu.dma_semaphore, #tpu.memory_space<semaphore_mem>>) src(%dma_wait3A_748 : memref<1x128xf32, #tpu.memory_space<hbm>>) dst(%dma_wait3A_745 : memref<1x128xf32, #tpu.memory_space<hbm>>)
      %dma_wait3A_749 = arith.constant 20 : i32
      %dma_wait3A_750 = arith.constant 0 : i32
      %dma_wait3A_751 = tpu.memref_slice %arg2[%dma_wait3A_749, %dma_wait3A_750] : memref<200x128xf32, #tpu.memory_space<hbm>> -> memref<1x128xf32, #tpu.memory_space<hbm>>
      %dma_wait3A_752 = arith.constant 2 : i32
      %dma_wait3A_753 = arith.constant 0 : i32
      %dma_wait3A_754 = tpu.memref_slice %arg1[%dma_wait3A_752, %dma_wait3A_753] : memref<1000x128xf32, #tpu.memory_space<hbm>> -> memref<1x128xf32, #tpu.memory_space<hbm>>
      tpu.wait_dma2 semaphore(%arg4 : memref<!tpu.dma_semaphore, #tpu.memory_space<semaphore_mem>>) src(%dma_wait3A_754 : memref<1x128xf32, #tpu.memory_space<hbm>>) dst(%dma_wait3A_751 : memref<1x128xf32, #tpu.memory_space<hbm>>)
      %dma_wait3A_755 = arith.constant 21 : i32
      %dma_wait3A_756 = arith.constant 0 : i32
      %dma_wait3A_757 = tpu.memref_slice %arg2[%dma_wait3A_755, %dma_wait3A_756] : memref<200x128xf32, #tpu.memory_space<hbm>> -> memref<1x128xf32, #tpu.memory_space<hbm>>
      %dma_wait3A_758 = arith.constant 2 : i32
      %dma_wait3A_759 = arith.constant 0 : i32
      %dma_wait3A_760 = tpu.memref_slice %arg1[%dma_wait3A_758, %dma_wait3A_759] : memref<1000x128xf32, #tpu.memory_space<hbm>> -> memref<1x128xf32, #tpu.memory_space<hbm>>
      tpu.wait_dma2 semaphore(%arg4 : memref<!tpu.dma_semaphore, #tpu.memory_space<semaphore_mem>>) src(%dma_wait3A_760 : memref<1x128xf32, #tpu.memory_space<hbm>>) dst(%dma_wait3A_757 : memref<1x128xf32, #tpu.memory_space<hbm>>)
      %dma_wait3A_761 = arith.constant 22 : i32
      %dma_wait3A_762 = arith.constant 0 : i32
      %dma_wait3A_763 = tpu.memref_slice %arg2[%dma_wait3A_761, %dma_wait3A_762] : memref<200x128xf32, #tpu.memory_space<hbm>> -> memref<1x128xf32, #tpu.memory_space<hbm>>
      %dma_wait3A_764 = arith.constant 2 : i32
      %dma_wait3A_765 = arith.constant 0 : i32
      %dma_wait3A_766 = tpu.memref_slice %arg1[%dma_wait3A_764, %dma_wait3A_765] : memref<1000x128xf32, #tpu.memory_space<hbm>> -> memref<1x128xf32, #tpu.memory_space<hbm>>
      tpu.wait_dma2 semaphore(%arg4 : memref<!tpu.dma_semaphore, #tpu.memory_space<semaphore_mem>>) src(%dma_wait3A_766 : memref<1x128xf32, #tpu.memory_space<hbm>>) dst(%dma_wait3A_763 : memref<1x128xf32, #tpu.memory_space<hbm>>)
      %dma_wait3A_767 = arith.constant 23 : i32
      %dma_wait3A_768 = arith.constant 0 : i32
      %dma_wait3A_769 = tpu.memref_slice %arg2[%dma_wait3A_767, %dma_wait3A_768] : memref<200x128xf32, #tpu.memory_space<hbm>> -> memref<1x128xf32, #tpu.memory_space<hbm>>
      %dma_wait3A_770 = arith.constant 2 : i32
      %dma_wait3A_771 = arith.constant 0 : i32
      %dma_wait3A_772 = tpu.memref_slice %arg1[%dma_wait3A_770, %dma_wait3A_771] : memref<1000x128xf32, #tpu.memory_space<hbm>> -> memref<1x128xf32, #tpu.memory_space<hbm>>
      tpu.wait_dma2 semaphore(%arg4 : memref<!tpu.dma_semaphore, #tpu.memory_space<semaphore_mem>>) src(%dma_wait3A_772 : memref<1x128xf32, #tpu.memory_space<hbm>>) dst(%dma_wait3A_769 : memref<1x128xf32, #tpu.memory_space<hbm>>)
      %dma_wait3A_773 = arith.constant 24 : i32
      %dma_wait3A_774 = arith.constant 0 : i32
      %dma_wait3A_775 = tpu.memref_slice %arg2[%dma_wait3A_773, %dma_wait3A_774] : memref<200x128xf32, #tpu.memory_space<hbm>> -> memref<1x128xf32, #tpu.memory_space<hbm>>
      %dma_wait3A_776 = arith.constant 3 : i32
      %dma_wait3A_777 = arith.constant 0 : i32
      %dma_wait3A_778 = tpu.memref_slice %arg1[%dma_wait3A_776, %dma_wait3A_777] : memref<1000x128xf32, #tpu.memory_space<hbm>> -> memref<1x128xf32, #tpu.memory_space<hbm>>
      tpu.wait_dma2 semaphore(%arg4 : memref<!tpu.dma_semaphore, #tpu.memory_space<semaphore_mem>>) src(%dma_wait3A_778 : memref<1x128xf32, #tpu.memory_space<hbm>>) dst(%dma_wait3A_775 : memref<1x128xf32, #tpu.memory_space<hbm>>)
      %dma_wait3A_779 = arith.constant 25 : i32
      %dma_wait3A_780 = arith.constant 0 : i32
      %dma_wait3A_781 = tpu.memref_slice %arg2[%dma_wait3A_779, %dma_wait3A_780] : memref<200x128xf32, #tpu.memory_space<hbm>> -> memref<1x128xf32, #tpu.memory_space<hbm>>
      %dma_wait3A_782 = arith.constant 3 : i32
      %dma_wait3A_783 = arith.constant 0 : i32
      %dma_wait3A_784 = tpu.memref_slice %arg1[%dma_wait3A_782, %dma_wait3A_783] : memref<1000x128xf32, #tpu.memory_space<hbm>> -> memref<1x128xf32, #tpu.memory_space<hbm>>
      tpu.wait_dma2 semaphore(%arg4 : memref<!tpu.dma_semaphore, #tpu.memory_space<semaphore_mem>>) src(%dma_wait3A_784 : memref<1x128xf32, #tpu.memory_space<hbm>>) dst(%dma_wait3A_781 : memref<1x128xf32, #tpu.memory_space<hbm>>)
      %dma_wait3A_785 = arith.constant 26 : i32
      %dma_wait3A_786 = arith.constant 0 : i32
      %dma_wait3A_787 = tpu.memref_slice %arg2[%dma_wait3A_785, %dma_wait3A_786] : memref<200x128xf32, #tpu.memory_space<hbm>> -> memref<1x128xf32, #tpu.memory_space<hbm>>
      %dma_wait3A_788 = arith.constant 3 : i32
      %dma_wait3A_789 = arith.constant 0 : i32
      %dma_wait3A_790 = tpu.memref_slice %arg1[%dma_wait3A_788, %dma_wait3A_789] : memref<1000x128xf32, #tpu.memory_space<hbm>> -> memref<1x128xf32, #tpu.memory_space<hbm>>
      tpu.wait_dma2 semaphore(%arg4 : memref<!tpu.dma_semaphore, #tpu.memory_space<semaphore_mem>>) src(%dma_wait3A_790 : memref<1x128xf32, #tpu.memory_space<hbm>>) dst(%dma_wait3A_787 : memref<1x128xf32, #tpu.memory_space<hbm>>)
      %dma_wait3A_791 = arith.constant 27 : i32
      %dma_wait3A_792 = arith.constant 0 : i32
      %dma_wait3A_793 = tpu.memref_slice %arg2[%dma_wait3A_791, %dma_wait3A_792] : memref<200x128xf32, #tpu.memory_space<hbm>> -> memref<1x128xf32, #tpu.memory_space<hbm>>
      %dma_wait3A_794 = arith.constant 3 : i32
      %dma_wait3A_795 = arith.constant 0 : i32
      %dma_wait3A_796 = tpu.memref_slice %arg1[%dma_wait3A_794, %dma_wait3A_795] : memref<1000x128xf32, #tpu.memory_space<hbm>> -> memref<1x128xf32, #tpu.memory_space<hbm>>
      tpu.wait_dma2 semaphore(%arg4 : memref<!tpu.dma_semaphore, #tpu.memory_space<semaphore_mem>>) src(%dma_wait3A_796 : memref<1x128xf32, #tpu.memory_space<hbm>>) dst(%dma_wait3A_793 : memref<1x128xf32, #tpu.memory_space<hbm>>)
      %dma_wait3A_797 = arith.constant 28 : i32
      %dma_wait3A_798 = arith.constant 0 : i32
      %dma_wait3A_799 = tpu.memref_slice %arg2[%dma_wait3A_797, %dma_wait3A_798] : memref<200x128xf32, #tpu.memory_space<hbm>> -> memref<1x128xf32, #tpu.memory_space<hbm>>
      %dma_wait3A_800 = arith.constant 3 : i32
      %dma_wait3A_801 = arith.constant 0 : i32
      %dma_wait3A_802 = tpu.memref_slice %arg1[%dma_wait3A_800, %dma_wait3A_801] : memref<1000x128xf32, #tpu.memory_space<hbm>> -> memref<1x128xf32, #tpu.memory_space<hbm>>
      tpu.wait_dma2 semaphore(%arg4 : memref<!tpu.dma_semaphore, #tpu.memory_space<semaphore_mem>>) src(%dma_wait3A_802 : memref<1x128xf32, #tpu.memory_space<hbm>>) dst(%dma_wait3A_799 : memref<1x128xf32, #tpu.memory_space<hbm>>)
      %dma_wait3A_803 = arith.constant 29 : i32
      %dma_wait3A_804 = arith.constant 0 : i32
      %dma_wait3A_805 = tpu.memref_slice %arg2[%dma_wait3A_803, %dma_wait3A_804] : memref<200x128xf32, #tpu.memory_space<hbm>> -> memref<1x128xf32, #tpu.memory_space<hbm>>
      %dma_wait3A_806 = arith.constant 3 : i32
      %dma_wait3A_807 = arith.constant 0 : i32
      %dma_wait3A_808 = tpu.memref_slice %arg1[%dma_wait3A_806, %dma_wait3A_807] : memref<1000x128xf32, #tpu.memory_space<hbm>> -> memref<1x128xf32, #tpu.memory_space<hbm>>
      tpu.wait_dma2 semaphore(%arg4 : memref<!tpu.dma_semaphore, #tpu.memory_space<semaphore_mem>>) src(%dma_wait3A_808 : memref<1x128xf32, #tpu.memory_space<hbm>>) dst(%dma_wait3A_805 : memref<1x128xf32, #tpu.memory_space<hbm>>)
      %dma_wait3A_809 = arith.constant 30 : i32
      %dma_wait3A_810 = arith.constant 0 : i32
      %dma_wait3A_811 = tpu.memref_slice %arg2[%dma_wait3A_809, %dma_wait3A_810] : memref<200x128xf32, #tpu.memory_space<hbm>> -> memref<1x128xf32, #tpu.memory_space<hbm>>
      %dma_wait3A_812 = arith.constant 3 : i32
      %dma_wait3A_813 = arith.constant 0 : i32
      %dma_wait3A_814 = tpu.memref_slice %arg1[%dma_wait3A_812, %dma_wait3A_813] : memref<1000x128xf32, #tpu.memory_space<hbm>> -> memref<1x128xf32, #tpu.memory_space<hbm>>
      tpu.wait_dma2 semaphore(%arg4 : memref<!tpu.dma_semaphore, #tpu.memory_space<semaphore_mem>>) src(%dma_wait3A_814 : memref<1x128xf32, #tpu.memory_space<hbm>>) dst(%dma_wait3A_811 : memref<1x128xf32, #tpu.memory_space<hbm>>)
      %dma_wait3A_815 = arith.constant 31 : i32
      %dma_wait3A_816 = arith.constant 0 : i32
      %dma_wait3A_817 = tpu.memref_slice %arg2[%dma_wait3A_815, %dma_wait3A_816] : memref<200x128xf32, #tpu.memory_space<hbm>> -> memref<1x128xf32, #tpu.memory_space<hbm>>
      %dma_wait3A_818 = arith.constant 3 : i32
      %dma_wait3A_819 = arith.constant 0 : i32
      %dma_wait3A_820 = tpu.memref_slice %arg1[%dma_wait3A_818, %dma_wait3A_819] : memref<1000x128xf32, #tpu.memory_space<hbm>> -> memref<1x128xf32, #tpu.memory_space<hbm>>
      tpu.wait_dma2 semaphore(%arg4 : memref<!tpu.dma_semaphore, #tpu.memory_space<semaphore_mem>>) src(%dma_wait3A_820 : memref<1x128xf32, #tpu.memory_space<hbm>>) dst(%dma_wait3A_817 : memref<1x128xf32, #tpu.memory_space<hbm>>)
      %dma_wait3A_821 = arith.constant 32 : i32
      %dma_wait3A_822 = arith.constant 0 : i32
      %dma_wait3A_823 = tpu.memref_slice %arg2[%dma_wait3A_821, %dma_wait3A_822] : memref<200x128xf32, #tpu.memory_space<hbm>> -> memref<1x128xf32, #tpu.memory_space<hbm>>
      %dma_wait3A_824 = arith.constant 4 : i32
      %dma_wait3A_825 = arith.constant 0 : i32
      %dma_wait3A_826 = tpu.memref_slice %arg1[%dma_wait3A_824, %dma_wait3A_825] : memref<1000x128xf32, #tpu.memory_space<hbm>> -> memref<1x128xf32, #tpu.memory_space<hbm>>
      tpu.wait_dma2 semaphore(%arg4 : memref<!tpu.dma_semaphore, #tpu.memory_space<semaphore_mem>>) src(%dma_wait3A_826 : memref<1x128xf32, #tpu.memory_space<hbm>>) dst(%dma_wait3A_823 : memref<1x128xf32, #tpu.memory_space<hbm>>)
      %dma_wait3A_827 = arith.constant 33 : i32
      %dma_wait3A_828 = arith.constant 0 : i32
      %dma_wait3A_829 = tpu.memref_slice %arg2[%dma_wait3A_827, %dma_wait3A_828] : memref<200x128xf32, #tpu.memory_space<hbm>> -> memref<1x128xf32, #tpu.memory_space<hbm>>
      %dma_wait3A_830 = arith.constant 4 : i32
      %dma_wait3A_831 = arith.constant 0 : i32
      %dma_wait3A_832 = tpu.memref_slice %arg1[%dma_wait3A_830, %dma_wait3A_831] : memref<1000x128xf32, #tpu.memory_space<hbm>> -> memref<1x128xf32, #tpu.memory_space<hbm>>
      tpu.wait_dma2 semaphore(%arg4 : memref<!tpu.dma_semaphore, #tpu.memory_space<semaphore_mem>>) src(%dma_wait3A_832 : memref<1x128xf32, #tpu.memory_space<hbm>>) dst(%dma_wait3A_829 : memref<1x128xf32, #tpu.memory_space<hbm>>)
      %dma_wait3A_833 = arith.constant 34 : i32
      %dma_wait3A_834 = arith.constant 0 : i32
      %dma_wait3A_835 = tpu.memref_slice %arg2[%dma_wait3A_833, %dma_wait3A_834] : memref<200x128xf32, #tpu.memory_space<hbm>> -> memref<1x128xf32, #tpu.memory_space<hbm>>
      %dma_wait3A_836 = arith.constant 4 : i32
      %dma_wait3A_837 = arith.constant 0 : i32
      %dma_wait3A_838 = tpu.memref_slice %arg1[%dma_wait3A_836, %dma_wait3A_837] : memref<1000x128xf32, #tpu.memory_space<hbm>> -> memref<1x128xf32, #tpu.memory_space<hbm>>
      tpu.wait_dma2 semaphore(%arg4 : memref<!tpu.dma_semaphore, #tpu.memory_space<semaphore_mem>>) src(%dma_wait3A_838 : memref<1x128xf32, #tpu.memory_space<hbm>>) dst(%dma_wait3A_835 : memref<1x128xf32, #tpu.memory_space<hbm>>)
      %dma_wait3A_839 = arith.constant 35 : i32
      %dma_wait3A_840 = arith.constant 0 : i32
      %dma_wait3A_841 = tpu.memref_slice %arg2[%dma_wait3A_839, %dma_wait3A_840] : memref<200x128xf32, #tpu.memory_space<hbm>> -> memref<1x128xf32, #tpu.memory_space<hbm>>
      %dma_wait3A_842 = arith.constant 4 : i32
      %dma_wait3A_843 = arith.constant 0 : i32
      %dma_wait3A_844 = tpu.memref_slice %arg1[%dma_wait3A_842, %dma_wait3A_843] : memref<1000x128xf32, #tpu.memory_space<hbm>> -> memref<1x128xf32, #tpu.memory_space<hbm>>
      tpu.wait_dma2 semaphore(%arg4 : memref<!tpu.dma_semaphore, #tpu.memory_space<semaphore_mem>>) src(%dma_wait3A_844 : memref<1x128xf32, #tpu.memory_space<hbm>>) dst(%dma_wait3A_841 : memref<1x128xf32, #tpu.memory_space<hbm>>)
      %dma_wait3A_845 = arith.constant 36 : i32
      %dma_wait3A_846 = arith.constant 0 : i32
      %dma_wait3A_847 = tpu.memref_slice %arg2[%dma_wait3A_845, %dma_wait3A_846] : memref<200x128xf32, #tpu.memory_space<hbm>> -> memref<1x128xf32, #tpu.memory_space<hbm>>
      %dma_wait3A_848 = arith.constant 4 : i32
      %dma_wait3A_849 = arith.constant 0 : i32
      %dma_wait3A_850 = tpu.memref_slice %arg1[%dma_wait3A_848, %dma_wait3A_849] : memref<1000x128xf32, #tpu.memory_space<hbm>> -> memref<1x128xf32, #tpu.memory_space<hbm>>
      tpu.wait_dma2 semaphore(%arg4 : memref<!tpu.dma_semaphore, #tpu.memory_space<semaphore_mem>>) src(%dma_wait3A_850 : memref<1x128xf32, #tpu.memory_space<hbm>>) dst(%dma_wait3A_847 : memref<1x128xf32, #tpu.memory_space<hbm>>)
      %dma_wait3A_851 = arith.constant 37 : i32
      %dma_wait3A_852 = arith.constant 0 : i32
      %dma_wait3A_853 = tpu.memref_slice %arg2[%dma_wait3A_851, %dma_wait3A_852] : memref<200x128xf32, #tpu.memory_space<hbm>> -> memref<1x128xf32, #tpu.memory_space<hbm>>
      %dma_wait3A_854 = arith.constant 4 : i32
      %dma_wait3A_855 = arith.constant 0 : i32
      %dma_wait3A_856 = tpu.memref_slice %arg1[%dma_wait3A_854, %dma_wait3A_855] : memref<1000x128xf32, #tpu.memory_space<hbm>> -> memref<1x128xf32, #tpu.memory_space<hbm>>
      tpu.wait_dma2 semaphore(%arg4 : memref<!tpu.dma_semaphore, #tpu.memory_space<semaphore_mem>>) src(%dma_wait3A_856 : memref<1x128xf32, #tpu.memory_space<hbm>>) dst(%dma_wait3A_853 : memref<1x128xf32, #tpu.memory_space<hbm>>)
      %dma_wait3A_857 = arith.constant 38 : i32
      %dma_wait3A_858 = arith.constant 0 : i32
      %dma_wait3A_859 = tpu.memref_slice %arg2[%dma_wait3A_857, %dma_wait3A_858] : memref<200x128xf32, #tpu.memory_space<hbm>> -> memref<1x128xf32, #tpu.memory_space<hbm>>
      %dma_wait3A_860 = arith.constant 4 : i32
      %dma_wait3A_861 = arith.constant 0 : i32
      %dma_wait3A_862 = tpu.memref_slice %arg1[%dma_wait3A_860, %dma_wait3A_861] : memref<1000x128xf32, #tpu.memory_space<hbm>> -> memref<1x128xf32, #tpu.memory_space<hbm>>
      tpu.wait_dma2 semaphore(%arg4 : memref<!tpu.dma_semaphore, #tpu.memory_space<semaphore_mem>>) src(%dma_wait3A_862 : memref<1x128xf32, #tpu.memory_space<hbm>>) dst(%dma_wait3A_859 : memref<1x128xf32, #tpu.memory_space<hbm>>)
      %dma_wait3A_863 = arith.constant 39 : i32
      %dma_wait3A_864 = arith.constant 0 : i32
      %dma_wait3A_865 = tpu.memref_slice %arg2[%dma_wait3A_863, %dma_wait3A_864] : memref<200x128xf32, #tpu.memory_space<hbm>> -> memref<1x128xf32, #tpu.memory_space<hbm>>
      %dma_wait3A_866 = arith.constant 4 : i32
      %dma_wait3A_867 = arith.constant 0 : i32
      %dma_wait3A_868 = tpu.memref_slice %arg1[%dma_wait3A_866, %dma_wait3A_867] : memref<1000x128xf32, #tpu.memory_space<hbm>> -> memref<1x128xf32, #tpu.memory_space<hbm>>
      tpu.wait_dma2 semaphore(%arg4 : memref<!tpu.dma_semaphore, #tpu.memory_space<semaphore_mem>>) src(%dma_wait3A_868 : memref<1x128xf32, #tpu.memory_space<hbm>>) dst(%dma_wait3A_865 : memref<1x128xf32, #tpu.memory_space<hbm>>)
      %dma_wait3A_869 = arith.constant 40 : i32
      %dma_wait3A_870 = arith.constant 0 : i32
      %dma_wait3A_871 = tpu.memref_slice %arg2[%dma_wait3A_869, %dma_wait3A_870] : memref<200x128xf32, #tpu.memory_space<hbm>> -> memref<1x128xf32, #tpu.memory_space<hbm>>
      %dma_wait3A_872 = arith.constant 5 : i32
      %dma_wait3A_873 = arith.constant 0 : i32
      %dma_wait3A_874 = tpu.memref_slice %arg1[%dma_wait3A_872, %dma_wait3A_873] : memref<1000x128xf32, #tpu.memory_space<hbm>> -> memref<1x128xf32, #tpu.memory_space<hbm>>
      tpu.wait_dma2 semaphore(%arg4 : memref<!tpu.dma_semaphore, #tpu.memory_space<semaphore_mem>>) src(%dma_wait3A_874 : memref<1x128xf32, #tpu.memory_space<hbm>>) dst(%dma_wait3A_871 : memref<1x128xf32, #tpu.memory_space<hbm>>)
      %dma_wait3A_875 = arith.constant 41 : i32
      %dma_wait3A_876 = arith.constant 0 : i32
      %dma_wait3A_877 = tpu.memref_slice %arg2[%dma_wait3A_875, %dma_wait3A_876] : memref<200x128xf32, #tpu.memory_space<hbm>> -> memref<1x128xf32, #tpu.memory_space<hbm>>
      %dma_wait3A_878 = arith.constant 5 : i32
      %dma_wait3A_879 = arith.constant 0 : i32
      %dma_wait3A_880 = tpu.memref_slice %arg1[%dma_wait3A_878, %dma_wait3A_879] : memref<1000x128xf32, #tpu.memory_space<hbm>> -> memref<1x128xf32, #tpu.memory_space<hbm>>
      tpu.wait_dma2 semaphore(%arg4 : memref<!tpu.dma_semaphore, #tpu.memory_space<semaphore_mem>>) src(%dma_wait3A_880 : memref<1x128xf32, #tpu.memory_space<hbm>>) dst(%dma_wait3A_877 : memref<1x128xf32, #tpu.memory_space<hbm>>)
      %dma_wait3A_881 = arith.constant 42 : i32
      %dma_wait3A_882 = arith.constant 0 : i32
      %dma_wait3A_883 = tpu.memref_slice %arg2[%dma_wait3A_881, %dma_wait3A_882] : memref<200x128xf32, #tpu.memory_space<hbm>> -> memref<1x128xf32, #tpu.memory_space<hbm>>
      %dma_wait3A_884 = arith.constant 5 : i32
      %dma_wait3A_885 = arith.constant 0 : i32
      %dma_wait3A_886 = tpu.memref_slice %arg1[%dma_wait3A_884, %dma_wait3A_885] : memref<1000x128xf32, #tpu.memory_space<hbm>> -> memref<1x128xf32, #tpu.memory_space<hbm>>
      tpu.wait_dma2 semaphore(%arg4 : memref<!tpu.dma_semaphore, #tpu.memory_space<semaphore_mem>>) src(%dma_wait3A_886 : memref<1x128xf32, #tpu.memory_space<hbm>>) dst(%dma_wait3A_883 : memref<1x128xf32, #tpu.memory_space<hbm>>)
      %dma_wait3A_887 = arith.constant 43 : i32
      %dma_wait3A_888 = arith.constant 0 : i32
      %dma_wait3A_889 = tpu.memref_slice %arg2[%dma_wait3A_887, %dma_wait3A_888] : memref<200x128xf32, #tpu.memory_space<hbm>> -> memref<1x128xf32, #tpu.memory_space<hbm>>
      %dma_wait3A_890 = arith.constant 5 : i32
      %dma_wait3A_891 = arith.constant 0 : i32
      %dma_wait3A_892 = tpu.memref_slice %arg1[%dma_wait3A_890, %dma_wait3A_891] : memref<1000x128xf32, #tpu.memory_space<hbm>> -> memref<1x128xf32, #tpu.memory_space<hbm>>
      tpu.wait_dma2 semaphore(%arg4 : memref<!tpu.dma_semaphore, #tpu.memory_space<semaphore_mem>>) src(%dma_wait3A_892 : memref<1x128xf32, #tpu.memory_space<hbm>>) dst(%dma_wait3A_889 : memref<1x128xf32, #tpu.memory_space<hbm>>)
      %dma_wait3A_893 = arith.constant 44 : i32
      %dma_wait3A_894 = arith.constant 0 : i32
      %dma_wait3A_895 = tpu.memref_slice %arg2[%dma_wait3A_893, %dma_wait3A_894] : memref<200x128xf32, #tpu.memory_space<hbm>> -> memref<1x128xf32, #tpu.memory_space<hbm>>
      %dma_wait3A_896 = arith.constant 5 : i32
      %dma_wait3A_897 = arith.constant 0 : i32
      %dma_wait3A_898 = tpu.memref_slice %arg1[%dma_wait3A_896, %dma_wait3A_897] : memref<1000x128xf32, #tpu.memory_space<hbm>> -> memref<1x128xf32, #tpu.memory_space<hbm>>
      tpu.wait_dma2 semaphore(%arg4 : memref<!tpu.dma_semaphore, #tpu.memory_space<semaphore_mem>>) src(%dma_wait3A_898 : memref<1x128xf32, #tpu.memory_space<hbm>>) dst(%dma_wait3A_895 : memref<1x128xf32, #tpu.memory_space<hbm>>)
      %dma_wait3A_899 = arith.constant 45 : i32
      %dma_wait3A_900 = arith.constant 0 : i32
      %dma_wait3A_901 = tpu.memref_slice %arg2[%dma_wait3A_899, %dma_wait3A_900] : memref<200x128xf32, #tpu.memory_space<hbm>> -> memref<1x128xf32, #tpu.memory_space<hbm>>
      %dma_wait3A_902 = arith.constant 5 : i32
      %dma_wait3A_903 = arith.constant 0 : i32
      %dma_wait3A_904 = tpu.memref_slice %arg1[%dma_wait3A_902, %dma_wait3A_903] : memref<1000x128xf32, #tpu.memory_space<hbm>> -> memref<1x128xf32, #tpu.memory_space<hbm>>
      tpu.wait_dma2 semaphore(%arg4 : memref<!tpu.dma_semaphore, #tpu.memory_space<semaphore_mem>>) src(%dma_wait3A_904 : memref<1x128xf32, #tpu.memory_space<hbm>>) dst(%dma_wait3A_901 : memref<1x128xf32, #tpu.memory_space<hbm>>)
      %dma_wait3A_905 = arith.constant 46 : i32
      %dma_wait3A_906 = arith.constant 0 : i32
      %dma_wait3A_907 = tpu.memref_slice %arg2[%dma_wait3A_905, %dma_wait3A_906] : memref<200x128xf32, #tpu.memory_space<hbm>> -> memref<1x128xf32, #tpu.memory_space<hbm>>
      %dma_wait3A_908 = arith.constant 5 : i32
      %dma_wait3A_909 = arith.constant 0 : i32
      %dma_wait3A_910 = tpu.memref_slice %arg1[%dma_wait3A_908, %dma_wait3A_909] : memref<1000x128xf32, #tpu.memory_space<hbm>> -> memref<1x128xf32, #tpu.memory_space<hbm>>
      tpu.wait_dma2 semaphore(%arg4 : memref<!tpu.dma_semaphore, #tpu.memory_space<semaphore_mem>>) src(%dma_wait3A_910 : memref<1x128xf32, #tpu.memory_space<hbm>>) dst(%dma_wait3A_907 : memref<1x128xf32, #tpu.memory_space<hbm>>)
      %dma_wait3A_911 = arith.constant 47 : i32
      %dma_wait3A_912 = arith.constant 0 : i32
      %dma_wait3A_913 = tpu.memref_slice %arg2[%dma_wait3A_911, %dma_wait3A_912] : memref<200x128xf32, #tpu.memory_space<hbm>> -> memref<1x128xf32, #tpu.memory_space<hbm>>
      %dma_wait3A_914 = arith.constant 5 : i32
      %dma_wait3A_915 = arith.constant 0 : i32
      %dma_wait3A_916 = tpu.memref_slice %arg1[%dma_wait3A_914, %dma_wait3A_915] : memref<1000x128xf32, #tpu.memory_space<hbm>> -> memref<1x128xf32, #tpu.memory_space<hbm>>
      tpu.wait_dma2 semaphore(%arg4 : memref<!tpu.dma_semaphore, #tpu.memory_space<semaphore_mem>>) src(%dma_wait3A_916 : memref<1x128xf32, #tpu.memory_space<hbm>>) dst(%dma_wait3A_913 : memref<1x128xf32, #tpu.memory_space<hbm>>)
      %dma_wait3A_917 = arith.constant 48 : i32
      %dma_wait3A_918 = arith.constant 0 : i32
      %dma_wait3A_919 = tpu.memref_slice %arg2[%dma_wait3A_917, %dma_wait3A_918] : memref<200x128xf32, #tpu.memory_space<hbm>> -> memref<1x128xf32, #tpu.memory_space<hbm>>
      %dma_wait3A_920 = arith.constant 6 : i32
      %dma_wait3A_921 = arith.constant 0 : i32
      %dma_wait3A_922 = tpu.memref_slice %arg1[%dma_wait3A_920, %dma_wait3A_921] : memref<1000x128xf32, #tpu.memory_space<hbm>> -> memref<1x128xf32, #tpu.memory_space<hbm>>
      tpu.wait_dma2 semaphore(%arg4 : memref<!tpu.dma_semaphore, #tpu.memory_space<semaphore_mem>>) src(%dma_wait3A_922 : memref<1x128xf32, #tpu.memory_space<hbm>>) dst(%dma_wait3A_919 : memref<1x128xf32, #tpu.memory_space<hbm>>)
      %dma_wait3A_923 = arith.constant 49 : i32
      %dma_wait3A_924 = arith.constant 0 : i32
      %dma_wait3A_925 = tpu.memref_slice %arg2[%dma_wait3A_923, %dma_wait3A_924] : memref<200x128xf32, #tpu.memory_space<hbm>> -> memref<1x128xf32, #tpu.memory_space<hbm>>
      %dma_wait3A_926 = arith.constant 6 : i32
      %dma_wait3A_927 = arith.constant 0 : i32
      %dma_wait3A_928 = tpu.memref_slice %arg1[%dma_wait3A_926, %dma_wait3A_927] : memref<1000x128xf32, #tpu.memory_space<hbm>> -> memref<1x128xf32, #tpu.memory_space<hbm>>
      tpu.wait_dma2 semaphore(%arg4 : memref<!tpu.dma_semaphore, #tpu.memory_space<semaphore_mem>>) src(%dma_wait3A_928 : memref<1x128xf32, #tpu.memory_space<hbm>>) dst(%dma_wait3A_925 : memref<1x128xf32, #tpu.memory_space<hbm>>)
      %dma_wait3A_929 = arith.constant 50 : i32
      %dma_wait3A_930 = arith.constant 0 : i32
      %dma_wait3A_931 = tpu.memref_slice %arg2[%dma_wait3A_929, %dma_wait3A_930] : memref<200x128xf32, #tpu.memory_space<hbm>> -> memref<1x128xf32, #tpu.memory_space<hbm>>
      %dma_wait3A_932 = arith.constant 6 : i32
      %dma_wait3A_933 = arith.constant 0 : i32
      %dma_wait3A_934 = tpu.memref_slice %arg1[%dma_wait3A_932, %dma_wait3A_933] : memref<1000x128xf32, #tpu.memory_space<hbm>> -> memref<1x128xf32, #tpu.memory_space<hbm>>
      tpu.wait_dma2 semaphore(%arg4 : memref<!tpu.dma_semaphore, #tpu.memory_space<semaphore_mem>>) src(%dma_wait3A_934 : memref<1x128xf32, #tpu.memory_space<hbm>>) dst(%dma_wait3A_931 : memref<1x128xf32, #tpu.memory_space<hbm>>)
      %dma_wait3A_935 = arith.constant 51 : i32
      %dma_wait3A_936 = arith.constant 0 : i32
      %dma_wait3A_937 = tpu.memref_slice %arg2[%dma_wait3A_935, %dma_wait3A_936] : memref<200x128xf32, #tpu.memory_space<hbm>> -> memref<1x128xf32, #tpu.memory_space<hbm>>
      %dma_wait3A_938 = arith.constant 6 : i32
      %dma_wait3A_939 = arith.constant 0 : i32
      %dma_wait3A_940 = tpu.memref_slice %arg1[%dma_wait3A_938, %dma_wait3A_939] : memref<1000x128xf32, #tpu.memory_space<hbm>> -> memref<1x128xf32, #tpu.memory_space<hbm>>
      tpu.wait_dma2 semaphore(%arg4 : memref<!tpu.dma_semaphore, #tpu.memory_space<semaphore_mem>>) src(%dma_wait3A_940 : memref<1x128xf32, #tpu.memory_space<hbm>>) dst(%dma_wait3A_937 : memref<1x128xf32, #tpu.memory_space<hbm>>)
      %dma_wait3A_941 = arith.constant 52 : i32
      %dma_wait3A_942 = arith.constant 0 : i32
      %dma_wait3A_943 = tpu.memref_slice %arg2[%dma_wait3A_941, %dma_wait3A_942] : memref<200x128xf32, #tpu.memory_space<hbm>> -> memref<1x128xf32, #tpu.memory_space<hbm>>
      %dma_wait3A_944 = arith.constant 6 : i32
      %dma_wait3A_945 = arith.constant 0 : i32
      %dma_wait3A_946 = tpu.memref_slice %arg1[%dma_wait3A_944, %dma_wait3A_945] : memref<1000x128xf32, #tpu.memory_space<hbm>> -> memref<1x128xf32, #tpu.memory_space<hbm>>
      tpu.wait_dma2 semaphore(%arg4 : memref<!tpu.dma_semaphore, #tpu.memory_space<semaphore_mem>>) src(%dma_wait3A_946 : memref<1x128xf32, #tpu.memory_space<hbm>>) dst(%dma_wait3A_943 : memref<1x128xf32, #tpu.memory_space<hbm>>)
      %dma_wait3A_947 = arith.constant 53 : i32
      %dma_wait3A_948 = arith.constant 0 : i32
      %dma_wait3A_949 = tpu.memref_slice %arg2[%dma_wait3A_947, %dma_wait3A_948] : memref<200x128xf32, #tpu.memory_space<hbm>> -> memref<1x128xf32, #tpu.memory_space<hbm>>
      %dma_wait3A_950 = arith.constant 6 : i32
      %dma_wait3A_951 = arith.constant 0 : i32
      %dma_wait3A_952 = tpu.memref_slice %arg1[%dma_wait3A_950, %dma_wait3A_951] : memref<1000x128xf32, #tpu.memory_space<hbm>> -> memref<1x128xf32, #tpu.memory_space<hbm>>
      tpu.wait_dma2 semaphore(%arg4 : memref<!tpu.dma_semaphore, #tpu.memory_space<semaphore_mem>>) src(%dma_wait3A_952 : memref<1x128xf32, #tpu.memory_space<hbm>>) dst(%dma_wait3A_949 : memref<1x128xf32, #tpu.memory_space<hbm>>)
      %dma_wait3A_953 = arith.constant 54 : i32
      %dma_wait3A_954 = arith.constant 0 : i32
      %dma_wait3A_955 = tpu.memref_slice %arg2[%dma_wait3A_953, %dma_wait3A_954] : memref<200x128xf32, #tpu.memory_space<hbm>> -> memref<1x128xf32, #tpu.memory_space<hbm>>
      %dma_wait3A_956 = arith.constant 6 : i32
      %dma_wait3A_957 = arith.constant 0 : i32
      %dma_wait3A_958 = tpu.memref_slice %arg1[%dma_wait3A_956, %dma_wait3A_957] : memref<1000x128xf32, #tpu.memory_space<hbm>> -> memref<1x128xf32, #tpu.memory_space<hbm>>
      tpu.wait_dma2 semaphore(%arg4 : memref<!tpu.dma_semaphore, #tpu.memory_space<semaphore_mem>>) src(%dma_wait3A_958 : memref<1x128xf32, #tpu.memory_space<hbm>>) dst(%dma_wait3A_955 : memref<1x128xf32, #tpu.memory_space<hbm>>)
      %dma_wait3A_959 = arith.constant 55 : i32
      %dma_wait3A_960 = arith.constant 0 : i32
      %dma_wait3A_961 = tpu.memref_slice %arg2[%dma_wait3A_959, %dma_wait3A_960] : memref<200x128xf32, #tpu.memory_space<hbm>> -> memref<1x128xf32, #tpu.memory_space<hbm>>
      %dma_wait3A_962 = arith.constant 6 : i32
      %dma_wait3A_963 = arith.constant 0 : i32
      %dma_wait3A_964 = tpu.memref_slice %arg1[%dma_wait3A_962, %dma_wait3A_963] : memref<1000x128xf32, #tpu.memory_space<hbm>> -> memref<1x128xf32, #tpu.memory_space<hbm>>
      tpu.wait_dma2 semaphore(%arg4 : memref<!tpu.dma_semaphore, #tpu.memory_space<semaphore_mem>>) src(%dma_wait3A_964 : memref<1x128xf32, #tpu.memory_space<hbm>>) dst(%dma_wait3A_961 : memref<1x128xf32, #tpu.memory_space<hbm>>)
      %dma_wait3A_965 = arith.constant 56 : i32
      %dma_wait3A_966 = arith.constant 0 : i32
      %dma_wait3A_967 = tpu.memref_slice %arg2[%dma_wait3A_965, %dma_wait3A_966] : memref<200x128xf32, #tpu.memory_space<hbm>> -> memref<1x128xf32, #tpu.memory_space<hbm>>
      %dma_wait3A_968 = arith.constant 7 : i32
      %dma_wait3A_969 = arith.constant 0 : i32
      %dma_wait3A_970 = tpu.memref_slice %arg1[%dma_wait3A_968, %dma_wait3A_969] : memref<1000x128xf32, #tpu.memory_space<hbm>> -> memref<1x128xf32, #tpu.memory_space<hbm>>
      tpu.wait_dma2 semaphore(%arg4 : memref<!tpu.dma_semaphore, #tpu.memory_space<semaphore_mem>>) src(%dma_wait3A_970 : memref<1x128xf32, #tpu.memory_space<hbm>>) dst(%dma_wait3A_967 : memref<1x128xf32, #tpu.memory_space<hbm>>)
      %dma_wait3A_971 = arith.constant 57 : i32
      %dma_wait3A_972 = arith.constant 0 : i32
      %dma_wait3A_973 = tpu.memref_slice %arg2[%dma_wait3A_971, %dma_wait3A_972] : memref<200x128xf32, #tpu.memory_space<hbm>> -> memref<1x128xf32, #tpu.memory_space<hbm>>
      %dma_wait3A_974 = arith.constant 7 : i32
      %dma_wait3A_975 = arith.constant 0 : i32
      %dma_wait3A_976 = tpu.memref_slice %arg1[%dma_wait3A_974, %dma_wait3A_975] : memref<1000x128xf32, #tpu.memory_space<hbm>> -> memref<1x128xf32, #tpu.memory_space<hbm>>
      tpu.wait_dma2 semaphore(%arg4 : memref<!tpu.dma_semaphore, #tpu.memory_space<semaphore_mem>>) src(%dma_wait3A_976 : memref<1x128xf32, #tpu.memory_space<hbm>>) dst(%dma_wait3A_973 : memref<1x128xf32, #tpu.memory_space<hbm>>)
      %dma_wait3A_977 = arith.constant 58 : i32
      %dma_wait3A_978 = arith.constant 0 : i32
      %dma_wait3A_979 = tpu.memref_slice %arg2[%dma_wait3A_977, %dma_wait3A_978] : memref<200x128xf32, #tpu.memory_space<hbm>> -> memref<1x128xf32, #tpu.memory_space<hbm>>
      %dma_wait3A_980 = arith.constant 7 : i32
      %dma_wait3A_981 = arith.constant 0 : i32
      %dma_wait3A_982 = tpu.memref_slice %arg1[%dma_wait3A_980, %dma_wait3A_981] : memref<1000x128xf32, #tpu.memory_space<hbm>> -> memref<1x128xf32, #tpu.memory_space<hbm>>
      tpu.wait_dma2 semaphore(%arg4 : memref<!tpu.dma_semaphore, #tpu.memory_space<semaphore_mem>>) src(%dma_wait3A_982 : memref<1x128xf32, #tpu.memory_space<hbm>>) dst(%dma_wait3A_979 : memref<1x128xf32, #tpu.memory_space<hbm>>)
      %dma_wait3A_983 = arith.constant 59 : i32
      %dma_wait3A_984 = arith.constant 0 : i32
      %dma_wait3A_985 = tpu.memref_slice %arg2[%dma_wait3A_983, %dma_wait3A_984] : memref<200x128xf32, #tpu.memory_space<hbm>> -> memref<1x128xf32, #tpu.memory_space<hbm>>
      %dma_wait3A_986 = arith.constant 7 : i32
      %dma_wait3A_987 = arith.constant 0 : i32
      %dma_wait3A_988 = tpu.memref_slice %arg1[%dma_wait3A_986, %dma_wait3A_987] : memref<1000x128xf32, #tpu.memory_space<hbm>> -> memref<1x128xf32, #tpu.memory_space<hbm>>
      tpu.wait_dma2 semaphore(%arg4 : memref<!tpu.dma_semaphore, #tpu.memory_space<semaphore_mem>>) src(%dma_wait3A_988 : memref<1x128xf32, #tpu.memory_space<hbm>>) dst(%dma_wait3A_985 : memref<1x128xf32, #tpu.memory_space<hbm>>)
      %dma_wait3A_989 = arith.constant 60 : i32
      %dma_wait3A_990 = arith.constant 0 : i32
      %dma_wait3A_991 = tpu.memref_slice %arg2[%dma_wait3A_989, %dma_wait3A_990] : memref<200x128xf32, #tpu.memory_space<hbm>> -> memref<1x128xf32, #tpu.memory_space<hbm>>
      %dma_wait3A_992 = arith.constant 7 : i32
      %dma_wait3A_993 = arith.constant 0 : i32
      %dma_wait3A_994 = tpu.memref_slice %arg1[%dma_wait3A_992, %dma_wait3A_993] : memref<1000x128xf32, #tpu.memory_space<hbm>> -> memref<1x128xf32, #tpu.memory_space<hbm>>
      tpu.wait_dma2 semaphore(%arg4 : memref<!tpu.dma_semaphore, #tpu.memory_space<semaphore_mem>>) src(%dma_wait3A_994 : memref<1x128xf32, #tpu.memory_space<hbm>>) dst(%dma_wait3A_991 : memref<1x128xf32, #tpu.memory_space<hbm>>)
      %dma_wait3A_995 = arith.constant 61 : i32
      %dma_wait3A_996 = arith.constant 0 : i32
      %dma_wait3A_997 = tpu.memref_slice %arg2[%dma_wait3A_995, %dma_wait3A_996] : memref<200x128xf32, #tpu.memory_space<hbm>> -> memref<1x128xf32, #tpu.memory_space<hbm>>
      %dma_wait3A_998 = arith.constant 7 : i32
      %dma_wait3A_999 = arith.constant 0 : i32
      %dma_wait3A_1000 = tpu.memref_slice %arg1[%dma_wait3A_998, %dma_wait3A_999] : memref<1000x128xf32, #tpu.memory_space<hbm>> -> memref<1x128xf32, #tpu.memory_space<hbm>>
      tpu.wait_dma2 semaphore(%arg4 : memref<!tpu.dma_semaphore, #tpu.memory_space<semaphore_mem>>) src(%dma_wait3A_1000 : memref<1x128xf32, #tpu.memory_space<hbm>>) dst(%dma_wait3A_997 : memref<1x128xf32, #tpu.memory_space<hbm>>)
      %dma_wait3A_1001 = arith.constant 62 : i32
      %dma_wait3A_1002 = arith.constant 0 : i32
      %dma_wait3A_1003 = tpu.memref_slice %arg2[%dma_wait3A_1001, %dma_wait3A_1002] : memref<200x128xf32, #tpu.memory_space<hbm>> -> memref<1x128xf32, #tpu.memory_space<hbm>>
      %dma_wait3A_1004 = arith.constant 7 : i32
      %dma_wait3A_1005 = arith.constant 0 : i32
      %dma_wait3A_1006 = tpu.memref_slice %arg1[%dma_wait3A_1004, %dma_wait3A_1005] : memref<1000x128xf32, #tpu.memory_space<hbm>> -> memref<1x128xf32, #tpu.memory_space<hbm>>
      tpu.wait_dma2 semaphore(%arg4 : memref<!tpu.dma_semaphore, #tpu.memory_space<semaphore_mem>>) src(%dma_wait3A_1006 : memref<1x128xf32, #tpu.memory_space<hbm>>) dst(%dma_wait3A_1003 : memref<1x128xf32, #tpu.memory_space<hbm>>)
      %dma_wait3A_1007 = arith.constant 63 : i32
      %dma_wait3A_1008 = arith.constant 0 : i32
      %dma_wait3A_1009 = tpu.memref_slice %arg2[%dma_wait3A_1007, %dma_wait3A_1008] : memref<200x128xf32, #tpu.memory_space<hbm>> -> memref<1x128xf32, #tpu.memory_space<hbm>>
      %dma_wait3A_1010 = arith.constant 7 : i32
      %dma_wait3A_1011 = arith.constant 0 : i32
      %dma_wait3A_1012 = tpu.memref_slice %arg1[%dma_wait3A_1010, %dma_wait3A_1011] : memref<1000x128xf32, #tpu.memory_space<hbm>> -> memref<1x128xf32, #tpu.memory_space<hbm>>
      tpu.wait_dma2 semaphore(%arg4 : memref<!tpu.dma_semaphore, #tpu.memory_space<semaphore_mem>>) src(%dma_wait3A_1012 : memref<1x128xf32, #tpu.memory_space<hbm>>) dst(%dma_wait3A_1009 : memref<1x128xf32, #tpu.memory_space<hbm>>)
      %dma_wait3A_1013 = arith.constant 64 : i32
      %dma_wait3A_1014 = arith.constant 0 : i32
      %dma_wait3A_1015 = tpu.memref_slice %arg2[%dma_wait3A_1013, %dma_wait3A_1014] : memref<200x128xf32, #tpu.memory_space<hbm>> -> memref<1x128xf32, #tpu.memory_space<hbm>>
      %dma_wait3A_1016 = arith.constant 8 : i32
      %dma_wait3A_1017 = arith.constant 0 : i32
      %dma_wait3A_1018 = tpu.memref_slice %arg1[%dma_wait3A_1016, %dma_wait3A_1017] : memref<1000x128xf32, #tpu.memory_space<hbm>> -> memref<1x128xf32, #tpu.memory_space<hbm>>
      tpu.wait_dma2 semaphore(%arg4 : memref<!tpu.dma_semaphore, #tpu.memory_space<semaphore_mem>>) src(%dma_wait3A_1018 : memref<1x128xf32, #tpu.memory_space<hbm>>) dst(%dma_wait3A_1015 : memref<1x128xf32, #tpu.memory_space<hbm>>)
      %dma_wait3A_1019 = arith.constant 65 : i32
      %dma_wait3A_1020 = arith.constant 0 : i32
      %dma_wait3A_1021 = tpu.memref_slice %arg2[%dma_wait3A_1019, %dma_wait3A_1020] : memref<200x128xf32, #tpu.memory_space<hbm>> -> memref<1x128xf32, #tpu.memory_space<hbm>>
      %dma_wait3A_1022 = arith.constant 8 : i32
      %dma_wait3A_1023 = arith.constant 0 : i32
      %dma_wait3A_1024 = tpu.memref_slice %arg1[%dma_wait3A_1022, %dma_wait3A_1023] : memref<1000x128xf32, #tpu.memory_space<hbm>> -> memref<1x128xf32, #tpu.memory_space<hbm>>
      tpu.wait_dma2 semaphore(%arg4 : memref<!tpu.dma_semaphore, #tpu.memory_space<semaphore_mem>>) src(%dma_wait3A_1024 : memref<1x128xf32, #tpu.memory_space<hbm>>) dst(%dma_wait3A_1021 : memref<1x128xf32, #tpu.memory_space<hbm>>)
      %dma_wait3A_1025 = arith.constant 66 : i32
      %dma_wait3A_1026 = arith.constant 0 : i32
      %dma_wait3A_1027 = tpu.memref_slice %arg2[%dma_wait3A_1025, %dma_wait3A_1026] : memref<200x128xf32, #tpu.memory_space<hbm>> -> memref<1x128xf32, #tpu.memory_space<hbm>>
      %dma_wait3A_1028 = arith.constant 8 : i32
      %dma_wait3A_1029 = arith.constant 0 : i32
      %dma_wait3A_1030 = tpu.memref_slice %arg1[%dma_wait3A_1028, %dma_wait3A_1029] : memref<1000x128xf32, #tpu.memory_space<hbm>> -> memref<1x128xf32, #tpu.memory_space<hbm>>
      tpu.wait_dma2 semaphore(%arg4 : memref<!tpu.dma_semaphore, #tpu.memory_space<semaphore_mem>>) src(%dma_wait3A_1030 : memref<1x128xf32, #tpu.memory_space<hbm>>) dst(%dma_wait3A_1027 : memref<1x128xf32, #tpu.memory_space<hbm>>)
      %dma_wait3A_1031 = arith.constant 67 : i32
      %dma_wait3A_1032 = arith.constant 0 : i32
      %dma_wait3A_1033 = tpu.memref_slice %arg2[%dma_wait3A_1031, %dma_wait3A_1032] : memref<200x128xf32, #tpu.memory_space<hbm>> -> memref<1x128xf32, #tpu.memory_space<hbm>>
      %dma_wait3A_1034 = arith.constant 8 : i32
      %dma_wait3A_1035 = arith.constant 0 : i32
      %dma_wait3A_1036 = tpu.memref_slice %arg1[%dma_wait3A_1034, %dma_wait3A_1035] : memref<1000x128xf32, #tpu.memory_space<hbm>> -> memref<1x128xf32, #tpu.memory_space<hbm>>
      tpu.wait_dma2 semaphore(%arg4 : memref<!tpu.dma_semaphore, #tpu.memory_space<semaphore_mem>>) src(%dma_wait3A_1036 : memref<1x128xf32, #tpu.memory_space<hbm>>) dst(%dma_wait3A_1033 : memref<1x128xf32, #tpu.memory_space<hbm>>)
      %dma_wait3A_1037 = arith.constant 68 : i32
      %dma_wait3A_1038 = arith.constant 0 : i32
      %dma_wait3A_1039 = tpu.memref_slice %arg2[%dma_wait3A_1037, %dma_wait3A_1038] : memref<200x128xf32, #tpu.memory_space<hbm>> -> memref<1x128xf32, #tpu.memory_space<hbm>>
      %dma_wait3A_1040 = arith.constant 8 : i32
      %dma_wait3A_1041 = arith.constant 0 : i32
      %dma_wait3A_1042 = tpu.memref_slice %arg1[%dma_wait3A_1040, %dma_wait3A_1041] : memref<1000x128xf32, #tpu.memory_space<hbm>> -> memref<1x128xf32, #tpu.memory_space<hbm>>
      tpu.wait_dma2 semaphore(%arg4 : memref<!tpu.dma_semaphore, #tpu.memory_space<semaphore_mem>>) src(%dma_wait3A_1042 : memref<1x128xf32, #tpu.memory_space<hbm>>) dst(%dma_wait3A_1039 : memref<1x128xf32, #tpu.memory_space<hbm>>)
      %dma_wait3A_1043 = arith.constant 69 : i32
      %dma_wait3A_1044 = arith.constant 0 : i32
      %dma_wait3A_1045 = tpu.memref_slice %arg2[%dma_wait3A_1043, %dma_wait3A_1044] : memref<200x128xf32, #tpu.memory_space<hbm>> -> memref<1x128xf32, #tpu.memory_space<hbm>>
      %dma_wait3A_1046 = arith.constant 8 : i32
      %dma_wait3A_1047 = arith.constant 0 : i32
      %dma_wait3A_1048 = tpu.memref_slice %arg1[%dma_wait3A_1046, %dma_wait3A_1047] : memref<1000x128xf32, #tpu.memory_space<hbm>> -> memref<1x128xf32, #tpu.memory_space<hbm>>
      tpu.wait_dma2 semaphore(%arg4 : memref<!tpu.dma_semaphore, #tpu.memory_space<semaphore_mem>>) src(%dma_wait3A_1048 : memref<1x128xf32, #tpu.memory_space<hbm>>) dst(%dma_wait3A_1045 : memref<1x128xf32, #tpu.memory_space<hbm>>)
      %dma_wait3A_1049 = arith.constant 70 : i32
      %dma_wait3A_1050 = arith.constant 0 : i32
      %dma_wait3A_1051 = tpu.memref_slice %arg2[%dma_wait3A_1049, %dma_wait3A_1050] : memref<200x128xf32, #tpu.memory_space<hbm>> -> memref<1x128xf32, #tpu.memory_space<hbm>>
      %dma_wait3A_1052 = arith.constant 8 : i32
      %dma_wait3A_1053 = arith.constant 0 : i32
      %dma_wait3A_1054 = tpu.memref_slice %arg1[%dma_wait3A_1052, %dma_wait3A_1053] : memref<1000x128xf32, #tpu.memory_space<hbm>> -> memref<1x128xf32, #tpu.memory_space<hbm>>
      tpu.wait_dma2 semaphore(%arg4 : memref<!tpu.dma_semaphore, #tpu.memory_space<semaphore_mem>>) src(%dma_wait3A_1054 : memref<1x128xf32, #tpu.memory_space<hbm>>) dst(%dma_wait3A_1051 : memref<1x128xf32, #tpu.memory_space<hbm>>)
      %dma_wait3A_1055 = arith.constant 71 : i32
      %dma_wait3A_1056 = arith.constant 0 : i32
      %dma_wait3A_1057 = tpu.memref_slice %arg2[%dma_wait3A_1055, %dma_wait3A_1056] : memref<200x128xf32, #tpu.memory_space<hbm>> -> memref<1x128xf32, #tpu.memory_space<hbm>>
      %dma_wait3A_1058 = arith.constant 8 : i32
      %dma_wait3A_1059 = arith.constant 0 : i32
      %dma_wait3A_1060 = tpu.memref_slice %arg1[%dma_wait3A_1058, %dma_wait3A_1059] : memref<1000x128xf32, #tpu.memory_space<hbm>> -> memref<1x128xf32, #tpu.memory_space<hbm>>
      tpu.wait_dma2 semaphore(%arg4 : memref<!tpu.dma_semaphore, #tpu.memory_space<semaphore_mem>>) src(%dma_wait3A_1060 : memref<1x128xf32, #tpu.memory_space<hbm>>) dst(%dma_wait3A_1057 : memref<1x128xf32, #tpu.memory_space<hbm>>)
      %dma_wait3A_1061 = arith.constant 72 : i32
      %dma_wait3A_1062 = arith.constant 0 : i32
      %dma_wait3A_1063 = tpu.memref_slice %arg2[%dma_wait3A_1061, %dma_wait3A_1062] : memref<200x128xf32, #tpu.memory_space<hbm>> -> memref<1x128xf32, #tpu.memory_space<hbm>>
      %dma_wait3A_1064 = arith.constant 9 : i32
      %dma_wait3A_1065 = arith.constant 0 : i32
      %dma_wait3A_1066 = tpu.memref_slice %arg1[%dma_wait3A_1064, %dma_wait3A_1065] : memref<1000x128xf32, #tpu.memory_space<hbm>> -> memref<1x128xf32, #tpu.memory_space<hbm>>
      tpu.wait_dma2 semaphore(%arg4 : memref<!tpu.dma_semaphore, #tpu.memory_space<semaphore_mem>>) src(%dma_wait3A_1066 : memref<1x128xf32, #tpu.memory_space<hbm>>) dst(%dma_wait3A_1063 : memref<1x128xf32, #tpu.memory_space<hbm>>)
      %dma_wait3A_1067 = arith.constant 73 : i32
      %dma_wait3A_1068 = arith.constant 0 : i32
      %dma_wait3A_1069 = tpu.memref_slice %arg2[%dma_wait3A_1067, %dma_wait3A_1068] : memref<200x128xf32, #tpu.memory_space<hbm>> -> memref<1x128xf32, #tpu.memory_space<hbm>>
      %dma_wait3A_1070 = arith.constant 9 : i32
      %dma_wait3A_1071 = arith.constant 0 : i32
      %dma_wait3A_1072 = tpu.memref_slice %arg1[%dma_wait3A_1070, %dma_wait3A_1071] : memref<1000x128xf32, #tpu.memory_space<hbm>> -> memref<1x128xf32, #tpu.memory_space<hbm>>
      tpu.wait_dma2 semaphore(%arg4 : memref<!tpu.dma_semaphore, #tpu.memory_space<semaphore_mem>>) src(%dma_wait3A_1072 : memref<1x128xf32, #tpu.memory_space<hbm>>) dst(%dma_wait3A_1069 : memref<1x128xf32, #tpu.memory_space<hbm>>)
      %dma_wait3A_1073 = arith.constant 74 : i32
      %dma_wait3A_1074 = arith.constant 0 : i32
      %dma_wait3A_1075 = tpu.memref_slice %arg2[%dma_wait3A_1073, %dma_wait3A_1074] : memref<200x128xf32, #tpu.memory_space<hbm>> -> memref<1x128xf32, #tpu.memory_space<hbm>>
      %dma_wait3A_1076 = arith.constant 9 : i32
      %dma_wait3A_1077 = arith.constant 0 : i32
      %dma_wait3A_1078 = tpu.memref_slice %arg1[%dma_wait3A_1076, %dma_wait3A_1077] : memref<1000x128xf32, #tpu.memory_space<hbm>> -> memref<1x128xf32, #tpu.memory_space<hbm>>
      tpu.wait_dma2 semaphore(%arg4 : memref<!tpu.dma_semaphore, #tpu.memory_space<semaphore_mem>>) src(%dma_wait3A_1078 : memref<1x128xf32, #tpu.memory_space<hbm>>) dst(%dma_wait3A_1075 : memref<1x128xf32, #tpu.memory_space<hbm>>)
      %dma_wait3A_1079 = arith.constant 75 : i32
      %dma_wait3A_1080 = arith.constant 0 : i32
      %dma_wait3A_1081 = tpu.memref_slice %arg2[%dma_wait3A_1079, %dma_wait3A_1080] : memref<200x128xf32, #tpu.memory_space<hbm>> -> memref<1x128xf32, #tpu.memory_space<hbm>>
      %dma_wait3A_1082 = arith.constant 9 : i32
      %dma_wait3A_1083 = arith.constant 0 : i32
      %dma_wait3A_1084 = tpu.memref_slice %arg1[%dma_wait3A_1082, %dma_wait3A_1083] : memref<1000x128xf32, #tpu.memory_space<hbm>> -> memref<1x128xf32, #tpu.memory_space<hbm>>
      tpu.wait_dma2 semaphore(%arg4 : memref<!tpu.dma_semaphore, #tpu.memory_space<semaphore_mem>>) src(%dma_wait3A_1084 : memref<1x128xf32, #tpu.memory_space<hbm>>) dst(%dma_wait3A_1081 : memref<1x128xf32, #tpu.memory_space<hbm>>)
      %dma_wait3A_1085 = arith.constant 76 : i32
      %dma_wait3A_1086 = arith.constant 0 : i32
      %dma_wait3A_1087 = tpu.memref_slice %arg2[%dma_wait3A_1085, %dma_wait3A_1086] : memref<200x128xf32, #tpu.memory_space<hbm>> -> memref<1x128xf32, #tpu.memory_space<hbm>>
      %dma_wait3A_1088 = arith.constant 9 : i32
      %dma_wait3A_1089 = arith.constant 0 : i32
      %dma_wait3A_1090 = tpu.memref_slice %arg1[%dma_wait3A_1088, %dma_wait3A_1089] : memref<1000x128xf32, #tpu.memory_space<hbm>> -> memref<1x128xf32, #tpu.memory_space<hbm>>
      tpu.wait_dma2 semaphore(%arg4 : memref<!tpu.dma_semaphore, #tpu.memory_space<semaphore_mem>>) src(%dma_wait3A_1090 : memref<1x128xf32, #tpu.memory_space<hbm>>) dst(%dma_wait3A_1087 : memref<1x128xf32, #tpu.memory_space<hbm>>)
      %dma_wait3A_1091 = arith.constant 77 : i32
      %dma_wait3A_1092 = arith.constant 0 : i32
      %dma_wait3A_1093 = tpu.memref_slice %arg2[%dma_wait3A_1091, %dma_wait3A_1092] : memref<200x128xf32, #tpu.memory_space<hbm>> -> memref<1x128xf32, #tpu.memory_space<hbm>>
      %dma_wait3A_1094 = arith.constant 9 : i32
      %dma_wait3A_1095 = arith.constant 0 : i32
      %dma_wait3A_1096 = tpu.memref_slice %arg1[%dma_wait3A_1094, %dma_wait3A_1095] : memref<1000x128xf32, #tpu.memory_space<hbm>> -> memref<1x128xf32, #tpu.memory_space<hbm>>
      tpu.wait_dma2 semaphore(%arg4 : memref<!tpu.dma_semaphore, #tpu.memory_space<semaphore_mem>>) src(%dma_wait3A_1096 : memref<1x128xf32, #tpu.memory_space<hbm>>) dst(%dma_wait3A_1093 : memref<1x128xf32, #tpu.memory_space<hbm>>)
      %dma_wait3A_1097 = arith.constant 78 : i32
      %dma_wait3A_1098 = arith.constant 0 : i32
      %dma_wait3A_1099 = tpu.memref_slice %arg2[%dma_wait3A_1097, %dma_wait3A_1098] : memref<200x128xf32, #tpu.memory_space<hbm>> -> memref<1x128xf32, #tpu.memory_space<hbm>>
      %dma_wait3A_1100 = arith.constant 9 : i32
      %dma_wait3A_1101 = arith.constant 0 : i32
      %dma_wait3A_1102 = tpu.memref_slice %arg1[%dma_wait3A_1100, %dma_wait3A_1101] : memref<1000x128xf32, #tpu.memory_space<hbm>> -> memref<1x128xf32, #tpu.memory_space<hbm>>
      tpu.wait_dma2 semaphore(%arg4 : memref<!tpu.dma_semaphore, #tpu.memory_space<semaphore_mem>>) src(%dma_wait3A_1102 : memref<1x128xf32, #tpu.memory_space<hbm>>) dst(%dma_wait3A_1099 : memref<1x128xf32, #tpu.memory_space<hbm>>)
      %dma_wait3A_1103 = arith.constant 79 : i32
      %dma_wait3A_1104 = arith.constant 0 : i32
      %dma_wait3A_1105 = tpu.memref_slice %arg2[%dma_wait3A_1103, %dma_wait3A_1104] : memref<200x128xf32, #tpu.memory_space<hbm>> -> memref<1x128xf32, #tpu.memory_space<hbm>>
      %dma_wait3A_1106 = arith.constant 9 : i32
      %dma_wait3A_1107 = arith.constant 0 : i32
      %dma_wait3A_1108 = tpu.memref_slice %arg1[%dma_wait3A_1106, %dma_wait3A_1107] : memref<1000x128xf32, #tpu.memory_space<hbm>> -> memref<1x128xf32, #tpu.memory_space<hbm>>
      tpu.wait_dma2 semaphore(%arg4 : memref<!tpu.dma_semaphore, #tpu.memory_space<semaphore_mem>>) src(%dma_wait3A_1108 : memref<1x128xf32, #tpu.memory_space<hbm>>) dst(%dma_wait3A_1105 : memref<1x128xf32, #tpu.memory_space<hbm>>)
      %dma_wait3A_1109 = arith.constant 80 : i32
      %dma_wait3A_1110 = arith.constant 0 : i32
      %dma_wait3A_1111 = tpu.memref_slice %arg2[%dma_wait3A_1109, %dma_wait3A_1110] : memref<200x128xf32, #tpu.memory_space<hbm>> -> memref<1x128xf32, #tpu.memory_space<hbm>>
      %dma_wait3A_1112 = arith.constant 10 : i32
      %dma_wait3A_1113 = arith.constant 0 : i32
      %dma_wait3A_1114 = tpu.memref_slice %arg1[%dma_wait3A_1112, %dma_wait3A_1113] : memref<1000x128xf32, #tpu.memory_space<hbm>> -> memref<1x128xf32, #tpu.memory_space<hbm>>
      tpu.wait_dma2 semaphore(%arg4 : memref<!tpu.dma_semaphore, #tpu.memory_space<semaphore_mem>>) src(%dma_wait3A_1114 : memref<1x128xf32, #tpu.memory_space<hbm>>) dst(%dma_wait3A_1111 : memref<1x128xf32, #tpu.memory_space<hbm>>)
      %dma_wait3A_1115 = arith.constant 81 : i32
      %dma_wait3A_1116 = arith.constant 0 : i32
      %dma_wait3A_1117 = tpu.memref_slice %arg2[%dma_wait3A_1115, %dma_wait3A_1116] : memref<200x128xf32, #tpu.memory_space<hbm>> -> memref<1x128xf32, #tpu.memory_space<hbm>>
      %dma_wait3A_1118 = arith.constant 10 : i32
      %dma_wait3A_1119 = arith.constant 0 : i32
      %dma_wait3A_1120 = tpu.memref_slice %arg1[%dma_wait3A_1118, %dma_wait3A_1119] : memref<1000x128xf32, #tpu.memory_space<hbm>> -> memref<1x128xf32, #tpu.memory_space<hbm>>
      tpu.wait_dma2 semaphore(%arg4 : memref<!tpu.dma_semaphore, #tpu.memory_space<semaphore_mem>>) src(%dma_wait3A_1120 : memref<1x128xf32, #tpu.memory_space<hbm>>) dst(%dma_wait3A_1117 : memref<1x128xf32, #tpu.memory_space<hbm>>)
      %dma_wait3A_1121 = arith.constant 82 : i32
      %dma_wait3A_1122 = arith.constant 0 : i32
      %dma_wait3A_1123 = tpu.memref_slice %arg2[%dma_wait3A_1121, %dma_wait3A_1122] : memref<200x128xf32, #tpu.memory_space<hbm>> -> memref<1x128xf32, #tpu.memory_space<hbm>>
      %dma_wait3A_1124 = arith.constant 10 : i32
      %dma_wait3A_1125 = arith.constant 0 : i32
      %dma_wait3A_1126 = tpu.memref_slice %arg1[%dma_wait3A_1124, %dma_wait3A_1125] : memref<1000x128xf32, #tpu.memory_space<hbm>> -> memref<1x128xf32, #tpu.memory_space<hbm>>
      tpu.wait_dma2 semaphore(%arg4 : memref<!tpu.dma_semaphore, #tpu.memory_space<semaphore_mem>>) src(%dma_wait3A_1126 : memref<1x128xf32, #tpu.memory_space<hbm>>) dst(%dma_wait3A_1123 : memref<1x128xf32, #tpu.memory_space<hbm>>)
      %dma_wait3A_1127 = arith.constant 83 : i32
      %dma_wait3A_1128 = arith.constant 0 : i32
      %dma_wait3A_1129 = tpu.memref_slice %arg2[%dma_wait3A_1127, %dma_wait3A_1128] : memref<200x128xf32, #tpu.memory_space<hbm>> -> memref<1x128xf32, #tpu.memory_space<hbm>>
      %dma_wait3A_1130 = arith.constant 10 : i32
      %dma_wait3A_1131 = arith.constant 0 : i32
      %dma_wait3A_1132 = tpu.memref_slice %arg1[%dma_wait3A_1130, %dma_wait3A_1131] : memref<1000x128xf32, #tpu.memory_space<hbm>> -> memref<1x128xf32, #tpu.memory_space<hbm>>
      tpu.wait_dma2 semaphore(%arg4 : memref<!tpu.dma_semaphore, #tpu.memory_space<semaphore_mem>>) src(%dma_wait3A_1132 : memref<1x128xf32, #tpu.memory_space<hbm>>) dst(%dma_wait3A_1129 : memref<1x128xf32, #tpu.memory_space<hbm>>)
      %dma_wait3A_1133 = arith.constant 84 : i32
      %dma_wait3A_1134 = arith.constant 0 : i32
      %dma_wait3A_1135 = tpu.memref_slice %arg2[%dma_wait3A_1133, %dma_wait3A_1134] : memref<200x128xf32, #tpu.memory_space<hbm>> -> memref<1x128xf32, #tpu.memory_space<hbm>>
      %dma_wait3A_1136 = arith.constant 10 : i32
      %dma_wait3A_1137 = arith.constant 0 : i32
      %dma_wait3A_1138 = tpu.memref_slice %arg1[%dma_wait3A_1136, %dma_wait3A_1137] : memref<1000x128xf32, #tpu.memory_space<hbm>> -> memref<1x128xf32, #tpu.memory_space<hbm>>
      tpu.wait_dma2 semaphore(%arg4 : memref<!tpu.dma_semaphore, #tpu.memory_space<semaphore_mem>>) src(%dma_wait3A_1138 : memref<1x128xf32, #tpu.memory_space<hbm>>) dst(%dma_wait3A_1135 : memref<1x128xf32, #tpu.memory_space<hbm>>)
      %dma_wait3A_1139 = arith.constant 85 : i32
      %dma_wait3A_1140 = arith.constant 0 : i32
      %dma_wait3A_1141 = tpu.memref_slice %arg2[%dma_wait3A_1139, %dma_wait3A_1140] : memref<200x128xf32, #tpu.memory_space<hbm>> -> memref<1x128xf32, #tpu.memory_space<hbm>>
      %dma_wait3A_1142 = arith.constant 10 : i32
      %dma_wait3A_1143 = arith.constant 0 : i32
      %dma_wait3A_1144 = tpu.memref_slice %arg1[%dma_wait3A_1142, %dma_wait3A_1143] : memref<1000x128xf32, #tpu.memory_space<hbm>> -> memref<1x128xf32, #tpu.memory_space<hbm>>
      tpu.wait_dma2 semaphore(%arg4 : memref<!tpu.dma_semaphore, #tpu.memory_space<semaphore_mem>>) src(%dma_wait3A_1144 : memref<1x128xf32, #tpu.memory_space<hbm>>) dst(%dma_wait3A_1141 : memref<1x128xf32, #tpu.memory_space<hbm>>)
      %dma_wait3A_1145 = arith.constant 86 : i32
      %dma_wait3A_1146 = arith.constant 0 : i32
      %dma_wait3A_1147 = tpu.memref_slice %arg2[%dma_wait3A_1145, %dma_wait3A_1146] : memref<200x128xf32, #tpu.memory_space<hbm>> -> memref<1x128xf32, #tpu.memory_space<hbm>>
      %dma_wait3A_1148 = arith.constant 10 : i32
      %dma_wait3A_1149 = arith.constant 0 : i32
      %dma_wait3A_1150 = tpu.memref_slice %arg1[%dma_wait3A_1148, %dma_wait3A_1149] : memref<1000x128xf32, #tpu.memory_space<hbm>> -> memref<1x128xf32, #tpu.memory_space<hbm>>
      tpu.wait_dma2 semaphore(%arg4 : memref<!tpu.dma_semaphore, #tpu.memory_space<semaphore_mem>>) src(%dma_wait3A_1150 : memref<1x128xf32, #tpu.memory_space<hbm>>) dst(%dma_wait3A_1147 : memref<1x128xf32, #tpu.memory_space<hbm>>)
      %dma_wait3A_1151 = arith.constant 87 : i32
      %dma_wait3A_1152 = arith.constant 0 : i32
      %dma_wait3A_1153 = tpu.memref_slice %arg2[%dma_wait3A_1151, %dma_wait3A_1152] : memref<200x128xf32, #tpu.memory_space<hbm>> -> memref<1x128xf32, #tpu.memory_space<hbm>>
      %dma_wait3A_1154 = arith.constant 10 : i32
      %dma_wait3A_1155 = arith.constant 0 : i32
      %dma_wait3A_1156 = tpu.memref_slice %arg1[%dma_wait3A_1154, %dma_wait3A_1155] : memref<1000x128xf32, #tpu.memory_space<hbm>> -> memref<1x128xf32, #tpu.memory_space<hbm>>
      tpu.wait_dma2 semaphore(%arg4 : memref<!tpu.dma_semaphore, #tpu.memory_space<semaphore_mem>>) src(%dma_wait3A_1156 : memref<1x128xf32, #tpu.memory_space<hbm>>) dst(%dma_wait3A_1153 : memref<1x128xf32, #tpu.memory_space<hbm>>)
      %dma_wait3A_1157 = arith.constant 88 : i32
      %dma_wait3A_1158 = arith.constant 0 : i32
      %dma_wait3A_1159 = tpu.memref_slice %arg2[%dma_wait3A_1157, %dma_wait3A_1158] : memref<200x128xf32, #tpu.memory_space<hbm>> -> memref<1x128xf32, #tpu.memory_space<hbm>>
      %dma_wait3A_1160 = arith.constant 11 : i32
      %dma_wait3A_1161 = arith.constant 0 : i32
      %dma_wait3A_1162 = tpu.memref_slice %arg1[%dma_wait3A_1160, %dma_wait3A_1161] : memref<1000x128xf32, #tpu.memory_space<hbm>> -> memref<1x128xf32, #tpu.memory_space<hbm>>
      tpu.wait_dma2 semaphore(%arg4 : memref<!tpu.dma_semaphore, #tpu.memory_space<semaphore_mem>>) src(%dma_wait3A_1162 : memref<1x128xf32, #tpu.memory_space<hbm>>) dst(%dma_wait3A_1159 : memref<1x128xf32, #tpu.memory_space<hbm>>)
      %dma_wait3A_1163 = arith.constant 89 : i32
      %dma_wait3A_1164 = arith.constant 0 : i32
      %dma_wait3A_1165 = tpu.memref_slice %arg2[%dma_wait3A_1163, %dma_wait3A_1164] : memref<200x128xf32, #tpu.memory_space<hbm>> -> memref<1x128xf32, #tpu.memory_space<hbm>>
      %dma_wait3A_1166 = arith.constant 11 : i32
      %dma_wait3A_1167 = arith.constant 0 : i32
      %dma_wait3A_1168 = tpu.memref_slice %arg1[%dma_wait3A_1166, %dma_wait3A_1167] : memref<1000x128xf32, #tpu.memory_space<hbm>> -> memref<1x128xf32, #tpu.memory_space<hbm>>
      tpu.wait_dma2 semaphore(%arg4 : memref<!tpu.dma_semaphore, #tpu.memory_space<semaphore_mem>>) src(%dma_wait3A_1168 : memref<1x128xf32, #tpu.memory_space<hbm>>) dst(%dma_wait3A_1165 : memref<1x128xf32, #tpu.memory_space<hbm>>)
      %dma_wait3A_1169 = arith.constant 90 : i32
      %dma_wait3A_1170 = arith.constant 0 : i32
      %dma_wait3A_1171 = tpu.memref_slice %arg2[%dma_wait3A_1169, %dma_wait3A_1170] : memref<200x128xf32, #tpu.memory_space<hbm>> -> memref<1x128xf32, #tpu.memory_space<hbm>>
      %dma_wait3A_1172 = arith.constant 11 : i32
      %dma_wait3A_1173 = arith.constant 0 : i32
      %dma_wait3A_1174 = tpu.memref_slice %arg1[%dma_wait3A_1172, %dma_wait3A_1173] : memref<1000x128xf32, #tpu.memory_space<hbm>> -> memref<1x128xf32, #tpu.memory_space<hbm>>
      tpu.wait_dma2 semaphore(%arg4 : memref<!tpu.dma_semaphore, #tpu.memory_space<semaphore_mem>>) src(%dma_wait3A_1174 : memref<1x128xf32, #tpu.memory_space<hbm>>) dst(%dma_wait3A_1171 : memref<1x128xf32, #tpu.memory_space<hbm>>)
      %dma_wait3A_1175 = arith.constant 91 : i32
      %dma_wait3A_1176 = arith.constant 0 : i32
      %dma_wait3A_1177 = tpu.memref_slice %arg2[%dma_wait3A_1175, %dma_wait3A_1176] : memref<200x128xf32, #tpu.memory_space<hbm>> -> memref<1x128xf32, #tpu.memory_space<hbm>>
      %dma_wait3A_1178 = arith.constant 11 : i32
      %dma_wait3A_1179 = arith.constant 0 : i32
      %dma_wait3A_1180 = tpu.memref_slice %arg1[%dma_wait3A_1178, %dma_wait3A_1179] : memref<1000x128xf32, #tpu.memory_space<hbm>> -> memref<1x128xf32, #tpu.memory_space<hbm>>
      tpu.wait_dma2 semaphore(%arg4 : memref<!tpu.dma_semaphore, #tpu.memory_space<semaphore_mem>>) src(%dma_wait3A_1180 : memref<1x128xf32, #tpu.memory_space<hbm>>) dst(%dma_wait3A_1177 : memref<1x128xf32, #tpu.memory_space<hbm>>)
      %dma_wait3A_1181 = arith.constant 92 : i32
      %dma_wait3A_1182 = arith.constant 0 : i32
      %dma_wait3A_1183 = tpu.memref_slice %arg2[%dma_wait3A_1181, %dma_wait3A_1182] : memref<200x128xf32, #tpu.memory_space<hbm>> -> memref<1x128xf32, #tpu.memory_space<hbm>>
      %dma_wait3A_1184 = arith.constant 11 : i32
      %dma_wait3A_1185 = arith.constant 0 : i32
      %dma_wait3A_1186 = tpu.memref_slice %arg1[%dma_wait3A_1184, %dma_wait3A_1185] : memref<1000x128xf32, #tpu.memory_space<hbm>> -> memref<1x128xf32, #tpu.memory_space<hbm>>
      tpu.wait_dma2 semaphore(%arg4 : memref<!tpu.dma_semaphore, #tpu.memory_space<semaphore_mem>>) src(%dma_wait3A_1186 : memref<1x128xf32, #tpu.memory_space<hbm>>) dst(%dma_wait3A_1183 : memref<1x128xf32, #tpu.memory_space<hbm>>)
      %dma_wait3A_1187 = arith.constant 93 : i32
      %dma_wait3A_1188 = arith.constant 0 : i32
      %dma_wait3A_1189 = tpu.memref_slice %arg2[%dma_wait3A_1187, %dma_wait3A_1188] : memref<200x128xf32, #tpu.memory_space<hbm>> -> memref<1x128xf32, #tpu.memory_space<hbm>>
      %dma_wait3A_1190 = arith.constant 11 : i32
      %dma_wait3A_1191 = arith.constant 0 : i32
      %dma_wait3A_1192 = tpu.memref_slice %arg1[%dma_wait3A_1190, %dma_wait3A_1191] : memref<1000x128xf32, #tpu.memory_space<hbm>> -> memref<1x128xf32, #tpu.memory_space<hbm>>
      tpu.wait_dma2 semaphore(%arg4 : memref<!tpu.dma_semaphore, #tpu.memory_space<semaphore_mem>>) src(%dma_wait3A_1192 : memref<1x128xf32, #tpu.memory_space<hbm>>) dst(%dma_wait3A_1189 : memref<1x128xf32, #tpu.memory_space<hbm>>)
      %dma_wait3A_1193 = arith.constant 94 : i32
      %dma_wait3A_1194 = arith.constant 0 : i32
      %dma_wait3A_1195 = tpu.memref_slice %arg2[%dma_wait3A_1193, %dma_wait3A_1194] : memref<200x128xf32, #tpu.memory_space<hbm>> -> memref<1x128xf32, #tpu.memory_space<hbm>>
      %dma_wait3A_1196 = arith.constant 11 : i32
      %dma_wait3A_1197 = arith.constant 0 : i32
      %dma_wait3A_1198 = tpu.memref_slice %arg1[%dma_wait3A_1196, %dma_wait3A_1197] : memref<1000x128xf32, #tpu.memory_space<hbm>> -> memref<1x128xf32, #tpu.memory_space<hbm>>
      tpu.wait_dma2 semaphore(%arg4 : memref<!tpu.dma_semaphore, #tpu.memory_space<semaphore_mem>>) src(%dma_wait3A_1198 : memref<1x128xf32, #tpu.memory_space<hbm>>) dst(%dma_wait3A_1195 : memref<1x128xf32, #tpu.memory_space<hbm>>)
      %dma_wait3A_1199 = arith.constant 95 : i32
      %dma_wait3A_1200 = arith.constant 0 : i32
      %dma_wait3A_1201 = tpu.memref_slice %arg2[%dma_wait3A_1199, %dma_wait3A_1200] : memref<200x128xf32, #tpu.memory_space<hbm>> -> memref<1x128xf32, #tpu.memory_space<hbm>>
      %dma_wait3A_1202 = arith.constant 11 : i32
      %dma_wait3A_1203 = arith.constant 0 : i32
      %dma_wait3A_1204 = tpu.memref_slice %arg1[%dma_wait3A_1202, %dma_wait3A_1203] : memref<1000x128xf32, #tpu.memory_space<hbm>> -> memref<1x128xf32, #tpu.memory_space<hbm>>
      tpu.wait_dma2 semaphore(%arg4 : memref<!tpu.dma_semaphore, #tpu.memory_space<semaphore_mem>>) src(%dma_wait3A_1204 : memref<1x128xf32, #tpu.memory_space<hbm>>) dst(%dma_wait3A_1201 : memref<1x128xf32, #tpu.memory_space<hbm>>)
      %dma_wait3A_1205 = arith.constant 96 : i32
      %dma_wait3A_1206 = arith.constant 0 : i32
      %dma_wait3A_1207 = tpu.memref_slice %arg2[%dma_wait3A_1205, %dma_wait3A_1206] : memref<200x128xf32, #tpu.memory_space<hbm>> -> memref<1x128xf32, #tpu.memory_space<hbm>>
      %dma_wait3A_1208 = arith.constant 12 : i32
      %dma_wait3A_1209 = arith.constant 0 : i32
      %dma_wait3A_1210 = tpu.memref_slice %arg1[%dma_wait3A_1208, %dma_wait3A_1209] : memref<1000x128xf32, #tpu.memory_space<hbm>> -> memref<1x128xf32, #tpu.memory_space<hbm>>
      tpu.wait_dma2 semaphore(%arg4 : memref<!tpu.dma_semaphore, #tpu.memory_space<semaphore_mem>>) src(%dma_wait3A_1210 : memref<1x128xf32, #tpu.memory_space<hbm>>) dst(%dma_wait3A_1207 : memref<1x128xf32, #tpu.memory_space<hbm>>)
      %dma_wait3A_1211 = arith.constant 97 : i32
      %dma_wait3A_1212 = arith.constant 0 : i32
      %dma_wait3A_1213 = tpu.memref_slice %arg2[%dma_wait3A_1211, %dma_wait3A_1212] : memref<200x128xf32, #tpu.memory_space<hbm>> -> memref<1x128xf32, #tpu.memory_space<hbm>>
      %dma_wait3A_1214 = arith.constant 12 : i32
      %dma_wait3A_1215 = arith.constant 0 : i32
      %dma_wait3A_1216 = tpu.memref_slice %arg1[%dma_wait3A_1214, %dma_wait3A_1215] : memref<1000x128xf32, #tpu.memory_space<hbm>> -> memref<1x128xf32, #tpu.memory_space<hbm>>
      tpu.wait_dma2 semaphore(%arg4 : memref<!tpu.dma_semaphore, #tpu.memory_space<semaphore_mem>>) src(%dma_wait3A_1216 : memref<1x128xf32, #tpu.memory_space<hbm>>) dst(%dma_wait3A_1213 : memref<1x128xf32, #tpu.memory_space<hbm>>)
      %dma_wait3A_1217 = arith.constant 98 : i32
      %dma_wait3A_1218 = arith.constant 0 : i32
      %dma_wait3A_1219 = tpu.memref_slice %arg2[%dma_wait3A_1217, %dma_wait3A_1218] : memref<200x128xf32, #tpu.memory_space<hbm>> -> memref<1x128xf32, #tpu.memory_space<hbm>>
      %dma_wait3A_1220 = arith.constant 12 : i32
      %dma_wait3A_1221 = arith.constant 0 : i32
      %dma_wait3A_1222 = tpu.memref_slice %arg1[%dma_wait3A_1220, %dma_wait3A_1221] : memref<1000x128xf32, #tpu.memory_space<hbm>> -> memref<1x128xf32, #tpu.memory_space<hbm>>
      tpu.wait_dma2 semaphore(%arg4 : memref<!tpu.dma_semaphore, #tpu.memory_space<semaphore_mem>>) src(%dma_wait3A_1222 : memref<1x128xf32, #tpu.memory_space<hbm>>) dst(%dma_wait3A_1219 : memref<1x128xf32, #tpu.memory_space<hbm>>)
      %dma_wait3A_1223 = arith.constant 99 : i32
      %dma_wait3A_1224 = arith.constant 0 : i32
      %dma_wait3A_1225 = tpu.memref_slice %arg2[%dma_wait3A_1223, %dma_wait3A_1224] : memref<200x128xf32, #tpu.memory_space<hbm>> -> memref<1x128xf32, #tpu.memory_space<hbm>>
      %dma_wait3A_1226 = arith.constant 12 : i32
      %dma_wait3A_1227 = arith.constant 0 : i32
      %dma_wait3A_1228 = tpu.memref_slice %arg1[%dma_wait3A_1226, %dma_wait3A_1227] : memref<1000x128xf32, #tpu.memory_space<hbm>> -> memref<1x128xf32, #tpu.memory_space<hbm>>
      tpu.wait_dma2 semaphore(%arg4 : memref<!tpu.dma_semaphore, #tpu.memory_space<semaphore_mem>>) src(%dma_wait3A_1228 : memref<1x128xf32, #tpu.memory_space<hbm>>) dst(%dma_wait3A_1225 : memref<1x128xf32, #tpu.memory_space<hbm>>)
      %dma_wait3A_1229 = arith.constant 100 : i32
      %dma_wait3A_1230 = arith.constant 0 : i32
      %dma_wait3A_1231 = tpu.memref_slice %arg2[%dma_wait3A_1229, %dma_wait3A_1230] : memref<200x128xf32, #tpu.memory_space<hbm>> -> memref<1x128xf32, #tpu.memory_space<hbm>>
      %dma_wait3A_1232 = arith.constant 12 : i32
      %dma_wait3A_1233 = arith.constant 0 : i32
      %dma_wait3A_1234 = tpu.memref_slice %arg1[%dma_wait3A_1232, %dma_wait3A_1233] : memref<1000x128xf32, #tpu.memory_space<hbm>> -> memref<1x128xf32, #tpu.memory_space<hbm>>
      tpu.wait_dma2 semaphore(%arg4 : memref<!tpu.dma_semaphore, #tpu.memory_space<semaphore_mem>>) src(%dma_wait3A_1234 : memref<1x128xf32, #tpu.memory_space<hbm>>) dst(%dma_wait3A_1231 : memref<1x128xf32, #tpu.memory_space<hbm>>)
      %dma_wait3A_1235 = arith.constant 101 : i32
      %dma_wait3A_1236 = arith.constant 0 : i32
      %dma_wait3A_1237 = tpu.memref_slice %arg2[%dma_wait3A_1235, %dma_wait3A_1236] : memref<200x128xf32, #tpu.memory_space<hbm>> -> memref<1x128xf32, #tpu.memory_space<hbm>>
      %dma_wait3A_1238 = arith.constant 12 : i32
      %dma_wait3A_1239 = arith.constant 0 : i32
      %dma_wait3A_1240 = tpu.memref_slice %arg1[%dma_wait3A_1238, %dma_wait3A_1239] : memref<1000x128xf32, #tpu.memory_space<hbm>> -> memref<1x128xf32, #tpu.memory_space<hbm>>
      tpu.wait_dma2 semaphore(%arg4 : memref<!tpu.dma_semaphore, #tpu.memory_space<semaphore_mem>>) src(%dma_wait3A_1240 : memref<1x128xf32, #tpu.memory_space<hbm>>) dst(%dma_wait3A_1237 : memref<1x128xf32, #tpu.memory_space<hbm>>)
      %dma_wait3A_1241 = arith.constant 102 : i32
      %dma_wait3A_1242 = arith.constant 0 : i32
      %dma_wait3A_1243 = tpu.memref_slice %arg2[%dma_wait3A_1241, %dma_wait3A_1242] : memref<200x128xf32, #tpu.memory_space<hbm>> -> memref<1x128xf32, #tpu.memory_space<hbm>>
      %dma_wait3A_1244 = arith.constant 12 : i32
      %dma_wait3A_1245 = arith.constant 0 : i32
      %dma_wait3A_1246 = tpu.memref_slice %arg1[%dma_wait3A_1244, %dma_wait3A_1245] : memref<1000x128xf32, #tpu.memory_space<hbm>> -> memref<1x128xf32, #tpu.memory_space<hbm>>
      tpu.wait_dma2 semaphore(%arg4 : memref<!tpu.dma_semaphore, #tpu.memory_space<semaphore_mem>>) src(%dma_wait3A_1246 : memref<1x128xf32, #tpu.memory_space<hbm>>) dst(%dma_wait3A_1243 : memref<1x128xf32, #tpu.memory_space<hbm>>)
      %dma_wait3A_1247 = arith.constant 103 : i32
      %dma_wait3A_1248 = arith.constant 0 : i32
      %dma_wait3A_1249 = tpu.memref_slice %arg2[%dma_wait3A_1247, %dma_wait3A_1248] : memref<200x128xf32, #tpu.memory_space<hbm>> -> memref<1x128xf32, #tpu.memory_space<hbm>>
      %dma_wait3A_1250 = arith.constant 12 : i32
      %dma_wait3A_1251 = arith.constant 0 : i32
      %dma_wait3A_1252 = tpu.memref_slice %arg1[%dma_wait3A_1250, %dma_wait3A_1251] : memref<1000x128xf32, #tpu.memory_space<hbm>> -> memref<1x128xf32, #tpu.memory_space<hbm>>
      tpu.wait_dma2 semaphore(%arg4 : memref<!tpu.dma_semaphore, #tpu.memory_space<semaphore_mem>>) src(%dma_wait3A_1252 : memref<1x128xf32, #tpu.memory_space<hbm>>) dst(%dma_wait3A_1249 : memref<1x128xf32, #tpu.memory_space<hbm>>)
    } else {
    }
    %eq3A_2 = arith.constant 1 : i32
    %eq3A_3 = arith.cmpi eq, %arg0, %eq3A_2 : i32
    %convert_element_type3A_4 = arith.extui %eq3A_3 : i1 to i32
    %cond3A_5 = arith.constant 0 : i32
    %cond3A_6 = arith.cmpi ne, %convert_element_type3A_4, %cond3A_5 : i32
    scf.if %cond3A_6 {
      %dma_start3A = arith.constant 104 : i32
      %dma_start3A_7 = arith.constant 0 : i32
      %dma_start3A_8 = tpu.memref_slice %arg2[%dma_start3A, %dma_start3A_7] : memref<200x128xf32, #tpu.memory_space<hbm>> -> memref<1x128xf32, #tpu.memory_space<hbm>>
      %dma_start3A_9 = arith.constant 13 : i32
      %dma_start3A_10 = arith.constant 0 : i32
      %dma_start3A_11 = tpu.memref_slice %arg1[%dma_start3A_9, %dma_start3A_10] : memref<1000x128xf32, #tpu.memory_space<hbm>> -> memref<1x128xf32, #tpu.memory_space<hbm>>
      tpu.enqueue_dma source(%dma_start3A_11 : memref<1x128xf32, #tpu.memory_space<hbm>>) target(%dma_start3A_8 : memref<1x128xf32, #tpu.memory_space<hbm>>) target_semaphore(%arg4 : memref<!tpu.dma_semaphore, #tpu.memory_space<semaphore_mem>>)
      %dma_start3A_12 = arith.constant 105 : i32
      %dma_start3A_13 = arith.constant 0 : i32
      %dma_start3A_14 = tpu.memref_slice %arg2[%dma_start3A_12, %dma_start3A_13] : memref<200x128xf32, #tpu.memory_space<hbm>> -> memref<1x128xf32, #tpu.memory_space<hbm>>
      %dma_start3A_15 = arith.constant 13 : i32
      %dma_start3A_16 = arith.constant 0 : i32
      %dma_start3A_17 = tpu.memref_slice %arg1[%dma_start3A_15, %dma_start3A_16] : memref<1000x128xf32, #tpu.memory_space<hbm>> -> memref<1x128xf32, #tpu.memory_space<hbm>>
      tpu.enqueue_dma source(%dma_start3A_17 : memref<1x128xf32, #tpu.memory_space<hbm>>) target(%dma_start3A_14 : memref<1x128xf32, #tpu.memory_space<hbm>>) target_semaphore(%arg4 : memref<!tpu.dma_semaphore, #tpu.memory_space<semaphore_mem>>)
      %dma_start3A_18 = arith.constant 106 : i32
      %dma_start3A_19 = arith.constant 0 : i32
      %dma_start3A_20 = tpu.memref_slice %arg2[%dma_start3A_18, %dma_start3A_19] : memref<200x128xf32, #tpu.memory_space<hbm>> -> memref<1x128xf32, #tpu.memory_space<hbm>>
      %dma_start3A_21 = arith.constant 13 : i32
      %dma_start3A_22 = arith.constant 0 : i32
      %dma_start3A_23 = tpu.memref_slice %arg1[%dma_start3A_21, %dma_start3A_22] : memref<1000x128xf32, #tpu.memory_space<hbm>> -> memref<1x128xf32, #tpu.memory_space<hbm>>
      tpu.enqueue_dma source(%dma_start3A_23 : memref<1x128xf32, #tpu.memory_space<hbm>>) target(%dma_start3A_20 : memref<1x128xf32, #tpu.memory_space<hbm>>) target_semaphore(%arg4 : memref<!tpu.dma_semaphore, #tpu.memory_space<semaphore_mem>>)
      %dma_start3A_24 = arith.constant 107 : i32
      %dma_start3A_25 = arith.constant 0 : i32
      %dma_start3A_26 = tpu.memref_slice %arg2[%dma_start3A_24, %dma_start3A_25] : memref<200x128xf32, #tpu.memory_space<hbm>> -> memref<1x128xf32, #tpu.memory_space<hbm>>
      %dma_start3A_27 = arith.constant 13 : i32
      %dma_start3A_28 = arith.constant 0 : i32
      %dma_start3A_29 = tpu.memref_slice %arg1[%dma_start3A_27, %dma_start3A_28] : memref<1000x128xf32, #tpu.memory_space<hbm>> -> memref<1x128xf32, #tpu.memory_space<hbm>>
      tpu.enqueue_dma source(%dma_start3A_29 : memref<1x128xf32, #tpu.memory_space<hbm>>) target(%dma_start3A_26 : memref<1x128xf32, #tpu.memory_space<hbm>>) target_semaphore(%arg4 : memref<!tpu.dma_semaphore, #tpu.memory_space<semaphore_mem>>)
      %dma_start3A_30 = arith.constant 108 : i32
      %dma_start3A_31 = arith.constant 0 : i32
      %dma_start3A_32 = tpu.memref_slice %arg2[%dma_start3A_30, %dma_start3A_31] : memref<200x128xf32, #tpu.memory_space<hbm>> -> memref<1x128xf32, #tpu.memory_space<hbm>>
      %dma_start3A_33 = arith.constant 13 : i32
      %dma_start3A_34 = arith.constant 0 : i32
      %dma_start3A_35 = tpu.memref_slice %arg1[%dma_start3A_33, %dma_start3A_34] : memref<1000x128xf32, #tpu.memory_space<hbm>> -> memref<1x128xf32, #tpu.memory_space<hbm>>
      tpu.enqueue_dma source(%dma_start3A_35 : memref<1x128xf32, #tpu.memory_space<hbm>>) target(%dma_start3A_32 : memref<1x128xf32, #tpu.memory_space<hbm>>) target_semaphore(%arg4 : memref<!tpu.dma_semaphore, #tpu.memory_space<semaphore_mem>>)
      %dma_start3A_36 = arith.constant 109 : i32
      %dma_start3A_37 = arith.constant 0 : i32
      %dma_start3A_38 = tpu.memref_slice %arg2[%dma_start3A_36, %dma_start3A_37] : memref<200x128xf32, #tpu.memory_space<hbm>> -> memref<1x128xf32, #tpu.memory_space<hbm>>
      %dma_start3A_39 = arith.constant 13 : i32
      %dma_start3A_40 = arith.constant 0 : i32
      %dma_start3A_41 = tpu.memref_slice %arg1[%dma_start3A_39, %dma_start3A_40] : memref<1000x128xf32, #tpu.memory_space<hbm>> -> memref<1x128xf32, #tpu.memory_space<hbm>>
      tpu.enqueue_dma source(%dma_start3A_41 : memref<1x128xf32, #tpu.memory_space<hbm>>) target(%dma_start3A_38 : memref<1x128xf32, #tpu.memory_space<hbm>>) target_semaphore(%arg4 : memref<!tpu.dma_semaphore, #tpu.memory_space<semaphore_mem>>)
      %dma_start3A_42 = arith.constant 110 : i32
      %dma_start3A_43 = arith.constant 0 : i32
      %dma_start3A_44 = tpu.memref_slice %arg2[%dma_start3A_42, %dma_start3A_43] : memref<200x128xf32, #tpu.memory_space<hbm>> -> memref<1x128xf32, #tpu.memory_space<hbm>>
      %dma_start3A_45 = arith.constant 13 : i32
      %dma_start3A_46 = arith.constant 0 : i32
      %dma_start3A_47 = tpu.memref_slice %arg1[%dma_start3A_45, %dma_start3A_46] : memref<1000x128xf32, #tpu.memory_space<hbm>> -> memref<1x128xf32, #tpu.memory_space<hbm>>
      tpu.enqueue_dma source(%dma_start3A_47 : memref<1x128xf32, #tpu.memory_space<hbm>>) target(%dma_start3A_44 : memref<1x128xf32, #tpu.memory_space<hbm>>) target_semaphore(%arg4 : memref<!tpu.dma_semaphore, #tpu.memory_space<semaphore_mem>>)
      %dma_start3A_48 = arith.constant 111 : i32
      %dma_start3A_49 = arith.constant 0 : i32
      %dma_start3A_50 = tpu.memref_slice %arg2[%dma_start3A_48, %dma_start3A_49] : memref<200x128xf32, #tpu.memory_space<hbm>> -> memref<1x128xf32, #tpu.memory_space<hbm>>
      %dma_start3A_51 = arith.constant 13 : i32
      %dma_start3A_52 = arith.constant 0 : i32
      %dma_start3A_53 = tpu.memref_slice %arg1[%dma_start3A_51, %dma_start3A_52] : memref<1000x128xf32, #tpu.memory_space<hbm>> -> memref<1x128xf32, #tpu.memory_space<hbm>>
      tpu.enqueue_dma source(%dma_start3A_53 : memref<1x128xf32, #tpu.memory_space<hbm>>) target(%dma_start3A_50 : memref<1x128xf32, #tpu.memory_space<hbm>>) target_semaphore(%arg4 : memref<!tpu.dma_semaphore, #tpu.memory_space<semaphore_mem>>)
      %dma_start3A_54 = arith.constant 112 : i32
      %dma_start3A_55 = arith.constant 0 : i32
      %dma_start3A_56 = tpu.memref_slice %arg2[%dma_start3A_54, %dma_start3A_55] : memref<200x128xf32, #tpu.memory_space<hbm>> -> memref<1x128xf32, #tpu.memory_space<hbm>>
      %dma_start3A_57 = arith.constant 14 : i32
      %dma_start3A_58 = arith.constant 0 : i32
      %dma_start3A_59 = tpu.memref_slice %arg1[%dma_start3A_57, %dma_start3A_58] : memref<1000x128xf32, #tpu.memory_space<hbm>> -> memref<1x128xf32, #tpu.memory_space<hbm>>
      tpu.enqueue_dma source(%dma_start3A_59 : memref<1x128xf32, #tpu.memory_space<hbm>>) target(%dma_start3A_56 : memref<1x128xf32, #tpu.memory_space<hbm>>) target_semaphore(%arg4 : memref<!tpu.dma_semaphore, #tpu.memory_space<semaphore_mem>>)
      %dma_start3A_60 = arith.constant 113 : i32
      %dma_start3A_61 = arith.constant 0 : i32
      %dma_start3A_62 = tpu.memref_slice %arg2[%dma_start3A_60, %dma_start3A_61] : memref<200x128xf32, #tpu.memory_space<hbm>> -> memref<1x128xf32, #tpu.memory_space<hbm>>
      %dma_start3A_63 = arith.constant 14 : i32
      %dma_start3A_64 = arith.constant 0 : i32
      %dma_start3A_65 = tpu.memref_slice %arg1[%dma_start3A_63, %dma_start3A_64] : memref<1000x128xf32, #tpu.memory_space<hbm>> -> memref<1x128xf32, #tpu.memory_space<hbm>>
      tpu.enqueue_dma source(%dma_start3A_65 : memref<1x128xf32, #tpu.memory_space<hbm>>) target(%dma_start3A_62 : memref<1x128xf32, #tpu.memory_space<hbm>>) target_semaphore(%arg4 : memref<!tpu.dma_semaphore, #tpu.memory_space<semaphore_mem>>)
      %dma_start3A_66 = arith.constant 114 : i32
      %dma_start3A_67 = arith.constant 0 : i32
      %dma_start3A_68 = tpu.memref_slice %arg2[%dma_start3A_66, %dma_start3A_67] : memref<200x128xf32, #tpu.memory_space<hbm>> -> memref<1x128xf32, #tpu.memory_space<hbm>>
      %dma_start3A_69 = arith.constant 14 : i32
      %dma_start3A_70 = arith.constant 0 : i32
      %dma_start3A_71 = tpu.memref_slice %arg1[%dma_start3A_69, %dma_start3A_70] : memref<1000x128xf32, #tpu.memory_space<hbm>> -> memref<1x128xf32, #tpu.memory_space<hbm>>
      tpu.enqueue_dma source(%dma_start3A_71 : memref<1x128xf32, #tpu.memory_space<hbm>>) target(%dma_start3A_68 : memref<1x128xf32, #tpu.memory_space<hbm>>) target_semaphore(%arg4 : memref<!tpu.dma_semaphore, #tpu.memory_space<semaphore_mem>>)
      %dma_start3A_72 = arith.constant 115 : i32
      %dma_start3A_73 = arith.constant 0 : i32
      %dma_start3A_74 = tpu.memref_slice %arg2[%dma_start3A_72, %dma_start3A_73] : memref<200x128xf32, #tpu.memory_space<hbm>> -> memref<1x128xf32, #tpu.memory_space<hbm>>
      %dma_start3A_75 = arith.constant 14 : i32
      %dma_start3A_76 = arith.constant 0 : i32
      %dma_start3A_77 = tpu.memref_slice %arg1[%dma_start3A_75, %dma_start3A_76] : memref<1000x128xf32, #tpu.memory_space<hbm>> -> memref<1x128xf32, #tpu.memory_space<hbm>>
      tpu.enqueue_dma source(%dma_start3A_77 : memref<1x128xf32, #tpu.memory_space<hbm>>) target(%dma_start3A_74 : memref<1x128xf32, #tpu.memory_space<hbm>>) target_semaphore(%arg4 : memref<!tpu.dma_semaphore, #tpu.memory_space<semaphore_mem>>)
      %dma_start3A_78 = arith.constant 116 : i32
      %dma_start3A_79 = arith.constant 0 : i32
      %dma_start3A_80 = tpu.memref_slice %arg2[%dma_start3A_78, %dma_start3A_79] : memref<200x128xf32, #tpu.memory_space<hbm>> -> memref<1x128xf32, #tpu.memory_space<hbm>>
      %dma_start3A_81 = arith.constant 14 : i32
      %dma_start3A_82 = arith.constant 0 : i32
      %dma_start3A_83 = tpu.memref_slice %arg1[%dma_start3A_81, %dma_start3A_82] : memref<1000x128xf32, #tpu.memory_space<hbm>> -> memref<1x128xf32, #tpu.memory_space<hbm>>
      tpu.enqueue_dma source(%dma_start3A_83 : memref<1x128xf32, #tpu.memory_space<hbm>>) target(%dma_start3A_80 : memref<1x128xf32, #tpu.memory_space<hbm>>) target_semaphore(%arg4 : memref<!tpu.dma_semaphore, #tpu.memory_space<semaphore_mem>>)
      %dma_start3A_84 = arith.constant 117 : i32
      %dma_start3A_85 = arith.constant 0 : i32
      %dma_start3A_86 = tpu.memref_slice %arg2[%dma_start3A_84, %dma_start3A_85] : memref<200x128xf32, #tpu.memory_space<hbm>> -> memref<1x128xf32, #tpu.memory_space<hbm>>
      %dma_start3A_87 = arith.constant 14 : i32
      %dma_start3A_88 = arith.constant 0 : i32
      %dma_start3A_89 = tpu.memref_slice %arg1[%dma_start3A_87, %dma_start3A_88] : memref<1000x128xf32, #tpu.memory_space<hbm>> -> memref<1x128xf32, #tpu.memory_space<hbm>>
      tpu.enqueue_dma source(%dma_start3A_89 : memref<1x128xf32, #tpu.memory_space<hbm>>) target(%dma_start3A_86 : memref<1x128xf32, #tpu.memory_space<hbm>>) target_semaphore(%arg4 : memref<!tpu.dma_semaphore, #tpu.memory_space<semaphore_mem>>)
      %dma_start3A_90 = arith.constant 118 : i32
      %dma_start3A_91 = arith.constant 0 : i32
      %dma_start3A_92 = tpu.memref_slice %arg2[%dma_start3A_90, %dma_start3A_91] : memref<200x128xf32, #tpu.memory_space<hbm>> -> memref<1x128xf32, #tpu.memory_space<hbm>>
      %dma_start3A_93 = arith.constant 14 : i32
      %dma_start3A_94 = arith.constant 0 : i32
      %dma_start3A_95 = tpu.memref_slice %arg1[%dma_start3A_93, %dma_start3A_94] : memref<1000x128xf32, #tpu.memory_space<hbm>> -> memref<1x128xf32, #tpu.memory_space<hbm>>
      tpu.enqueue_dma source(%dma_start3A_95 : memref<1x128xf32, #tpu.memory_space<hbm>>) target(%dma_start3A_92 : memref<1x128xf32, #tpu.memory_space<hbm>>) target_semaphore(%arg4 : memref<!tpu.dma_semaphore, #tpu.memory_space<semaphore_mem>>)
      %dma_start3A_96 = arith.constant 119 : i32
      %dma_start3A_97 = arith.constant 0 : i32
      %dma_start3A_98 = tpu.memref_slice %arg2[%dma_start3A_96, %dma_start3A_97] : memref<200x128xf32, #tpu.memory_space<hbm>> -> memref<1x128xf32, #tpu.memory_space<hbm>>
      %dma_start3A_99 = arith.constant 14 : i32
      %dma_start3A_100 = arith.constant 0 : i32
      %dma_start3A_101 = tpu.memref_slice %arg1[%dma_start3A_99, %dma_start3A_100] : memref<1000x128xf32, #tpu.memory_space<hbm>> -> memref<1x128xf32, #tpu.memory_space<hbm>>
      tpu.enqueue_dma source(%dma_start3A_101 : memref<1x128xf32, #tpu.memory_space<hbm>>) target(%dma_start3A_98 : memref<1x128xf32, #tpu.memory_space<hbm>>) target_semaphore(%arg4 : memref<!tpu.dma_semaphore, #tpu.memory_space<semaphore_mem>>)
      %dma_start3A_102 = arith.constant 120 : i32
      %dma_start3A_103 = arith.constant 0 : i32
      %dma_start3A_104 = tpu.memref_slice %arg2[%dma_start3A_102, %dma_start3A_103] : memref<200x128xf32, #tpu.memory_space<hbm>> -> memref<1x128xf32, #tpu.memory_space<hbm>>
      %dma_start3A_105 = arith.constant 15 : i32
      %dma_start3A_106 = arith.constant 0 : i32
      %dma_start3A_107 = tpu.memref_slice %arg1[%dma_start3A_105, %dma_start3A_106] : memref<1000x128xf32, #tpu.memory_space<hbm>> -> memref<1x128xf32, #tpu.memory_space<hbm>>
      tpu.enqueue_dma source(%dma_start3A_107 : memref<1x128xf32, #tpu.memory_space<hbm>>) target(%dma_start3A_104 : memref<1x128xf32, #tpu.memory_space<hbm>>) target_semaphore(%arg4 : memref<!tpu.dma_semaphore, #tpu.memory_space<semaphore_mem>>)
      %dma_start3A_108 = arith.constant 121 : i32
      %dma_start3A_109 = arith.constant 0 : i32
      %dma_start3A_110 = tpu.memref_slice %arg2[%dma_start3A_108, %dma_start3A_109] : memref<200x128xf32, #tpu.memory_space<hbm>> -> memref<1x128xf32, #tpu.memory_space<hbm>>
      %dma_start3A_111 = arith.constant 15 : i32
      %dma_start3A_112 = arith.constant 0 : i32
      %dma_start3A_113 = tpu.memref_slice %arg1[%dma_start3A_111, %dma_start3A_112] : memref<1000x128xf32, #tpu.memory_space<hbm>> -> memref<1x128xf32, #tpu.memory_space<hbm>>
      tpu.enqueue_dma source(%dma_start3A_113 : memref<1x128xf32, #tpu.memory_space<hbm>>) target(%dma_start3A_110 : memref<1x128xf32, #tpu.memory_space<hbm>>) target_semaphore(%arg4 : memref<!tpu.dma_semaphore, #tpu.memory_space<semaphore_mem>>)
      %dma_start3A_114 = arith.constant 122 : i32
      %dma_start3A_115 = arith.constant 0 : i32
      %dma_start3A_116 = tpu.memref_slice %arg2[%dma_start3A_114, %dma_start3A_115] : memref<200x128xf32, #tpu.memory_space<hbm>> -> memref<1x128xf32, #tpu.memory_space<hbm>>
      %dma_start3A_117 = arith.constant 15 : i32
      %dma_start3A_118 = arith.constant 0 : i32
      %dma_start3A_119 = tpu.memref_slice %arg1[%dma_start3A_117, %dma_start3A_118] : memref<1000x128xf32, #tpu.memory_space<hbm>> -> memref<1x128xf32, #tpu.memory_space<hbm>>
      tpu.enqueue_dma source(%dma_start3A_119 : memref<1x128xf32, #tpu.memory_space<hbm>>) target(%dma_start3A_116 : memref<1x128xf32, #tpu.memory_space<hbm>>) target_semaphore(%arg4 : memref<!tpu.dma_semaphore, #tpu.memory_space<semaphore_mem>>)
      %dma_start3A_120 = arith.constant 123 : i32
      %dma_start3A_121 = arith.constant 0 : i32
      %dma_start3A_122 = tpu.memref_slice %arg2[%dma_start3A_120, %dma_start3A_121] : memref<200x128xf32, #tpu.memory_space<hbm>> -> memref<1x128xf32, #tpu.memory_space<hbm>>
      %dma_start3A_123 = arith.constant 15 : i32
      %dma_start3A_124 = arith.constant 0 : i32
      %dma_start3A_125 = tpu.memref_slice %arg1[%dma_start3A_123, %dma_start3A_124] : memref<1000x128xf32, #tpu.memory_space<hbm>> -> memref<1x128xf32, #tpu.memory_space<hbm>>
      tpu.enqueue_dma source(%dma_start3A_125 : memref<1x128xf32, #tpu.memory_space<hbm>>) target(%dma_start3A_122 : memref<1x128xf32, #tpu.memory_space<hbm>>) target_semaphore(%arg4 : memref<!tpu.dma_semaphore, #tpu.memory_space<semaphore_mem>>)
      %dma_start3A_126 = arith.constant 124 : i32
      %dma_start3A_127 = arith.constant 0 : i32
      %dma_start3A_128 = tpu.memref_slice %arg2[%dma_start3A_126, %dma_start3A_127] : memref<200x128xf32, #tpu.memory_space<hbm>> -> memref<1x128xf32, #tpu.memory_space<hbm>>
      %dma_start3A_129 = arith.constant 15 : i32
      %dma_start3A_130 = arith.constant 0 : i32
      %dma_start3A_131 = tpu.memref_slice %arg1[%dma_start3A_129, %dma_start3A_130] : memref<1000x128xf32, #tpu.memory_space<hbm>> -> memref<1x128xf32, #tpu.memory_space<hbm>>
      tpu.enqueue_dma source(%dma_start3A_131 : memref<1x128xf32, #tpu.memory_space<hbm>>) target(%dma_start3A_128 : memref<1x128xf32, #tpu.memory_space<hbm>>) target_semaphore(%arg4 : memref<!tpu.dma_semaphore, #tpu.memory_space<semaphore_mem>>)
      %dma_start3A_132 = arith.constant 125 : i32
      %dma_start3A_133 = arith.constant 0 : i32
      %dma_start3A_134 = tpu.memref_slice %arg2[%dma_start3A_132, %dma_start3A_133] : memref<200x128xf32, #tpu.memory_space<hbm>> -> memref<1x128xf32, #tpu.memory_space<hbm>>
      %dma_start3A_135 = arith.constant 15 : i32
      %dma_start3A_136 = arith.constant 0 : i32
      %dma_start3A_137 = tpu.memref_slice %arg1[%dma_start3A_135, %dma_start3A_136] : memref<1000x128xf32, #tpu.memory_space<hbm>> -> memref<1x128xf32, #tpu.memory_space<hbm>>
      tpu.enqueue_dma source(%dma_start3A_137 : memref<1x128xf32, #tpu.memory_space<hbm>>) target(%dma_start3A_134 : memref<1x128xf32, #tpu.memory_space<hbm>>) target_semaphore(%arg4 : memref<!tpu.dma_semaphore, #tpu.memory_space<semaphore_mem>>)
      %dma_start3A_138 = arith.constant 126 : i32
      %dma_start3A_139 = arith.constant 0 : i32
      %dma_start3A_140 = tpu.memref_slice %arg2[%dma_start3A_138, %dma_start3A_139] : memref<200x128xf32, #tpu.memory_space<hbm>> -> memref<1x128xf32, #tpu.memory_space<hbm>>
      %dma_start3A_141 = arith.constant 15 : i32
      %dma_start3A_142 = arith.constant 0 : i32
      %dma_start3A_143 = tpu.memref_slice %arg1[%dma_start3A_141, %dma_start3A_142] : memref<1000x128xf32, #tpu.memory_space<hbm>> -> memref<1x128xf32, #tpu.memory_space<hbm>>
      tpu.enqueue_dma source(%dma_start3A_143 : memref<1x128xf32, #tpu.memory_space<hbm>>) target(%dma_start3A_140 : memref<1x128xf32, #tpu.memory_space<hbm>>) target_semaphore(%arg4 : memref<!tpu.dma_semaphore, #tpu.memory_space<semaphore_mem>>)
      %dma_start3A_144 = arith.constant 127 : i32
      %dma_start3A_145 = arith.constant 0 : i32
      %dma_start3A_146 = tpu.memref_slice %arg2[%dma_start3A_144, %dma_start3A_145] : memref<200x128xf32, #tpu.memory_space<hbm>> -> memref<1x128xf32, #tpu.memory_space<hbm>>
      %dma_start3A_147 = arith.constant 15 : i32
      %dma_start3A_148 = arith.constant 0 : i32
      %dma_start3A_149 = tpu.memref_slice %arg1[%dma_start3A_147, %dma_start3A_148] : memref<1000x128xf32, #tpu.memory_space<hbm>> -> memref<1x128xf32, #tpu.memory_space<hbm>>
      tpu.enqueue_dma source(%dma_start3A_149 : memref<1x128xf32, #tpu.memory_space<hbm>>) target(%dma_start3A_146 : memref<1x128xf32, #tpu.memory_space<hbm>>) target_semaphore(%arg4 : memref<!tpu.dma_semaphore, #tpu.memory_space<semaphore_mem>>)
      %dma_start3A_150 = arith.constant 128 : i32
      %dma_start3A_151 = arith.constant 0 : i32
      %dma_start3A_152 = tpu.memref_slice %arg2[%dma_start3A_150, %dma_start3A_151] : memref<200x128xf32, #tpu.memory_space<hbm>> -> memref<1x128xf32, #tpu.memory_space<hbm>>
      %dma_start3A_153 = arith.constant 16 : i32
      %dma_start3A_154 = arith.constant 0 : i32
      %dma_start3A_155 = tpu.memref_slice %arg1[%dma_start3A_153, %dma_start3A_154] : memref<1000x128xf32, #tpu.memory_space<hbm>> -> memref<1x128xf32, #tpu.memory_space<hbm>>
      tpu.enqueue_dma source(%dma_start3A_155 : memref<1x128xf32, #tpu.memory_space<hbm>>) target(%dma_start3A_152 : memref<1x128xf32, #tpu.memory_space<hbm>>) target_semaphore(%arg4 : memref<!tpu.dma_semaphore, #tpu.memory_space<semaphore_mem>>)
      %dma_start3A_156 = arith.constant 129 : i32
      %dma_start3A_157 = arith.constant 0 : i32
      %dma_start3A_158 = tpu.memref_slice %arg2[%dma_start3A_156, %dma_start3A_157] : memref<200x128xf32, #tpu.memory_space<hbm>> -> memref<1x128xf32, #tpu.memory_space<hbm>>
      %dma_start3A_159 = arith.constant 16 : i32
      %dma_start3A_160 = arith.constant 0 : i32
      %dma_start3A_161 = tpu.memref_slice %arg1[%dma_start3A_159, %dma_start3A_160] : memref<1000x128xf32, #tpu.memory_space<hbm>> -> memref<1x128xf32, #tpu.memory_space<hbm>>
      tpu.enqueue_dma source(%dma_start3A_161 : memref<1x128xf32, #tpu.memory_space<hbm>>) target(%dma_start3A_158 : memref<1x128xf32, #tpu.memory_space<hbm>>) target_semaphore(%arg4 : memref<!tpu.dma_semaphore, #tpu.memory_space<semaphore_mem>>)
      %dma_start3A_162 = arith.constant 130 : i32
      %dma_start3A_163 = arith.constant 0 : i32
      %dma_start3A_164 = tpu.memref_slice %arg2[%dma_start3A_162, %dma_start3A_163] : memref<200x128xf32, #tpu.memory_space<hbm>> -> memref<1x128xf32, #tpu.memory_space<hbm>>
      %dma_start3A_165 = arith.constant 16 : i32
      %dma_start3A_166 = arith.constant 0 : i32
      %dma_start3A_167 = tpu.memref_slice %arg1[%dma_start3A_165, %dma_start3A_166] : memref<1000x128xf32, #tpu.memory_space<hbm>> -> memref<1x128xf32, #tpu.memory_space<hbm>>
      tpu.enqueue_dma source(%dma_start3A_167 : memref<1x128xf32, #tpu.memory_space<hbm>>) target(%dma_start3A_164 : memref<1x128xf32, #tpu.memory_space<hbm>>) target_semaphore(%arg4 : memref<!tpu.dma_semaphore, #tpu.memory_space<semaphore_mem>>)
      %dma_start3A_168 = arith.constant 131 : i32
      %dma_start3A_169 = arith.constant 0 : i32
      %dma_start3A_170 = tpu.memref_slice %arg2[%dma_start3A_168, %dma_start3A_169] : memref<200x128xf32, #tpu.memory_space<hbm>> -> memref<1x128xf32, #tpu.memory_space<hbm>>
      %dma_start3A_171 = arith.constant 16 : i32
      %dma_start3A_172 = arith.constant 0 : i32
      %dma_start3A_173 = tpu.memref_slice %arg1[%dma_start3A_171, %dma_start3A_172] : memref<1000x128xf32, #tpu.memory_space<hbm>> -> memref<1x128xf32, #tpu.memory_space<hbm>>
      tpu.enqueue_dma source(%dma_start3A_173 : memref<1x128xf32, #tpu.memory_space<hbm>>) target(%dma_start3A_170 : memref<1x128xf32, #tpu.memory_space<hbm>>) target_semaphore(%arg4 : memref<!tpu.dma_semaphore, #tpu.memory_space<semaphore_mem>>)
      %dma_start3A_174 = arith.constant 132 : i32
      %dma_start3A_175 = arith.constant 0 : i32
      %dma_start3A_176 = tpu.memref_slice %arg2[%dma_start3A_174, %dma_start3A_175] : memref<200x128xf32, #tpu.memory_space<hbm>> -> memref<1x128xf32, #tpu.memory_space<hbm>>
      %dma_start3A_177 = arith.constant 16 : i32
      %dma_start3A_178 = arith.constant 0 : i32
      %dma_start3A_179 = tpu.memref_slice %arg1[%dma_start3A_177, %dma_start3A_178] : memref<1000x128xf32, #tpu.memory_space<hbm>> -> memref<1x128xf32, #tpu.memory_space<hbm>>
      tpu.enqueue_dma source(%dma_start3A_179 : memref<1x128xf32, #tpu.memory_space<hbm>>) target(%dma_start3A_176 : memref<1x128xf32, #tpu.memory_space<hbm>>) target_semaphore(%arg4 : memref<!tpu.dma_semaphore, #tpu.memory_space<semaphore_mem>>)
      %dma_start3A_180 = arith.constant 133 : i32
      %dma_start3A_181 = arith.constant 0 : i32
      %dma_start3A_182 = tpu.memref_slice %arg2[%dma_start3A_180, %dma_start3A_181] : memref<200x128xf32, #tpu.memory_space<hbm>> -> memref<1x128xf32, #tpu.memory_space<hbm>>
      %dma_start3A_183 = arith.constant 16 : i32
      %dma_start3A_184 = arith.constant 0 : i32
      %dma_start3A_185 = tpu.memref_slice %arg1[%dma_start3A_183, %dma_start3A_184] : memref<1000x128xf32, #tpu.memory_space<hbm>> -> memref<1x128xf32, #tpu.memory_space<hbm>>
      tpu.enqueue_dma source(%dma_start3A_185 : memref<1x128xf32, #tpu.memory_space<hbm>>) target(%dma_start3A_182 : memref<1x128xf32, #tpu.memory_space<hbm>>) target_semaphore(%arg4 : memref<!tpu.dma_semaphore, #tpu.memory_space<semaphore_mem>>)
      %dma_start3A_186 = arith.constant 134 : i32
      %dma_start3A_187 = arith.constant 0 : i32
      %dma_start3A_188 = tpu.memref_slice %arg2[%dma_start3A_186, %dma_start3A_187] : memref<200x128xf32, #tpu.memory_space<hbm>> -> memref<1x128xf32, #tpu.memory_space<hbm>>
      %dma_start3A_189 = arith.constant 16 : i32
      %dma_start3A_190 = arith.constant 0 : i32
      %dma_start3A_191 = tpu.memref_slice %arg1[%dma_start3A_189, %dma_start3A_190] : memref<1000x128xf32, #tpu.memory_space<hbm>> -> memref<1x128xf32, #tpu.memory_space<hbm>>
      tpu.enqueue_dma source(%dma_start3A_191 : memref<1x128xf32, #tpu.memory_space<hbm>>) target(%dma_start3A_188 : memref<1x128xf32, #tpu.memory_space<hbm>>) target_semaphore(%arg4 : memref<!tpu.dma_semaphore, #tpu.memory_space<semaphore_mem>>)
      %dma_start3A_192 = arith.constant 135 : i32
      %dma_start3A_193 = arith.constant 0 : i32
      %dma_start3A_194 = tpu.memref_slice %arg2[%dma_start3A_192, %dma_start3A_193] : memref<200x128xf32, #tpu.memory_space<hbm>> -> memref<1x128xf32, #tpu.memory_space<hbm>>
      %dma_start3A_195 = arith.constant 16 : i32
      %dma_start3A_196 = arith.constant 0 : i32
      %dma_start3A_197 = tpu.memref_slice %arg1[%dma_start3A_195, %dma_start3A_196] : memref<1000x128xf32, #tpu.memory_space<hbm>> -> memref<1x128xf32, #tpu.memory_space<hbm>>
      tpu.enqueue_dma source(%dma_start3A_197 : memref<1x128xf32, #tpu.memory_space<hbm>>) target(%dma_start3A_194 : memref<1x128xf32, #tpu.memory_space<hbm>>) target_semaphore(%arg4 : memref<!tpu.dma_semaphore, #tpu.memory_space<semaphore_mem>>)
      %dma_start3A_198 = arith.constant 136 : i32
      %dma_start3A_199 = arith.constant 0 : i32
      %dma_start3A_200 = tpu.memref_slice %arg2[%dma_start3A_198, %dma_start3A_199] : memref<200x128xf32, #tpu.memory_space<hbm>> -> memref<1x128xf32, #tpu.memory_space<hbm>>
      %dma_start3A_201 = arith.constant 17 : i32
      %dma_start3A_202 = arith.constant 0 : i32
      %dma_start3A_203 = tpu.memref_slice %arg1[%dma_start3A_201, %dma_start3A_202] : memref<1000x128xf32, #tpu.memory_space<hbm>> -> memref<1x128xf32, #tpu.memory_space<hbm>>
      tpu.enqueue_dma source(%dma_start3A_203 : memref<1x128xf32, #tpu.memory_space<hbm>>) target(%dma_start3A_200 : memref<1x128xf32, #tpu.memory_space<hbm>>) target_semaphore(%arg4 : memref<!tpu.dma_semaphore, #tpu.memory_space<semaphore_mem>>)
      %dma_start3A_204 = arith.constant 137 : i32
      %dma_start3A_205 = arith.constant 0 : i32
      %dma_start3A_206 = tpu.memref_slice %arg2[%dma_start3A_204, %dma_start3A_205] : memref<200x128xf32, #tpu.memory_space<hbm>> -> memref<1x128xf32, #tpu.memory_space<hbm>>
      %dma_start3A_207 = arith.constant 17 : i32
      %dma_start3A_208 = arith.constant 0 : i32
      %dma_start3A_209 = tpu.memref_slice %arg1[%dma_start3A_207, %dma_start3A_208] : memref<1000x128xf32, #tpu.memory_space<hbm>> -> memref<1x128xf32, #tpu.memory_space<hbm>>
      tpu.enqueue_dma source(%dma_start3A_209 : memref<1x128xf32, #tpu.memory_space<hbm>>) target(%dma_start3A_206 : memref<1x128xf32, #tpu.memory_space<hbm>>) target_semaphore(%arg4 : memref<!tpu.dma_semaphore, #tpu.memory_space<semaphore_mem>>)
      %dma_start3A_210 = arith.constant 138 : i32
      %dma_start3A_211 = arith.constant 0 : i32
      %dma_start3A_212 = tpu.memref_slice %arg2[%dma_start3A_210, %dma_start3A_211] : memref<200x128xf32, #tpu.memory_space<hbm>> -> memref<1x128xf32, #tpu.memory_space<hbm>>
      %dma_start3A_213 = arith.constant 17 : i32
      %dma_start3A_214 = arith.constant 0 : i32
      %dma_start3A_215 = tpu.memref_slice %arg1[%dma_start3A_213, %dma_start3A_214] : memref<1000x128xf32, #tpu.memory_space<hbm>> -> memref<1x128xf32, #tpu.memory_space<hbm>>
      tpu.enqueue_dma source(%dma_start3A_215 : memref<1x128xf32, #tpu.memory_space<hbm>>) target(%dma_start3A_212 : memref<1x128xf32, #tpu.memory_space<hbm>>) target_semaphore(%arg4 : memref<!tpu.dma_semaphore, #tpu.memory_space<semaphore_mem>>)
      %dma_start3A_216 = arith.constant 139 : i32
      %dma_start3A_217 = arith.constant 0 : i32
      %dma_start3A_218 = tpu.memref_slice %arg2[%dma_start3A_216, %dma_start3A_217] : memref<200x128xf32, #tpu.memory_space<hbm>> -> memref<1x128xf32, #tpu.memory_space<hbm>>
      %dma_start3A_219 = arith.constant 17 : i32
      %dma_start3A_220 = arith.constant 0 : i32
      %dma_start3A_221 = tpu.memref_slice %arg1[%dma_start3A_219, %dma_start3A_220] : memref<1000x128xf32, #tpu.memory_space<hbm>> -> memref<1x128xf32, #tpu.memory_space<hbm>>
      tpu.enqueue_dma source(%dma_start3A_221 : memref<1x128xf32, #tpu.memory_space<hbm>>) target(%dma_start3A_218 : memref<1x128xf32, #tpu.memory_space<hbm>>) target_semaphore(%arg4 : memref<!tpu.dma_semaphore, #tpu.memory_space<semaphore_mem>>)
      %dma_start3A_222 = arith.constant 140 : i32
      %dma_start3A_223 = arith.constant 0 : i32
      %dma_start3A_224 = tpu.memref_slice %arg2[%dma_start3A_222, %dma_start3A_223] : memref<200x128xf32, #tpu.memory_space<hbm>> -> memref<1x128xf32, #tpu.memory_space<hbm>>
      %dma_start3A_225 = arith.constant 17 : i32
      %dma_start3A_226 = arith.constant 0 : i32
      %dma_start3A_227 = tpu.memref_slice %arg1[%dma_start3A_225, %dma_start3A_226] : memref<1000x128xf32, #tpu.memory_space<hbm>> -> memref<1x128xf32, #tpu.memory_space<hbm>>
      tpu.enqueue_dma source(%dma_start3A_227 : memref<1x128xf32, #tpu.memory_space<hbm>>) target(%dma_start3A_224 : memref<1x128xf32, #tpu.memory_space<hbm>>) target_semaphore(%arg4 : memref<!tpu.dma_semaphore, #tpu.memory_space<semaphore_mem>>)
      %dma_start3A_228 = arith.constant 141 : i32
      %dma_start3A_229 = arith.constant 0 : i32
      %dma_start3A_230 = tpu.memref_slice %arg2[%dma_start3A_228, %dma_start3A_229] : memref<200x128xf32, #tpu.memory_space<hbm>> -> memref<1x128xf32, #tpu.memory_space<hbm>>
      %dma_start3A_231 = arith.constant 17 : i32
      %dma_start3A_232 = arith.constant 0 : i32
      %dma_start3A_233 = tpu.memref_slice %arg1[%dma_start3A_231, %dma_start3A_232] : memref<1000x128xf32, #tpu.memory_space<hbm>> -> memref<1x128xf32, #tpu.memory_space<hbm>>
      tpu.enqueue_dma source(%dma_start3A_233 : memref<1x128xf32, #tpu.memory_space<hbm>>) target(%dma_start3A_230 : memref<1x128xf32, #tpu.memory_space<hbm>>) target_semaphore(%arg4 : memref<!tpu.dma_semaphore, #tpu.memory_space<semaphore_mem>>)
      %dma_start3A_234 = arith.constant 142 : i32
      %dma_start3A_235 = arith.constant 0 : i32
      %dma_start3A_236 = tpu.memref_slice %arg2[%dma_start3A_234, %dma_start3A_235] : memref<200x128xf32, #tpu.memory_space<hbm>> -> memref<1x128xf32, #tpu.memory_space<hbm>>
      %dma_start3A_237 = arith.constant 17 : i32
      %dma_start3A_238 = arith.constant 0 : i32
      %dma_start3A_239 = tpu.memref_slice %arg1[%dma_start3A_237, %dma_start3A_238] : memref<1000x128xf32, #tpu.memory_space<hbm>> -> memref<1x128xf32, #tpu.memory_space<hbm>>
      tpu.enqueue_dma source(%dma_start3A_239 : memref<1x128xf32, #tpu.memory_space<hbm>>) target(%dma_start3A_236 : memref<1x128xf32, #tpu.memory_space<hbm>>) target_semaphore(%arg4 : memref<!tpu.dma_semaphore, #tpu.memory_space<semaphore_mem>>)
      %dma_start3A_240 = arith.constant 143 : i32
      %dma_start3A_241 = arith.constant 0 : i32
      %dma_start3A_242 = tpu.memref_slice %arg2[%dma_start3A_240, %dma_start3A_241] : memref<200x128xf32, #tpu.memory_space<hbm>> -> memref<1x128xf32, #tpu.memory_space<hbm>>
      %dma_start3A_243 = arith.constant 17 : i32
      %dma_start3A_244 = arith.constant 0 : i32
      %dma_start3A_245 = tpu.memref_slice %arg1[%dma_start3A_243, %dma_start3A_244] : memref<1000x128xf32, #tpu.memory_space<hbm>> -> memref<1x128xf32, #tpu.memory_space<hbm>>
      tpu.enqueue_dma source(%dma_start3A_245 : memref<1x128xf32, #tpu.memory_space<hbm>>) target(%dma_start3A_242 : memref<1x128xf32, #tpu.memory_space<hbm>>) target_semaphore(%arg4 : memref<!tpu.dma_semaphore, #tpu.memory_space<semaphore_mem>>)
      %dma_start3A_246 = arith.constant 144 : i32
      %dma_start3A_247 = arith.constant 0 : i32
      %dma_start3A_248 = tpu.memref_slice %arg2[%dma_start3A_246, %dma_start3A_247] : memref<200x128xf32, #tpu.memory_space<hbm>> -> memref<1x128xf32, #tpu.memory_space<hbm>>
      %dma_start3A_249 = arith.constant 18 : i32
      %dma_start3A_250 = arith.constant 0 : i32
      %dma_start3A_251 = tpu.memref_slice %arg1[%dma_start3A_249, %dma_start3A_250] : memref<1000x128xf32, #tpu.memory_space<hbm>> -> memref<1x128xf32, #tpu.memory_space<hbm>>
      tpu.enqueue_dma source(%dma_start3A_251 : memref<1x128xf32, #tpu.memory_space<hbm>>) target(%dma_start3A_248 : memref<1x128xf32, #tpu.memory_space<hbm>>) target_semaphore(%arg4 : memref<!tpu.dma_semaphore, #tpu.memory_space<semaphore_mem>>)
      %dma_start3A_252 = arith.constant 145 : i32
      %dma_start3A_253 = arith.constant 0 : i32
      %dma_start3A_254 = tpu.memref_slice %arg2[%dma_start3A_252, %dma_start3A_253] : memref<200x128xf32, #tpu.memory_space<hbm>> -> memref<1x128xf32, #tpu.memory_space<hbm>>
      %dma_start3A_255 = arith.constant 18 : i32
      %dma_start3A_256 = arith.constant 0 : i32
      %dma_start3A_257 = tpu.memref_slice %arg1[%dma_start3A_255, %dma_start3A_256] : memref<1000x128xf32, #tpu.memory_space<hbm>> -> memref<1x128xf32, #tpu.memory_space<hbm>>
      tpu.enqueue_dma source(%dma_start3A_257 : memref<1x128xf32, #tpu.memory_space<hbm>>) target(%dma_start3A_254 : memref<1x128xf32, #tpu.memory_space<hbm>>) target_semaphore(%arg4 : memref<!tpu.dma_semaphore, #tpu.memory_space<semaphore_mem>>)
      %dma_start3A_258 = arith.constant 146 : i32
      %dma_start3A_259 = arith.constant 0 : i32
      %dma_start3A_260 = tpu.memref_slice %arg2[%dma_start3A_258, %dma_start3A_259] : memref<200x128xf32, #tpu.memory_space<hbm>> -> memref<1x128xf32, #tpu.memory_space<hbm>>
      %dma_start3A_261 = arith.constant 18 : i32
      %dma_start3A_262 = arith.constant 0 : i32
      %dma_start3A_263 = tpu.memref_slice %arg1[%dma_start3A_261, %dma_start3A_262] : memref<1000x128xf32, #tpu.memory_space<hbm>> -> memref<1x128xf32, #tpu.memory_space<hbm>>
      tpu.enqueue_dma source(%dma_start3A_263 : memref<1x128xf32, #tpu.memory_space<hbm>>) target(%dma_start3A_260 : memref<1x128xf32, #tpu.memory_space<hbm>>) target_semaphore(%arg4 : memref<!tpu.dma_semaphore, #tpu.memory_space<semaphore_mem>>)
      %dma_start3A_264 = arith.constant 147 : i32
      %dma_start3A_265 = arith.constant 0 : i32
      %dma_start3A_266 = tpu.memref_slice %arg2[%dma_start3A_264, %dma_start3A_265] : memref<200x128xf32, #tpu.memory_space<hbm>> -> memref<1x128xf32, #tpu.memory_space<hbm>>
      %dma_start3A_267 = arith.constant 18 : i32
      %dma_start3A_268 = arith.constant 0 : i32
      %dma_start3A_269 = tpu.memref_slice %arg1[%dma_start3A_267, %dma_start3A_268] : memref<1000x128xf32, #tpu.memory_space<hbm>> -> memref<1x128xf32, #tpu.memory_space<hbm>>
      tpu.enqueue_dma source(%dma_start3A_269 : memref<1x128xf32, #tpu.memory_space<hbm>>) target(%dma_start3A_266 : memref<1x128xf32, #tpu.memory_space<hbm>>) target_semaphore(%arg4 : memref<!tpu.dma_semaphore, #tpu.memory_space<semaphore_mem>>)
      %dma_start3A_270 = arith.constant 148 : i32
      %dma_start3A_271 = arith.constant 0 : i32
      %dma_start3A_272 = tpu.memref_slice %arg2[%dma_start3A_270, %dma_start3A_271] : memref<200x128xf32, #tpu.memory_space<hbm>> -> memref<1x128xf32, #tpu.memory_space<hbm>>
      %dma_start3A_273 = arith.constant 18 : i32
      %dma_start3A_274 = arith.constant 0 : i32
      %dma_start3A_275 = tpu.memref_slice %arg1[%dma_start3A_273, %dma_start3A_274] : memref<1000x128xf32, #tpu.memory_space<hbm>> -> memref<1x128xf32, #tpu.memory_space<hbm>>
      tpu.enqueue_dma source(%dma_start3A_275 : memref<1x128xf32, #tpu.memory_space<hbm>>) target(%dma_start3A_272 : memref<1x128xf32, #tpu.memory_space<hbm>>) target_semaphore(%arg4 : memref<!tpu.dma_semaphore, #tpu.memory_space<semaphore_mem>>)
      %dma_start3A_276 = arith.constant 149 : i32
      %dma_start3A_277 = arith.constant 0 : i32
      %dma_start3A_278 = tpu.memref_slice %arg2[%dma_start3A_276, %dma_start3A_277] : memref<200x128xf32, #tpu.memory_space<hbm>> -> memref<1x128xf32, #tpu.memory_space<hbm>>
      %dma_start3A_279 = arith.constant 18 : i32
      %dma_start3A_280 = arith.constant 0 : i32
      %dma_start3A_281 = tpu.memref_slice %arg1[%dma_start3A_279, %dma_start3A_280] : memref<1000x128xf32, #tpu.memory_space<hbm>> -> memref<1x128xf32, #tpu.memory_space<hbm>>
      tpu.enqueue_dma source(%dma_start3A_281 : memref<1x128xf32, #tpu.memory_space<hbm>>) target(%dma_start3A_278 : memref<1x128xf32, #tpu.memory_space<hbm>>) target_semaphore(%arg4 : memref<!tpu.dma_semaphore, #tpu.memory_space<semaphore_mem>>)
      %dma_start3A_282 = arith.constant 150 : i32
      %dma_start3A_283 = arith.constant 0 : i32
      %dma_start3A_284 = tpu.memref_slice %arg2[%dma_start3A_282, %dma_start3A_283] : memref<200x128xf32, #tpu.memory_space<hbm>> -> memref<1x128xf32, #tpu.memory_space<hbm>>
      %dma_start3A_285 = arith.constant 18 : i32
      %dma_start3A_286 = arith.constant 0 : i32
      %dma_start3A_287 = tpu.memref_slice %arg1[%dma_start3A_285, %dma_start3A_286] : memref<1000x128xf32, #tpu.memory_space<hbm>> -> memref<1x128xf32, #tpu.memory_space<hbm>>
      tpu.enqueue_dma source(%dma_start3A_287 : memref<1x128xf32, #tpu.memory_space<hbm>>) target(%dma_start3A_284 : memref<1x128xf32, #tpu.memory_space<hbm>>) target_semaphore(%arg4 : memref<!tpu.dma_semaphore, #tpu.memory_space<semaphore_mem>>)
      %dma_start3A_288 = arith.constant 151 : i32
      %dma_start3A_289 = arith.constant 0 : i32
      %dma_start3A_290 = tpu.memref_slice %arg2[%dma_start3A_288, %dma_start3A_289] : memref<200x128xf32, #tpu.memory_space<hbm>> -> memref<1x128xf32, #tpu.memory_space<hbm>>
      %dma_start3A_291 = arith.constant 18 : i32
      %dma_start3A_292 = arith.constant 0 : i32
      %dma_start3A_293 = tpu.memref_slice %arg1[%dma_start3A_291, %dma_start3A_292] : memref<1000x128xf32, #tpu.memory_space<hbm>> -> memref<1x128xf32, #tpu.memory_space<hbm>>
      tpu.enqueue_dma source(%dma_start3A_293 : memref<1x128xf32, #tpu.memory_space<hbm>>) target(%dma_start3A_290 : memref<1x128xf32, #tpu.memory_space<hbm>>) target_semaphore(%arg4 : memref<!tpu.dma_semaphore, #tpu.memory_space<semaphore_mem>>)
      %dma_start3A_294 = arith.constant 152 : i32
      %dma_start3A_295 = arith.constant 0 : i32
      %dma_start3A_296 = tpu.memref_slice %arg2[%dma_start3A_294, %dma_start3A_295] : memref<200x128xf32, #tpu.memory_space<hbm>> -> memref<1x128xf32, #tpu.memory_space<hbm>>
      %dma_start3A_297 = arith.constant 19 : i32
      %dma_start3A_298 = arith.constant 0 : i32
      %dma_start3A_299 = tpu.memref_slice %arg1[%dma_start3A_297, %dma_start3A_298] : memref<1000x128xf32, #tpu.memory_space<hbm>> -> memref<1x128xf32, #tpu.memory_space<hbm>>
      tpu.enqueue_dma source(%dma_start3A_299 : memref<1x128xf32, #tpu.memory_space<hbm>>) target(%dma_start3A_296 : memref<1x128xf32, #tpu.memory_space<hbm>>) target_semaphore(%arg4 : memref<!tpu.dma_semaphore, #tpu.memory_space<semaphore_mem>>)
      %dma_start3A_300 = arith.constant 153 : i32
      %dma_start3A_301 = arith.constant 0 : i32
      %dma_start3A_302 = tpu.memref_slice %arg2[%dma_start3A_300, %dma_start3A_301] : memref<200x128xf32, #tpu.memory_space<hbm>> -> memref<1x128xf32, #tpu.memory_space<hbm>>
      %dma_start3A_303 = arith.constant 19 : i32
      %dma_start3A_304 = arith.constant 0 : i32
      %dma_start3A_305 = tpu.memref_slice %arg1[%dma_start3A_303, %dma_start3A_304] : memref<1000x128xf32, #tpu.memory_space<hbm>> -> memref<1x128xf32, #tpu.memory_space<hbm>>
      tpu.enqueue_dma source(%dma_start3A_305 : memref<1x128xf32, #tpu.memory_space<hbm>>) target(%dma_start3A_302 : memref<1x128xf32, #tpu.memory_space<hbm>>) target_semaphore(%arg4 : memref<!tpu.dma_semaphore, #tpu.memory_space<semaphore_mem>>)
      %dma_start3A_306 = arith.constant 154 : i32
      %dma_start3A_307 = arith.constant 0 : i32
      %dma_start3A_308 = tpu.memref_slice %arg2[%dma_start3A_306, %dma_start3A_307] : memref<200x128xf32, #tpu.memory_space<hbm>> -> memref<1x128xf32, #tpu.memory_space<hbm>>
      %dma_start3A_309 = arith.constant 19 : i32
      %dma_start3A_310 = arith.constant 0 : i32
      %dma_start3A_311 = tpu.memref_slice %arg1[%dma_start3A_309, %dma_start3A_310] : memref<1000x128xf32, #tpu.memory_space<hbm>> -> memref<1x128xf32, #tpu.memory_space<hbm>>
      tpu.enqueue_dma source(%dma_start3A_311 : memref<1x128xf32, #tpu.memory_space<hbm>>) target(%dma_start3A_308 : memref<1x128xf32, #tpu.memory_space<hbm>>) target_semaphore(%arg4 : memref<!tpu.dma_semaphore, #tpu.memory_space<semaphore_mem>>)
      %dma_start3A_312 = arith.constant 155 : i32
      %dma_start3A_313 = arith.constant 0 : i32
      %dma_start3A_314 = tpu.memref_slice %arg2[%dma_start3A_312, %dma_start3A_313] : memref<200x128xf32, #tpu.memory_space<hbm>> -> memref<1x128xf32, #tpu.memory_space<hbm>>
      %dma_start3A_315 = arith.constant 19 : i32
      %dma_start3A_316 = arith.constant 0 : i32
      %dma_start3A_317 = tpu.memref_slice %arg1[%dma_start3A_315, %dma_start3A_316] : memref<1000x128xf32, #tpu.memory_space<hbm>> -> memref<1x128xf32, #tpu.memory_space<hbm>>
      tpu.enqueue_dma source(%dma_start3A_317 : memref<1x128xf32, #tpu.memory_space<hbm>>) target(%dma_start3A_314 : memref<1x128xf32, #tpu.memory_space<hbm>>) target_semaphore(%arg4 : memref<!tpu.dma_semaphore, #tpu.memory_space<semaphore_mem>>)
      %dma_start3A_318 = arith.constant 156 : i32
      %dma_start3A_319 = arith.constant 0 : i32
      %dma_start3A_320 = tpu.memref_slice %arg2[%dma_start3A_318, %dma_start3A_319] : memref<200x128xf32, #tpu.memory_space<hbm>> -> memref<1x128xf32, #tpu.memory_space<hbm>>
      %dma_start3A_321 = arith.constant 19 : i32
      %dma_start3A_322 = arith.constant 0 : i32
      %dma_start3A_323 = tpu.memref_slice %arg1[%dma_start3A_321, %dma_start3A_322] : memref<1000x128xf32, #tpu.memory_space<hbm>> -> memref<1x128xf32, #tpu.memory_space<hbm>>
      tpu.enqueue_dma source(%dma_start3A_323 : memref<1x128xf32, #tpu.memory_space<hbm>>) target(%dma_start3A_320 : memref<1x128xf32, #tpu.memory_space<hbm>>) target_semaphore(%arg4 : memref<!tpu.dma_semaphore, #tpu.memory_space<semaphore_mem>>)
      %dma_start3A_324 = arith.constant 157 : i32
      %dma_start3A_325 = arith.constant 0 : i32
      %dma_start3A_326 = tpu.memref_slice %arg2[%dma_start3A_324, %dma_start3A_325] : memref<200x128xf32, #tpu.memory_space<hbm>> -> memref<1x128xf32, #tpu.memory_space<hbm>>
      %dma_start3A_327 = arith.constant 19 : i32
      %dma_start3A_328 = arith.constant 0 : i32
      %dma_start3A_329 = tpu.memref_slice %arg1[%dma_start3A_327, %dma_start3A_328] : memref<1000x128xf32, #tpu.memory_space<hbm>> -> memref<1x128xf32, #tpu.memory_space<hbm>>
      tpu.enqueue_dma source(%dma_start3A_329 : memref<1x128xf32, #tpu.memory_space<hbm>>) target(%dma_start3A_326 : memref<1x128xf32, #tpu.memory_space<hbm>>) target_semaphore(%arg4 : memref<!tpu.dma_semaphore, #tpu.memory_space<semaphore_mem>>)
      %dma_start3A_330 = arith.constant 158 : i32
      %dma_start3A_331 = arith.constant 0 : i32
      %dma_start3A_332 = tpu.memref_slice %arg2[%dma_start3A_330, %dma_start3A_331] : memref<200x128xf32, #tpu.memory_space<hbm>> -> memref<1x128xf32, #tpu.memory_space<hbm>>
      %dma_start3A_333 = arith.constant 19 : i32
      %dma_start3A_334 = arith.constant 0 : i32
      %dma_start3A_335 = tpu.memref_slice %arg1[%dma_start3A_333, %dma_start3A_334] : memref<1000x128xf32, #tpu.memory_space<hbm>> -> memref<1x128xf32, #tpu.memory_space<hbm>>
      tpu.enqueue_dma source(%dma_start3A_335 : memref<1x128xf32, #tpu.memory_space<hbm>>) target(%dma_start3A_332 : memref<1x128xf32, #tpu.memory_space<hbm>>) target_semaphore(%arg4 : memref<!tpu.dma_semaphore, #tpu.memory_space<semaphore_mem>>)
      %dma_start3A_336 = arith.constant 159 : i32
      %dma_start3A_337 = arith.constant 0 : i32
      %dma_start3A_338 = tpu.memref_slice %arg2[%dma_start3A_336, %dma_start3A_337] : memref<200x128xf32, #tpu.memory_space<hbm>> -> memref<1x128xf32, #tpu.memory_space<hbm>>
      %dma_start3A_339 = arith.constant 19 : i32
      %dma_start3A_340 = arith.constant 0 : i32
      %dma_start3A_341 = tpu.memref_slice %arg1[%dma_start3A_339, %dma_start3A_340] : memref<1000x128xf32, #tpu.memory_space<hbm>> -> memref<1x128xf32, #tpu.memory_space<hbm>>
      tpu.enqueue_dma source(%dma_start3A_341 : memref<1x128xf32, #tpu.memory_space<hbm>>) target(%dma_start3A_338 : memref<1x128xf32, #tpu.memory_space<hbm>>) target_semaphore(%arg4 : memref<!tpu.dma_semaphore, #tpu.memory_space<semaphore_mem>>)
      %dma_start3A_342 = arith.constant 160 : i32
      %dma_start3A_343 = arith.constant 0 : i32
      %dma_start3A_344 = tpu.memref_slice %arg2[%dma_start3A_342, %dma_start3A_343] : memref<200x128xf32, #tpu.memory_space<hbm>> -> memref<1x128xf32, #tpu.memory_space<hbm>>
      %dma_start3A_345 = arith.constant 20 : i32
      %dma_start3A_346 = arith.constant 0 : i32
      %dma_start3A_347 = tpu.memref_slice %arg1[%dma_start3A_345, %dma_start3A_346] : memref<1000x128xf32, #tpu.memory_space<hbm>> -> memref<1x128xf32, #tpu.memory_space<hbm>>
      tpu.enqueue_dma source(%dma_start3A_347 : memref<1x128xf32, #tpu.memory_space<hbm>>) target(%dma_start3A_344 : memref<1x128xf32, #tpu.memory_space<hbm>>) target_semaphore(%arg4 : memref<!tpu.dma_semaphore, #tpu.memory_space<semaphore_mem>>)
      %dma_start3A_348 = arith.constant 161 : i32
      %dma_start3A_349 = arith.constant 0 : i32
      %dma_start3A_350 = tpu.memref_slice %arg2[%dma_start3A_348, %dma_start3A_349] : memref<200x128xf32, #tpu.memory_space<hbm>> -> memref<1x128xf32, #tpu.memory_space<hbm>>
      %dma_start3A_351 = arith.constant 20 : i32
      %dma_start3A_352 = arith.constant 0 : i32
      %dma_start3A_353 = tpu.memref_slice %arg1[%dma_start3A_351, %dma_start3A_352] : memref<1000x128xf32, #tpu.memory_space<hbm>> -> memref<1x128xf32, #tpu.memory_space<hbm>>
      tpu.enqueue_dma source(%dma_start3A_353 : memref<1x128xf32, #tpu.memory_space<hbm>>) target(%dma_start3A_350 : memref<1x128xf32, #tpu.memory_space<hbm>>) target_semaphore(%arg4 : memref<!tpu.dma_semaphore, #tpu.memory_space<semaphore_mem>>)
      %dma_start3A_354 = arith.constant 162 : i32
      %dma_start3A_355 = arith.constant 0 : i32
      %dma_start3A_356 = tpu.memref_slice %arg2[%dma_start3A_354, %dma_start3A_355] : memref<200x128xf32, #tpu.memory_space<hbm>> -> memref<1x128xf32, #tpu.memory_space<hbm>>
      %dma_start3A_357 = arith.constant 20 : i32
      %dma_start3A_358 = arith.constant 0 : i32
      %dma_start3A_359 = tpu.memref_slice %arg1[%dma_start3A_357, %dma_start3A_358] : memref<1000x128xf32, #tpu.memory_space<hbm>> -> memref<1x128xf32, #tpu.memory_space<hbm>>
      tpu.enqueue_dma source(%dma_start3A_359 : memref<1x128xf32, #tpu.memory_space<hbm>>) target(%dma_start3A_356 : memref<1x128xf32, #tpu.memory_space<hbm>>) target_semaphore(%arg4 : memref<!tpu.dma_semaphore, #tpu.memory_space<semaphore_mem>>)
      %dma_start3A_360 = arith.constant 163 : i32
      %dma_start3A_361 = arith.constant 0 : i32
      %dma_start3A_362 = tpu.memref_slice %arg2[%dma_start3A_360, %dma_start3A_361] : memref<200x128xf32, #tpu.memory_space<hbm>> -> memref<1x128xf32, #tpu.memory_space<hbm>>
      %dma_start3A_363 = arith.constant 20 : i32
      %dma_start3A_364 = arith.constant 0 : i32
      %dma_start3A_365 = tpu.memref_slice %arg1[%dma_start3A_363, %dma_start3A_364] : memref<1000x128xf32, #tpu.memory_space<hbm>> -> memref<1x128xf32, #tpu.memory_space<hbm>>
      tpu.enqueue_dma source(%dma_start3A_365 : memref<1x128xf32, #tpu.memory_space<hbm>>) target(%dma_start3A_362 : memref<1x128xf32, #tpu.memory_space<hbm>>) target_semaphore(%arg4 : memref<!tpu.dma_semaphore, #tpu.memory_space<semaphore_mem>>)
      %dma_start3A_366 = arith.constant 164 : i32
      %dma_start3A_367 = arith.constant 0 : i32
      %dma_start3A_368 = tpu.memref_slice %arg2[%dma_start3A_366, %dma_start3A_367] : memref<200x128xf32, #tpu.memory_space<hbm>> -> memref<1x128xf32, #tpu.memory_space<hbm>>
      %dma_start3A_369 = arith.constant 20 : i32
      %dma_start3A_370 = arith.constant 0 : i32
      %dma_start3A_371 = tpu.memref_slice %arg1[%dma_start3A_369, %dma_start3A_370] : memref<1000x128xf32, #tpu.memory_space<hbm>> -> memref<1x128xf32, #tpu.memory_space<hbm>>
      tpu.enqueue_dma source(%dma_start3A_371 : memref<1x128xf32, #tpu.memory_space<hbm>>) target(%dma_start3A_368 : memref<1x128xf32, #tpu.memory_space<hbm>>) target_semaphore(%arg4 : memref<!tpu.dma_semaphore, #tpu.memory_space<semaphore_mem>>)
      %dma_start3A_372 = arith.constant 165 : i32
      %dma_start3A_373 = arith.constant 0 : i32
      %dma_start3A_374 = tpu.memref_slice %arg2[%dma_start3A_372, %dma_start3A_373] : memref<200x128xf32, #tpu.memory_space<hbm>> -> memref<1x128xf32, #tpu.memory_space<hbm>>
      %dma_start3A_375 = arith.constant 20 : i32
      %dma_start3A_376 = arith.constant 0 : i32
      %dma_start3A_377 = tpu.memref_slice %arg1[%dma_start3A_375, %dma_start3A_376] : memref<1000x128xf32, #tpu.memory_space<hbm>> -> memref<1x128xf32, #tpu.memory_space<hbm>>
      tpu.enqueue_dma source(%dma_start3A_377 : memref<1x128xf32, #tpu.memory_space<hbm>>) target(%dma_start3A_374 : memref<1x128xf32, #tpu.memory_space<hbm>>) target_semaphore(%arg4 : memref<!tpu.dma_semaphore, #tpu.memory_space<semaphore_mem>>)
      %dma_start3A_378 = arith.constant 166 : i32
      %dma_start3A_379 = arith.constant 0 : i32
      %dma_start3A_380 = tpu.memref_slice %arg2[%dma_start3A_378, %dma_start3A_379] : memref<200x128xf32, #tpu.memory_space<hbm>> -> memref<1x128xf32, #tpu.memory_space<hbm>>
      %dma_start3A_381 = arith.constant 20 : i32
      %dma_start3A_382 = arith.constant 0 : i32
      %dma_start3A_383 = tpu.memref_slice %arg1[%dma_start3A_381, %dma_start3A_382] : memref<1000x128xf32, #tpu.memory_space<hbm>> -> memref<1x128xf32, #tpu.memory_space<hbm>>
      tpu.enqueue_dma source(%dma_start3A_383 : memref<1x128xf32, #tpu.memory_space<hbm>>) target(%dma_start3A_380 : memref<1x128xf32, #tpu.memory_space<hbm>>) target_semaphore(%arg4 : memref<!tpu.dma_semaphore, #tpu.memory_space<semaphore_mem>>)
      %dma_start3A_384 = arith.constant 167 : i32
      %dma_start3A_385 = arith.constant 0 : i32
      %dma_start3A_386 = tpu.memref_slice %arg2[%dma_start3A_384, %dma_start3A_385] : memref<200x128xf32, #tpu.memory_space<hbm>> -> memref<1x128xf32, #tpu.memory_space<hbm>>
      %dma_start3A_387 = arith.constant 20 : i32
      %dma_start3A_388 = arith.constant 0 : i32
      %dma_start3A_389 = tpu.memref_slice %arg1[%dma_start3A_387, %dma_start3A_388] : memref<1000x128xf32, #tpu.memory_space<hbm>> -> memref<1x128xf32, #tpu.memory_space<hbm>>
      tpu.enqueue_dma source(%dma_start3A_389 : memref<1x128xf32, #tpu.memory_space<hbm>>) target(%dma_start3A_386 : memref<1x128xf32, #tpu.memory_space<hbm>>) target_semaphore(%arg4 : memref<!tpu.dma_semaphore, #tpu.memory_space<semaphore_mem>>)
      %dma_start3A_390 = arith.constant 168 : i32
      %dma_start3A_391 = arith.constant 0 : i32
      %dma_start3A_392 = tpu.memref_slice %arg2[%dma_start3A_390, %dma_start3A_391] : memref<200x128xf32, #tpu.memory_space<hbm>> -> memref<1x128xf32, #tpu.memory_space<hbm>>
      %dma_start3A_393 = arith.constant 21 : i32
      %dma_start3A_394 = arith.constant 0 : i32
      %dma_start3A_395 = tpu.memref_slice %arg1[%dma_start3A_393, %dma_start3A_394] : memref<1000x128xf32, #tpu.memory_space<hbm>> -> memref<1x128xf32, #tpu.memory_space<hbm>>
      tpu.enqueue_dma source(%dma_start3A_395 : memref<1x128xf32, #tpu.memory_space<hbm>>) target(%dma_start3A_392 : memref<1x128xf32, #tpu.memory_space<hbm>>) target_semaphore(%arg4 : memref<!tpu.dma_semaphore, #tpu.memory_space<semaphore_mem>>)
      %dma_start3A_396 = arith.constant 169 : i32
      %dma_start3A_397 = arith.constant 0 : i32
      %dma_start3A_398 = tpu.memref_slice %arg2[%dma_start3A_396, %dma_start3A_397] : memref<200x128xf32, #tpu.memory_space<hbm>> -> memref<1x128xf32, #tpu.memory_space<hbm>>
      %dma_start3A_399 = arith.constant 21 : i32
      %dma_start3A_400 = arith.constant 0 : i32
      %dma_start3A_401 = tpu.memref_slice %arg1[%dma_start3A_399, %dma_start3A_400] : memref<1000x128xf32, #tpu.memory_space<hbm>> -> memref<1x128xf32, #tpu.memory_space<hbm>>
      tpu.enqueue_dma source(%dma_start3A_401 : memref<1x128xf32, #tpu.memory_space<hbm>>) target(%dma_start3A_398 : memref<1x128xf32, #tpu.memory_space<hbm>>) target_semaphore(%arg4 : memref<!tpu.dma_semaphore, #tpu.memory_space<semaphore_mem>>)
      %dma_start3A_402 = arith.constant 170 : i32
      %dma_start3A_403 = arith.constant 0 : i32
      %dma_start3A_404 = tpu.memref_slice %arg2[%dma_start3A_402, %dma_start3A_403] : memref<200x128xf32, #tpu.memory_space<hbm>> -> memref<1x128xf32, #tpu.memory_space<hbm>>
      %dma_start3A_405 = arith.constant 21 : i32
      %dma_start3A_406 = arith.constant 0 : i32
      %dma_start3A_407 = tpu.memref_slice %arg1[%dma_start3A_405, %dma_start3A_406] : memref<1000x128xf32, #tpu.memory_space<hbm>> -> memref<1x128xf32, #tpu.memory_space<hbm>>
      tpu.enqueue_dma source(%dma_start3A_407 : memref<1x128xf32, #tpu.memory_space<hbm>>) target(%dma_start3A_404 : memref<1x128xf32, #tpu.memory_space<hbm>>) target_semaphore(%arg4 : memref<!tpu.dma_semaphore, #tpu.memory_space<semaphore_mem>>)
      %dma_start3A_408 = arith.constant 171 : i32
      %dma_start3A_409 = arith.constant 0 : i32
      %dma_start3A_410 = tpu.memref_slice %arg2[%dma_start3A_408, %dma_start3A_409] : memref<200x128xf32, #tpu.memory_space<hbm>> -> memref<1x128xf32, #tpu.memory_space<hbm>>
      %dma_start3A_411 = arith.constant 21 : i32
      %dma_start3A_412 = arith.constant 0 : i32
      %dma_start3A_413 = tpu.memref_slice %arg1[%dma_start3A_411, %dma_start3A_412] : memref<1000x128xf32, #tpu.memory_space<hbm>> -> memref<1x128xf32, #tpu.memory_space<hbm>>
      tpu.enqueue_dma source(%dma_start3A_413 : memref<1x128xf32, #tpu.memory_space<hbm>>) target(%dma_start3A_410 : memref<1x128xf32, #tpu.memory_space<hbm>>) target_semaphore(%arg4 : memref<!tpu.dma_semaphore, #tpu.memory_space<semaphore_mem>>)
      %dma_start3A_414 = arith.constant 172 : i32
      %dma_start3A_415 = arith.constant 0 : i32
      %dma_start3A_416 = tpu.memref_slice %arg2[%dma_start3A_414, %dma_start3A_415] : memref<200x128xf32, #tpu.memory_space<hbm>> -> memref<1x128xf32, #tpu.memory_space<hbm>>
      %dma_start3A_417 = arith.constant 21 : i32
      %dma_start3A_418 = arith.constant 0 : i32
      %dma_start3A_419 = tpu.memref_slice %arg1[%dma_start3A_417, %dma_start3A_418] : memref<1000x128xf32, #tpu.memory_space<hbm>> -> memref<1x128xf32, #tpu.memory_space<hbm>>
      tpu.enqueue_dma source(%dma_start3A_419 : memref<1x128xf32, #tpu.memory_space<hbm>>) target(%dma_start3A_416 : memref<1x128xf32, #tpu.memory_space<hbm>>) target_semaphore(%arg4 : memref<!tpu.dma_semaphore, #tpu.memory_space<semaphore_mem>>)
      %dma_start3A_420 = arith.constant 173 : i32
      %dma_start3A_421 = arith.constant 0 : i32
      %dma_start3A_422 = tpu.memref_slice %arg2[%dma_start3A_420, %dma_start3A_421] : memref<200x128xf32, #tpu.memory_space<hbm>> -> memref<1x128xf32, #tpu.memory_space<hbm>>
      %dma_start3A_423 = arith.constant 21 : i32
      %dma_start3A_424 = arith.constant 0 : i32
      %dma_start3A_425 = tpu.memref_slice %arg1[%dma_start3A_423, %dma_start3A_424] : memref<1000x128xf32, #tpu.memory_space<hbm>> -> memref<1x128xf32, #tpu.memory_space<hbm>>
      tpu.enqueue_dma source(%dma_start3A_425 : memref<1x128xf32, #tpu.memory_space<hbm>>) target(%dma_start3A_422 : memref<1x128xf32, #tpu.memory_space<hbm>>) target_semaphore(%arg4 : memref<!tpu.dma_semaphore, #tpu.memory_space<semaphore_mem>>)
      %dma_start3A_426 = arith.constant 174 : i32
      %dma_start3A_427 = arith.constant 0 : i32
      %dma_start3A_428 = tpu.memref_slice %arg2[%dma_start3A_426, %dma_start3A_427] : memref<200x128xf32, #tpu.memory_space<hbm>> -> memref<1x128xf32, #tpu.memory_space<hbm>>
      %dma_start3A_429 = arith.constant 21 : i32
      %dma_start3A_430 = arith.constant 0 : i32
      %dma_start3A_431 = tpu.memref_slice %arg1[%dma_start3A_429, %dma_start3A_430] : memref<1000x128xf32, #tpu.memory_space<hbm>> -> memref<1x128xf32, #tpu.memory_space<hbm>>
      tpu.enqueue_dma source(%dma_start3A_431 : memref<1x128xf32, #tpu.memory_space<hbm>>) target(%dma_start3A_428 : memref<1x128xf32, #tpu.memory_space<hbm>>) target_semaphore(%arg4 : memref<!tpu.dma_semaphore, #tpu.memory_space<semaphore_mem>>)
      %dma_start3A_432 = arith.constant 175 : i32
      %dma_start3A_433 = arith.constant 0 : i32
      %dma_start3A_434 = tpu.memref_slice %arg2[%dma_start3A_432, %dma_start3A_433] : memref<200x128xf32, #tpu.memory_space<hbm>> -> memref<1x128xf32, #tpu.memory_space<hbm>>
      %dma_start3A_435 = arith.constant 21 : i32
      %dma_start3A_436 = arith.constant 0 : i32
      %dma_start3A_437 = tpu.memref_slice %arg1[%dma_start3A_435, %dma_start3A_436] : memref<1000x128xf32, #tpu.memory_space<hbm>> -> memref<1x128xf32, #tpu.memory_space<hbm>>
      tpu.enqueue_dma source(%dma_start3A_437 : memref<1x128xf32, #tpu.memory_space<hbm>>) target(%dma_start3A_434 : memref<1x128xf32, #tpu.memory_space<hbm>>) target_semaphore(%arg4 : memref<!tpu.dma_semaphore, #tpu.memory_space<semaphore_mem>>)
      %dma_start3A_438 = arith.constant 176 : i32
      %dma_start3A_439 = arith.constant 0 : i32
      %dma_start3A_440 = tpu.memref_slice %arg2[%dma_start3A_438, %dma_start3A_439] : memref<200x128xf32, #tpu.memory_space<hbm>> -> memref<1x128xf32, #tpu.memory_space<hbm>>
      %dma_start3A_441 = arith.constant 22 : i32
      %dma_start3A_442 = arith.constant 0 : i32
      %dma_start3A_443 = tpu.memref_slice %arg1[%dma_start3A_441, %dma_start3A_442] : memref<1000x128xf32, #tpu.memory_space<hbm>> -> memref<1x128xf32, #tpu.memory_space<hbm>>
      tpu.enqueue_dma source(%dma_start3A_443 : memref<1x128xf32, #tpu.memory_space<hbm>>) target(%dma_start3A_440 : memref<1x128xf32, #tpu.memory_space<hbm>>) target_semaphore(%arg4 : memref<!tpu.dma_semaphore, #tpu.memory_space<semaphore_mem>>)
      %dma_start3A_444 = arith.constant 177 : i32
      %dma_start3A_445 = arith.constant 0 : i32
      %dma_start3A_446 = tpu.memref_slice %arg2[%dma_start3A_444, %dma_start3A_445] : memref<200x128xf32, #tpu.memory_space<hbm>> -> memref<1x128xf32, #tpu.memory_space<hbm>>
      %dma_start3A_447 = arith.constant 22 : i32
      %dma_start3A_448 = arith.constant 0 : i32
      %dma_start3A_449 = tpu.memref_slice %arg1[%dma_start3A_447, %dma_start3A_448] : memref<1000x128xf32, #tpu.memory_space<hbm>> -> memref<1x128xf32, #tpu.memory_space<hbm>>
      tpu.enqueue_dma source(%dma_start3A_449 : memref<1x128xf32, #tpu.memory_space<hbm>>) target(%dma_start3A_446 : memref<1x128xf32, #tpu.memory_space<hbm>>) target_semaphore(%arg4 : memref<!tpu.dma_semaphore, #tpu.memory_space<semaphore_mem>>)
      %dma_start3A_450 = arith.constant 178 : i32
      %dma_start3A_451 = arith.constant 0 : i32
      %dma_start3A_452 = tpu.memref_slice %arg2[%dma_start3A_450, %dma_start3A_451] : memref<200x128xf32, #tpu.memory_space<hbm>> -> memref<1x128xf32, #tpu.memory_space<hbm>>
      %dma_start3A_453 = arith.constant 22 : i32
      %dma_start3A_454 = arith.constant 0 : i32
      %dma_start3A_455 = tpu.memref_slice %arg1[%dma_start3A_453, %dma_start3A_454] : memref<1000x128xf32, #tpu.memory_space<hbm>> -> memref<1x128xf32, #tpu.memory_space<hbm>>
      tpu.enqueue_dma source(%dma_start3A_455 : memref<1x128xf32, #tpu.memory_space<hbm>>) target(%dma_start3A_452 : memref<1x128xf32, #tpu.memory_space<hbm>>) target_semaphore(%arg4 : memref<!tpu.dma_semaphore, #tpu.memory_space<semaphore_mem>>)
      %dma_start3A_456 = arith.constant 179 : i32
      %dma_start3A_457 = arith.constant 0 : i32
      %dma_start3A_458 = tpu.memref_slice %arg2[%dma_start3A_456, %dma_start3A_457] : memref<200x128xf32, #tpu.memory_space<hbm>> -> memref<1x128xf32, #tpu.memory_space<hbm>>
      %dma_start3A_459 = arith.constant 22 : i32
      %dma_start3A_460 = arith.constant 0 : i32
      %dma_start3A_461 = tpu.memref_slice %arg1[%dma_start3A_459, %dma_start3A_460] : memref<1000x128xf32, #tpu.memory_space<hbm>> -> memref<1x128xf32, #tpu.memory_space<hbm>>
      tpu.enqueue_dma source(%dma_start3A_461 : memref<1x128xf32, #tpu.memory_space<hbm>>) target(%dma_start3A_458 : memref<1x128xf32, #tpu.memory_space<hbm>>) target_semaphore(%arg4 : memref<!tpu.dma_semaphore, #tpu.memory_space<semaphore_mem>>)
      %dma_start3A_462 = arith.constant 180 : i32
      %dma_start3A_463 = arith.constant 0 : i32
      %dma_start3A_464 = tpu.memref_slice %arg2[%dma_start3A_462, %dma_start3A_463] : memref<200x128xf32, #tpu.memory_space<hbm>> -> memref<1x128xf32, #tpu.memory_space<hbm>>
      %dma_start3A_465 = arith.constant 22 : i32
      %dma_start3A_466 = arith.constant 0 : i32
      %dma_start3A_467 = tpu.memref_slice %arg1[%dma_start3A_465, %dma_start3A_466] : memref<1000x128xf32, #tpu.memory_space<hbm>> -> memref<1x128xf32, #tpu.memory_space<hbm>>
      tpu.enqueue_dma source(%dma_start3A_467 : memref<1x128xf32, #tpu.memory_space<hbm>>) target(%dma_start3A_464 : memref<1x128xf32, #tpu.memory_space<hbm>>) target_semaphore(%arg4 : memref<!tpu.dma_semaphore, #tpu.memory_space<semaphore_mem>>)
      %dma_start3A_468 = arith.constant 181 : i32
      %dma_start3A_469 = arith.constant 0 : i32
      %dma_start3A_470 = tpu.memref_slice %arg2[%dma_start3A_468, %dma_start3A_469] : memref<200x128xf32, #tpu.memory_space<hbm>> -> memref<1x128xf32, #tpu.memory_space<hbm>>
      %dma_start3A_471 = arith.constant 22 : i32
      %dma_start3A_472 = arith.constant 0 : i32
      %dma_start3A_473 = tpu.memref_slice %arg1[%dma_start3A_471, %dma_start3A_472] : memref<1000x128xf32, #tpu.memory_space<hbm>> -> memref<1x128xf32, #tpu.memory_space<hbm>>
      tpu.enqueue_dma source(%dma_start3A_473 : memref<1x128xf32, #tpu.memory_space<hbm>>) target(%dma_start3A_470 : memref<1x128xf32, #tpu.memory_space<hbm>>) target_semaphore(%arg4 : memref<!tpu.dma_semaphore, #tpu.memory_space<semaphore_mem>>)
      %dma_start3A_474 = arith.constant 182 : i32
      %dma_start3A_475 = arith.constant 0 : i32
      %dma_start3A_476 = tpu.memref_slice %arg2[%dma_start3A_474, %dma_start3A_475] : memref<200x128xf32, #tpu.memory_space<hbm>> -> memref<1x128xf32, #tpu.memory_space<hbm>>
      %dma_start3A_477 = arith.constant 22 : i32
      %dma_start3A_478 = arith.constant 0 : i32
      %dma_start3A_479 = tpu.memref_slice %arg1[%dma_start3A_477, %dma_start3A_478] : memref<1000x128xf32, #tpu.memory_space<hbm>> -> memref<1x128xf32, #tpu.memory_space<hbm>>
      tpu.enqueue_dma source(%dma_start3A_479 : memref<1x128xf32, #tpu.memory_space<hbm>>) target(%dma_start3A_476 : memref<1x128xf32, #tpu.memory_space<hbm>>) target_semaphore(%arg4 : memref<!tpu.dma_semaphore, #tpu.memory_space<semaphore_mem>>)
      %dma_start3A_480 = arith.constant 183 : i32
      %dma_start3A_481 = arith.constant 0 : i32
      %dma_start3A_482 = tpu.memref_slice %arg2[%dma_start3A_480, %dma_start3A_481] : memref<200x128xf32, #tpu.memory_space<hbm>> -> memref<1x128xf32, #tpu.memory_space<hbm>>
      %dma_start3A_483 = arith.constant 22 : i32
      %dma_start3A_484 = arith.constant 0 : i32
      %dma_start3A_485 = tpu.memref_slice %arg1[%dma_start3A_483, %dma_start3A_484] : memref<1000x128xf32, #tpu.memory_space<hbm>> -> memref<1x128xf32, #tpu.memory_space<hbm>>
      tpu.enqueue_dma source(%dma_start3A_485 : memref<1x128xf32, #tpu.memory_space<hbm>>) target(%dma_start3A_482 : memref<1x128xf32, #tpu.memory_space<hbm>>) target_semaphore(%arg4 : memref<!tpu.dma_semaphore, #tpu.memory_space<semaphore_mem>>)
      %dma_start3A_486 = arith.constant 184 : i32
      %dma_start3A_487 = arith.constant 0 : i32
      %dma_start3A_488 = tpu.memref_slice %arg2[%dma_start3A_486, %dma_start3A_487] : memref<200x128xf32, #tpu.memory_space<hbm>> -> memref<1x128xf32, #tpu.memory_space<hbm>>
      %dma_start3A_489 = arith.constant 23 : i32
      %dma_start3A_490 = arith.constant 0 : i32
      %dma_start3A_491 = tpu.memref_slice %arg1[%dma_start3A_489, %dma_start3A_490] : memref<1000x128xf32, #tpu.memory_space<hbm>> -> memref<1x128xf32, #tpu.memory_space<hbm>>
      tpu.enqueue_dma source(%dma_start3A_491 : memref<1x128xf32, #tpu.memory_space<hbm>>) target(%dma_start3A_488 : memref<1x128xf32, #tpu.memory_space<hbm>>) target_semaphore(%arg4 : memref<!tpu.dma_semaphore, #tpu.memory_space<semaphore_mem>>)
      %dma_start3A_492 = arith.constant 185 : i32
      %dma_start3A_493 = arith.constant 0 : i32
      %dma_start3A_494 = tpu.memref_slice %arg2[%dma_start3A_492, %dma_start3A_493] : memref<200x128xf32, #tpu.memory_space<hbm>> -> memref<1x128xf32, #tpu.memory_space<hbm>>
      %dma_start3A_495 = arith.constant 23 : i32
      %dma_start3A_496 = arith.constant 0 : i32
      %dma_start3A_497 = tpu.memref_slice %arg1[%dma_start3A_495, %dma_start3A_496] : memref<1000x128xf32, #tpu.memory_space<hbm>> -> memref<1x128xf32, #tpu.memory_space<hbm>>
      tpu.enqueue_dma source(%dma_start3A_497 : memref<1x128xf32, #tpu.memory_space<hbm>>) target(%dma_start3A_494 : memref<1x128xf32, #tpu.memory_space<hbm>>) target_semaphore(%arg4 : memref<!tpu.dma_semaphore, #tpu.memory_space<semaphore_mem>>)
      %dma_start3A_498 = arith.constant 186 : i32
      %dma_start3A_499 = arith.constant 0 : i32
      %dma_start3A_500 = tpu.memref_slice %arg2[%dma_start3A_498, %dma_start3A_499] : memref<200x128xf32, #tpu.memory_space<hbm>> -> memref<1x128xf32, #tpu.memory_space<hbm>>
      %dma_start3A_501 = arith.constant 23 : i32
      %dma_start3A_502 = arith.constant 0 : i32
      %dma_start3A_503 = tpu.memref_slice %arg1[%dma_start3A_501, %dma_start3A_502] : memref<1000x128xf32, #tpu.memory_space<hbm>> -> memref<1x128xf32, #tpu.memory_space<hbm>>
      tpu.enqueue_dma source(%dma_start3A_503 : memref<1x128xf32, #tpu.memory_space<hbm>>) target(%dma_start3A_500 : memref<1x128xf32, #tpu.memory_space<hbm>>) target_semaphore(%arg4 : memref<!tpu.dma_semaphore, #tpu.memory_space<semaphore_mem>>)
      %dma_start3A_504 = arith.constant 187 : i32
      %dma_start3A_505 = arith.constant 0 : i32
      %dma_start3A_506 = tpu.memref_slice %arg2[%dma_start3A_504, %dma_start3A_505] : memref<200x128xf32, #tpu.memory_space<hbm>> -> memref<1x128xf32, #tpu.memory_space<hbm>>
      %dma_start3A_507 = arith.constant 23 : i32
      %dma_start3A_508 = arith.constant 0 : i32
      %dma_start3A_509 = tpu.memref_slice %arg1[%dma_start3A_507, %dma_start3A_508] : memref<1000x128xf32, #tpu.memory_space<hbm>> -> memref<1x128xf32, #tpu.memory_space<hbm>>
      tpu.enqueue_dma source(%dma_start3A_509 : memref<1x128xf32, #tpu.memory_space<hbm>>) target(%dma_start3A_506 : memref<1x128xf32, #tpu.memory_space<hbm>>) target_semaphore(%arg4 : memref<!tpu.dma_semaphore, #tpu.memory_space<semaphore_mem>>)
      %dma_start3A_510 = arith.constant 188 : i32
      %dma_start3A_511 = arith.constant 0 : i32
      %dma_start3A_512 = tpu.memref_slice %arg2[%dma_start3A_510, %dma_start3A_511] : memref<200x128xf32, #tpu.memory_space<hbm>> -> memref<1x128xf32, #tpu.memory_space<hbm>>
      %dma_start3A_513 = arith.constant 23 : i32
      %dma_start3A_514 = arith.constant 0 : i32
      %dma_start3A_515 = tpu.memref_slice %arg1[%dma_start3A_513, %dma_start3A_514] : memref<1000x128xf32, #tpu.memory_space<hbm>> -> memref<1x128xf32, #tpu.memory_space<hbm>>
      tpu.enqueue_dma source(%dma_start3A_515 : memref<1x128xf32, #tpu.memory_space<hbm>>) target(%dma_start3A_512 : memref<1x128xf32, #tpu.memory_space<hbm>>) target_semaphore(%arg4 : memref<!tpu.dma_semaphore, #tpu.memory_space<semaphore_mem>>)
      %dma_start3A_516 = arith.constant 189 : i32
      %dma_start3A_517 = arith.constant 0 : i32
      %dma_start3A_518 = tpu.memref_slice %arg2[%dma_start3A_516, %dma_start3A_517] : memref<200x128xf32, #tpu.memory_space<hbm>> -> memref<1x128xf32, #tpu.memory_space<hbm>>
      %dma_start3A_519 = arith.constant 23 : i32
      %dma_start3A_520 = arith.constant 0 : i32
      %dma_start3A_521 = tpu.memref_slice %arg1[%dma_start3A_519, %dma_start3A_520] : memref<1000x128xf32, #tpu.memory_space<hbm>> -> memref<1x128xf32, #tpu.memory_space<hbm>>
      tpu.enqueue_dma source(%dma_start3A_521 : memref<1x128xf32, #tpu.memory_space<hbm>>) target(%dma_start3A_518 : memref<1x128xf32, #tpu.memory_space<hbm>>) target_semaphore(%arg4 : memref<!tpu.dma_semaphore, #tpu.memory_space<semaphore_mem>>)
      %dma_start3A_522 = arith.constant 190 : i32
      %dma_start3A_523 = arith.constant 0 : i32
      %dma_start3A_524 = tpu.memref_slice %arg2[%dma_start3A_522, %dma_start3A_523] : memref<200x128xf32, #tpu.memory_space<hbm>> -> memref<1x128xf32, #tpu.memory_space<hbm>>
      %dma_start3A_525 = arith.constant 23 : i32
      %dma_start3A_526 = arith.constant 0 : i32
      %dma_start3A_527 = tpu.memref_slice %arg1[%dma_start3A_525, %dma_start3A_526] : memref<1000x128xf32, #tpu.memory_space<hbm>> -> memref<1x128xf32, #tpu.memory_space<hbm>>
      tpu.enqueue_dma source(%dma_start3A_527 : memref<1x128xf32, #tpu.memory_space<hbm>>) target(%dma_start3A_524 : memref<1x128xf32, #tpu.memory_space<hbm>>) target_semaphore(%arg4 : memref<!tpu.dma_semaphore, #tpu.memory_space<semaphore_mem>>)
      %dma_start3A_528 = arith.constant 191 : i32
      %dma_start3A_529 = arith.constant 0 : i32
      %dma_start3A_530 = tpu.memref_slice %arg2[%dma_start3A_528, %dma_start3A_529] : memref<200x128xf32, #tpu.memory_space<hbm>> -> memref<1x128xf32, #tpu.memory_space<hbm>>
      %dma_start3A_531 = arith.constant 23 : i32
      %dma_start3A_532 = arith.constant 0 : i32
      %dma_start3A_533 = tpu.memref_slice %arg1[%dma_start3A_531, %dma_start3A_532] : memref<1000x128xf32, #tpu.memory_space<hbm>> -> memref<1x128xf32, #tpu.memory_space<hbm>>
      tpu.enqueue_dma source(%dma_start3A_533 : memref<1x128xf32, #tpu.memory_space<hbm>>) target(%dma_start3A_530 : memref<1x128xf32, #tpu.memory_space<hbm>>) target_semaphore(%arg4 : memref<!tpu.dma_semaphore, #tpu.memory_space<semaphore_mem>>)
      %dma_start3A_534 = arith.constant 192 : i32
      %dma_start3A_535 = arith.constant 0 : i32
      %dma_start3A_536 = tpu.memref_slice %arg2[%dma_start3A_534, %dma_start3A_535] : memref<200x128xf32, #tpu.memory_space<hbm>> -> memref<1x128xf32, #tpu.memory_space<hbm>>
      %dma_start3A_537 = arith.constant 24 : i32
      %dma_start3A_538 = arith.constant 0 : i32
      %dma_start3A_539 = tpu.memref_slice %arg1[%dma_start3A_537, %dma_start3A_538] : memref<1000x128xf32, #tpu.memory_space<hbm>> -> memref<1x128xf32, #tpu.memory_space<hbm>>
      tpu.enqueue_dma source(%dma_start3A_539 : memref<1x128xf32, #tpu.memory_space<hbm>>) target(%dma_start3A_536 : memref<1x128xf32, #tpu.memory_space<hbm>>) target_semaphore(%arg4 : memref<!tpu.dma_semaphore, #tpu.memory_space<semaphore_mem>>)
      %dma_start3A_540 = arith.constant 193 : i32
      %dma_start3A_541 = arith.constant 0 : i32
      %dma_start3A_542 = tpu.memref_slice %arg2[%dma_start3A_540, %dma_start3A_541] : memref<200x128xf32, #tpu.memory_space<hbm>> -> memref<1x128xf32, #tpu.memory_space<hbm>>
      %dma_start3A_543 = arith.constant 24 : i32
      %dma_start3A_544 = arith.constant 0 : i32
      %dma_start3A_545 = tpu.memref_slice %arg1[%dma_start3A_543, %dma_start3A_544] : memref<1000x128xf32, #tpu.memory_space<hbm>> -> memref<1x128xf32, #tpu.memory_space<hbm>>
      tpu.enqueue_dma source(%dma_start3A_545 : memref<1x128xf32, #tpu.memory_space<hbm>>) target(%dma_start3A_542 : memref<1x128xf32, #tpu.memory_space<hbm>>) target_semaphore(%arg4 : memref<!tpu.dma_semaphore, #tpu.memory_space<semaphore_mem>>)
      %dma_start3A_546 = arith.constant 194 : i32
      %dma_start3A_547 = arith.constant 0 : i32
      %dma_start3A_548 = tpu.memref_slice %arg2[%dma_start3A_546, %dma_start3A_547] : memref<200x128xf32, #tpu.memory_space<hbm>> -> memref<1x128xf32, #tpu.memory_space<hbm>>
      %dma_start3A_549 = arith.constant 24 : i32
      %dma_start3A_550 = arith.constant 0 : i32
      %dma_start3A_551 = tpu.memref_slice %arg1[%dma_start3A_549, %dma_start3A_550] : memref<1000x128xf32, #tpu.memory_space<hbm>> -> memref<1x128xf32, #tpu.memory_space<hbm>>
      tpu.enqueue_dma source(%dma_start3A_551 : memref<1x128xf32, #tpu.memory_space<hbm>>) target(%dma_start3A_548 : memref<1x128xf32, #tpu.memory_space<hbm>>) target_semaphore(%arg4 : memref<!tpu.dma_semaphore, #tpu.memory_space<semaphore_mem>>)
      %dma_start3A_552 = arith.constant 195 : i32
      %dma_start3A_553 = arith.constant 0 : i32
      %dma_start3A_554 = tpu.memref_slice %arg2[%dma_start3A_552, %dma_start3A_553] : memref<200x128xf32, #tpu.memory_space<hbm>> -> memref<1x128xf32, #tpu.memory_space<hbm>>
      %dma_start3A_555 = arith.constant 24 : i32
      %dma_start3A_556 = arith.constant 0 : i32
      %dma_start3A_557 = tpu.memref_slice %arg1[%dma_start3A_555, %dma_start3A_556] : memref<1000x128xf32, #tpu.memory_space<hbm>> -> memref<1x128xf32, #tpu.memory_space<hbm>>
      tpu.enqueue_dma source(%dma_start3A_557 : memref<1x128xf32, #tpu.memory_space<hbm>>) target(%dma_start3A_554 : memref<1x128xf32, #tpu.memory_space<hbm>>) target_semaphore(%arg4 : memref<!tpu.dma_semaphore, #tpu.memory_space<semaphore_mem>>)
      %dma_start3A_558 = arith.constant 196 : i32
      %dma_start3A_559 = arith.constant 0 : i32
      %dma_start3A_560 = tpu.memref_slice %arg2[%dma_start3A_558, %dma_start3A_559] : memref<200x128xf32, #tpu.memory_space<hbm>> -> memref<1x128xf32, #tpu.memory_space<hbm>>
      %dma_start3A_561 = arith.constant 24 : i32
      %dma_start3A_562 = arith.constant 0 : i32
      %dma_start3A_563 = tpu.memref_slice %arg1[%dma_start3A_561, %dma_start3A_562] : memref<1000x128xf32, #tpu.memory_space<hbm>> -> memref<1x128xf32, #tpu.memory_space<hbm>>
      tpu.enqueue_dma source(%dma_start3A_563 : memref<1x128xf32, #tpu.memory_space<hbm>>) target(%dma_start3A_560 : memref<1x128xf32, #tpu.memory_space<hbm>>) target_semaphore(%arg4 : memref<!tpu.dma_semaphore, #tpu.memory_space<semaphore_mem>>)
      %dma_start3A_564 = arith.constant 197 : i32
      %dma_start3A_565 = arith.constant 0 : i32
      %dma_start3A_566 = tpu.memref_slice %arg2[%dma_start3A_564, %dma_start3A_565] : memref<200x128xf32, #tpu.memory_space<hbm>> -> memref<1x128xf32, #tpu.memory_space<hbm>>
      %dma_start3A_567 = arith.constant 24 : i32
      %dma_start3A_568 = arith.constant 0 : i32
      %dma_start3A_569 = tpu.memref_slice %arg1[%dma_start3A_567, %dma_start3A_568] : memref<1000x128xf32, #tpu.memory_space<hbm>> -> memref<1x128xf32, #tpu.memory_space<hbm>>
      tpu.enqueue_dma source(%dma_start3A_569 : memref<1x128xf32, #tpu.memory_space<hbm>>) target(%dma_start3A_566 : memref<1x128xf32, #tpu.memory_space<hbm>>) target_semaphore(%arg4 : memref<!tpu.dma_semaphore, #tpu.memory_space<semaphore_mem>>)
      %dma_start3A_570 = arith.constant 198 : i32
      %dma_start3A_571 = arith.constant 0 : i32
      %dma_start3A_572 = tpu.memref_slice %arg2[%dma_start3A_570, %dma_start3A_571] : memref<200x128xf32, #tpu.memory_space<hbm>> -> memref<1x128xf32, #tpu.memory_space<hbm>>
      %dma_start3A_573 = arith.constant 24 : i32
      %dma_start3A_574 = arith.constant 0 : i32
      %dma_start3A_575 = tpu.memref_slice %arg1[%dma_start3A_573, %dma_start3A_574] : memref<1000x128xf32, #tpu.memory_space<hbm>> -> memref<1x128xf32, #tpu.memory_space<hbm>>
      tpu.enqueue_dma source(%dma_start3A_575 : memref<1x128xf32, #tpu.memory_space<hbm>>) target(%dma_start3A_572 : memref<1x128xf32, #tpu.memory_space<hbm>>) target_semaphore(%arg4 : memref<!tpu.dma_semaphore, #tpu.memory_space<semaphore_mem>>)
      %dma_start3A_576 = arith.constant 199 : i32
      %dma_start3A_577 = arith.constant 0 : i32
      %dma_start3A_578 = tpu.memref_slice %arg2[%dma_start3A_576, %dma_start3A_577] : memref<200x128xf32, #tpu.memory_space<hbm>> -> memref<1x128xf32, #tpu.memory_space<hbm>>
      %dma_start3A_579 = arith.constant 24 : i32
      %dma_start3A_580 = arith.constant 0 : i32
      %dma_start3A_581 = tpu.memref_slice %arg1[%dma_start3A_579, %dma_start3A_580] : memref<1000x128xf32, #tpu.memory_space<hbm>> -> memref<1x128xf32, #tpu.memory_space<hbm>>
      tpu.enqueue_dma source(%dma_start3A_581 : memref<1x128xf32, #tpu.memory_space<hbm>>) target(%dma_start3A_578 : memref<1x128xf32, #tpu.memory_space<hbm>>) target_semaphore(%arg4 : memref<!tpu.dma_semaphore, #tpu.memory_space<semaphore_mem>>)
      %dma_wait3A = arith.constant 104 : i32
      %dma_wait3A_582 = arith.constant 0 : i32
      %dma_wait3A_583 = tpu.memref_slice %arg2[%dma_wait3A, %dma_wait3A_582] : memref<200x128xf32, #tpu.memory_space<hbm>> -> memref<1x128xf32, #tpu.memory_space<hbm>>
      %dma_wait3A_584 = arith.constant 13 : i32
      %dma_wait3A_585 = arith.constant 0 : i32
      %dma_wait3A_586 = tpu.memref_slice %arg1[%dma_wait3A_584, %dma_wait3A_585] : memref<1000x128xf32, #tpu.memory_space<hbm>> -> memref<1x128xf32, #tpu.memory_space<hbm>>
      tpu.wait_dma2 semaphore(%arg4 : memref<!tpu.dma_semaphore, #tpu.memory_space<semaphore_mem>>) src(%dma_wait3A_586 : memref<1x128xf32, #tpu.memory_space<hbm>>) dst(%dma_wait3A_583 : memref<1x128xf32, #tpu.memory_space<hbm>>)
      %dma_wait3A_587 = arith.constant 105 : i32
      %dma_wait3A_588 = arith.constant 0 : i32
      %dma_wait3A_589 = tpu.memref_slice %arg2[%dma_wait3A_587, %dma_wait3A_588] : memref<200x128xf32, #tpu.memory_space<hbm>> -> memref<1x128xf32, #tpu.memory_space<hbm>>
      %dma_wait3A_590 = arith.constant 13 : i32
      %dma_wait3A_591 = arith.constant 0 : i32
      %dma_wait3A_592 = tpu.memref_slice %arg1[%dma_wait3A_590, %dma_wait3A_591] : memref<1000x128xf32, #tpu.memory_space<hbm>> -> memref<1x128xf32, #tpu.memory_space<hbm>>
      tpu.wait_dma2 semaphore(%arg4 : memref<!tpu.dma_semaphore, #tpu.memory_space<semaphore_mem>>) src(%dma_wait3A_592 : memref<1x128xf32, #tpu.memory_space<hbm>>) dst(%dma_wait3A_589 : memref<1x128xf32, #tpu.memory_space<hbm>>)
      %dma_wait3A_593 = arith.constant 106 : i32
      %dma_wait3A_594 = arith.constant 0 : i32
      %dma_wait3A_595 = tpu.memref_slice %arg2[%dma_wait3A_593, %dma_wait3A_594] : memref<200x128xf32, #tpu.memory_space<hbm>> -> memref<1x128xf32, #tpu.memory_space<hbm>>
      %dma_wait3A_596 = arith.constant 13 : i32
      %dma_wait3A_597 = arith.constant 0 : i32
      %dma_wait3A_598 = tpu.memref_slice %arg1[%dma_wait3A_596, %dma_wait3A_597] : memref<1000x128xf32, #tpu.memory_space<hbm>> -> memref<1x128xf32, #tpu.memory_space<hbm>>
      tpu.wait_dma2 semaphore(%arg4 : memref<!tpu.dma_semaphore, #tpu.memory_space<semaphore_mem>>) src(%dma_wait3A_598 : memref<1x128xf32, #tpu.memory_space<hbm>>) dst(%dma_wait3A_595 : memref<1x128xf32, #tpu.memory_space<hbm>>)
      %dma_wait3A_599 = arith.constant 107 : i32
      %dma_wait3A_600 = arith.constant 0 : i32
      %dma_wait3A_601 = tpu.memref_slice %arg2[%dma_wait3A_599, %dma_wait3A_600] : memref<200x128xf32, #tpu.memory_space<hbm>> -> memref<1x128xf32, #tpu.memory_space<hbm>>
      %dma_wait3A_602 = arith.constant 13 : i32
      %dma_wait3A_603 = arith.constant 0 : i32
      %dma_wait3A_604 = tpu.memref_slice %arg1[%dma_wait3A_602, %dma_wait3A_603] : memref<1000x128xf32, #tpu.memory_space<hbm>> -> memref<1x128xf32, #tpu.memory_space<hbm>>
      tpu.wait_dma2 semaphore(%arg4 : memref<!tpu.dma_semaphore, #tpu.memory_space<semaphore_mem>>) src(%dma_wait3A_604 : memref<1x128xf32, #tpu.memory_space<hbm>>) dst(%dma_wait3A_601 : memref<1x128xf32, #tpu.memory_space<hbm>>)
      %dma_wait3A_605 = arith.constant 108 : i32
      %dma_wait3A_606 = arith.constant 0 : i32
      %dma_wait3A_607 = tpu.memref_slice %arg2[%dma_wait3A_605, %dma_wait3A_606] : memref<200x128xf32, #tpu.memory_space<hbm>> -> memref<1x128xf32, #tpu.memory_space<hbm>>
      %dma_wait3A_608 = arith.constant 13 : i32
      %dma_wait3A_609 = arith.constant 0 : i32
      %dma_wait3A_610 = tpu.memref_slice %arg1[%dma_wait3A_608, %dma_wait3A_609] : memref<1000x128xf32, #tpu.memory_space<hbm>> -> memref<1x128xf32, #tpu.memory_space<hbm>>
      tpu.wait_dma2 semaphore(%arg4 : memref<!tpu.dma_semaphore, #tpu.memory_space<semaphore_mem>>) src(%dma_wait3A_610 : memref<1x128xf32, #tpu.memory_space<hbm>>) dst(%dma_wait3A_607 : memref<1x128xf32, #tpu.memory_space<hbm>>)
      %dma_wait3A_611 = arith.constant 109 : i32
      %dma_wait3A_612 = arith.constant 0 : i32
      %dma_wait3A_613 = tpu.memref_slice %arg2[%dma_wait3A_611, %dma_wait3A_612] : memref<200x128xf32, #tpu.memory_space<hbm>> -> memref<1x128xf32, #tpu.memory_space<hbm>>
      %dma_wait3A_614 = arith.constant 13 : i32
      %dma_wait3A_615 = arith.constant 0 : i32
      %dma_wait3A_616 = tpu.memref_slice %arg1[%dma_wait3A_614, %dma_wait3A_615] : memref<1000x128xf32, #tpu.memory_space<hbm>> -> memref<1x128xf32, #tpu.memory_space<hbm>>
      tpu.wait_dma2 semaphore(%arg4 : memref<!tpu.dma_semaphore, #tpu.memory_space<semaphore_mem>>) src(%dma_wait3A_616 : memref<1x128xf32, #tpu.memory_space<hbm>>) dst(%dma_wait3A_613 : memref<1x128xf32, #tpu.memory_space<hbm>>)
      %dma_wait3A_617 = arith.constant 110 : i32
      %dma_wait3A_618 = arith.constant 0 : i32
      %dma_wait3A_619 = tpu.memref_slice %arg2[%dma_wait3A_617, %dma_wait3A_618] : memref<200x128xf32, #tpu.memory_space<hbm>> -> memref<1x128xf32, #tpu.memory_space<hbm>>
      %dma_wait3A_620 = arith.constant 13 : i32
      %dma_wait3A_621 = arith.constant 0 : i32
      %dma_wait3A_622 = tpu.memref_slice %arg1[%dma_wait3A_620, %dma_wait3A_621] : memref<1000x128xf32, #tpu.memory_space<hbm>> -> memref<1x128xf32, #tpu.memory_space<hbm>>
      tpu.wait_dma2 semaphore(%arg4 : memref<!tpu.dma_semaphore, #tpu.memory_space<semaphore_mem>>) src(%dma_wait3A_622 : memref<1x128xf32, #tpu.memory_space<hbm>>) dst(%dma_wait3A_619 : memref<1x128xf32, #tpu.memory_space<hbm>>)
      %dma_wait3A_623 = arith.constant 111 : i32
      %dma_wait3A_624 = arith.constant 0 : i32
      %dma_wait3A_625 = tpu.memref_slice %arg2[%dma_wait3A_623, %dma_wait3A_624] : memref<200x128xf32, #tpu.memory_space<hbm>> -> memref<1x128xf32, #tpu.memory_space<hbm>>
      %dma_wait3A_626 = arith.constant 13 : i32
      %dma_wait3A_627 = arith.constant 0 : i32
      %dma_wait3A_628 = tpu.memref_slice %arg1[%dma_wait3A_626, %dma_wait3A_627] : memref<1000x128xf32, #tpu.memory_space<hbm>> -> memref<1x128xf32, #tpu.memory_space<hbm>>
      tpu.wait_dma2 semaphore(%arg4 : memref<!tpu.dma_semaphore, #tpu.memory_space<semaphore_mem>>) src(%dma_wait3A_628 : memref<1x128xf32, #tpu.memory_space<hbm>>) dst(%dma_wait3A_625 : memref<1x128xf32, #tpu.memory_space<hbm>>)
      %dma_wait3A_629 = arith.constant 112 : i32
      %dma_wait3A_630 = arith.constant 0 : i32
      %dma_wait3A_631 = tpu.memref_slice %arg2[%dma_wait3A_629, %dma_wait3A_630] : memref<200x128xf32, #tpu.memory_space<hbm>> -> memref<1x128xf32, #tpu.memory_space<hbm>>
      %dma_wait3A_632 = arith.constant 14 : i32
      %dma_wait3A_633 = arith.constant 0 : i32
      %dma_wait3A_634 = tpu.memref_slice %arg1[%dma_wait3A_632, %dma_wait3A_633] : memref<1000x128xf32, #tpu.memory_space<hbm>> -> memref<1x128xf32, #tpu.memory_space<hbm>>
      tpu.wait_dma2 semaphore(%arg4 : memref<!tpu.dma_semaphore, #tpu.memory_space<semaphore_mem>>) src(%dma_wait3A_634 : memref<1x128xf32, #tpu.memory_space<hbm>>) dst(%dma_wait3A_631 : memref<1x128xf32, #tpu.memory_space<hbm>>)
      %dma_wait3A_635 = arith.constant 113 : i32
      %dma_wait3A_636 = arith.constant 0 : i32
      %dma_wait3A_637 = tpu.memref_slice %arg2[%dma_wait3A_635, %dma_wait3A_636] : memref<200x128xf32, #tpu.memory_space<hbm>> -> memref<1x128xf32, #tpu.memory_space<hbm>>
      %dma_wait3A_638 = arith.constant 14 : i32
      %dma_wait3A_639 = arith.constant 0 : i32
      %dma_wait3A_640 = tpu.memref_slice %arg1[%dma_wait3A_638, %dma_wait3A_639] : memref<1000x128xf32, #tpu.memory_space<hbm>> -> memref<1x128xf32, #tpu.memory_space<hbm>>
      tpu.wait_dma2 semaphore(%arg4 : memref<!tpu.dma_semaphore, #tpu.memory_space<semaphore_mem>>) src(%dma_wait3A_640 : memref<1x128xf32, #tpu.memory_space<hbm>>) dst(%dma_wait3A_637 : memref<1x128xf32, #tpu.memory_space<hbm>>)
      %dma_wait3A_641 = arith.constant 114 : i32
      %dma_wait3A_642 = arith.constant 0 : i32
      %dma_wait3A_643 = tpu.memref_slice %arg2[%dma_wait3A_641, %dma_wait3A_642] : memref<200x128xf32, #tpu.memory_space<hbm>> -> memref<1x128xf32, #tpu.memory_space<hbm>>
      %dma_wait3A_644 = arith.constant 14 : i32
      %dma_wait3A_645 = arith.constant 0 : i32
      %dma_wait3A_646 = tpu.memref_slice %arg1[%dma_wait3A_644, %dma_wait3A_645] : memref<1000x128xf32, #tpu.memory_space<hbm>> -> memref<1x128xf32, #tpu.memory_space<hbm>>
      tpu.wait_dma2 semaphore(%arg4 : memref<!tpu.dma_semaphore, #tpu.memory_space<semaphore_mem>>) src(%dma_wait3A_646 : memref<1x128xf32, #tpu.memory_space<hbm>>) dst(%dma_wait3A_643 : memref<1x128xf32, #tpu.memory_space<hbm>>)
      %dma_wait3A_647 = arith.constant 115 : i32
      %dma_wait3A_648 = arith.constant 0 : i32
      %dma_wait3A_649 = tpu.memref_slice %arg2[%dma_wait3A_647, %dma_wait3A_648] : memref<200x128xf32, #tpu.memory_space<hbm>> -> memref<1x128xf32, #tpu.memory_space<hbm>>
      %dma_wait3A_650 = arith.constant 14 : i32
      %dma_wait3A_651 = arith.constant 0 : i32
      %dma_wait3A_652 = tpu.memref_slice %arg1[%dma_wait3A_650, %dma_wait3A_651] : memref<1000x128xf32, #tpu.memory_space<hbm>> -> memref<1x128xf32, #tpu.memory_space<hbm>>
      tpu.wait_dma2 semaphore(%arg4 : memref<!tpu.dma_semaphore, #tpu.memory_space<semaphore_mem>>) src(%dma_wait3A_652 : memref<1x128xf32, #tpu.memory_space<hbm>>) dst(%dma_wait3A_649 : memref<1x128xf32, #tpu.memory_space<hbm>>)
      %dma_wait3A_653 = arith.constant 116 : i32
      %dma_wait3A_654 = arith.constant 0 : i32
      %dma_wait3A_655 = tpu.memref_slice %arg2[%dma_wait3A_653, %dma_wait3A_654] : memref<200x128xf32, #tpu.memory_space<hbm>> -> memref<1x128xf32, #tpu.memory_space<hbm>>
      %dma_wait3A_656 = arith.constant 14 : i32
      %dma_wait3A_657 = arith.constant 0 : i32
      %dma_wait3A_658 = tpu.memref_slice %arg1[%dma_wait3A_656, %dma_wait3A_657] : memref<1000x128xf32, #tpu.memory_space<hbm>> -> memref<1x128xf32, #tpu.memory_space<hbm>>
      tpu.wait_dma2 semaphore(%arg4 : memref<!tpu.dma_semaphore, #tpu.memory_space<semaphore_mem>>) src(%dma_wait3A_658 : memref<1x128xf32, #tpu.memory_space<hbm>>) dst(%dma_wait3A_655 : memref<1x128xf32, #tpu.memory_space<hbm>>)
      %dma_wait3A_659 = arith.constant 117 : i32
      %dma_wait3A_660 = arith.constant 0 : i32
      %dma_wait3A_661 = tpu.memref_slice %arg2[%dma_wait3A_659, %dma_wait3A_660] : memref<200x128xf32, #tpu.memory_space<hbm>> -> memref<1x128xf32, #tpu.memory_space<hbm>>
      %dma_wait3A_662 = arith.constant 14 : i32
      %dma_wait3A_663 = arith.constant 0 : i32
      %dma_wait3A_664 = tpu.memref_slice %arg1[%dma_wait3A_662, %dma_wait3A_663] : memref<1000x128xf32, #tpu.memory_space<hbm>> -> memref<1x128xf32, #tpu.memory_space<hbm>>
      tpu.wait_dma2 semaphore(%arg4 : memref<!tpu.dma_semaphore, #tpu.memory_space<semaphore_mem>>) src(%dma_wait3A_664 : memref<1x128xf32, #tpu.memory_space<hbm>>) dst(%dma_wait3A_661 : memref<1x128xf32, #tpu.memory_space<hbm>>)
      %dma_wait3A_665 = arith.constant 118 : i32
      %dma_wait3A_666 = arith.constant 0 : i32
      %dma_wait3A_667 = tpu.memref_slice %arg2[%dma_wait3A_665, %dma_wait3A_666] : memref<200x128xf32, #tpu.memory_space<hbm>> -> memref<1x128xf32, #tpu.memory_space<hbm>>
      %dma_wait3A_668 = arith.constant 14 : i32
      %dma_wait3A_669 = arith.constant 0 : i32
      %dma_wait3A_670 = tpu.memref_slice %arg1[%dma_wait3A_668, %dma_wait3A_669] : memref<1000x128xf32, #tpu.memory_space<hbm>> -> memref<1x128xf32, #tpu.memory_space<hbm>>
      tpu.wait_dma2 semaphore(%arg4 : memref<!tpu.dma_semaphore, #tpu.memory_space<semaphore_mem>>) src(%dma_wait3A_670 : memref<1x128xf32, #tpu.memory_space<hbm>>) dst(%dma_wait3A_667 : memref<1x128xf32, #tpu.memory_space<hbm>>)
      %dma_wait3A_671 = arith.constant 119 : i32
      %dma_wait3A_672 = arith.constant 0 : i32
      %dma_wait3A_673 = tpu.memref_slice %arg2[%dma_wait3A_671, %dma_wait3A_672] : memref<200x128xf32, #tpu.memory_space<hbm>> -> memref<1x128xf32, #tpu.memory_space<hbm>>
      %dma_wait3A_674 = arith.constant 14 : i32
      %dma_wait3A_675 = arith.constant 0 : i32
      %dma_wait3A_676 = tpu.memref_slice %arg1[%dma_wait3A_674, %dma_wait3A_675] : memref<1000x128xf32, #tpu.memory_space<hbm>> -> memref<1x128xf32, #tpu.memory_space<hbm>>
      tpu.wait_dma2 semaphore(%arg4 : memref<!tpu.dma_semaphore, #tpu.memory_space<semaphore_mem>>) src(%dma_wait3A_676 : memref<1x128xf32, #tpu.memory_space<hbm>>) dst(%dma_wait3A_673 : memref<1x128xf32, #tpu.memory_space<hbm>>)
      %dma_wait3A_677 = arith.constant 120 : i32
      %dma_wait3A_678 = arith.constant 0 : i32
      %dma_wait3A_679 = tpu.memref_slice %arg2[%dma_wait3A_677, %dma_wait3A_678] : memref<200x128xf32, #tpu.memory_space<hbm>> -> memref<1x128xf32, #tpu.memory_space<hbm>>
      %dma_wait3A_680 = arith.constant 15 : i32
      %dma_wait3A_681 = arith.constant 0 : i32
      %dma_wait3A_682 = tpu.memref_slice %arg1[%dma_wait3A_680, %dma_wait3A_681] : memref<1000x128xf32, #tpu.memory_space<hbm>> -> memref<1x128xf32, #tpu.memory_space<hbm>>
      tpu.wait_dma2 semaphore(%arg4 : memref<!tpu.dma_semaphore, #tpu.memory_space<semaphore_mem>>) src(%dma_wait3A_682 : memref<1x128xf32, #tpu.memory_space<hbm>>) dst(%dma_wait3A_679 : memref<1x128xf32, #tpu.memory_space<hbm>>)
      %dma_wait3A_683 = arith.constant 121 : i32
      %dma_wait3A_684 = arith.constant 0 : i32
      %dma_wait3A_685 = tpu.memref_slice %arg2[%dma_wait3A_683, %dma_wait3A_684] : memref<200x128xf32, #tpu.memory_space<hbm>> -> memref<1x128xf32, #tpu.memory_space<hbm>>
      %dma_wait3A_686 = arith.constant 15 : i32
      %dma_wait3A_687 = arith.constant 0 : i32
      %dma_wait3A_688 = tpu.memref_slice %arg1[%dma_wait3A_686, %dma_wait3A_687] : memref<1000x128xf32, #tpu.memory_space<hbm>> -> memref<1x128xf32, #tpu.memory_space<hbm>>
      tpu.wait_dma2 semaphore(%arg4 : memref<!tpu.dma_semaphore, #tpu.memory_space<semaphore_mem>>) src(%dma_wait3A_688 : memref<1x128xf32, #tpu.memory_space<hbm>>) dst(%dma_wait3A_685 : memref<1x128xf32, #tpu.memory_space<hbm>>)
      %dma_wait3A_689 = arith.constant 122 : i32
      %dma_wait3A_690 = arith.constant 0 : i32
      %dma_wait3A_691 = tpu.memref_slice %arg2[%dma_wait3A_689, %dma_wait3A_690] : memref<200x128xf32, #tpu.memory_space<hbm>> -> memref<1x128xf32, #tpu.memory_space<hbm>>
      %dma_wait3A_692 = arith.constant 15 : i32
      %dma_wait3A_693 = arith.constant 0 : i32
      %dma_wait3A_694 = tpu.memref_slice %arg1[%dma_wait3A_692, %dma_wait3A_693] : memref<1000x128xf32, #tpu.memory_space<hbm>> -> memref<1x128xf32, #tpu.memory_space<hbm>>
      tpu.wait_dma2 semaphore(%arg4 : memref<!tpu.dma_semaphore, #tpu.memory_space<semaphore_mem>>) src(%dma_wait3A_694 : memref<1x128xf32, #tpu.memory_space<hbm>>) dst(%dma_wait3A_691 : memref<1x128xf32, #tpu.memory_space<hbm>>)
      %dma_wait3A_695 = arith.constant 123 : i32
      %dma_wait3A_696 = arith.constant 0 : i32
      %dma_wait3A_697 = tpu.memref_slice %arg2[%dma_wait3A_695, %dma_wait3A_696] : memref<200x128xf32, #tpu.memory_space<hbm>> -> memref<1x128xf32, #tpu.memory_space<hbm>>
      %dma_wait3A_698 = arith.constant 15 : i32
      %dma_wait3A_699 = arith.constant 0 : i32
      %dma_wait3A_700 = tpu.memref_slice %arg1[%dma_wait3A_698, %dma_wait3A_699] : memref<1000x128xf32, #tpu.memory_space<hbm>> -> memref<1x128xf32, #tpu.memory_space<hbm>>
      tpu.wait_dma2 semaphore(%arg4 : memref<!tpu.dma_semaphore, #tpu.memory_space<semaphore_mem>>) src(%dma_wait3A_700 : memref<1x128xf32, #tpu.memory_space<hbm>>) dst(%dma_wait3A_697 : memref<1x128xf32, #tpu.memory_space<hbm>>)
      %dma_wait3A_701 = arith.constant 124 : i32
      %dma_wait3A_702 = arith.constant 0 : i32
      %dma_wait3A_703 = tpu.memref_slice %arg2[%dma_wait3A_701, %dma_wait3A_702] : memref<200x128xf32, #tpu.memory_space<hbm>> -> memref<1x128xf32, #tpu.memory_space<hbm>>
      %dma_wait3A_704 = arith.constant 15 : i32
      %dma_wait3A_705 = arith.constant 0 : i32
      %dma_wait3A_706 = tpu.memref_slice %arg1[%dma_wait3A_704, %dma_wait3A_705] : memref<1000x128xf32, #tpu.memory_space<hbm>> -> memref<1x128xf32, #tpu.memory_space<hbm>>
      tpu.wait_dma2 semaphore(%arg4 : memref<!tpu.dma_semaphore, #tpu.memory_space<semaphore_mem>>) src(%dma_wait3A_706 : memref<1x128xf32, #tpu.memory_space<hbm>>) dst(%dma_wait3A_703 : memref<1x128xf32, #tpu.memory_space<hbm>>)
      %dma_wait3A_707 = arith.constant 125 : i32
      %dma_wait3A_708 = arith.constant 0 : i32
      %dma_wait3A_709 = tpu.memref_slice %arg2[%dma_wait3A_707, %dma_wait3A_708] : memref<200x128xf32, #tpu.memory_space<hbm>> -> memref<1x128xf32, #tpu.memory_space<hbm>>
      %dma_wait3A_710 = arith.constant 15 : i32
      %dma_wait3A_711 = arith.constant 0 : i32
      %dma_wait3A_712 = tpu.memref_slice %arg1[%dma_wait3A_710, %dma_wait3A_711] : memref<1000x128xf32, #tpu.memory_space<hbm>> -> memref<1x128xf32, #tpu.memory_space<hbm>>
      tpu.wait_dma2 semaphore(%arg4 : memref<!tpu.dma_semaphore, #tpu.memory_space<semaphore_mem>>) src(%dma_wait3A_712 : memref<1x128xf32, #tpu.memory_space<hbm>>) dst(%dma_wait3A_709 : memref<1x128xf32, #tpu.memory_space<hbm>>)
      %dma_wait3A_713 = arith.constant 126 : i32
      %dma_wait3A_714 = arith.constant 0 : i32
      %dma_wait3A_715 = tpu.memref_slice %arg2[%dma_wait3A_713, %dma_wait3A_714] : memref<200x128xf32, #tpu.memory_space<hbm>> -> memref<1x128xf32, #tpu.memory_space<hbm>>
      %dma_wait3A_716 = arith.constant 15 : i32
      %dma_wait3A_717 = arith.constant 0 : i32
      %dma_wait3A_718 = tpu.memref_slice %arg1[%dma_wait3A_716, %dma_wait3A_717] : memref<1000x128xf32, #tpu.memory_space<hbm>> -> memref<1x128xf32, #tpu.memory_space<hbm>>
      tpu.wait_dma2 semaphore(%arg4 : memref<!tpu.dma_semaphore, #tpu.memory_space<semaphore_mem>>) src(%dma_wait3A_718 : memref<1x128xf32, #tpu.memory_space<hbm>>) dst(%dma_wait3A_715 : memref<1x128xf32, #tpu.memory_space<hbm>>)
      %dma_wait3A_719 = arith.constant 127 : i32
      %dma_wait3A_720 = arith.constant 0 : i32
      %dma_wait3A_721 = tpu.memref_slice %arg2[%dma_wait3A_719, %dma_wait3A_720] : memref<200x128xf32, #tpu.memory_space<hbm>> -> memref<1x128xf32, #tpu.memory_space<hbm>>
      %dma_wait3A_722 = arith.constant 15 : i32
      %dma_wait3A_723 = arith.constant 0 : i32
      %dma_wait3A_724 = tpu.memref_slice %arg1[%dma_wait3A_722, %dma_wait3A_723] : memref<1000x128xf32, #tpu.memory_space<hbm>> -> memref<1x128xf32, #tpu.memory_space<hbm>>
      tpu.wait_dma2 semaphore(%arg4 : memref<!tpu.dma_semaphore, #tpu.memory_space<semaphore_mem>>) src(%dma_wait3A_724 : memref<1x128xf32, #tpu.memory_space<hbm>>) dst(%dma_wait3A_721 : memref<1x128xf32, #tpu.memory_space<hbm>>)
      %dma_wait3A_725 = arith.constant 128 : i32
      %dma_wait3A_726 = arith.constant 0 : i32
      %dma_wait3A_727 = tpu.memref_slice %arg2[%dma_wait3A_725, %dma_wait3A_726] : memref<200x128xf32, #tpu.memory_space<hbm>> -> memref<1x128xf32, #tpu.memory_space<hbm>>
      %dma_wait3A_728 = arith.constant 16 : i32
      %dma_wait3A_729 = arith.constant 0 : i32
      %dma_wait3A_730 = tpu.memref_slice %arg1[%dma_wait3A_728, %dma_wait3A_729] : memref<1000x128xf32, #tpu.memory_space<hbm>> -> memref<1x128xf32, #tpu.memory_space<hbm>>
      tpu.wait_dma2 semaphore(%arg4 : memref<!tpu.dma_semaphore, #tpu.memory_space<semaphore_mem>>) src(%dma_wait3A_730 : memref<1x128xf32, #tpu.memory_space<hbm>>) dst(%dma_wait3A_727 : memref<1x128xf32, #tpu.memory_space<hbm>>)
      %dma_wait3A_731 = arith.constant 129 : i32
      %dma_wait3A_732 = arith.constant 0 : i32
      %dma_wait3A_733 = tpu.memref_slice %arg2[%dma_wait3A_731, %dma_wait3A_732] : memref<200x128xf32, #tpu.memory_space<hbm>> -> memref<1x128xf32, #tpu.memory_space<hbm>>
      %dma_wait3A_734 = arith.constant 16 : i32
      %dma_wait3A_735 = arith.constant 0 : i32
      %dma_wait3A_736 = tpu.memref_slice %arg1[%dma_wait3A_734, %dma_wait3A_735] : memref<1000x128xf32, #tpu.memory_space<hbm>> -> memref<1x128xf32, #tpu.memory_space<hbm>>
      tpu.wait_dma2 semaphore(%arg4 : memref<!tpu.dma_semaphore, #tpu.memory_space<semaphore_mem>>) src(%dma_wait3A_736 : memref<1x128xf32, #tpu.memory_space<hbm>>) dst(%dma_wait3A_733 : memref<1x128xf32, #tpu.memory_space<hbm>>)
      %dma_wait3A_737 = arith.constant 130 : i32
      %dma_wait3A_738 = arith.constant 0 : i32
      %dma_wait3A_739 = tpu.memref_slice %arg2[%dma_wait3A_737, %dma_wait3A_738] : memref<200x128xf32, #tpu.memory_space<hbm>> -> memref<1x128xf32, #tpu.memory_space<hbm>>
      %dma_wait3A_740 = arith.constant 16 : i32
      %dma_wait3A_741 = arith.constant 0 : i32
      %dma_wait3A_742 = tpu.memref_slice %arg1[%dma_wait3A_740, %dma_wait3A_741] : memref<1000x128xf32, #tpu.memory_space<hbm>> -> memref<1x128xf32, #tpu.memory_space<hbm>>
      tpu.wait_dma2 semaphore(%arg4 : memref<!tpu.dma_semaphore, #tpu.memory_space<semaphore_mem>>) src(%dma_wait3A_742 : memref<1x128xf32, #tpu.memory_space<hbm>>) dst(%dma_wait3A_739 : memref<1x128xf32, #tpu.memory_space<hbm>>)
      %dma_wait3A_743 = arith.constant 131 : i32
      %dma_wait3A_744 = arith.constant 0 : i32
      %dma_wait3A_745 = tpu.memref_slice %arg2[%dma_wait3A_743, %dma_wait3A_744] : memref<200x128xf32, #tpu.memory_space<hbm>> -> memref<1x128xf32, #tpu.memory_space<hbm>>
      %dma_wait3A_746 = arith.constant 16 : i32
      %dma_wait3A_747 = arith.constant 0 : i32
      %dma_wait3A_748 = tpu.memref_slice %arg1[%dma_wait3A_746, %dma_wait3A_747] : memref<1000x128xf32, #tpu.memory_space<hbm>> -> memref<1x128xf32, #tpu.memory_space<hbm>>
      tpu.wait_dma2 semaphore(%arg4 : memref<!tpu.dma_semaphore, #tpu.memory_space<semaphore_mem>>) src(%dma_wait3A_748 : memref<1x128xf32, #tpu.memory_space<hbm>>) dst(%dma_wait3A_745 : memref<1x128xf32, #tpu.memory_space<hbm>>)
      %dma_wait3A_749 = arith.constant 132 : i32
      %dma_wait3A_750 = arith.constant 0 : i32
      %dma_wait3A_751 = tpu.memref_slice %arg2[%dma_wait3A_749, %dma_wait3A_750] : memref<200x128xf32, #tpu.memory_space<hbm>> -> memref<1x128xf32, #tpu.memory_space<hbm>>
      %dma_wait3A_752 = arith.constant 16 : i32
      %dma_wait3A_753 = arith.constant 0 : i32
      %dma_wait3A_754 = tpu.memref_slice %arg1[%dma_wait3A_752, %dma_wait3A_753] : memref<1000x128xf32, #tpu.memory_space<hbm>> -> memref<1x128xf32, #tpu.memory_space<hbm>>
      tpu.wait_dma2 semaphore(%arg4 : memref<!tpu.dma_semaphore, #tpu.memory_space<semaphore_mem>>) src(%dma_wait3A_754 : memref<1x128xf32, #tpu.memory_space<hbm>>) dst(%dma_wait3A_751 : memref<1x128xf32, #tpu.memory_space<hbm>>)
      %dma_wait3A_755 = arith.constant 133 : i32
      %dma_wait3A_756 = arith.constant 0 : i32
      %dma_wait3A_757 = tpu.memref_slice %arg2[%dma_wait3A_755, %dma_wait3A_756] : memref<200x128xf32, #tpu.memory_space<hbm>> -> memref<1x128xf32, #tpu.memory_space<hbm>>
      %dma_wait3A_758 = arith.constant 16 : i32
      %dma_wait3A_759 = arith.constant 0 : i32
      %dma_wait3A_760 = tpu.memref_slice %arg1[%dma_wait3A_758, %dma_wait3A_759] : memref<1000x128xf32, #tpu.memory_space<hbm>> -> memref<1x128xf32, #tpu.memory_space<hbm>>
      tpu.wait_dma2 semaphore(%arg4 : memref<!tpu.dma_semaphore, #tpu.memory_space<semaphore_mem>>) src(%dma_wait3A_760 : memref<1x128xf32, #tpu.memory_space<hbm>>) dst(%dma_wait3A_757 : memref<1x128xf32, #tpu.memory_space<hbm>>)
      %dma_wait3A_761 = arith.constant 134 : i32
      %dma_wait3A_762 = arith.constant 0 : i32
      %dma_wait3A_763 = tpu.memref_slice %arg2[%dma_wait3A_761, %dma_wait3A_762] : memref<200x128xf32, #tpu.memory_space<hbm>> -> memref<1x128xf32, #tpu.memory_space<hbm>>
      %dma_wait3A_764 = arith.constant 16 : i32
      %dma_wait3A_765 = arith.constant 0 : i32
      %dma_wait3A_766 = tpu.memref_slice %arg1[%dma_wait3A_764, %dma_wait3A_765] : memref<1000x128xf32, #tpu.memory_space<hbm>> -> memref<1x128xf32, #tpu.memory_space<hbm>>
      tpu.wait_dma2 semaphore(%arg4 : memref<!tpu.dma_semaphore, #tpu.memory_space<semaphore_mem>>) src(%dma_wait3A_766 : memref<1x128xf32, #tpu.memory_space<hbm>>) dst(%dma_wait3A_763 : memref<1x128xf32, #tpu.memory_space<hbm>>)
      %dma_wait3A_767 = arith.constant 135 : i32
      %dma_wait3A_768 = arith.constant 0 : i32
      %dma_wait3A_769 = tpu.memref_slice %arg2[%dma_wait3A_767, %dma_wait3A_768] : memref<200x128xf32, #tpu.memory_space<hbm>> -> memref<1x128xf32, #tpu.memory_space<hbm>>
      %dma_wait3A_770 = arith.constant 16 : i32
      %dma_wait3A_771 = arith.constant 0 : i32
      %dma_wait3A_772 = tpu.memref_slice %arg1[%dma_wait3A_770, %dma_wait3A_771] : memref<1000x128xf32, #tpu.memory_space<hbm>> -> memref<1x128xf32, #tpu.memory_space<hbm>>
      tpu.wait_dma2 semaphore(%arg4 : memref<!tpu.dma_semaphore, #tpu.memory_space<semaphore_mem>>) src(%dma_wait3A_772 : memref<1x128xf32, #tpu.memory_space<hbm>>) dst(%dma_wait3A_769 : memref<1x128xf32, #tpu.memory_space<hbm>>)
      %dma_wait3A_773 = arith.constant 136 : i32
      %dma_wait3A_774 = arith.constant 0 : i32
      %dma_wait3A_775 = tpu.memref_slice %arg2[%dma_wait3A_773, %dma_wait3A_774] : memref<200x128xf32, #tpu.memory_space<hbm>> -> memref<1x128xf32, #tpu.memory_space<hbm>>
      %dma_wait3A_776 = arith.constant 17 : i32
      %dma_wait3A_777 = arith.constant 0 : i32
      %dma_wait3A_778 = tpu.memref_slice %arg1[%dma_wait3A_776, %dma_wait3A_777] : memref<1000x128xf32, #tpu.memory_space<hbm>> -> memref<1x128xf32, #tpu.memory_space<hbm>>
      tpu.wait_dma2 semaphore(%arg4 : memref<!tpu.dma_semaphore, #tpu.memory_space<semaphore_mem>>) src(%dma_wait3A_778 : memref<1x128xf32, #tpu.memory_space<hbm>>) dst(%dma_wait3A_775 : memref<1x128xf32, #tpu.memory_space<hbm>>)
      %dma_wait3A_779 = arith.constant 137 : i32
      %dma_wait3A_780 = arith.constant 0 : i32
      %dma_wait3A_781 = tpu.memref_slice %arg2[%dma_wait3A_779, %dma_wait3A_780] : memref<200x128xf32, #tpu.memory_space<hbm>> -> memref<1x128xf32, #tpu.memory_space<hbm>>
      %dma_wait3A_782 = arith.constant 17 : i32
      %dma_wait3A_783 = arith.constant 0 : i32
      %dma_wait3A_784 = tpu.memref_slice %arg1[%dma_wait3A_782, %dma_wait3A_783] : memref<1000x128xf32, #tpu.memory_space<hbm>> -> memref<1x128xf32, #tpu.memory_space<hbm>>
      tpu.wait_dma2 semaphore(%arg4 : memref<!tpu.dma_semaphore, #tpu.memory_space<semaphore_mem>>) src(%dma_wait3A_784 : memref<1x128xf32, #tpu.memory_space<hbm>>) dst(%dma_wait3A_781 : memref<1x128xf32, #tpu.memory_space<hbm>>)
      %dma_wait3A_785 = arith.constant 138 : i32
      %dma_wait3A_786 = arith.constant 0 : i32
      %dma_wait3A_787 = tpu.memref_slice %arg2[%dma_wait3A_785, %dma_wait3A_786] : memref<200x128xf32, #tpu.memory_space<hbm>> -> memref<1x128xf32, #tpu.memory_space<hbm>>
      %dma_wait3A_788 = arith.constant 17 : i32
      %dma_wait3A_789 = arith.constant 0 : i32
      %dma_wait3A_790 = tpu.memref_slice %arg1[%dma_wait3A_788, %dma_wait3A_789] : memref<1000x128xf32, #tpu.memory_space<hbm>> -> memref<1x128xf32, #tpu.memory_space<hbm>>
      tpu.wait_dma2 semaphore(%arg4 : memref<!tpu.dma_semaphore, #tpu.memory_space<semaphore_mem>>) src(%dma_wait3A_790 : memref<1x128xf32, #tpu.memory_space<hbm>>) dst(%dma_wait3A_787 : memref<1x128xf32, #tpu.memory_space<hbm>>)
      %dma_wait3A_791 = arith.constant 139 : i32
      %dma_wait3A_792 = arith.constant 0 : i32
      %dma_wait3A_793 = tpu.memref_slice %arg2[%dma_wait3A_791, %dma_wait3A_792] : memref<200x128xf32, #tpu.memory_space<hbm>> -> memref<1x128xf32, #tpu.memory_space<hbm>>
      %dma_wait3A_794 = arith.constant 17 : i32
      %dma_wait3A_795 = arith.constant 0 : i32
      %dma_wait3A_796 = tpu.memref_slice %arg1[%dma_wait3A_794, %dma_wait3A_795] : memref<1000x128xf32, #tpu.memory_space<hbm>> -> memref<1x128xf32, #tpu.memory_space<hbm>>
      tpu.wait_dma2 semaphore(%arg4 : memref<!tpu.dma_semaphore, #tpu.memory_space<semaphore_mem>>) src(%dma_wait3A_796 : memref<1x128xf32, #tpu.memory_space<hbm>>) dst(%dma_wait3A_793 : memref<1x128xf32, #tpu.memory_space<hbm>>)
      %dma_wait3A_797 = arith.constant 140 : i32
      %dma_wait3A_798 = arith.constant 0 : i32
      %dma_wait3A_799 = tpu.memref_slice %arg2[%dma_wait3A_797, %dma_wait3A_798] : memref<200x128xf32, #tpu.memory_space<hbm>> -> memref<1x128xf32, #tpu.memory_space<hbm>>
      %dma_wait3A_800 = arith.constant 17 : i32
      %dma_wait3A_801 = arith.constant 0 : i32
      %dma_wait3A_802 = tpu.memref_slice %arg1[%dma_wait3A_800, %dma_wait3A_801] : memref<1000x128xf32, #tpu.memory_space<hbm>> -> memref<1x128xf32, #tpu.memory_space<hbm>>
      tpu.wait_dma2 semaphore(%arg4 : memref<!tpu.dma_semaphore, #tpu.memory_space<semaphore_mem>>) src(%dma_wait3A_802 : memref<1x128xf32, #tpu.memory_space<hbm>>) dst(%dma_wait3A_799 : memref<1x128xf32, #tpu.memory_space<hbm>>)
      %dma_wait3A_803 = arith.constant 141 : i32
      %dma_wait3A_804 = arith.constant 0 : i32
      %dma_wait3A_805 = tpu.memref_slice %arg2[%dma_wait3A_803, %dma_wait3A_804] : memref<200x128xf32, #tpu.memory_space<hbm>> -> memref<1x128xf32, #tpu.memory_space<hbm>>
      %dma_wait3A_806 = arith.constant 17 : i32
      %dma_wait3A_807 = arith.constant 0 : i32
      %dma_wait3A_808 = tpu.memref_slice %arg1[%dma_wait3A_806, %dma_wait3A_807] : memref<1000x128xf32, #tpu.memory_space<hbm>> -> memref<1x128xf32, #tpu.memory_space<hbm>>
      tpu.wait_dma2 semaphore(%arg4 : memref<!tpu.dma_semaphore, #tpu.memory_space<semaphore_mem>>) src(%dma_wait3A_808 : memref<1x128xf32, #tpu.memory_space<hbm>>) dst(%dma_wait3A_805 : memref<1x128xf32, #tpu.memory_space<hbm>>)
      %dma_wait3A_809 = arith.constant 142 : i32
      %dma_wait3A_810 = arith.constant 0 : i32
      %dma_wait3A_811 = tpu.memref_slice %arg2[%dma_wait3A_809, %dma_wait3A_810] : memref<200x128xf32, #tpu.memory_space<hbm>> -> memref<1x128xf32, #tpu.memory_space<hbm>>
      %dma_wait3A_812 = arith.constant 17 : i32
      %dma_wait3A_813 = arith.constant 0 : i32
      %dma_wait3A_814 = tpu.memref_slice %arg1[%dma_wait3A_812, %dma_wait3A_813] : memref<1000x128xf32, #tpu.memory_space<hbm>> -> memref<1x128xf32, #tpu.memory_space<hbm>>
      tpu.wait_dma2 semaphore(%arg4 : memref<!tpu.dma_semaphore, #tpu.memory_space<semaphore_mem>>) src(%dma_wait3A_814 : memref<1x128xf32, #tpu.memory_space<hbm>>) dst(%dma_wait3A_811 : memref<1x128xf32, #tpu.memory_space<hbm>>)
      %dma_wait3A_815 = arith.constant 143 : i32
      %dma_wait3A_816 = arith.constant 0 : i32
      %dma_wait3A_817 = tpu.memref_slice %arg2[%dma_wait3A_815, %dma_wait3A_816] : memref<200x128xf32, #tpu.memory_space<hbm>> -> memref<1x128xf32, #tpu.memory_space<hbm>>
      %dma_wait3A_818 = arith.constant 17 : i32
      %dma_wait3A_819 = arith.constant 0 : i32
      %dma_wait3A_820 = tpu.memref_slice %arg1[%dma_wait3A_818, %dma_wait3A_819] : memref<1000x128xf32, #tpu.memory_space<hbm>> -> memref<1x128xf32, #tpu.memory_space<hbm>>
      tpu.wait_dma2 semaphore(%arg4 : memref<!tpu.dma_semaphore, #tpu.memory_space<semaphore_mem>>) src(%dma_wait3A_820 : memref<1x128xf32, #tpu.memory_space<hbm>>) dst(%dma_wait3A_817 : memref<1x128xf32, #tpu.memory_space<hbm>>)
      %dma_wait3A_821 = arith.constant 144 : i32
      %dma_wait3A_822 = arith.constant 0 : i32
      %dma_wait3A_823 = tpu.memref_slice %arg2[%dma_wait3A_821, %dma_wait3A_822] : memref<200x128xf32, #tpu.memory_space<hbm>> -> memref<1x128xf32, #tpu.memory_space<hbm>>
      %dma_wait3A_824 = arith.constant 18 : i32
      %dma_wait3A_825 = arith.constant 0 : i32
      %dma_wait3A_826 = tpu.memref_slice %arg1[%dma_wait3A_824, %dma_wait3A_825] : memref<1000x128xf32, #tpu.memory_space<hbm>> -> memref<1x128xf32, #tpu.memory_space<hbm>>
      tpu.wait_dma2 semaphore(%arg4 : memref<!tpu.dma_semaphore, #tpu.memory_space<semaphore_mem>>) src(%dma_wait3A_826 : memref<1x128xf32, #tpu.memory_space<hbm>>) dst(%dma_wait3A_823 : memref<1x128xf32, #tpu.memory_space<hbm>>)
      %dma_wait3A_827 = arith.constant 145 : i32
      %dma_wait3A_828 = arith.constant 0 : i32
      %dma_wait3A_829 = tpu.memref_slice %arg2[%dma_wait3A_827, %dma_wait3A_828] : memref<200x128xf32, #tpu.memory_space<hbm>> -> memref<1x128xf32, #tpu.memory_space<hbm>>
      %dma_wait3A_830 = arith.constant 18 : i32
      %dma_wait3A_831 = arith.constant 0 : i32
      %dma_wait3A_832 = tpu.memref_slice %arg1[%dma_wait3A_830, %dma_wait3A_831] : memref<1000x128xf32, #tpu.memory_space<hbm>> -> memref<1x128xf32, #tpu.memory_space<hbm>>
      tpu.wait_dma2 semaphore(%arg4 : memref<!tpu.dma_semaphore, #tpu.memory_space<semaphore_mem>>) src(%dma_wait3A_832 : memref<1x128xf32, #tpu.memory_space<hbm>>) dst(%dma_wait3A_829 : memref<1x128xf32, #tpu.memory_space<hbm>>)
      %dma_wait3A_833 = arith.constant 146 : i32
      %dma_wait3A_834 = arith.constant 0 : i32
      %dma_wait3A_835 = tpu.memref_slice %arg2[%dma_wait3A_833, %dma_wait3A_834] : memref<200x128xf32, #tpu.memory_space<hbm>> -> memref<1x128xf32, #tpu.memory_space<hbm>>
      %dma_wait3A_836 = arith.constant 18 : i32
      %dma_wait3A_837 = arith.constant 0 : i32
      %dma_wait3A_838 = tpu.memref_slice %arg1[%dma_wait3A_836, %dma_wait3A_837] : memref<1000x128xf32, #tpu.memory_space<hbm>> -> memref<1x128xf32, #tpu.memory_space<hbm>>
      tpu.wait_dma2 semaphore(%arg4 : memref<!tpu.dma_semaphore, #tpu.memory_space<semaphore_mem>>) src(%dma_wait3A_838 : memref<1x128xf32, #tpu.memory_space<hbm>>) dst(%dma_wait3A_835 : memref<1x128xf32, #tpu.memory_space<hbm>>)
      %dma_wait3A_839 = arith.constant 147 : i32
      %dma_wait3A_840 = arith.constant 0 : i32
      %dma_wait3A_841 = tpu.memref_slice %arg2[%dma_wait3A_839, %dma_wait3A_840] : memref<200x128xf32, #tpu.memory_space<hbm>> -> memref<1x128xf32, #tpu.memory_space<hbm>>
      %dma_wait3A_842 = arith.constant 18 : i32
      %dma_wait3A_843 = arith.constant 0 : i32
      %dma_wait3A_844 = tpu.memref_slice %arg1[%dma_wait3A_842, %dma_wait3A_843] : memref<1000x128xf32, #tpu.memory_space<hbm>> -> memref<1x128xf32, #tpu.memory_space<hbm>>
      tpu.wait_dma2 semaphore(%arg4 : memref<!tpu.dma_semaphore, #tpu.memory_space<semaphore_mem>>) src(%dma_wait3A_844 : memref<1x128xf32, #tpu.memory_space<hbm>>) dst(%dma_wait3A_841 : memref<1x128xf32, #tpu.memory_space<hbm>>)
      %dma_wait3A_845 = arith.constant 148 : i32
      %dma_wait3A_846 = arith.constant 0 : i32
      %dma_wait3A_847 = tpu.memref_slice %arg2[%dma_wait3A_845, %dma_wait3A_846] : memref<200x128xf32, #tpu.memory_space<hbm>> -> memref<1x128xf32, #tpu.memory_space<hbm>>
      %dma_wait3A_848 = arith.constant 18 : i32
      %dma_wait3A_849 = arith.constant 0 : i32
      %dma_wait3A_850 = tpu.memref_slice %arg1[%dma_wait3A_848, %dma_wait3A_849] : memref<1000x128xf32, #tpu.memory_space<hbm>> -> memref<1x128xf32, #tpu.memory_space<hbm>>
      tpu.wait_dma2 semaphore(%arg4 : memref<!tpu.dma_semaphore, #tpu.memory_space<semaphore_mem>>) src(%dma_wait3A_850 : memref<1x128xf32, #tpu.memory_space<hbm>>) dst(%dma_wait3A_847 : memref<1x128xf32, #tpu.memory_space<hbm>>)
      %dma_wait3A_851 = arith.constant 149 : i32
      %dma_wait3A_852 = arith.constant 0 : i32
      %dma_wait3A_853 = tpu.memref_slice %arg2[%dma_wait3A_851, %dma_wait3A_852] : memref<200x128xf32, #tpu.memory_space<hbm>> -> memref<1x128xf32, #tpu.memory_space<hbm>>
      %dma_wait3A_854 = arith.constant 18 : i32
      %dma_wait3A_855 = arith.constant 0 : i32
      %dma_wait3A_856 = tpu.memref_slice %arg1[%dma_wait3A_854, %dma_wait3A_855] : memref<1000x128xf32, #tpu.memory_space<hbm>> -> memref<1x128xf32, #tpu.memory_space<hbm>>
      tpu.wait_dma2 semaphore(%arg4 : memref<!tpu.dma_semaphore, #tpu.memory_space<semaphore_mem>>) src(%dma_wait3A_856 : memref<1x128xf32, #tpu.memory_space<hbm>>) dst(%dma_wait3A_853 : memref<1x128xf32, #tpu.memory_space<hbm>>)
      %dma_wait3A_857 = arith.constant 150 : i32
      %dma_wait3A_858 = arith.constant 0 : i32
      %dma_wait3A_859 = tpu.memref_slice %arg2[%dma_wait3A_857, %dma_wait3A_858] : memref<200x128xf32, #tpu.memory_space<hbm>> -> memref<1x128xf32, #tpu.memory_space<hbm>>
      %dma_wait3A_860 = arith.constant 18 : i32
      %dma_wait3A_861 = arith.constant 0 : i32
      %dma_wait3A_862 = tpu.memref_slice %arg1[%dma_wait3A_860, %dma_wait3A_861] : memref<1000x128xf32, #tpu.memory_space<hbm>> -> memref<1x128xf32, #tpu.memory_space<hbm>>
      tpu.wait_dma2 semaphore(%arg4 : memref<!tpu.dma_semaphore, #tpu.memory_space<semaphore_mem>>) src(%dma_wait3A_862 : memref<1x128xf32, #tpu.memory_space<hbm>>) dst(%dma_wait3A_859 : memref<1x128xf32, #tpu.memory_space<hbm>>)
      %dma_wait3A_863 = arith.constant 151 : i32
      %dma_wait3A_864 = arith.constant 0 : i32
      %dma_wait3A_865 = tpu.memref_slice %arg2[%dma_wait3A_863, %dma_wait3A_864] : memref<200x128xf32, #tpu.memory_space<hbm>> -> memref<1x128xf32, #tpu.memory_space<hbm>>
      %dma_wait3A_866 = arith.constant 18 : i32
      %dma_wait3A_867 = arith.constant 0 : i32
      %dma_wait3A_868 = tpu.memref_slice %arg1[%dma_wait3A_866, %dma_wait3A_867] : memref<1000x128xf32, #tpu.memory_space<hbm>> -> memref<1x128xf32, #tpu.memory_space<hbm>>
      tpu.wait_dma2 semaphore(%arg4 : memref<!tpu.dma_semaphore, #tpu.memory_space<semaphore_mem>>) src(%dma_wait3A_868 : memref<1x128xf32, #tpu.memory_space<hbm>>) dst(%dma_wait3A_865 : memref<1x128xf32, #tpu.memory_space<hbm>>)
      %dma_wait3A_869 = arith.constant 152 : i32
      %dma_wait3A_870 = arith.constant 0 : i32
      %dma_wait3A_871 = tpu.memref_slice %arg2[%dma_wait3A_869, %dma_wait3A_870] : memref<200x128xf32, #tpu.memory_space<hbm>> -> memref<1x128xf32, #tpu.memory_space<hbm>>
      %dma_wait3A_872 = arith.constant 19 : i32
      %dma_wait3A_873 = arith.constant 0 : i32
      %dma_wait3A_874 = tpu.memref_slice %arg1[%dma_wait3A_872, %dma_wait3A_873] : memref<1000x128xf32, #tpu.memory_space<hbm>> -> memref<1x128xf32, #tpu.memory_space<hbm>>
      tpu.wait_dma2 semaphore(%arg4 : memref<!tpu.dma_semaphore, #tpu.memory_space<semaphore_mem>>) src(%dma_wait3A_874 : memref<1x128xf32, #tpu.memory_space<hbm>>) dst(%dma_wait3A_871 : memref<1x128xf32, #tpu.memory_space<hbm>>)
      %dma_wait3A_875 = arith.constant 153 : i32
      %dma_wait3A_876 = arith.constant 0 : i32
      %dma_wait3A_877 = tpu.memref_slice %arg2[%dma_wait3A_875, %dma_wait3A_876] : memref<200x128xf32, #tpu.memory_space<hbm>> -> memref<1x128xf32, #tpu.memory_space<hbm>>
      %dma_wait3A_878 = arith.constant 19 : i32
      %dma_wait3A_879 = arith.constant 0 : i32
      %dma_wait3A_880 = tpu.memref_slice %arg1[%dma_wait3A_878, %dma_wait3A_879] : memref<1000x128xf32, #tpu.memory_space<hbm>> -> memref<1x128xf32, #tpu.memory_space<hbm>>
      tpu.wait_dma2 semaphore(%arg4 : memref<!tpu.dma_semaphore, #tpu.memory_space<semaphore_mem>>) src(%dma_wait3A_880 : memref<1x128xf32, #tpu.memory_space<hbm>>) dst(%dma_wait3A_877 : memref<1x128xf32, #tpu.memory_space<hbm>>)
      %dma_wait3A_881 = arith.constant 154 : i32
      %dma_wait3A_882 = arith.constant 0 : i32
      %dma_wait3A_883 = tpu.memref_slice %arg2[%dma_wait3A_881, %dma_wait3A_882] : memref<200x128xf32, #tpu.memory_space<hbm>> -> memref<1x128xf32, #tpu.memory_space<hbm>>
      %dma_wait3A_884 = arith.constant 19 : i32
      %dma_wait3A_885 = arith.constant 0 : i32
      %dma_wait3A_886 = tpu.memref_slice %arg1[%dma_wait3A_884, %dma_wait3A_885] : memref<1000x128xf32, #tpu.memory_space<hbm>> -> memref<1x128xf32, #tpu.memory_space<hbm>>
      tpu.wait_dma2 semaphore(%arg4 : memref<!tpu.dma_semaphore, #tpu.memory_space<semaphore_mem>>) src(%dma_wait3A_886 : memref<1x128xf32, #tpu.memory_space<hbm>>) dst(%dma_wait3A_883 : memref<1x128xf32, #tpu.memory_space<hbm>>)
      %dma_wait3A_887 = arith.constant 155 : i32
      %dma_wait3A_888 = arith.constant 0 : i32
      %dma_wait3A_889 = tpu.memref_slice %arg2[%dma_wait3A_887, %dma_wait3A_888] : memref<200x128xf32, #tpu.memory_space<hbm>> -> memref<1x128xf32, #tpu.memory_space<hbm>>
      %dma_wait3A_890 = arith.constant 19 : i32
      %dma_wait3A_891 = arith.constant 0 : i32
      %dma_wait3A_892 = tpu.memref_slice %arg1[%dma_wait3A_890, %dma_wait3A_891] : memref<1000x128xf32, #tpu.memory_space<hbm>> -> memref<1x128xf32, #tpu.memory_space<hbm>>
      tpu.wait_dma2 semaphore(%arg4 : memref<!tpu.dma_semaphore, #tpu.memory_space<semaphore_mem>>) src(%dma_wait3A_892 : memref<1x128xf32, #tpu.memory_space<hbm>>) dst(%dma_wait3A_889 : memref<1x128xf32, #tpu.memory_space<hbm>>)
      %dma_wait3A_893 = arith.constant 156 : i32
      %dma_wait3A_894 = arith.constant 0 : i32
      %dma_wait3A_895 = tpu.memref_slice %arg2[%dma_wait3A_893, %dma_wait3A_894] : memref<200x128xf32, #tpu.memory_space<hbm>> -> memref<1x128xf32, #tpu.memory_space<hbm>>
      %dma_wait3A_896 = arith.constant 19 : i32
      %dma_wait3A_897 = arith.constant 0 : i32
      %dma_wait3A_898 = tpu.memref_slice %arg1[%dma_wait3A_896, %dma_wait3A_897] : memref<1000x128xf32, #tpu.memory_space<hbm>> -> memref<1x128xf32, #tpu.memory_space<hbm>>
      tpu.wait_dma2 semaphore(%arg4 : memref<!tpu.dma_semaphore, #tpu.memory_space<semaphore_mem>>) src(%dma_wait3A_898 : memref<1x128xf32, #tpu.memory_space<hbm>>) dst(%dma_wait3A_895 : memref<1x128xf32, #tpu.memory_space<hbm>>)
      %dma_wait3A_899 = arith.constant 157 : i32
      %dma_wait3A_900 = arith.constant 0 : i32
      %dma_wait3A_901 = tpu.memref_slice %arg2[%dma_wait3A_899, %dma_wait3A_900] : memref<200x128xf32, #tpu.memory_space<hbm>> -> memref<1x128xf32, #tpu.memory_space<hbm>>
      %dma_wait3A_902 = arith.constant 19 : i32
      %dma_wait3A_903 = arith.constant 0 : i32
      %dma_wait3A_904 = tpu.memref_slice %arg1[%dma_wait3A_902, %dma_wait3A_903] : memref<1000x128xf32, #tpu.memory_space<hbm>> -> memref<1x128xf32, #tpu.memory_space<hbm>>
      tpu.wait_dma2 semaphore(%arg4 : memref<!tpu.dma_semaphore, #tpu.memory_space<semaphore_mem>>) src(%dma_wait3A_904 : memref<1x128xf32, #tpu.memory_space<hbm>>) dst(%dma_wait3A_901 : memref<1x128xf32, #tpu.memory_space<hbm>>)
      %dma_wait3A_905 = arith.constant 158 : i32
      %dma_wait3A_906 = arith.constant 0 : i32
      %dma_wait3A_907 = tpu.memref_slice %arg2[%dma_wait3A_905, %dma_wait3A_906] : memref<200x128xf32, #tpu.memory_space<hbm>> -> memref<1x128xf32, #tpu.memory_space<hbm>>
      %dma_wait3A_908 = arith.constant 19 : i32
      %dma_wait3A_909 = arith.constant 0 : i32
      %dma_wait3A_910 = tpu.memref_slice %arg1[%dma_wait3A_908, %dma_wait3A_909] : memref<1000x128xf32, #tpu.memory_space<hbm>> -> memref<1x128xf32, #tpu.memory_space<hbm>>
      tpu.wait_dma2 semaphore(%arg4 : memref<!tpu.dma_semaphore, #tpu.memory_space<semaphore_mem>>) src(%dma_wait3A_910 : memref<1x128xf32, #tpu.memory_space<hbm>>) dst(%dma_wait3A_907 : memref<1x128xf32, #tpu.memory_space<hbm>>)
      %dma_wait3A_911 = arith.constant 159 : i32
      %dma_wait3A_912 = arith.constant 0 : i32
      %dma_wait3A_913 = tpu.memref_slice %arg2[%dma_wait3A_911, %dma_wait3A_912] : memref<200x128xf32, #tpu.memory_space<hbm>> -> memref<1x128xf32, #tpu.memory_space<hbm>>
      %dma_wait3A_914 = arith.constant 19 : i32
      %dma_wait3A_915 = arith.constant 0 : i32
      %dma_wait3A_916 = tpu.memref_slice %arg1[%dma_wait3A_914, %dma_wait3A_915] : memref<1000x128xf32, #tpu.memory_space<hbm>> -> memref<1x128xf32, #tpu.memory_space<hbm>>
      tpu.wait_dma2 semaphore(%arg4 : memref<!tpu.dma_semaphore, #tpu.memory_space<semaphore_mem>>) src(%dma_wait3A_916 : memref<1x128xf32, #tpu.memory_space<hbm>>) dst(%dma_wait3A_913 : memref<1x128xf32, #tpu.memory_space<hbm>>)
      %dma_wait3A_917 = arith.constant 160 : i32
      %dma_wait3A_918 = arith.constant 0 : i32
      %dma_wait3A_919 = tpu.memref_slice %arg2[%dma_wait3A_917, %dma_wait3A_918] : memref<200x128xf32, #tpu.memory_space<hbm>> -> memref<1x128xf32, #tpu.memory_space<hbm>>
      %dma_wait3A_920 = arith.constant 20 : i32
      %dma_wait3A_921 = arith.constant 0 : i32
      %dma_wait3A_922 = tpu.memref_slice %arg1[%dma_wait3A_920, %dma_wait3A_921] : memref<1000x128xf32, #tpu.memory_space<hbm>> -> memref<1x128xf32, #tpu.memory_space<hbm>>
      tpu.wait_dma2 semaphore(%arg4 : memref<!tpu.dma_semaphore, #tpu.memory_space<semaphore_mem>>) src(%dma_wait3A_922 : memref<1x128xf32, #tpu.memory_space<hbm>>) dst(%dma_wait3A_919 : memref<1x128xf32, #tpu.memory_space<hbm>>)
      %dma_wait3A_923 = arith.constant 161 : i32
      %dma_wait3A_924 = arith.constant 0 : i32
      %dma_wait3A_925 = tpu.memref_slice %arg2[%dma_wait3A_923, %dma_wait3A_924] : memref<200x128xf32, #tpu.memory_space<hbm>> -> memref<1x128xf32, #tpu.memory_space<hbm>>
      %dma_wait3A_926 = arith.constant 20 : i32
      %dma_wait3A_927 = arith.constant 0 : i32
      %dma_wait3A_928 = tpu.memref_slice %arg1[%dma_wait3A_926, %dma_wait3A_927] : memref<1000x128xf32, #tpu.memory_space<hbm>> -> memref<1x128xf32, #tpu.memory_space<hbm>>
      tpu.wait_dma2 semaphore(%arg4 : memref<!tpu.dma_semaphore, #tpu.memory_space<semaphore_mem>>) src(%dma_wait3A_928 : memref<1x128xf32, #tpu.memory_space<hbm>>) dst(%dma_wait3A_925 : memref<1x128xf32, #tpu.memory_space<hbm>>)
      %dma_wait3A_929 = arith.constant 162 : i32
      %dma_wait3A_930 = arith.constant 0 : i32
      %dma_wait3A_931 = tpu.memref_slice %arg2[%dma_wait3A_929, %dma_wait3A_930] : memref<200x128xf32, #tpu.memory_space<hbm>> -> memref<1x128xf32, #tpu.memory_space<hbm>>
      %dma_wait3A_932 = arith.constant 20 : i32
      %dma_wait3A_933 = arith.constant 0 : i32
      %dma_wait3A_934 = tpu.memref_slice %arg1[%dma_wait3A_932, %dma_wait3A_933] : memref<1000x128xf32, #tpu.memory_space<hbm>> -> memref<1x128xf32, #tpu.memory_space<hbm>>
      tpu.wait_dma2 semaphore(%arg4 : memref<!tpu.dma_semaphore, #tpu.memory_space<semaphore_mem>>) src(%dma_wait3A_934 : memref<1x128xf32, #tpu.memory_space<hbm>>) dst(%dma_wait3A_931 : memref<1x128xf32, #tpu.memory_space<hbm>>)
      %dma_wait3A_935 = arith.constant 163 : i32
      %dma_wait3A_936 = arith.constant 0 : i32
      %dma_wait3A_937 = tpu.memref_slice %arg2[%dma_wait3A_935, %dma_wait3A_936] : memref<200x128xf32, #tpu.memory_space<hbm>> -> memref<1x128xf32, #tpu.memory_space<hbm>>
      %dma_wait3A_938 = arith.constant 20 : i32
      %dma_wait3A_939 = arith.constant 0 : i32
      %dma_wait3A_940 = tpu.memref_slice %arg1[%dma_wait3A_938, %dma_wait3A_939] : memref<1000x128xf32, #tpu.memory_space<hbm>> -> memref<1x128xf32, #tpu.memory_space<hbm>>
      tpu.wait_dma2 semaphore(%arg4 : memref<!tpu.dma_semaphore, #tpu.memory_space<semaphore_mem>>) src(%dma_wait3A_940 : memref<1x128xf32, #tpu.memory_space<hbm>>) dst(%dma_wait3A_937 : memref<1x128xf32, #tpu.memory_space<hbm>>)
      %dma_wait3A_941 = arith.constant 164 : i32
      %dma_wait3A_942 = arith.constant 0 : i32
      %dma_wait3A_943 = tpu.memref_slice %arg2[%dma_wait3A_941, %dma_wait3A_942] : memref<200x128xf32, #tpu.memory_space<hbm>> -> memref<1x128xf32, #tpu.memory_space<hbm>>
      %dma_wait3A_944 = arith.constant 20 : i32
      %dma_wait3A_945 = arith.constant 0 : i32
      %dma_wait3A_946 = tpu.memref_slice %arg1[%dma_wait3A_944, %dma_wait3A_945] : memref<1000x128xf32, #tpu.memory_space<hbm>> -> memref<1x128xf32, #tpu.memory_space<hbm>>
      tpu.wait_dma2 semaphore(%arg4 : memref<!tpu.dma_semaphore, #tpu.memory_space<semaphore_mem>>) src(%dma_wait3A_946 : memref<1x128xf32, #tpu.memory_space<hbm>>) dst(%dma_wait3A_943 : memref<1x128xf32, #tpu.memory_space<hbm>>)
      %dma_wait3A_947 = arith.constant 165 : i32
      %dma_wait3A_948 = arith.constant 0 : i32
      %dma_wait3A_949 = tpu.memref_slice %arg2[%dma_wait3A_947, %dma_wait3A_948] : memref<200x128xf32, #tpu.memory_space<hbm>> -> memref<1x128xf32, #tpu.memory_space<hbm>>
      %dma_wait3A_950 = arith.constant 20 : i32
      %dma_wait3A_951 = arith.constant 0 : i32
      %dma_wait3A_952 = tpu.memref_slice %arg1[%dma_wait3A_950, %dma_wait3A_951] : memref<1000x128xf32, #tpu.memory_space<hbm>> -> memref<1x128xf32, #tpu.memory_space<hbm>>
      tpu.wait_dma2 semaphore(%arg4 : memref<!tpu.dma_semaphore, #tpu.memory_space<semaphore_mem>>) src(%dma_wait3A_952 : memref<1x128xf32, #tpu.memory_space<hbm>>) dst(%dma_wait3A_949 : memref<1x128xf32, #tpu.memory_space<hbm>>)
      %dma_wait3A_953 = arith.constant 166 : i32
      %dma_wait3A_954 = arith.constant 0 : i32
      %dma_wait3A_955 = tpu.memref_slice %arg2[%dma_wait3A_953, %dma_wait3A_954] : memref<200x128xf32, #tpu.memory_space<hbm>> -> memref<1x128xf32, #tpu.memory_space<hbm>>
      %dma_wait3A_956 = arith.constant 20 : i32
      %dma_wait3A_957 = arith.constant 0 : i32
      %dma_wait3A_958 = tpu.memref_slice %arg1[%dma_wait3A_956, %dma_wait3A_957] : memref<1000x128xf32, #tpu.memory_space<hbm>> -> memref<1x128xf32, #tpu.memory_space<hbm>>
      tpu.wait_dma2 semaphore(%arg4 : memref<!tpu.dma_semaphore, #tpu.memory_space<semaphore_mem>>) src(%dma_wait3A_958 : memref<1x128xf32, #tpu.memory_space<hbm>>) dst(%dma_wait3A_955 : memref<1x128xf32, #tpu.memory_space<hbm>>)
      %dma_wait3A_959 = arith.constant 167 : i32
      %dma_wait3A_960 = arith.constant 0 : i32
      %dma_wait3A_961 = tpu.memref_slice %arg2[%dma_wait3A_959, %dma_wait3A_960] : memref<200x128xf32, #tpu.memory_space<hbm>> -> memref<1x128xf32, #tpu.memory_space<hbm>>
      %dma_wait3A_962 = arith.constant 20 : i32
      %dma_wait3A_963 = arith.constant 0 : i32
      %dma_wait3A_964 = tpu.memref_slice %arg1[%dma_wait3A_962, %dma_wait3A_963] : memref<1000x128xf32, #tpu.memory_space<hbm>> -> memref<1x128xf32, #tpu.memory_space<hbm>>
      tpu.wait_dma2 semaphore(%arg4 : memref<!tpu.dma_semaphore, #tpu.memory_space<semaphore_mem>>) src(%dma_wait3A_964 : memref<1x128xf32, #tpu.memory_space<hbm>>) dst(%dma_wait3A_961 : memref<1x128xf32, #tpu.memory_space<hbm>>)
      %dma_wait3A_965 = arith.constant 168 : i32
      %dma_wait3A_966 = arith.constant 0 : i32
      %dma_wait3A_967 = tpu.memref_slice %arg2[%dma_wait3A_965, %dma_wait3A_966] : memref<200x128xf32, #tpu.memory_space<hbm>> -> memref<1x128xf32, #tpu.memory_space<hbm>>
      %dma_wait3A_968 = arith.constant 21 : i32
      %dma_wait3A_969 = arith.constant 0 : i32
      %dma_wait3A_970 = tpu.memref_slice %arg1[%dma_wait3A_968, %dma_wait3A_969] : memref<1000x128xf32, #tpu.memory_space<hbm>> -> memref<1x128xf32, #tpu.memory_space<hbm>>
      tpu.wait_dma2 semaphore(%arg4 : memref<!tpu.dma_semaphore, #tpu.memory_space<semaphore_mem>>) src(%dma_wait3A_970 : memref<1x128xf32, #tpu.memory_space<hbm>>) dst(%dma_wait3A_967 : memref<1x128xf32, #tpu.memory_space<hbm>>)
      %dma_wait3A_971 = arith.constant 169 : i32
      %dma_wait3A_972 = arith.constant 0 : i32
      %dma_wait3A_973 = tpu.memref_slice %arg2[%dma_wait3A_971, %dma_wait3A_972] : memref<200x128xf32, #tpu.memory_space<hbm>> -> memref<1x128xf32, #tpu.memory_space<hbm>>
      %dma_wait3A_974 = arith.constant 21 : i32
      %dma_wait3A_975 = arith.constant 0 : i32
      %dma_wait3A_976 = tpu.memref_slice %arg1[%dma_wait3A_974, %dma_wait3A_975] : memref<1000x128xf32, #tpu.memory_space<hbm>> -> memref<1x128xf32, #tpu.memory_space<hbm>>
      tpu.wait_dma2 semaphore(%arg4 : memref<!tpu.dma_semaphore, #tpu.memory_space<semaphore_mem>>) src(%dma_wait3A_976 : memref<1x128xf32, #tpu.memory_space<hbm>>) dst(%dma_wait3A_973 : memref<1x128xf32, #tpu.memory_space<hbm>>)
      %dma_wait3A_977 = arith.constant 170 : i32
      %dma_wait3A_978 = arith.constant 0 : i32
      %dma_wait3A_979 = tpu.memref_slice %arg2[%dma_wait3A_977, %dma_wait3A_978] : memref<200x128xf32, #tpu.memory_space<hbm>> -> memref<1x128xf32, #tpu.memory_space<hbm>>
      %dma_wait3A_980 = arith.constant 21 : i32
      %dma_wait3A_981 = arith.constant 0 : i32
      %dma_wait3A_982 = tpu.memref_slice %arg1[%dma_wait3A_980, %dma_wait3A_981] : memref<1000x128xf32, #tpu.memory_space<hbm>> -> memref<1x128xf32, #tpu.memory_space<hbm>>
      tpu.wait_dma2 semaphore(%arg4 : memref<!tpu.dma_semaphore, #tpu.memory_space<semaphore_mem>>) src(%dma_wait3A_982 : memref<1x128xf32, #tpu.memory_space<hbm>>) dst(%dma_wait3A_979 : memref<1x128xf32, #tpu.memory_space<hbm>>)
      %dma_wait3A_983 = arith.constant 171 : i32
      %dma_wait3A_984 = arith.constant 0 : i32
      %dma_wait3A_985 = tpu.memref_slice %arg2[%dma_wait3A_983, %dma_wait3A_984] : memref<200x128xf32, #tpu.memory_space<hbm>> -> memref<1x128xf32, #tpu.memory_space<hbm>>
      %dma_wait3A_986 = arith.constant 21 : i32
      %dma_wait3A_987 = arith.constant 0 : i32
      %dma_wait3A_988 = tpu.memref_slice %arg1[%dma_wait3A_986, %dma_wait3A_987] : memref<1000x128xf32, #tpu.memory_space<hbm>> -> memref<1x128xf32, #tpu.memory_space<hbm>>
      tpu.wait_dma2 semaphore(%arg4 : memref<!tpu.dma_semaphore, #tpu.memory_space<semaphore_mem>>) src(%dma_wait3A_988 : memref<1x128xf32, #tpu.memory_space<hbm>>) dst(%dma_wait3A_985 : memref<1x128xf32, #tpu.memory_space<hbm>>)
      %dma_wait3A_989 = arith.constant 172 : i32
      %dma_wait3A_990 = arith.constant 0 : i32
      %dma_wait3A_991 = tpu.memref_slice %arg2[%dma_wait3A_989, %dma_wait3A_990] : memref<200x128xf32, #tpu.memory_space<hbm>> -> memref<1x128xf32, #tpu.memory_space<hbm>>
      %dma_wait3A_992 = arith.constant 21 : i32
      %dma_wait3A_993 = arith.constant 0 : i32
      %dma_wait3A_994 = tpu.memref_slice %arg1[%dma_wait3A_992, %dma_wait3A_993] : memref<1000x128xf32, #tpu.memory_space<hbm>> -> memref<1x128xf32, #tpu.memory_space<hbm>>
      tpu.wait_dma2 semaphore(%arg4 : memref<!tpu.dma_semaphore, #tpu.memory_space<semaphore_mem>>) src(%dma_wait3A_994 : memref<1x128xf32, #tpu.memory_space<hbm>>) dst(%dma_wait3A_991 : memref<1x128xf32, #tpu.memory_space<hbm>>)
      %dma_wait3A_995 = arith.constant 173 : i32
      %dma_wait3A_996 = arith.constant 0 : i32
      %dma_wait3A_997 = tpu.memref_slice %arg2[%dma_wait3A_995, %dma_wait3A_996] : memref<200x128xf32, #tpu.memory_space<hbm>> -> memref<1x128xf32, #tpu.memory_space<hbm>>
      %dma_wait3A_998 = arith.constant 21 : i32
      %dma_wait3A_999 = arith.constant 0 : i32
      %dma_wait3A_1000 = tpu.memref_slice %arg1[%dma_wait3A_998, %dma_wait3A_999] : memref<1000x128xf32, #tpu.memory_space<hbm>> -> memref<1x128xf32, #tpu.memory_space<hbm>>
      tpu.wait_dma2 semaphore(%arg4 : memref<!tpu.dma_semaphore, #tpu.memory_space<semaphore_mem>>) src(%dma_wait3A_1000 : memref<1x128xf32, #tpu.memory_space<hbm>>) dst(%dma_wait3A_997 : memref<1x128xf32, #tpu.memory_space<hbm>>)
      %dma_wait3A_1001 = arith.constant 174 : i32
      %dma_wait3A_1002 = arith.constant 0 : i32
      %dma_wait3A_1003 = tpu.memref_slice %arg2[%dma_wait3A_1001, %dma_wait3A_1002] : memref<200x128xf32, #tpu.memory_space<hbm>> -> memref<1x128xf32, #tpu.memory_space<hbm>>
      %dma_wait3A_1004 = arith.constant 21 : i32
      %dma_wait3A_1005 = arith.constant 0 : i32
      %dma_wait3A_1006 = tpu.memref_slice %arg1[%dma_wait3A_1004, %dma_wait3A_1005] : memref<1000x128xf32, #tpu.memory_space<hbm>> -> memref<1x128xf32, #tpu.memory_space<hbm>>
      tpu.wait_dma2 semaphore(%arg4 : memref<!tpu.dma_semaphore, #tpu.memory_space<semaphore_mem>>) src(%dma_wait3A_1006 : memref<1x128xf32, #tpu.memory_space<hbm>>) dst(%dma_wait3A_1003 : memref<1x128xf32, #tpu.memory_space<hbm>>)
      %dma_wait3A_1007 = arith.constant 175 : i32
      %dma_wait3A_1008 = arith.constant 0 : i32
      %dma_wait3A_1009 = tpu.memref_slice %arg2[%dma_wait3A_1007, %dma_wait3A_1008] : memref<200x128xf32, #tpu.memory_space<hbm>> -> memref<1x128xf32, #tpu.memory_space<hbm>>
      %dma_wait3A_1010 = arith.constant 21 : i32
      %dma_wait3A_1011 = arith.constant 0 : i32
      %dma_wait3A_1012 = tpu.memref_slice %arg1[%dma_wait3A_1010, %dma_wait3A_1011] : memref<1000x128xf32, #tpu.memory_space<hbm>> -> memref<1x128xf32, #tpu.memory_space<hbm>>
      tpu.wait_dma2 semaphore(%arg4 : memref<!tpu.dma_semaphore, #tpu.memory_space<semaphore_mem>>) src(%dma_wait3A_1012 : memref<1x128xf32, #tpu.memory_space<hbm>>) dst(%dma_wait3A_1009 : memref<1x128xf32, #tpu.memory_space<hbm>>)
      %dma_wait3A_1013 = arith.constant 176 : i32
      %dma_wait3A_1014 = arith.constant 0 : i32
      %dma_wait3A_1015 = tpu.memref_slice %arg2[%dma_wait3A_1013, %dma_wait3A_1014] : memref<200x128xf32, #tpu.memory_space<hbm>> -> memref<1x128xf32, #tpu.memory_space<hbm>>
      %dma_wait3A_1016 = arith.constant 22 : i32
      %dma_wait3A_1017 = arith.constant 0 : i32
      %dma_wait3A_1018 = tpu.memref_slice %arg1[%dma_wait3A_1016, %dma_wait3A_1017] : memref<1000x128xf32, #tpu.memory_space<hbm>> -> memref<1x128xf32, #tpu.memory_space<hbm>>
      tpu.wait_dma2 semaphore(%arg4 : memref<!tpu.dma_semaphore, #tpu.memory_space<semaphore_mem>>) src(%dma_wait3A_1018 : memref<1x128xf32, #tpu.memory_space<hbm>>) dst(%dma_wait3A_1015 : memref<1x128xf32, #tpu.memory_space<hbm>>)
      %dma_wait3A_1019 = arith.constant 177 : i32
      %dma_wait3A_1020 = arith.constant 0 : i32
      %dma_wait3A_1021 = tpu.memref_slice %arg2[%dma_wait3A_1019, %dma_wait3A_1020] : memref<200x128xf32, #tpu.memory_space<hbm>> -> memref<1x128xf32, #tpu.memory_space<hbm>>
      %dma_wait3A_1022 = arith.constant 22 : i32
      %dma_wait3A_1023 = arith.constant 0 : i32
      %dma_wait3A_1024 = tpu.memref_slice %arg1[%dma_wait3A_1022, %dma_wait3A_1023] : memref<1000x128xf32, #tpu.memory_space<hbm>> -> memref<1x128xf32, #tpu.memory_space<hbm>>
      tpu.wait_dma2 semaphore(%arg4 : memref<!tpu.dma_semaphore, #tpu.memory_space<semaphore_mem>>) src(%dma_wait3A_1024 : memref<1x128xf32, #tpu.memory_space<hbm>>) dst(%dma_wait3A_1021 : memref<1x128xf32, #tpu.memory_space<hbm>>)
      %dma_wait3A_1025 = arith.constant 178 : i32
      %dma_wait3A_1026 = arith.constant 0 : i32
      %dma_wait3A_1027 = tpu.memref_slice %arg2[%dma_wait3A_1025, %dma_wait3A_1026] : memref<200x128xf32, #tpu.memory_space<hbm>> -> memref<1x128xf32, #tpu.memory_space<hbm>>
      %dma_wait3A_1028 = arith.constant 22 : i32
      %dma_wait3A_1029 = arith.constant 0 : i32
      %dma_wait3A_1030 = tpu.memref_slice %arg1[%dma_wait3A_1028, %dma_wait3A_1029] : memref<1000x128xf32, #tpu.memory_space<hbm>> -> memref<1x128xf32, #tpu.memory_space<hbm>>
      tpu.wait_dma2 semaphore(%arg4 : memref<!tpu.dma_semaphore, #tpu.memory_space<semaphore_mem>>) src(%dma_wait3A_1030 : memref<1x128xf32, #tpu.memory_space<hbm>>) dst(%dma_wait3A_1027 : memref<1x128xf32, #tpu.memory_space<hbm>>)
      %dma_wait3A_1031 = arith.constant 179 : i32
      %dma_wait3A_1032 = arith.constant 0 : i32
      %dma_wait3A_1033 = tpu.memref_slice %arg2[%dma_wait3A_1031, %dma_wait3A_1032] : memref<200x128xf32, #tpu.memory_space<hbm>> -> memref<1x128xf32, #tpu.memory_space<hbm>>
      %dma_wait3A_1034 = arith.constant 22 : i32
      %dma_wait3A_1035 = arith.constant 0 : i32
      %dma_wait3A_1036 = tpu.memref_slice %arg1[%dma_wait3A_1034, %dma_wait3A_1035] : memref<1000x128xf32, #tpu.memory_space<hbm>> -> memref<1x128xf32, #tpu.memory_space<hbm>>
      tpu.wait_dma2 semaphore(%arg4 : memref<!tpu.dma_semaphore, #tpu.memory_space<semaphore_mem>>) src(%dma_wait3A_1036 : memref<1x128xf32, #tpu.memory_space<hbm>>) dst(%dma_wait3A_1033 : memref<1x128xf32, #tpu.memory_space<hbm>>)
      %dma_wait3A_1037 = arith.constant 180 : i32
      %dma_wait3A_1038 = arith.constant 0 : i32
      %dma_wait3A_1039 = tpu.memref_slice %arg2[%dma_wait3A_1037, %dma_wait3A_1038] : memref<200x128xf32, #tpu.memory_space<hbm>> -> memref<1x128xf32, #tpu.memory_space<hbm>>
      %dma_wait3A_1040 = arith.constant 22 : i32
      %dma_wait3A_1041 = arith.constant 0 : i32
      %dma_wait3A_1042 = tpu.memref_slice %arg1[%dma_wait3A_1040, %dma_wait3A_1041] : memref<1000x128xf32, #tpu.memory_space<hbm>> -> memref<1x128xf32, #tpu.memory_space<hbm>>
      tpu.wait_dma2 semaphore(%arg4 : memref<!tpu.dma_semaphore, #tpu.memory_space<semaphore_mem>>) src(%dma_wait3A_1042 : memref<1x128xf32, #tpu.memory_space<hbm>>) dst(%dma_wait3A_1039 : memref<1x128xf32, #tpu.memory_space<hbm>>)
      %dma_wait3A_1043 = arith.constant 181 : i32
      %dma_wait3A_1044 = arith.constant 0 : i32
      %dma_wait3A_1045 = tpu.memref_slice %arg2[%dma_wait3A_1043, %dma_wait3A_1044] : memref<200x128xf32, #tpu.memory_space<hbm>> -> memref<1x128xf32, #tpu.memory_space<hbm>>
      %dma_wait3A_1046 = arith.constant 22 : i32
      %dma_wait3A_1047 = arith.constant 0 : i32
      %dma_wait3A_1048 = tpu.memref_slice %arg1[%dma_wait3A_1046, %dma_wait3A_1047] : memref<1000x128xf32, #tpu.memory_space<hbm>> -> memref<1x128xf32, #tpu.memory_space<hbm>>
      tpu.wait_dma2 semaphore(%arg4 : memref<!tpu.dma_semaphore, #tpu.memory_space<semaphore_mem>>) src(%dma_wait3A_1048 : memref<1x128xf32, #tpu.memory_space<hbm>>) dst(%dma_wait3A_1045 : memref<1x128xf32, #tpu.memory_space<hbm>>)
      %dma_wait3A_1049 = arith.constant 182 : i32
      %dma_wait3A_1050 = arith.constant 0 : i32
      %dma_wait3A_1051 = tpu.memref_slice %arg2[%dma_wait3A_1049, %dma_wait3A_1050] : memref<200x128xf32, #tpu.memory_space<hbm>> -> memref<1x128xf32, #tpu.memory_space<hbm>>
      %dma_wait3A_1052 = arith.constant 22 : i32
      %dma_wait3A_1053 = arith.constant 0 : i32
      %dma_wait3A_1054 = tpu.memref_slice %arg1[%dma_wait3A_1052, %dma_wait3A_1053] : memref<1000x128xf32, #tpu.memory_space<hbm>> -> memref<1x128xf32, #tpu.memory_space<hbm>>
      tpu.wait_dma2 semaphore(%arg4 : memref<!tpu.dma_semaphore, #tpu.memory_space<semaphore_mem>>) src(%dma_wait3A_1054 : memref<1x128xf32, #tpu.memory_space<hbm>>) dst(%dma_wait3A_1051 : memref<1x128xf32, #tpu.memory_space<hbm>>)
      %dma_wait3A_1055 = arith.constant 183 : i32
      %dma_wait3A_1056 = arith.constant 0 : i32
      %dma_wait3A_1057 = tpu.memref_slice %arg2[%dma_wait3A_1055, %dma_wait3A_1056] : memref<200x128xf32, #tpu.memory_space<hbm>> -> memref<1x128xf32, #tpu.memory_space<hbm>>
      %dma_wait3A_1058 = arith.constant 22 : i32
      %dma_wait3A_1059 = arith.constant 0 : i32
      %dma_wait3A_1060 = tpu.memref_slice %arg1[%dma_wait3A_1058, %dma_wait3A_1059] : memref<1000x128xf32, #tpu.memory_space<hbm>> -> memref<1x128xf32, #tpu.memory_space<hbm>>
      tpu.wait_dma2 semaphore(%arg4 : memref<!tpu.dma_semaphore, #tpu.memory_space<semaphore_mem>>) src(%dma_wait3A_1060 : memref<1x128xf32, #tpu.memory_space<hbm>>) dst(%dma_wait3A_1057 : memref<1x128xf32, #tpu.memory_space<hbm>>)
      %dma_wait3A_1061 = arith.constant 184 : i32
      %dma_wait3A_1062 = arith.constant 0 : i32
      %dma_wait3A_1063 = tpu.memref_slice %arg2[%dma_wait3A_1061, %dma_wait3A_1062] : memref<200x128xf32, #tpu.memory_space<hbm>> -> memref<1x128xf32, #tpu.memory_space<hbm>>
      %dma_wait3A_1064 = arith.constant 23 : i32
      %dma_wait3A_1065 = arith.constant 0 : i32
      %dma_wait3A_1066 = tpu.memref_slice %arg1[%dma_wait3A_1064, %dma_wait3A_1065] : memref<1000x128xf32, #tpu.memory_space<hbm>> -> memref<1x128xf32, #tpu.memory_space<hbm>>
      tpu.wait_dma2 semaphore(%arg4 : memref<!tpu.dma_semaphore, #tpu.memory_space<semaphore_mem>>) src(%dma_wait3A_1066 : memref<1x128xf32, #tpu.memory_space<hbm>>) dst(%dma_wait3A_1063 : memref<1x128xf32, #tpu.memory_space<hbm>>)
      %dma_wait3A_1067 = arith.constant 185 : i32
      %dma_wait3A_1068 = arith.constant 0 : i32
      %dma_wait3A_1069 = tpu.memref_slice %arg2[%dma_wait3A_1067, %dma_wait3A_1068] : memref<200x128xf32, #tpu.memory_space<hbm>> -> memref<1x128xf32, #tpu.memory_space<hbm>>
      %dma_wait3A_1070 = arith.constant 23 : i32
      %dma_wait3A_1071 = arith.constant 0 : i32
      %dma_wait3A_1072 = tpu.memref_slice %arg1[%dma_wait3A_1070, %dma_wait3A_1071] : memref<1000x128xf32, #tpu.memory_space<hbm>> -> memref<1x128xf32, #tpu.memory_space<hbm>>
      tpu.wait_dma2 semaphore(%arg4 : memref<!tpu.dma_semaphore, #tpu.memory_space<semaphore_mem>>) src(%dma_wait3A_1072 : memref<1x128xf32, #tpu.memory_space<hbm>>) dst(%dma_wait3A_1069 : memref<1x128xf32, #tpu.memory_space<hbm>>)
      %dma_wait3A_1073 = arith.constant 186 : i32
      %dma_wait3A_1074 = arith.constant 0 : i32
      %dma_wait3A_1075 = tpu.memref_slice %arg2[%dma_wait3A_1073, %dma_wait3A_1074] : memref<200x128xf32, #tpu.memory_space<hbm>> -> memref<1x128xf32, #tpu.memory_space<hbm>>
      %dma_wait3A_1076 = arith.constant 23 : i32
      %dma_wait3A_1077 = arith.constant 0 : i32
      %dma_wait3A_1078 = tpu.memref_slice %arg1[%dma_wait3A_1076, %dma_wait3A_1077] : memref<1000x128xf32, #tpu.memory_space<hbm>> -> memref<1x128xf32, #tpu.memory_space<hbm>>
      tpu.wait_dma2 semaphore(%arg4 : memref<!tpu.dma_semaphore, #tpu.memory_space<semaphore_mem>>) src(%dma_wait3A_1078 : memref<1x128xf32, #tpu.memory_space<hbm>>) dst(%dma_wait3A_1075 : memref<1x128xf32, #tpu.memory_space<hbm>>)
      %dma_wait3A_1079 = arith.constant 187 : i32
      %dma_wait3A_1080 = arith.constant 0 : i32
      %dma_wait3A_1081 = tpu.memref_slice %arg2[%dma_wait3A_1079, %dma_wait3A_1080] : memref<200x128xf32, #tpu.memory_space<hbm>> -> memref<1x128xf32, #tpu.memory_space<hbm>>
      %dma_wait3A_1082 = arith.constant 23 : i32
      %dma_wait3A_1083 = arith.constant 0 : i32
      %dma_wait3A_1084 = tpu.memref_slice %arg1[%dma_wait3A_1082, %dma_wait3A_1083] : memref<1000x128xf32, #tpu.memory_space<hbm>> -> memref<1x128xf32, #tpu.memory_space<hbm>>
      tpu.wait_dma2 semaphore(%arg4 : memref<!tpu.dma_semaphore, #tpu.memory_space<semaphore_mem>>) src(%dma_wait3A_1084 : memref<1x128xf32, #tpu.memory_space<hbm>>) dst(%dma_wait3A_1081 : memref<1x128xf32, #tpu.memory_space<hbm>>)
      %dma_wait3A_1085 = arith.constant 188 : i32
      %dma_wait3A_1086 = arith.constant 0 : i32
      %dma_wait3A_1087 = tpu.memref_slice %arg2[%dma_wait3A_1085, %dma_wait3A_1086] : memref<200x128xf32, #tpu.memory_space<hbm>> -> memref<1x128xf32, #tpu.memory_space<hbm>>
      %dma_wait3A_1088 = arith.constant 23 : i32
      %dma_wait3A_1089 = arith.constant 0 : i32
      %dma_wait3A_1090 = tpu.memref_slice %arg1[%dma_wait3A_1088, %dma_wait3A_1089] : memref<1000x128xf32, #tpu.memory_space<hbm>> -> memref<1x128xf32, #tpu.memory_space<hbm>>
      tpu.wait_dma2 semaphore(%arg4 : memref<!tpu.dma_semaphore, #tpu.memory_space<semaphore_mem>>) src(%dma_wait3A_1090 : memref<1x128xf32, #tpu.memory_space<hbm>>) dst(%dma_wait3A_1087 : memref<1x128xf32, #tpu.memory_space<hbm>>)
      %dma_wait3A_1091 = arith.constant 189 : i32
      %dma_wait3A_1092 = arith.constant 0 : i32
      %dma_wait3A_1093 = tpu.memref_slice %arg2[%dma_wait3A_1091, %dma_wait3A_1092] : memref<200x128xf32, #tpu.memory_space<hbm>> -> memref<1x128xf32, #tpu.memory_space<hbm>>
      %dma_wait3A_1094 = arith.constant 23 : i32
      %dma_wait3A_1095 = arith.constant 0 : i32
      %dma_wait3A_1096 = tpu.memref_slice %arg1[%dma_wait3A_1094, %dma_wait3A_1095] : memref<1000x128xf32, #tpu.memory_space<hbm>> -> memref<1x128xf32, #tpu.memory_space<hbm>>
      tpu.wait_dma2 semaphore(%arg4 : memref<!tpu.dma_semaphore, #tpu.memory_space<semaphore_mem>>) src(%dma_wait3A_1096 : memref<1x128xf32, #tpu.memory_space<hbm>>) dst(%dma_wait3A_1093 : memref<1x128xf32, #tpu.memory_space<hbm>>)
      %dma_wait3A_1097 = arith.constant 190 : i32
      %dma_wait3A_1098 = arith.constant 0 : i32
      %dma_wait3A_1099 = tpu.memref_slice %arg2[%dma_wait3A_1097, %dma_wait3A_1098] : memref<200x128xf32, #tpu.memory_space<hbm>> -> memref<1x128xf32, #tpu.memory_space<hbm>>
      %dma_wait3A_1100 = arith.constant 23 : i32
      %dma_wait3A_1101 = arith.constant 0 : i32
      %dma_wait3A_1102 = tpu.memref_slice %arg1[%dma_wait3A_1100, %dma_wait3A_1101] : memref<1000x128xf32, #tpu.memory_space<hbm>> -> memref<1x128xf32, #tpu.memory_space<hbm>>
      tpu.wait_dma2 semaphore(%arg4 : memref<!tpu.dma_semaphore, #tpu.memory_space<semaphore_mem>>) src(%dma_wait3A_1102 : memref<1x128xf32, #tpu.memory_space<hbm>>) dst(%dma_wait3A_1099 : memref<1x128xf32, #tpu.memory_space<hbm>>)
      %dma_wait3A_1103 = arith.constant 191 : i32
      %dma_wait3A_1104 = arith.constant 0 : i32
      %dma_wait3A_1105 = tpu.memref_slice %arg2[%dma_wait3A_1103, %dma_wait3A_1104] : memref<200x128xf32, #tpu.memory_space<hbm>> -> memref<1x128xf32, #tpu.memory_space<hbm>>
      %dma_wait3A_1106 = arith.constant 23 : i32
      %dma_wait3A_1107 = arith.constant 0 : i32
      %dma_wait3A_1108 = tpu.memref_slice %arg1[%dma_wait3A_1106, %dma_wait3A_1107] : memref<1000x128xf32, #tpu.memory_space<hbm>> -> memref<1x128xf32, #tpu.memory_space<hbm>>
      tpu.wait_dma2 semaphore(%arg4 : memref<!tpu.dma_semaphore, #tpu.memory_space<semaphore_mem>>) src(%dma_wait3A_1108 : memref<1x128xf32, #tpu.memory_space<hbm>>) dst(%dma_wait3A_1105 : memref<1x128xf32, #tpu.memory_space<hbm>>)
      %dma_wait3A_1109 = arith.constant 192 : i32
      %dma_wait3A_1110 = arith.constant 0 : i32
      %dma_wait3A_1111 = tpu.memref_slice %arg2[%dma_wait3A_1109, %dma_wait3A_1110] : memref<200x128xf32, #tpu.memory_space<hbm>> -> memref<1x128xf32, #tpu.memory_space<hbm>>
      %dma_wait3A_1112 = arith.constant 24 : i32
      %dma_wait3A_1113 = arith.constant 0 : i32
      %dma_wait3A_1114 = tpu.memref_slice %arg1[%dma_wait3A_1112, %dma_wait3A_1113] : memref<1000x128xf32, #tpu.memory_space<hbm>> -> memref<1x128xf32, #tpu.memory_space<hbm>>
      tpu.wait_dma2 semaphore(%arg4 : memref<!tpu.dma_semaphore, #tpu.memory_space<semaphore_mem>>) src(%dma_wait3A_1114 : memref<1x128xf32, #tpu.memory_space<hbm>>) dst(%dma_wait3A_1111 : memref<1x128xf32, #tpu.memory_space<hbm>>)
      %dma_wait3A_1115 = arith.constant 193 : i32
      %dma_wait3A_1116 = arith.constant 0 : i32
      %dma_wait3A_1117 = tpu.memref_slice %arg2[%dma_wait3A_1115, %dma_wait3A_1116] : memref<200x128xf32, #tpu.memory_space<hbm>> -> memref<1x128xf32, #tpu.memory_space<hbm>>
      %dma_wait3A_1118 = arith.constant 24 : i32
      %dma_wait3A_1119 = arith.constant 0 : i32
      %dma_wait3A_1120 = tpu.memref_slice %arg1[%dma_wait3A_1118, %dma_wait3A_1119] : memref<1000x128xf32, #tpu.memory_space<hbm>> -> memref<1x128xf32, #tpu.memory_space<hbm>>
      tpu.wait_dma2 semaphore(%arg4 : memref<!tpu.dma_semaphore, #tpu.memory_space<semaphore_mem>>) src(%dma_wait3A_1120 : memref<1x128xf32, #tpu.memory_space<hbm>>) dst(%dma_wait3A_1117 : memref<1x128xf32, #tpu.memory_space<hbm>>)
      %dma_wait3A_1121 = arith.constant 194 : i32
      %dma_wait3A_1122 = arith.constant 0 : i32
      %dma_wait3A_1123 = tpu.memref_slice %arg2[%dma_wait3A_1121, %dma_wait3A_1122] : memref<200x128xf32, #tpu.memory_space<hbm>> -> memref<1x128xf32, #tpu.memory_space<hbm>>
      %dma_wait3A_1124 = arith.constant 24 : i32
      %dma_wait3A_1125 = arith.constant 0 : i32
      %dma_wait3A_1126 = tpu.memref_slice %arg1[%dma_wait3A_1124, %dma_wait3A_1125] : memref<1000x128xf32, #tpu.memory_space<hbm>> -> memref<1x128xf32, #tpu.memory_space<hbm>>
      tpu.wait_dma2 semaphore(%arg4 : memref<!tpu.dma_semaphore, #tpu.memory_space<semaphore_mem>>) src(%dma_wait3A_1126 : memref<1x128xf32, #tpu.memory_space<hbm>>) dst(%dma_wait3A_1123 : memref<1x128xf32, #tpu.memory_space<hbm>>)
      %dma_wait3A_1127 = arith.constant 195 : i32
      %dma_wait3A_1128 = arith.constant 0 : i32
      %dma_wait3A_1129 = tpu.memref_slice %arg2[%dma_wait3A_1127, %dma_wait3A_1128] : memref<200x128xf32, #tpu.memory_space<hbm>> -> memref<1x128xf32, #tpu.memory_space<hbm>>
      %dma_wait3A_1130 = arith.constant 24 : i32
      %dma_wait3A_1131 = arith.constant 0 : i32
      %dma_wait3A_1132 = tpu.memref_slice %arg1[%dma_wait3A_1130, %dma_wait3A_1131] : memref<1000x128xf32, #tpu.memory_space<hbm>> -> memref<1x128xf32, #tpu.memory_space<hbm>>
      tpu.wait_dma2 semaphore(%arg4 : memref<!tpu.dma_semaphore, #tpu.memory_space<semaphore_mem>>) src(%dma_wait3A_1132 : memref<1x128xf32, #tpu.memory_space<hbm>>) dst(%dma_wait3A_1129 : memref<1x128xf32, #tpu.memory_space<hbm>>)
      %dma_wait3A_1133 = arith.constant 196 : i32
      %dma_wait3A_1134 = arith.constant 0 : i32
      %dma_wait3A_1135 = tpu.memref_slice %arg2[%dma_wait3A_1133, %dma_wait3A_1134] : memref<200x128xf32, #tpu.memory_space<hbm>> -> memref<1x128xf32, #tpu.memory_space<hbm>>
      %dma_wait3A_1136 = arith.constant 24 : i32
      %dma_wait3A_1137 = arith.constant 0 : i32
      %dma_wait3A_1138 = tpu.memref_slice %arg1[%dma_wait3A_1136, %dma_wait3A_1137] : memref<1000x128xf32, #tpu.memory_space<hbm>> -> memref<1x128xf32, #tpu.memory_space<hbm>>
      tpu.wait_dma2 semaphore(%arg4 : memref<!tpu.dma_semaphore, #tpu.memory_space<semaphore_mem>>) src(%dma_wait3A_1138 : memref<1x128xf32, #tpu.memory_space<hbm>>) dst(%dma_wait3A_1135 : memref<1x128xf32, #tpu.memory_space<hbm>>)
      %dma_wait3A_1139 = arith.constant 197 : i32
      %dma_wait3A_1140 = arith.constant 0 : i32
      %dma_wait3A_1141 = tpu.memref_slice %arg2[%dma_wait3A_1139, %dma_wait3A_1140] : memref<200x128xf32, #tpu.memory_space<hbm>> -> memref<1x128xf32, #tpu.memory_space<hbm>>
      %dma_wait3A_1142 = arith.constant 24 : i32
      %dma_wait3A_1143 = arith.constant 0 : i32
      %dma_wait3A_1144 = tpu.memref_slice %arg1[%dma_wait3A_1142, %dma_wait3A_1143] : memref<1000x128xf32, #tpu.memory_space<hbm>> -> memref<1x128xf32, #tpu.memory_space<hbm>>
      tpu.wait_dma2 semaphore(%arg4 : memref<!tpu.dma_semaphore, #tpu.memory_space<semaphore_mem>>) src(%dma_wait3A_1144 : memref<1x128xf32, #tpu.memory_space<hbm>>) dst(%dma_wait3A_1141 : memref<1x128xf32, #tpu.memory_space<hbm>>)
      %dma_wait3A_1145 = arith.constant 198 : i32
      %dma_wait3A_1146 = arith.constant 0 : i32
      %dma_wait3A_1147 = tpu.memref_slice %arg2[%dma_wait3A_1145, %dma_wait3A_1146] : memref<200x128xf32, #tpu.memory_space<hbm>> -> memref<1x128xf32, #tpu.memory_space<hbm>>
      %dma_wait3A_1148 = arith.constant 24 : i32
      %dma_wait3A_1149 = arith.constant 0 : i32
      %dma_wait3A_1150 = tpu.memref_slice %arg1[%dma_wait3A_1148, %dma_wait3A_1149] : memref<1000x128xf32, #tpu.memory_space<hbm>> -> memref<1x128xf32, #tpu.memory_space<hbm>>
      tpu.wait_dma2 semaphore(%arg4 : memref<!tpu.dma_semaphore, #tpu.memory_space<semaphore_mem>>) src(%dma_wait3A_1150 : memref<1x128xf32, #tpu.memory_space<hbm>>) dst(%dma_wait3A_1147 : memref<1x128xf32, #tpu.memory_space<hbm>>)
      %dma_wait3A_1151 = arith.constant 199 : i32
      %dma_wait3A_1152 = arith.constant 0 : i32
      %dma_wait3A_1153 = tpu.memref_slice %arg2[%dma_wait3A_1151, %dma_wait3A_1152] : memref<200x128xf32, #tpu.memory_space<hbm>> -> memref<1x128xf32, #tpu.memory_space<hbm>>
      %dma_wait3A_1154 = arith.constant 24 : i32
      %dma_wait3A_1155 = arith.constant 0 : i32
      %dma_wait3A_1156 = tpu.memref_slice %arg1[%dma_wait3A_1154, %dma_wait3A_1155] : memref<1000x128xf32, #tpu.memory_space<hbm>> -> memref<1x128xf32, #tpu.memory_space<hbm>>
      tpu.wait_dma2 semaphore(%arg4 : memref<!tpu.dma_semaphore, #tpu.memory_space<semaphore_mem>>) src(%dma_wait3A_1156 : memref<1x128xf32, #tpu.memory_space<hbm>>) dst(%dma_wait3A_1153 : memref<1x128xf32, #tpu.memory_space<hbm>>)
    } else {
    }
    return
  }
}

module attributes {stable_mosaic.version = 14 : i64} {
  func.func @body(%arg0: memref<200x128xf32, #tpu.memory_space<vmem>>, %arg1: memref<1024x200x128xf32, #tpu.memory_space<hbm>>, %arg2: memref<16x200x128xf32, #tpu.memory_space<vmem>>, %arg3: memref<2x!tpu.dma_semaphore, #tpu.memory_space<semaphore_mem>>) attributes {dimension_semantics = [], scalar_prefetch = 0 : i64, scratch_operands = 2 : i64, tpu.core_type = #tpu.core_type<tc>} {
    %get3A = arith.constant 0 : index
    %get3A_0 = arith.constant 0 : index
    %get3A_1 = vector.load %arg0[%get3A, %get3A_0] : memref<200x128xf32, #tpu.memory_space<vmem>>, vector<200x128xf32>
    %swap3A = arith.constant 0 : index
    %swap3A_2 = arith.constant 0 : index
    %swap3A_3 = arith.constant 0 : index
    %swap3A_4 = vector.load %arg2[%swap3A, %swap3A_2, %swap3A_3] : memref<16x200x128xf32, #tpu.memory_space<vmem>>, vector<1x200x128xf32>
    %swap3A_5 = vector.shape_cast %swap3A_4 : vector<1x200x128xf32> to vector<200x128xf32>
    %swap3A_6 = vector.shape_cast %get3A_1 : vector<200x128xf32> to vector<1x200x128xf32>
    tpu.vector_store %arg2[%swap3A, %swap3A_2, %swap3A_3], %swap3A_6 {strides = array<i32>} : memref<16x200x128xf32, #tpu.memory_space<vmem>>, vector<1x200x128xf32>,
    %swap3A_7 = arith.constant 1 : index
    %swap3A_8 = arith.constant 0 : index
    %swap3A_9 = arith.constant 0 : index
    %swap3A_10 = vector.load %arg2[%swap3A_7, %swap3A_8, %swap3A_9] : memref<16x200x128xf32, #tpu.memory_space<vmem>>, vector<1x200x128xf32>
    %swap3A_11 = vector.shape_cast %swap3A_10 : vector<1x200x128xf32> to vector<200x128xf32>
    %swap3A_12 = vector.shape_cast %get3A_1 : vector<200x128xf32> to vector<1x200x128xf32>
    tpu.vector_store %arg2[%swap3A_7, %swap3A_8, %swap3A_9], %swap3A_12 {strides = array<i32>} : memref<16x200x128xf32, #tpu.memory_space<vmem>>, vector<1x200x128xf32>,
    %swap3A_13 = arith.constant 2 : index
    %swap3A_14 = arith.constant 0 : index
    %swap3A_15 = arith.constant 0 : index
    %swap3A_16 = vector.load %arg2[%swap3A_13, %swap3A_14, %swap3A_15] : memref<16x200x128xf32, #tpu.memory_space<vmem>>, vector<1x200x128xf32>
    %swap3A_17 = vector.shape_cast %swap3A_16 : vector<1x200x128xf32> to vector<200x128xf32>
    %swap3A_18 = vector.shape_cast %get3A_1 : vector<200x128xf32> to vector<1x200x128xf32>
    tpu.vector_store %arg2[%swap3A_13, %swap3A_14, %swap3A_15], %swap3A_18 {strides = array<i32>} : memref<16x200x128xf32, #tpu.memory_space<vmem>>, vector<1x200x128xf32>,
    %swap3A_19 = arith.constant 3 : index
    %swap3A_20 = arith.constant 0 : index
    %swap3A_21 = arith.constant 0 : index
    %swap3A_22 = vector.load %arg2[%swap3A_19, %swap3A_20, %swap3A_21] : memref<16x200x128xf32, #tpu.memory_space<vmem>>, vector<1x200x128xf32>
    %swap3A_23 = vector.shape_cast %swap3A_22 : vector<1x200x128xf32> to vector<200x128xf32>
    %swap3A_24 = vector.shape_cast %get3A_1 : vector<200x128xf32> to vector<1x200x128xf32>
    tpu.vector_store %arg2[%swap3A_19, %swap3A_20, %swap3A_21], %swap3A_24 {strides = array<i32>} : memref<16x200x128xf32, #tpu.memory_space<vmem>>, vector<1x200x128xf32>,
    %swap3A_25 = arith.constant 4 : index
    %swap3A_26 = arith.constant 0 : index
    %swap3A_27 = arith.constant 0 : index
    %swap3A_28 = vector.load %arg2[%swap3A_25, %swap3A_26, %swap3A_27] : memref<16x200x128xf32, #tpu.memory_space<vmem>>, vector<1x200x128xf32>
    %swap3A_29 = vector.shape_cast %swap3A_28 : vector<1x200x128xf32> to vector<200x128xf32>
    %swap3A_30 = vector.shape_cast %get3A_1 : vector<200x128xf32> to vector<1x200x128xf32>
    tpu.vector_store %arg2[%swap3A_25, %swap3A_26, %swap3A_27], %swap3A_30 {strides = array<i32>} : memref<16x200x128xf32, #tpu.memory_space<vmem>>, vector<1x200x128xf32>,
    %swap3A_31 = arith.constant 5 : index
    %swap3A_32 = arith.constant 0 : index
    %swap3A_33 = arith.constant 0 : index
    %swap3A_34 = vector.load %arg2[%swap3A_31, %swap3A_32, %swap3A_33] : memref<16x200x128xf32, #tpu.memory_space<vmem>>, vector<1x200x128xf32>
    %swap3A_35 = vector.shape_cast %swap3A_34 : vector<1x200x128xf32> to vector<200x128xf32>
    %swap3A_36 = vector.shape_cast %get3A_1 : vector<200x128xf32> to vector<1x200x128xf32>
    tpu.vector_store %arg2[%swap3A_31, %swap3A_32, %swap3A_33], %swap3A_36 {strides = array<i32>} : memref<16x200x128xf32, #tpu.memory_space<vmem>>, vector<1x200x128xf32>,
    %swap3A_37 = arith.constant 6 : index
    %swap3A_38 = arith.constant 0 : index
    %swap3A_39 = arith.constant 0 : index
    %swap3A_40 = vector.load %arg2[%swap3A_37, %swap3A_38, %swap3A_39] : memref<16x200x128xf32, #tpu.memory_space<vmem>>, vector<1x200x128xf32>
    %swap3A_41 = vector.shape_cast %swap3A_40 : vector<1x200x128xf32> to vector<200x128xf32>
    %swap3A_42 = vector.shape_cast %get3A_1 : vector<200x128xf32> to vector<1x200x128xf32>
    tpu.vector_store %arg2[%swap3A_37, %swap3A_38, %swap3A_39], %swap3A_42 {strides = array<i32>} : memref<16x200x128xf32, #tpu.memory_space<vmem>>, vector<1x200x128xf32>,
    %swap3A_43 = arith.constant 7 : index
    %swap3A_44 = arith.constant 0 : index
    %swap3A_45 = arith.constant 0 : index
    %swap3A_46 = vector.load %arg2[%swap3A_43, %swap3A_44, %swap3A_45] : memref<16x200x128xf32, #tpu.memory_space<vmem>>, vector<1x200x128xf32>
    %swap3A_47 = vector.shape_cast %swap3A_46 : vector<1x200x128xf32> to vector<200x128xf32>
    %swap3A_48 = vector.shape_cast %get3A_1 : vector<200x128xf32> to vector<1x200x128xf32>
    tpu.vector_store %arg2[%swap3A_43, %swap3A_44, %swap3A_45], %swap3A_48 {strides = array<i32>} : memref<16x200x128xf32, #tpu.memory_space<vmem>>, vector<1x200x128xf32>,
    %swap3A_49 = arith.constant 8 : index
    %swap3A_50 = arith.constant 0 : index
    %swap3A_51 = arith.constant 0 : index
    %swap3A_52 = vector.load %arg2[%swap3A_49, %swap3A_50, %swap3A_51] : memref<16x200x128xf32, #tpu.memory_space<vmem>>, vector<1x200x128xf32>
    %swap3A_53 = vector.shape_cast %swap3A_52 : vector<1x200x128xf32> to vector<200x128xf32>
    %swap3A_54 = vector.shape_cast %get3A_1 : vector<200x128xf32> to vector<1x200x128xf32>
    tpu.vector_store %arg2[%swap3A_49, %swap3A_50, %swap3A_51], %swap3A_54 {strides = array<i32>} : memref<16x200x128xf32, #tpu.memory_space<vmem>>, vector<1x200x128xf32>,
    %swap3A_55 = arith.constant 9 : index
    %swap3A_56 = arith.constant 0 : index
    %swap3A_57 = arith.constant 0 : index
    %swap3A_58 = vector.load %arg2[%swap3A_55, %swap3A_56, %swap3A_57] : memref<16x200x128xf32, #tpu.memory_space<vmem>>, vector<1x200x128xf32>
    %swap3A_59 = vector.shape_cast %swap3A_58 : vector<1x200x128xf32> to vector<200x128xf32>
    %swap3A_60 = vector.shape_cast %get3A_1 : vector<200x128xf32> to vector<1x200x128xf32>
    tpu.vector_store %arg2[%swap3A_55, %swap3A_56, %swap3A_57], %swap3A_60 {strides = array<i32>} : memref<16x200x128xf32, #tpu.memory_space<vmem>>, vector<1x200x128xf32>,
    %swap3A_61 = arith.constant 10 : index
    %swap3A_62 = arith.constant 0 : index
    %swap3A_63 = arith.constant 0 : index
    %swap3A_64 = vector.load %arg2[%swap3A_61, %swap3A_62, %swap3A_63] : memref<16x200x128xf32, #tpu.memory_space<vmem>>, vector<1x200x128xf32>
    %swap3A_65 = vector.shape_cast %swap3A_64 : vector<1x200x128xf32> to vector<200x128xf32>
    %swap3A_66 = vector.shape_cast %get3A_1 : vector<200x128xf32> to vector<1x200x128xf32>
    tpu.vector_store %arg2[%swap3A_61, %swap3A_62, %swap3A_63], %swap3A_66 {strides = array<i32>} : memref<16x200x128xf32, #tpu.memory_space<vmem>>, vector<1x200x128xf32>,
    %swap3A_67 = arith.constant 11 : index
    %swap3A_68 = arith.constant 0 : index
    %swap3A_69 = arith.constant 0 : index
    %swap3A_70 = vector.load %arg2[%swap3A_67, %swap3A_68, %swap3A_69] : memref<16x200x128xf32, #tpu.memory_space<vmem>>, vector<1x200x128xf32>
    %swap3A_71 = vector.shape_cast %swap3A_70 : vector<1x200x128xf32> to vector<200x128xf32>
    %swap3A_72 = vector.shape_cast %get3A_1 : vector<200x128xf32> to vector<1x200x128xf32>
    tpu.vector_store %arg2[%swap3A_67, %swap3A_68, %swap3A_69], %swap3A_72 {strides = array<i32>} : memref<16x200x128xf32, #tpu.memory_space<vmem>>, vector<1x200x128xf32>,
    %swap3A_73 = arith.constant 12 : index
    %swap3A_74 = arith.constant 0 : index
    %swap3A_75 = arith.constant 0 : index
    %swap3A_76 = vector.load %arg2[%swap3A_73, %swap3A_74, %swap3A_75] : memref<16x200x128xf32, #tpu.memory_space<vmem>>, vector<1x200x128xf32>
    %swap3A_77 = vector.shape_cast %swap3A_76 : vector<1x200x128xf32> to vector<200x128xf32>
    %swap3A_78 = vector.shape_cast %get3A_1 : vector<200x128xf32> to vector<1x200x128xf32>
    tpu.vector_store %arg2[%swap3A_73, %swap3A_74, %swap3A_75], %swap3A_78 {strides = array<i32>} : memref<16x200x128xf32, #tpu.memory_space<vmem>>, vector<1x200x128xf32>,
    %swap3A_79 = arith.constant 13 : index
    %swap3A_80 = arith.constant 0 : index
    %swap3A_81 = arith.constant 0 : index
    %swap3A_82 = vector.load %arg2[%swap3A_79, %swap3A_80, %swap3A_81] : memref<16x200x128xf32, #tpu.memory_space<vmem>>, vector<1x200x128xf32>
    %swap3A_83 = vector.shape_cast %swap3A_82 : vector<1x200x128xf32> to vector<200x128xf32>
    %swap3A_84 = vector.shape_cast %get3A_1 : vector<200x128xf32> to vector<1x200x128xf32>
    tpu.vector_store %arg2[%swap3A_79, %swap3A_80, %swap3A_81], %swap3A_84 {strides = array<i32>} : memref<16x200x128xf32, #tpu.memory_space<vmem>>, vector<1x200x128xf32>,
    %swap3A_85 = arith.constant 14 : index
    %swap3A_86 = arith.constant 0 : index
    %swap3A_87 = arith.constant 0 : index
    %swap3A_88 = vector.load %arg2[%swap3A_85, %swap3A_86, %swap3A_87] : memref<16x200x128xf32, #tpu.memory_space<vmem>>, vector<1x200x128xf32>
    %swap3A_89 = vector.shape_cast %swap3A_88 : vector<1x200x128xf32> to vector<200x128xf32>
    %swap3A_90 = vector.shape_cast %get3A_1 : vector<200x128xf32> to vector<1x200x128xf32>
    tpu.vector_store %arg2[%swap3A_85, %swap3A_86, %swap3A_87], %swap3A_90 {strides = array<i32>} : memref<16x200x128xf32, #tpu.memory_space<vmem>>, vector<1x200x128xf32>,
    %swap3A_91 = arith.constant 15 : index
    %swap3A_92 = arith.constant 0 : index
    %swap3A_93 = arith.constant 0 : index
    %swap3A_94 = vector.load %arg2[%swap3A_91, %swap3A_92, %swap3A_93] : memref<16x200x128xf32, #tpu.memory_space<vmem>>, vector<1x200x128xf32>
    %swap3A_95 = vector.shape_cast %swap3A_94 : vector<1x200x128xf32> to vector<200x128xf32>
    %swap3A_96 = vector.shape_cast %get3A_1 : vector<200x128xf32> to vector<1x200x128xf32>
    tpu.vector_store %arg2[%swap3A_91, %swap3A_92, %swap3A_93], %swap3A_96 {strides = array<i32>} : memref<16x200x128xf32, #tpu.memory_space<vmem>>, vector<1x200x128xf32>,
    %dma_start3A = arith.constant 0 : i32
    %dma_start3A_97 = tpu.memref_slice %arg3[%dma_start3A] : memref<2x!tpu.dma_semaphore, #tpu.memory_space<semaphore_mem>> -> memref<1x!tpu.dma_semaphore, #tpu.memory_space<semaphore_mem>>
    %dma_start3A_98 = tpu.memref_squeeze %dma_start3A_97 : memref<1x!tpu.dma_semaphore, #tpu.memory_space<semaphore_mem>> -> memref<!tpu.dma_semaphore, #tpu.memory_space<semaphore_mem>>
    %dma_start3A_99 = arith.constant 0 : i32
    %dma_start3A_100 = arith.constant 0 : i32
    %dma_start3A_101 = arith.constant 0 : i32
    %dma_start3A_102 = tpu.memref_slice %arg1[%dma_start3A_99, %dma_start3A_100, %dma_start3A_101] : memref<1024x200x128xf32, #tpu.memory_space<hbm>> -> memref<16x200x128xf32, #tpu.memory_space<hbm>>
    tpu.enqueue_dma source(%arg2 : memref<16x200x128xf32, #tpu.memory_space<vmem>>) target(%dma_start3A_102 : memref<16x200x128xf32, #tpu.memory_space<hbm>>) target_semaphore(%dma_start3A_98 : memref<!tpu.dma_semaphore, #tpu.memory_space<semaphore_mem>>)
    %dma_start3A_103 = arith.constant 1 : i32
    %dma_start3A_104 = tpu.memref_slice %arg3[%dma_start3A_103] : memref<2x!tpu.dma_semaphore, #tpu.memory_space<semaphore_mem>> -> memref<1x!tpu.dma_semaphore, #tpu.memory_space<semaphore_mem>>
    %dma_start3A_105 = tpu.memref_squeeze %dma_start3A_104 : memref<1x!tpu.dma_semaphore, #tpu.memory_space<semaphore_mem>> -> memref<!tpu.dma_semaphore, #tpu.memory_space<semaphore_mem>>
    %dma_start3A_106 = arith.constant 16 : i32
    %dma_start3A_107 = arith.constant 0 : i32
    %dma_start3A_108 = arith.constant 0 : i32
    %dma_start3A_109 = tpu.memref_slice %arg1[%dma_start3A_106, %dma_start3A_107, %dma_start3A_108] : memref<1024x200x128xf32, #tpu.memory_space<hbm>> -> memref<16x200x128xf32, #tpu.memory_space<hbm>>
    tpu.enqueue_dma source(%arg2 : memref<16x200x128xf32, #tpu.memory_space<vmem>>) target(%dma_start3A_109 : memref<16x200x128xf32, #tpu.memory_space<hbm>>) target_semaphore(%dma_start3A_105 : memref<!tpu.dma_semaphore, #tpu.memory_space<semaphore_mem>>)
    %dma_start3A_110 = arith.constant 0 : i32
    %dma_start3A_111 = tpu.memref_slice %arg3[%dma_start3A_110] : memref<2x!tpu.dma_semaphore, #tpu.memory_space<semaphore_mem>> -> memref<1x!tpu.dma_semaphore, #tpu.memory_space<semaphore_mem>>
    %dma_start3A_112 = tpu.memref_squeeze %dma_start3A_111 : memref<1x!tpu.dma_semaphore, #tpu.memory_space<semaphore_mem>> -> memref<!tpu.dma_semaphore, #tpu.memory_space<semaphore_mem>>
    %dma_start3A_113 = arith.constant 32 : i32
    %dma_start3A_114 = arith.constant 0 : i32
    %dma_start3A_115 = arith.constant 0 : i32
    %dma_start3A_116 = tpu.memref_slice %arg1[%dma_start3A_113, %dma_start3A_114, %dma_start3A_115] : memref<1024x200x128xf32, #tpu.memory_space<hbm>> -> memref<16x200x128xf32, #tpu.memory_space<hbm>>
    tpu.enqueue_dma source(%arg2 : memref<16x200x128xf32, #tpu.memory_space<vmem>>) target(%dma_start3A_116 : memref<16x200x128xf32, #tpu.memory_space<hbm>>) target_semaphore(%dma_start3A_112 : memref<!tpu.dma_semaphore, #tpu.memory_space<semaphore_mem>>)
    %dma_start3A_117 = arith.constant 1 : i32
    %dma_start3A_118 = tpu.memref_slice %arg3[%dma_start3A_117] : memref<2x!tpu.dma_semaphore, #tpu.memory_space<semaphore_mem>> -> memref<1x!tpu.dma_semaphore, #tpu.memory_space<semaphore_mem>>
    %dma_start3A_119 = tpu.memref_squeeze %dma_start3A_118 : memref<1x!tpu.dma_semaphore, #tpu.memory_space<semaphore_mem>> -> memref<!tpu.dma_semaphore, #tpu.memory_space<semaphore_mem>>
    %dma_start3A_120 = arith.constant 48 : i32
    %dma_start3A_121 = arith.constant 0 : i32
    %dma_start3A_122 = arith.constant 0 : i32
    %dma_start3A_123 = tpu.memref_slice %arg1[%dma_start3A_120, %dma_start3A_121, %dma_start3A_122] : memref<1024x200x128xf32, #tpu.memory_space<hbm>> -> memref<16x200x128xf32, #tpu.memory_space<hbm>>
    tpu.enqueue_dma source(%arg2 : memref<16x200x128xf32, #tpu.memory_space<vmem>>) target(%dma_start3A_123 : memref<16x200x128xf32, #tpu.memory_space<hbm>>) target_semaphore(%dma_start3A_119 : memref<!tpu.dma_semaphore, #tpu.memory_space<semaphore_mem>>)
    %dma_start3A_124 = arith.constant 0 : i32
    %dma_start3A_125 = tpu.memref_slice %arg3[%dma_start3A_124] : memref<2x!tpu.dma_semaphore, #tpu.memory_space<semaphore_mem>> -> memref<1x!tpu.dma_semaphore, #tpu.memory_space<semaphore_mem>>
    %dma_start3A_126 = tpu.memref_squeeze %dma_start3A_125 : memref<1x!tpu.dma_semaphore, #tpu.memory_space<semaphore_mem>> -> memref<!tpu.dma_semaphore, #tpu.memory_space<semaphore_mem>>
    %dma_start3A_127 = arith.constant 64 : i32
    %dma_start3A_128 = arith.constant 0 : i32
    %dma_start3A_129 = arith.constant 0 : i32
    %dma_start3A_130 = tpu.memref_slice %arg1[%dma_start3A_127, %dma_start3A_128, %dma_start3A_129] : memref<1024x200x128xf32, #tpu.memory_space<hbm>> -> memref<16x200x128xf32, #tpu.memory_space<hbm>>
    tpu.enqueue_dma source(%arg2 : memref<16x200x128xf32, #tpu.memory_space<vmem>>) target(%dma_start3A_130 : memref<16x200x128xf32, #tpu.memory_space<hbm>>) target_semaphore(%dma_start3A_126 : memref<!tpu.dma_semaphore, #tpu.memory_space<semaphore_mem>>)
    %dma_start3A_131 = arith.constant 1 : i32
    %dma_start3A_132 = tpu.memref_slice %arg3[%dma_start3A_131] : memref<2x!tpu.dma_semaphore, #tpu.memory_space<semaphore_mem>> -> memref<1x!tpu.dma_semaphore, #tpu.memory_space<semaphore_mem>>
    %dma_start3A_133 = tpu.memref_squeeze %dma_start3A_132 : memref<1x!tpu.dma_semaphore, #tpu.memory_space<semaphore_mem>> -> memref<!tpu.dma_semaphore, #tpu.memory_space<semaphore_mem>>
    %dma_start3A_134 = arith.constant 80 : i32
    %dma_start3A_135 = arith.constant 0 : i32
    %dma_start3A_136 = arith.constant 0 : i32
    %dma_start3A_137 = tpu.memref_slice %arg1[%dma_start3A_134, %dma_start3A_135, %dma_start3A_136] : memref<1024x200x128xf32, #tpu.memory_space<hbm>> -> memref<16x200x128xf32, #tpu.memory_space<hbm>>
    tpu.enqueue_dma source(%arg2 : memref<16x200x128xf32, #tpu.memory_space<vmem>>) target(%dma_start3A_137 : memref<16x200x128xf32, #tpu.memory_space<hbm>>) target_semaphore(%dma_start3A_133 : memref<!tpu.dma_semaphore, #tpu.memory_space<semaphore_mem>>)
    %dma_start3A_138 = arith.constant 0 : i32
    %dma_start3A_139 = tpu.memref_slice %arg3[%dma_start3A_138] : memref<2x!tpu.dma_semaphore, #tpu.memory_space<semaphore_mem>> -> memref<1x!tpu.dma_semaphore, #tpu.memory_space<semaphore_mem>>
    %dma_start3A_140 = tpu.memref_squeeze %dma_start3A_139 : memref<1x!tpu.dma_semaphore, #tpu.memory_space<semaphore_mem>> -> memref<!tpu.dma_semaphore, #tpu.memory_space<semaphore_mem>>
    %dma_start3A_141 = arith.constant 96 : i32
    %dma_start3A_142 = arith.constant 0 : i32
    %dma_start3A_143 = arith.constant 0 : i32
    %dma_start3A_144 = tpu.memref_slice %arg1[%dma_start3A_141, %dma_start3A_142, %dma_start3A_143] : memref<1024x200x128xf32, #tpu.memory_space<hbm>> -> memref<16x200x128xf32, #tpu.memory_space<hbm>>
    tpu.enqueue_dma source(%arg2 : memref<16x200x128xf32, #tpu.memory_space<vmem>>) target(%dma_start3A_144 : memref<16x200x128xf32, #tpu.memory_space<hbm>>) target_semaphore(%dma_start3A_140 : memref<!tpu.dma_semaphore, #tpu.memory_space<semaphore_mem>>)
    %dma_start3A_145 = arith.constant 1 : i32
    %dma_start3A_146 = tpu.memref_slice %arg3[%dma_start3A_145] : memref<2x!tpu.dma_semaphore, #tpu.memory_space<semaphore_mem>> -> memref<1x!tpu.dma_semaphore, #tpu.memory_space<semaphore_mem>>
    %dma_start3A_147 = tpu.memref_squeeze %dma_start3A_146 : memref<1x!tpu.dma_semaphore, #tpu.memory_space<semaphore_mem>> -> memref<!tpu.dma_semaphore, #tpu.memory_space<semaphore_mem>>
    %dma_start3A_148 = arith.constant 112 : i32
    %dma_start3A_149 = arith.constant 0 : i32
    %dma_start3A_150 = arith.constant 0 : i32
    %dma_start3A_151 = tpu.memref_slice %arg1[%dma_start3A_148, %dma_start3A_149, %dma_start3A_150] : memref<1024x200x128xf32, #tpu.memory_space<hbm>> -> memref<16x200x128xf32, #tpu.memory_space<hbm>>
    tpu.enqueue_dma source(%arg2 : memref<16x200x128xf32, #tpu.memory_space<vmem>>) target(%dma_start3A_151 : memref<16x200x128xf32, #tpu.memory_space<hbm>>) target_semaphore(%dma_start3A_147 : memref<!tpu.dma_semaphore, #tpu.memory_space<semaphore_mem>>)
    %dma_start3A_152 = arith.constant 0 : i32
    %dma_start3A_153 = tpu.memref_slice %arg3[%dma_start3A_152] : memref<2x!tpu.dma_semaphore, #tpu.memory_space<semaphore_mem>> -> memref<1x!tpu.dma_semaphore, #tpu.memory_space<semaphore_mem>>
    %dma_start3A_154 = tpu.memref_squeeze %dma_start3A_153 : memref<1x!tpu.dma_semaphore, #tpu.memory_space<semaphore_mem>> -> memref<!tpu.dma_semaphore, #tpu.memory_space<semaphore_mem>>
    %dma_start3A_155 = arith.constant 128 : i32
    %dma_start3A_156 = arith.constant 0 : i32
    %dma_start3A_157 = arith.constant 0 : i32
    %dma_start3A_158 = tpu.memref_slice %arg1[%dma_start3A_155, %dma_start3A_156, %dma_start3A_157] : memref<1024x200x128xf32, #tpu.memory_space<hbm>> -> memref<16x200x128xf32, #tpu.memory_space<hbm>>
    tpu.enqueue_dma source(%arg2 : memref<16x200x128xf32, #tpu.memory_space<vmem>>) target(%dma_start3A_158 : memref<16x200x128xf32, #tpu.memory_space<hbm>>) target_semaphore(%dma_start3A_154 : memref<!tpu.dma_semaphore, #tpu.memory_space<semaphore_mem>>)
    %dma_start3A_159 = arith.constant 1 : i32
    %dma_start3A_160 = tpu.memref_slice %arg3[%dma_start3A_159] : memref<2x!tpu.dma_semaphore, #tpu.memory_space<semaphore_mem>> -> memref<1x!tpu.dma_semaphore, #tpu.memory_space<semaphore_mem>>
    %dma_start3A_161 = tpu.memref_squeeze %dma_start3A_160 : memref<1x!tpu.dma_semaphore, #tpu.memory_space<semaphore_mem>> -> memref<!tpu.dma_semaphore, #tpu.memory_space<semaphore_mem>>
    %dma_start3A_162 = arith.constant 144 : i32
    %dma_start3A_163 = arith.constant 0 : i32
    %dma_start3A_164 = arith.constant 0 : i32
    %dma_start3A_165 = tpu.memref_slice %arg1[%dma_start3A_162, %dma_start3A_163, %dma_start3A_164] : memref<1024x200x128xf32, #tpu.memory_space<hbm>> -> memref<16x200x128xf32, #tpu.memory_space<hbm>>
    tpu.enqueue_dma source(%arg2 : memref<16x200x128xf32, #tpu.memory_space<vmem>>) target(%dma_start3A_165 : memref<16x200x128xf32, #tpu.memory_space<hbm>>) target_semaphore(%dma_start3A_161 : memref<!tpu.dma_semaphore, #tpu.memory_space<semaphore_mem>>)
    %dma_start3A_166 = arith.constant 0 : i32
    %dma_start3A_167 = tpu.memref_slice %arg3[%dma_start3A_166] : memref<2x!tpu.dma_semaphore, #tpu.memory_space<semaphore_mem>> -> memref<1x!tpu.dma_semaphore, #tpu.memory_space<semaphore_mem>>
    %dma_start3A_168 = tpu.memref_squeeze %dma_start3A_167 : memref<1x!tpu.dma_semaphore, #tpu.memory_space<semaphore_mem>> -> memref<!tpu.dma_semaphore, #tpu.memory_space<semaphore_mem>>
    %dma_start3A_169 = arith.constant 160 : i32
    %dma_start3A_170 = arith.constant 0 : i32
    %dma_start3A_171 = arith.constant 0 : i32
    %dma_start3A_172 = tpu.memref_slice %arg1[%dma_start3A_169, %dma_start3A_170, %dma_start3A_171] : memref<1024x200x128xf32, #tpu.memory_space<hbm>> -> memref<16x200x128xf32, #tpu.memory_space<hbm>>
    tpu.enqueue_dma source(%arg2 : memref<16x200x128xf32, #tpu.memory_space<vmem>>) target(%dma_start3A_172 : memref<16x200x128xf32, #tpu.memory_space<hbm>>) target_semaphore(%dma_start3A_168 : memref<!tpu.dma_semaphore, #tpu.memory_space<semaphore_mem>>)
    %dma_start3A_173 = arith.constant 1 : i32
    %dma_start3A_174 = tpu.memref_slice %arg3[%dma_start3A_173] : memref<2x!tpu.dma_semaphore, #tpu.memory_space<semaphore_mem>> -> memref<1x!tpu.dma_semaphore, #tpu.memory_space<semaphore_mem>>
    %dma_start3A_175 = tpu.memref_squeeze %dma_start3A_174 : memref<1x!tpu.dma_semaphore, #tpu.memory_space<semaphore_mem>> -> memref<!tpu.dma_semaphore, #tpu.memory_space<semaphore_mem>>
    %dma_start3A_176 = arith.constant 176 : i32
    %dma_start3A_177 = arith.constant 0 : i32
    %dma_start3A_178 = arith.constant 0 : i32
    %dma_start3A_179 = tpu.memref_slice %arg1[%dma_start3A_176, %dma_start3A_177, %dma_start3A_178] : memref<1024x200x128xf32, #tpu.memory_space<hbm>> -> memref<16x200x128xf32, #tpu.memory_space<hbm>>
    tpu.enqueue_dma source(%arg2 : memref<16x200x128xf32, #tpu.memory_space<vmem>>) target(%dma_start3A_179 : memref<16x200x128xf32, #tpu.memory_space<hbm>>) target_semaphore(%dma_start3A_175 : memref<!tpu.dma_semaphore, #tpu.memory_space<semaphore_mem>>)
    %dma_start3A_180 = arith.constant 0 : i32
    %dma_start3A_181 = tpu.memref_slice %arg3[%dma_start3A_180] : memref<2x!tpu.dma_semaphore, #tpu.memory_space<semaphore_mem>> -> memref<1x!tpu.dma_semaphore, #tpu.memory_space<semaphore_mem>>
    %dma_start3A_182 = tpu.memref_squeeze %dma_start3A_181 : memref<1x!tpu.dma_semaphore, #tpu.memory_space<semaphore_mem>> -> memref<!tpu.dma_semaphore, #tpu.memory_space<semaphore_mem>>
    %dma_start3A_183 = arith.constant 192 : i32
    %dma_start3A_184 = arith.constant 0 : i32
    %dma_start3A_185 = arith.constant 0 : i32
    %dma_start3A_186 = tpu.memref_slice %arg1[%dma_start3A_183, %dma_start3A_184, %dma_start3A_185] : memref<1024x200x128xf32, #tpu.memory_space<hbm>> -> memref<16x200x128xf32, #tpu.memory_space<hbm>>
    tpu.enqueue_dma source(%arg2 : memref<16x200x128xf32, #tpu.memory_space<vmem>>) target(%dma_start3A_186 : memref<16x200x128xf32, #tpu.memory_space<hbm>>) target_semaphore(%dma_start3A_182 : memref<!tpu.dma_semaphore, #tpu.memory_space<semaphore_mem>>)
    %dma_start3A_187 = arith.constant 1 : i32
    %dma_start3A_188 = tpu.memref_slice %arg3[%dma_start3A_187] : memref<2x!tpu.dma_semaphore, #tpu.memory_space<semaphore_mem>> -> memref<1x!tpu.dma_semaphore, #tpu.memory_space<semaphore_mem>>
    %dma_start3A_189 = tpu.memref_squeeze %dma_start3A_188 : memref<1x!tpu.dma_semaphore, #tpu.memory_space<semaphore_mem>> -> memref<!tpu.dma_semaphore, #tpu.memory_space<semaphore_mem>>
    %dma_start3A_190 = arith.constant 208 : i32
    %dma_start3A_191 = arith.constant 0 : i32
    %dma_start3A_192 = arith.constant 0 : i32
    %dma_start3A_193 = tpu.memref_slice %arg1[%dma_start3A_190, %dma_start3A_191, %dma_start3A_192] : memref<1024x200x128xf32, #tpu.memory_space<hbm>> -> memref<16x200x128xf32, #tpu.memory_space<hbm>>
    tpu.enqueue_dma source(%arg2 : memref<16x200x128xf32, #tpu.memory_space<vmem>>) target(%dma_start3A_193 : memref<16x200x128xf32, #tpu.memory_space<hbm>>) target_semaphore(%dma_start3A_189 : memref<!tpu.dma_semaphore, #tpu.memory_space<semaphore_mem>>)
    %dma_start3A_194 = arith.constant 0 : i32
    %dma_start3A_195 = tpu.memref_slice %arg3[%dma_start3A_194] : memref<2x!tpu.dma_semaphore, #tpu.memory_space<semaphore_mem>> -> memref<1x!tpu.dma_semaphore, #tpu.memory_space<semaphore_mem>>
    %dma_start3A_196 = tpu.memref_squeeze %dma_start3A_195 : memref<1x!tpu.dma_semaphore, #tpu.memory_space<semaphore_mem>> -> memref<!tpu.dma_semaphore, #tpu.memory_space<semaphore_mem>>
    %dma_start3A_197 = arith.constant 224 : i32
    %dma_start3A_198 = arith.constant 0 : i32
    %dma_start3A_199 = arith.constant 0 : i32
    %dma_start3A_200 = tpu.memref_slice %arg1[%dma_start3A_197, %dma_start3A_198, %dma_start3A_199] : memref<1024x200x128xf32, #tpu.memory_space<hbm>> -> memref<16x200x128xf32, #tpu.memory_space<hbm>>
    tpu.enqueue_dma source(%arg2 : memref<16x200x128xf32, #tpu.memory_space<vmem>>) target(%dma_start3A_200 : memref<16x200x128xf32, #tpu.memory_space<hbm>>) target_semaphore(%dma_start3A_196 : memref<!tpu.dma_semaphore, #tpu.memory_space<semaphore_mem>>)
    %dma_start3A_201 = arith.constant 1 : i32
    %dma_start3A_202 = tpu.memref_slice %arg3[%dma_start3A_201] : memref<2x!tpu.dma_semaphore, #tpu.memory_space<semaphore_mem>> -> memref<1x!tpu.dma_semaphore, #tpu.memory_space<semaphore_mem>>
    %dma_start3A_203 = tpu.memref_squeeze %dma_start3A_202 : memref<1x!tpu.dma_semaphore, #tpu.memory_space<semaphore_mem>> -> memref<!tpu.dma_semaphore, #tpu.memory_space<semaphore_mem>>
    %dma_start3A_204 = arith.constant 240 : i32
    %dma_start3A_205 = arith.constant 0 : i32
    %dma_start3A_206 = arith.constant 0 : i32
    %dma_start3A_207 = tpu.memref_slice %arg1[%dma_start3A_204, %dma_start3A_205, %dma_start3A_206] : memref<1024x200x128xf32, #tpu.memory_space<hbm>> -> memref<16x200x128xf32, #tpu.memory_space<hbm>>
    tpu.enqueue_dma source(%arg2 : memref<16x200x128xf32, #tpu.memory_space<vmem>>) target(%dma_start3A_207 : memref<16x200x128xf32, #tpu.memory_space<hbm>>) target_semaphore(%dma_start3A_203 : memref<!tpu.dma_semaphore, #tpu.memory_space<semaphore_mem>>)
    %dma_start3A_208 = arith.constant 0 : i32
    %dma_start3A_209 = tpu.memref_slice %arg3[%dma_start3A_208] : memref<2x!tpu.dma_semaphore, #tpu.memory_space<semaphore_mem>> -> memref<1x!tpu.dma_semaphore, #tpu.memory_space<semaphore_mem>>
    %dma_start3A_210 = tpu.memref_squeeze %dma_start3A_209 : memref<1x!tpu.dma_semaphore, #tpu.memory_space<semaphore_mem>> -> memref<!tpu.dma_semaphore, #tpu.memory_space<semaphore_mem>>
    %dma_start3A_211 = arith.constant 256 : i32
    %dma_start3A_212 = arith.constant 0 : i32
    %dma_start3A_213 = arith.constant 0 : i32
    %dma_start3A_214 = tpu.memref_slice %arg1[%dma_start3A_211, %dma_start3A_212, %dma_start3A_213] : memref<1024x200x128xf32, #tpu.memory_space<hbm>> -> memref<16x200x128xf32, #tpu.memory_space<hbm>>
    tpu.enqueue_dma source(%arg2 : memref<16x200x128xf32, #tpu.memory_space<vmem>>) target(%dma_start3A_214 : memref<16x200x128xf32, #tpu.memory_space<hbm>>) target_semaphore(%dma_start3A_210 : memref<!tpu.dma_semaphore, #tpu.memory_space<semaphore_mem>>)
    %dma_start3A_215 = arith.constant 1 : i32
    %dma_start3A_216 = tpu.memref_slice %arg3[%dma_start3A_215] : memref<2x!tpu.dma_semaphore, #tpu.memory_space<semaphore_mem>> -> memref<1x!tpu.dma_semaphore, #tpu.memory_space<semaphore_mem>>
    %dma_start3A_217 = tpu.memref_squeeze %dma_start3A_216 : memref<1x!tpu.dma_semaphore, #tpu.memory_space<semaphore_mem>> -> memref<!tpu.dma_semaphore, #tpu.memory_space<semaphore_mem>>
    %dma_start3A_218 = arith.constant 272 : i32
    %dma_start3A_219 = arith.constant 0 : i32
    %dma_start3A_220 = arith.constant 0 : i32
    %dma_start3A_221 = tpu.memref_slice %arg1[%dma_start3A_218, %dma_start3A_219, %dma_start3A_220] : memref<1024x200x128xf32, #tpu.memory_space<hbm>> -> memref<16x200x128xf32, #tpu.memory_space<hbm>>
    tpu.enqueue_dma source(%arg2 : memref<16x200x128xf32, #tpu.memory_space<vmem>>) target(%dma_start3A_221 : memref<16x200x128xf32, #tpu.memory_space<hbm>>) target_semaphore(%dma_start3A_217 : memref<!tpu.dma_semaphore, #tpu.memory_space<semaphore_mem>>)
    %dma_start3A_222 = arith.constant 0 : i32
    %dma_start3A_223 = tpu.memref_slice %arg3[%dma_start3A_222] : memref<2x!tpu.dma_semaphore, #tpu.memory_space<semaphore_mem>> -> memref<1x!tpu.dma_semaphore, #tpu.memory_space<semaphore_mem>>
    %dma_start3A_224 = tpu.memref_squeeze %dma_start3A_223 : memref<1x!tpu.dma_semaphore, #tpu.memory_space<semaphore_mem>> -> memref<!tpu.dma_semaphore, #tpu.memory_space<semaphore_mem>>
    %dma_start3A_225 = arith.constant 288 : i32
    %dma_start3A_226 = arith.constant 0 : i32
    %dma_start3A_227 = arith.constant 0 : i32
    %dma_start3A_228 = tpu.memref_slice %arg1[%dma_start3A_225, %dma_start3A_226, %dma_start3A_227] : memref<1024x200x128xf32, #tpu.memory_space<hbm>> -> memref<16x200x128xf32, #tpu.memory_space<hbm>>
    tpu.enqueue_dma source(%arg2 : memref<16x200x128xf32, #tpu.memory_space<vmem>>) target(%dma_start3A_228 : memref<16x200x128xf32, #tpu.memory_space<hbm>>) target_semaphore(%dma_start3A_224 : memref<!tpu.dma_semaphore, #tpu.memory_space<semaphore_mem>>)
    %dma_start3A_229 = arith.constant 1 : i32
    %dma_start3A_230 = tpu.memref_slice %arg3[%dma_start3A_229] : memref<2x!tpu.dma_semaphore, #tpu.memory_space<semaphore_mem>> -> memref<1x!tpu.dma_semaphore, #tpu.memory_space<semaphore_mem>>
    %dma_start3A_231 = tpu.memref_squeeze %dma_start3A_230 : memref<1x!tpu.dma_semaphore, #tpu.memory_space<semaphore_mem>> -> memref<!tpu.dma_semaphore, #tpu.memory_space<semaphore_mem>>
    %dma_start3A_232 = arith.constant 304 : i32
    %dma_start3A_233 = arith.constant 0 : i32
    %dma_start3A_234 = arith.constant 0 : i32
    %dma_start3A_235 = tpu.memref_slice %arg1[%dma_start3A_232, %dma_start3A_233, %dma_start3A_234] : memref<1024x200x128xf32, #tpu.memory_space<hbm>> -> memref<16x200x128xf32, #tpu.memory_space<hbm>>
    tpu.enqueue_dma source(%arg2 : memref<16x200x128xf32, #tpu.memory_space<vmem>>) target(%dma_start3A_235 : memref<16x200x128xf32, #tpu.memory_space<hbm>>) target_semaphore(%dma_start3A_231 : memref<!tpu.dma_semaphore, #tpu.memory_space<semaphore_mem>>)
    %dma_start3A_236 = arith.constant 0 : i32
    %dma_start3A_237 = tpu.memref_slice %arg3[%dma_start3A_236] : memref<2x!tpu.dma_semaphore, #tpu.memory_space<semaphore_mem>> -> memref<1x!tpu.dma_semaphore, #tpu.memory_space<semaphore_mem>>
    %dma_start3A_238 = tpu.memref_squeeze %dma_start3A_237 : memref<1x!tpu.dma_semaphore, #tpu.memory_space<semaphore_mem>> -> memref<!tpu.dma_semaphore, #tpu.memory_space<semaphore_mem>>
    %dma_start3A_239 = arith.constant 320 : i32
    %dma_start3A_240 = arith.constant 0 : i32
    %dma_start3A_241 = arith.constant 0 : i32
    %dma_start3A_242 = tpu.memref_slice %arg1[%dma_start3A_239, %dma_start3A_240, %dma_start3A_241] : memref<1024x200x128xf32, #tpu.memory_space<hbm>> -> memref<16x200x128xf32, #tpu.memory_space<hbm>>
    tpu.enqueue_dma source(%arg2 : memref<16x200x128xf32, #tpu.memory_space<vmem>>) target(%dma_start3A_242 : memref<16x200x128xf32, #tpu.memory_space<hbm>>) target_semaphore(%dma_start3A_238 : memref<!tpu.dma_semaphore, #tpu.memory_space<semaphore_mem>>)
    %dma_start3A_243 = arith.constant 1 : i32
    %dma_start3A_244 = tpu.memref_slice %arg3[%dma_start3A_243] : memref<2x!tpu.dma_semaphore, #tpu.memory_space<semaphore_mem>> -> memref<1x!tpu.dma_semaphore, #tpu.memory_space<semaphore_mem>>
    %dma_start3A_245 = tpu.memref_squeeze %dma_start3A_244 : memref<1x!tpu.dma_semaphore, #tpu.memory_space<semaphore_mem>> -> memref<!tpu.dma_semaphore, #tpu.memory_space<semaphore_mem>>
    %dma_start3A_246 = arith.constant 336 : i32
    %dma_start3A_247 = arith.constant 0 : i32
    %dma_start3A_248 = arith.constant 0 : i32
    %dma_start3A_249 = tpu.memref_slice %arg1[%dma_start3A_246, %dma_start3A_247, %dma_start3A_248] : memref<1024x200x128xf32, #tpu.memory_space<hbm>> -> memref<16x200x128xf32, #tpu.memory_space<hbm>>
    tpu.enqueue_dma source(%arg2 : memref<16x200x128xf32, #tpu.memory_space<vmem>>) target(%dma_start3A_249 : memref<16x200x128xf32, #tpu.memory_space<hbm>>) target_semaphore(%dma_start3A_245 : memref<!tpu.dma_semaphore, #tpu.memory_space<semaphore_mem>>)
    %dma_start3A_250 = arith.constant 0 : i32
    %dma_start3A_251 = tpu.memref_slice %arg3[%dma_start3A_250] : memref<2x!tpu.dma_semaphore, #tpu.memory_space<semaphore_mem>> -> memref<1x!tpu.dma_semaphore, #tpu.memory_space<semaphore_mem>>
    %dma_start3A_252 = tpu.memref_squeeze %dma_start3A_251 : memref<1x!tpu.dma_semaphore, #tpu.memory_space<semaphore_mem>> -> memref<!tpu.dma_semaphore, #tpu.memory_space<semaphore_mem>>
    %dma_start3A_253 = arith.constant 352 : i32
    %dma_start3A_254 = arith.constant 0 : i32
    %dma_start3A_255 = arith.constant 0 : i32
    %dma_start3A_256 = tpu.memref_slice %arg1[%dma_start3A_253, %dma_start3A_254, %dma_start3A_255] : memref<1024x200x128xf32, #tpu.memory_space<hbm>> -> memref<16x200x128xf32, #tpu.memory_space<hbm>>
    tpu.enqueue_dma source(%arg2 : memref<16x200x128xf32, #tpu.memory_space<vmem>>) target(%dma_start3A_256 : memref<16x200x128xf32, #tpu.memory_space<hbm>>) target_semaphore(%dma_start3A_252 : memref<!tpu.dma_semaphore, #tpu.memory_space<semaphore_mem>>)
    %dma_start3A_257 = arith.constant 1 : i32
    %dma_start3A_258 = tpu.memref_slice %arg3[%dma_start3A_257] : memref<2x!tpu.dma_semaphore, #tpu.memory_space<semaphore_mem>> -> memref<1x!tpu.dma_semaphore, #tpu.memory_space<semaphore_mem>>
    %dma_start3A_259 = tpu.memref_squeeze %dma_start3A_258 : memref<1x!tpu.dma_semaphore, #tpu.memory_space<semaphore_mem>> -> memref<!tpu.dma_semaphore, #tpu.memory_space<semaphore_mem>>
    %dma_start3A_260 = arith.constant 368 : i32
    %dma_start3A_261 = arith.constant 0 : i32
    %dma_start3A_262 = arith.constant 0 : i32
    %dma_start3A_263 = tpu.memref_slice %arg1[%dma_start3A_260, %dma_start3A_261, %dma_start3A_262] : memref<1024x200x128xf32, #tpu.memory_space<hbm>> -> memref<16x200x128xf32, #tpu.memory_space<hbm>>
    tpu.enqueue_dma source(%arg2 : memref<16x200x128xf32, #tpu.memory_space<vmem>>) target(%dma_start3A_263 : memref<16x200x128xf32, #tpu.memory_space<hbm>>) target_semaphore(%dma_start3A_259 : memref<!tpu.dma_semaphore, #tpu.memory_space<semaphore_mem>>)
    %dma_start3A_264 = arith.constant 0 : i32
    %dma_start3A_265 = tpu.memref_slice %arg3[%dma_start3A_264] : memref<2x!tpu.dma_semaphore, #tpu.memory_space<semaphore_mem>> -> memref<1x!tpu.dma_semaphore, #tpu.memory_space<semaphore_mem>>
    %dma_start3A_266 = tpu.memref_squeeze %dma_start3A_265 : memref<1x!tpu.dma_semaphore, #tpu.memory_space<semaphore_mem>> -> memref<!tpu.dma_semaphore, #tpu.memory_space<semaphore_mem>>
    %dma_start3A_267 = arith.constant 384 : i32
    %dma_start3A_268 = arith.constant 0 : i32
    %dma_start3A_269 = arith.constant 0 : i32
    %dma_start3A_270 = tpu.memref_slice %arg1[%dma_start3A_267, %dma_start3A_268, %dma_start3A_269] : memref<1024x200x128xf32, #tpu.memory_space<hbm>> -> memref<16x200x128xf32, #tpu.memory_space<hbm>>
    tpu.enqueue_dma source(%arg2 : memref<16x200x128xf32, #tpu.memory_space<vmem>>) target(%dma_start3A_270 : memref<16x200x128xf32, #tpu.memory_space<hbm>>) target_semaphore(%dma_start3A_266 : memref<!tpu.dma_semaphore, #tpu.memory_space<semaphore_mem>>)
    %dma_start3A_271 = arith.constant 1 : i32
    %dma_start3A_272 = tpu.memref_slice %arg3[%dma_start3A_271] : memref<2x!tpu.dma_semaphore, #tpu.memory_space<semaphore_mem>> -> memref<1x!tpu.dma_semaphore, #tpu.memory_space<semaphore_mem>>
    %dma_start3A_273 = tpu.memref_squeeze %dma_start3A_272 : memref<1x!tpu.dma_semaphore, #tpu.memory_space<semaphore_mem>> -> memref<!tpu.dma_semaphore, #tpu.memory_space<semaphore_mem>>
    %dma_start3A_274 = arith.constant 400 : i32
    %dma_start3A_275 = arith.constant 0 : i32
    %dma_start3A_276 = arith.constant 0 : i32
    %dma_start3A_277 = tpu.memref_slice %arg1[%dma_start3A_274, %dma_start3A_275, %dma_start3A_276] : memref<1024x200x128xf32, #tpu.memory_space<hbm>> -> memref<16x200x128xf32, #tpu.memory_space<hbm>>
    tpu.enqueue_dma source(%arg2 : memref<16x200x128xf32, #tpu.memory_space<vmem>>) target(%dma_start3A_277 : memref<16x200x128xf32, #tpu.memory_space<hbm>>) target_semaphore(%dma_start3A_273 : memref<!tpu.dma_semaphore, #tpu.memory_space<semaphore_mem>>)
    %dma_start3A_278 = arith.constant 0 : i32
    %dma_start3A_279 = tpu.memref_slice %arg3[%dma_start3A_278] : memref<2x!tpu.dma_semaphore, #tpu.memory_space<semaphore_mem>> -> memref<1x!tpu.dma_semaphore, #tpu.memory_space<semaphore_mem>>
    %dma_start3A_280 = tpu.memref_squeeze %dma_start3A_279 : memref<1x!tpu.dma_semaphore, #tpu.memory_space<semaphore_mem>> -> memref<!tpu.dma_semaphore, #tpu.memory_space<semaphore_mem>>
    %dma_start3A_281 = arith.constant 416 : i32
    %dma_start3A_282 = arith.constant 0 : i32
    %dma_start3A_283 = arith.constant 0 : i32
    %dma_start3A_284 = tpu.memref_slice %arg1[%dma_start3A_281, %dma_start3A_282, %dma_start3A_283] : memref<1024x200x128xf32, #tpu.memory_space<hbm>> -> memref<16x200x128xf32, #tpu.memory_space<hbm>>
    tpu.enqueue_dma source(%arg2 : memref<16x200x128xf32, #tpu.memory_space<vmem>>) target(%dma_start3A_284 : memref<16x200x128xf32, #tpu.memory_space<hbm>>) target_semaphore(%dma_start3A_280 : memref<!tpu.dma_semaphore, #tpu.memory_space<semaphore_mem>>)
    %dma_start3A_285 = arith.constant 1 : i32
    %dma_start3A_286 = tpu.memref_slice %arg3[%dma_start3A_285] : memref<2x!tpu.dma_semaphore, #tpu.memory_space<semaphore_mem>> -> memref<1x!tpu.dma_semaphore, #tpu.memory_space<semaphore_mem>>
    %dma_start3A_287 = tpu.memref_squeeze %dma_start3A_286 : memref<1x!tpu.dma_semaphore, #tpu.memory_space<semaphore_mem>> -> memref<!tpu.dma_semaphore, #tpu.memory_space<semaphore_mem>>
    %dma_start3A_288 = arith.constant 432 : i32
    %dma_start3A_289 = arith.constant 0 : i32
    %dma_start3A_290 = arith.constant 0 : i32
    %dma_start3A_291 = tpu.memref_slice %arg1[%dma_start3A_288, %dma_start3A_289, %dma_start3A_290] : memref<1024x200x128xf32, #tpu.memory_space<hbm>> -> memref<16x200x128xf32, #tpu.memory_space<hbm>>
    tpu.enqueue_dma source(%arg2 : memref<16x200x128xf32, #tpu.memory_space<vmem>>) target(%dma_start3A_291 : memref<16x200x128xf32, #tpu.memory_space<hbm>>) target_semaphore(%dma_start3A_287 : memref<!tpu.dma_semaphore, #tpu.memory_space<semaphore_mem>>)
    %dma_start3A_292 = arith.constant 0 : i32
    %dma_start3A_293 = tpu.memref_slice %arg3[%dma_start3A_292] : memref<2x!tpu.dma_semaphore, #tpu.memory_space<semaphore_mem>> -> memref<1x!tpu.dma_semaphore, #tpu.memory_space<semaphore_mem>>
    %dma_start3A_294 = tpu.memref_squeeze %dma_start3A_293 : memref<1x!tpu.dma_semaphore, #tpu.memory_space<semaphore_mem>> -> memref<!tpu.dma_semaphore, #tpu.memory_space<semaphore_mem>>
    %dma_start3A_295 = arith.constant 448 : i32
    %dma_start3A_296 = arith.constant 0 : i32
    %dma_start3A_297 = arith.constant 0 : i32
    %dma_start3A_298 = tpu.memref_slice %arg1[%dma_start3A_295, %dma_start3A_296, %dma_start3A_297] : memref<1024x200x128xf32, #tpu.memory_space<hbm>> -> memref<16x200x128xf32, #tpu.memory_space<hbm>>
    tpu.enqueue_dma source(%arg2 : memref<16x200x128xf32, #tpu.memory_space<vmem>>) target(%dma_start3A_298 : memref<16x200x128xf32, #tpu.memory_space<hbm>>) target_semaphore(%dma_start3A_294 : memref<!tpu.dma_semaphore, #tpu.memory_space<semaphore_mem>>)
    %dma_start3A_299 = arith.constant 1 : i32
    %dma_start3A_300 = tpu.memref_slice %arg3[%dma_start3A_299] : memref<2x!tpu.dma_semaphore, #tpu.memory_space<semaphore_mem>> -> memref<1x!tpu.dma_semaphore, #tpu.memory_space<semaphore_mem>>
    %dma_start3A_301 = tpu.memref_squeeze %dma_start3A_300 : memref<1x!tpu.dma_semaphore, #tpu.memory_space<semaphore_mem>> -> memref<!tpu.dma_semaphore, #tpu.memory_space<semaphore_mem>>
    %dma_start3A_302 = arith.constant 464 : i32
    %dma_start3A_303 = arith.constant 0 : i32
    %dma_start3A_304 = arith.constant 0 : i32
    %dma_start3A_305 = tpu.memref_slice %arg1[%dma_start3A_302, %dma_start3A_303, %dma_start3A_304] : memref<1024x200x128xf32, #tpu.memory_space<hbm>> -> memref<16x200x128xf32, #tpu.memory_space<hbm>>
    tpu.enqueue_dma source(%arg2 : memref<16x200x128xf32, #tpu.memory_space<vmem>>) target(%dma_start3A_305 : memref<16x200x128xf32, #tpu.memory_space<hbm>>) target_semaphore(%dma_start3A_301 : memref<!tpu.dma_semaphore, #tpu.memory_space<semaphore_mem>>)
    %dma_start3A_306 = arith.constant 0 : i32
    %dma_start3A_307 = tpu.memref_slice %arg3[%dma_start3A_306] : memref<2x!tpu.dma_semaphore, #tpu.memory_space<semaphore_mem>> -> memref<1x!tpu.dma_semaphore, #tpu.memory_space<semaphore_mem>>
    %dma_start3A_308 = tpu.memref_squeeze %dma_start3A_307 : memref<1x!tpu.dma_semaphore, #tpu.memory_space<semaphore_mem>> -> memref<!tpu.dma_semaphore, #tpu.memory_space<semaphore_mem>>
    %dma_start3A_309 = arith.constant 480 : i32
    %dma_start3A_310 = arith.constant 0 : i32
    %dma_start3A_311 = arith.constant 0 : i32
    %dma_start3A_312 = tpu.memref_slice %arg1[%dma_start3A_309, %dma_start3A_310, %dma_start3A_311] : memref<1024x200x128xf32, #tpu.memory_space<hbm>> -> memref<16x200x128xf32, #tpu.memory_space<hbm>>
    tpu.enqueue_dma source(%arg2 : memref<16x200x128xf32, #tpu.memory_space<vmem>>) target(%dma_start3A_312 : memref<16x200x128xf32, #tpu.memory_space<hbm>>) target_semaphore(%dma_start3A_308 : memref<!tpu.dma_semaphore, #tpu.memory_space<semaphore_mem>>)
    %dma_start3A_313 = arith.constant 1 : i32
    %dma_start3A_314 = tpu.memref_slice %arg3[%dma_start3A_313] : memref<2x!tpu.dma_semaphore, #tpu.memory_space<semaphore_mem>> -> memref<1x!tpu.dma_semaphore, #tpu.memory_space<semaphore_mem>>
    %dma_start3A_315 = tpu.memref_squeeze %dma_start3A_314 : memref<1x!tpu.dma_semaphore, #tpu.memory_space<semaphore_mem>> -> memref<!tpu.dma_semaphore, #tpu.memory_space<semaphore_mem>>
    %dma_start3A_316 = arith.constant 496 : i32
    %dma_start3A_317 = arith.constant 0 : i32
    %dma_start3A_318 = arith.constant 0 : i32
    %dma_start3A_319 = tpu.memref_slice %arg1[%dma_start3A_316, %dma_start3A_317, %dma_start3A_318] : memref<1024x200x128xf32, #tpu.memory_space<hbm>> -> memref<16x200x128xf32, #tpu.memory_space<hbm>>
    tpu.enqueue_dma source(%arg2 : memref<16x200x128xf32, #tpu.memory_space<vmem>>) target(%dma_start3A_319 : memref<16x200x128xf32, #tpu.memory_space<hbm>>) target_semaphore(%dma_start3A_315 : memref<!tpu.dma_semaphore, #tpu.memory_space<semaphore_mem>>)
    %dma_start3A_320 = arith.constant 0 : i32
    %dma_start3A_321 = tpu.memref_slice %arg3[%dma_start3A_320] : memref<2x!tpu.dma_semaphore, #tpu.memory_space<semaphore_mem>> -> memref<1x!tpu.dma_semaphore, #tpu.memory_space<semaphore_mem>>
    %dma_start3A_322 = tpu.memref_squeeze %dma_start3A_321 : memref<1x!tpu.dma_semaphore, #tpu.memory_space<semaphore_mem>> -> memref<!tpu.dma_semaphore, #tpu.memory_space<semaphore_mem>>
    %dma_start3A_323 = arith.constant 512 : i32
    %dma_start3A_324 = arith.constant 0 : i32
    %dma_start3A_325 = arith.constant 0 : i32
    %dma_start3A_326 = tpu.memref_slice %arg1[%dma_start3A_323, %dma_start3A_324, %dma_start3A_325] : memref<1024x200x128xf32, #tpu.memory_space<hbm>> -> memref<16x200x128xf32, #tpu.memory_space<hbm>>
    tpu.enqueue_dma source(%arg2 : memref<16x200x128xf32, #tpu.memory_space<vmem>>) target(%dma_start3A_326 : memref<16x200x128xf32, #tpu.memory_space<hbm>>) target_semaphore(%dma_start3A_322 : memref<!tpu.dma_semaphore, #tpu.memory_space<semaphore_mem>>)
    %dma_start3A_327 = arith.constant 1 : i32
    %dma_start3A_328 = tpu.memref_slice %arg3[%dma_start3A_327] : memref<2x!tpu.dma_semaphore, #tpu.memory_space<semaphore_mem>> -> memref<1x!tpu.dma_semaphore, #tpu.memory_space<semaphore_mem>>
    %dma_start3A_329 = tpu.memref_squeeze %dma_start3A_328 : memref<1x!tpu.dma_semaphore, #tpu.memory_space<semaphore_mem>> -> memref<!tpu.dma_semaphore, #tpu.memory_space<semaphore_mem>>
    %dma_start3A_330 = arith.constant 528 : i32
    %dma_start3A_331 = arith.constant 0 : i32
    %dma_start3A_332 = arith.constant 0 : i32
    %dma_start3A_333 = tpu.memref_slice %arg1[%dma_start3A_330, %dma_start3A_331, %dma_start3A_332] : memref<1024x200x128xf32, #tpu.memory_space<hbm>> -> memref<16x200x128xf32, #tpu.memory_space<hbm>>
    tpu.enqueue_dma source(%arg2 : memref<16x200x128xf32, #tpu.memory_space<vmem>>) target(%dma_start3A_333 : memref<16x200x128xf32, #tpu.memory_space<hbm>>) target_semaphore(%dma_start3A_329 : memref<!tpu.dma_semaphore, #tpu.memory_space<semaphore_mem>>)
    %dma_start3A_334 = arith.constant 0 : i32
    %dma_start3A_335 = tpu.memref_slice %arg3[%dma_start3A_334] : memref<2x!tpu.dma_semaphore, #tpu.memory_space<semaphore_mem>> -> memref<1x!tpu.dma_semaphore, #tpu.memory_space<semaphore_mem>>
    %dma_start3A_336 = tpu.memref_squeeze %dma_start3A_335 : memref<1x!tpu.dma_semaphore, #tpu.memory_space<semaphore_mem>> -> memref<!tpu.dma_semaphore, #tpu.memory_space<semaphore_mem>>
    %dma_start3A_337 = arith.constant 544 : i32
    %dma_start3A_338 = arith.constant 0 : i32
    %dma_start3A_339 = arith.constant 0 : i32
    %dma_start3A_340 = tpu.memref_slice %arg1[%dma_start3A_337, %dma_start3A_338, %dma_start3A_339] : memref<1024x200x128xf32, #tpu.memory_space<hbm>> -> memref<16x200x128xf32, #tpu.memory_space<hbm>>
    tpu.enqueue_dma source(%arg2 : memref<16x200x128xf32, #tpu.memory_space<vmem>>) target(%dma_start3A_340 : memref<16x200x128xf32, #tpu.memory_space<hbm>>) target_semaphore(%dma_start3A_336 : memref<!tpu.dma_semaphore, #tpu.memory_space<semaphore_mem>>)
    %dma_start3A_341 = arith.constant 1 : i32
    %dma_start3A_342 = tpu.memref_slice %arg3[%dma_start3A_341] : memref<2x!tpu.dma_semaphore, #tpu.memory_space<semaphore_mem>> -> memref<1x!tpu.dma_semaphore, #tpu.memory_space<semaphore_mem>>
    %dma_start3A_343 = tpu.memref_squeeze %dma_start3A_342 : memref<1x!tpu.dma_semaphore, #tpu.memory_space<semaphore_mem>> -> memref<!tpu.dma_semaphore, #tpu.memory_space<semaphore_mem>>
    %dma_start3A_344 = arith.constant 560 : i32
    %dma_start3A_345 = arith.constant 0 : i32
    %dma_start3A_346 = arith.constant 0 : i32
    %dma_start3A_347 = tpu.memref_slice %arg1[%dma_start3A_344, %dma_start3A_345, %dma_start3A_346] : memref<1024x200x128xf32, #tpu.memory_space<hbm>> -> memref<16x200x128xf32, #tpu.memory_space<hbm>>
    tpu.enqueue_dma source(%arg2 : memref<16x200x128xf32, #tpu.memory_space<vmem>>) target(%dma_start3A_347 : memref<16x200x128xf32, #tpu.memory_space<hbm>>) target_semaphore(%dma_start3A_343 : memref<!tpu.dma_semaphore, #tpu.memory_space<semaphore_mem>>)
    %dma_start3A_348 = arith.constant 0 : i32
    %dma_start3A_349 = tpu.memref_slice %arg3[%dma_start3A_348] : memref<2x!tpu.dma_semaphore, #tpu.memory_space<semaphore_mem>> -> memref<1x!tpu.dma_semaphore, #tpu.memory_space<semaphore_mem>>
    %dma_start3A_350 = tpu.memref_squeeze %dma_start3A_349 : memref<1x!tpu.dma_semaphore, #tpu.memory_space<semaphore_mem>> -> memref<!tpu.dma_semaphore, #tpu.memory_space<semaphore_mem>>
    %dma_start3A_351 = arith.constant 576 : i32
    %dma_start3A_352 = arith.constant 0 : i32
    %dma_start3A_353 = arith.constant 0 : i32
    %dma_start3A_354 = tpu.memref_slice %arg1[%dma_start3A_351, %dma_start3A_352, %dma_start3A_353] : memref<1024x200x128xf32, #tpu.memory_space<hbm>> -> memref<16x200x128xf32, #tpu.memory_space<hbm>>
    tpu.enqueue_dma source(%arg2 : memref<16x200x128xf32, #tpu.memory_space<vmem>>) target(%dma_start3A_354 : memref<16x200x128xf32, #tpu.memory_space<hbm>>) target_semaphore(%dma_start3A_350 : memref<!tpu.dma_semaphore, #tpu.memory_space<semaphore_mem>>)
    %dma_start3A_355 = arith.constant 1 : i32
    %dma_start3A_356 = tpu.memref_slice %arg3[%dma_start3A_355] : memref<2x!tpu.dma_semaphore, #tpu.memory_space<semaphore_mem>> -> memref<1x!tpu.dma_semaphore, #tpu.memory_space<semaphore_mem>>
    %dma_start3A_357 = tpu.memref_squeeze %dma_start3A_356 : memref<1x!tpu.dma_semaphore, #tpu.memory_space<semaphore_mem>> -> memref<!tpu.dma_semaphore, #tpu.memory_space<semaphore_mem>>
    %dma_start3A_358 = arith.constant 592 : i32
    %dma_start3A_359 = arith.constant 0 : i32
    %dma_start3A_360 = arith.constant 0 : i32
    %dma_start3A_361 = tpu.memref_slice %arg1[%dma_start3A_358, %dma_start3A_359, %dma_start3A_360] : memref<1024x200x128xf32, #tpu.memory_space<hbm>> -> memref<16x200x128xf32, #tpu.memory_space<hbm>>
    tpu.enqueue_dma source(%arg2 : memref<16x200x128xf32, #tpu.memory_space<vmem>>) target(%dma_start3A_361 : memref<16x200x128xf32, #tpu.memory_space<hbm>>) target_semaphore(%dma_start3A_357 : memref<!tpu.dma_semaphore, #tpu.memory_space<semaphore_mem>>)
    %dma_start3A_362 = arith.constant 0 : i32
    %dma_start3A_363 = tpu.memref_slice %arg3[%dma_start3A_362] : memref<2x!tpu.dma_semaphore, #tpu.memory_space<semaphore_mem>> -> memref<1x!tpu.dma_semaphore, #tpu.memory_space<semaphore_mem>>
    %dma_start3A_364 = tpu.memref_squeeze %dma_start3A_363 : memref<1x!tpu.dma_semaphore, #tpu.memory_space<semaphore_mem>> -> memref<!tpu.dma_semaphore, #tpu.memory_space<semaphore_mem>>
    %dma_start3A_365 = arith.constant 608 : i32
    %dma_start3A_366 = arith.constant 0 : i32
    %dma_start3A_367 = arith.constant 0 : i32
    %dma_start3A_368 = tpu.memref_slice %arg1[%dma_start3A_365, %dma_start3A_366, %dma_start3A_367] : memref<1024x200x128xf32, #tpu.memory_space<hbm>> -> memref<16x200x128xf32, #tpu.memory_space<hbm>>
    tpu.enqueue_dma source(%arg2 : memref<16x200x128xf32, #tpu.memory_space<vmem>>) target(%dma_start3A_368 : memref<16x200x128xf32, #tpu.memory_space<hbm>>) target_semaphore(%dma_start3A_364 : memref<!tpu.dma_semaphore, #tpu.memory_space<semaphore_mem>>)
    %dma_start3A_369 = arith.constant 1 : i32
    %dma_start3A_370 = tpu.memref_slice %arg3[%dma_start3A_369] : memref<2x!tpu.dma_semaphore, #tpu.memory_space<semaphore_mem>> -> memref<1x!tpu.dma_semaphore, #tpu.memory_space<semaphore_mem>>
    %dma_start3A_371 = tpu.memref_squeeze %dma_start3A_370 : memref<1x!tpu.dma_semaphore, #tpu.memory_space<semaphore_mem>> -> memref<!tpu.dma_semaphore, #tpu.memory_space<semaphore_mem>>
    %dma_start3A_372 = arith.constant 624 : i32
    %dma_start3A_373 = arith.constant 0 : i32
    %dma_start3A_374 = arith.constant 0 : i32
    %dma_start3A_375 = tpu.memref_slice %arg1[%dma_start3A_372, %dma_start3A_373, %dma_start3A_374] : memref<1024x200x128xf32, #tpu.memory_space<hbm>> -> memref<16x200x128xf32, #tpu.memory_space<hbm>>
    tpu.enqueue_dma source(%arg2 : memref<16x200x128xf32, #tpu.memory_space<vmem>>) target(%dma_start3A_375 : memref<16x200x128xf32, #tpu.memory_space<hbm>>) target_semaphore(%dma_start3A_371 : memref<!tpu.dma_semaphore, #tpu.memory_space<semaphore_mem>>)
    %dma_start3A_376 = arith.constant 0 : i32
    %dma_start3A_377 = tpu.memref_slice %arg3[%dma_start3A_376] : memref<2x!tpu.dma_semaphore, #tpu.memory_space<semaphore_mem>> -> memref<1x!tpu.dma_semaphore, #tpu.memory_space<semaphore_mem>>
    %dma_start3A_378 = tpu.memref_squeeze %dma_start3A_377 : memref<1x!tpu.dma_semaphore, #tpu.memory_space<semaphore_mem>> -> memref<!tpu.dma_semaphore, #tpu.memory_space<semaphore_mem>>
    %dma_start3A_379 = arith.constant 640 : i32
    %dma_start3A_380 = arith.constant 0 : i32
    %dma_start3A_381 = arith.constant 0 : i32
    %dma_start3A_382 = tpu.memref_slice %arg1[%dma_start3A_379, %dma_start3A_380, %dma_start3A_381] : memref<1024x200x128xf32, #tpu.memory_space<hbm>> -> memref<16x200x128xf32, #tpu.memory_space<hbm>>
    tpu.enqueue_dma source(%arg2 : memref<16x200x128xf32, #tpu.memory_space<vmem>>) target(%dma_start3A_382 : memref<16x200x128xf32, #tpu.memory_space<hbm>>) target_semaphore(%dma_start3A_378 : memref<!tpu.dma_semaphore, #tpu.memory_space<semaphore_mem>>)
    %dma_start3A_383 = arith.constant 1 : i32
    %dma_start3A_384 = tpu.memref_slice %arg3[%dma_start3A_383] : memref<2x!tpu.dma_semaphore, #tpu.memory_space<semaphore_mem>> -> memref<1x!tpu.dma_semaphore, #tpu.memory_space<semaphore_mem>>
    %dma_start3A_385 = tpu.memref_squeeze %dma_start3A_384 : memref<1x!tpu.dma_semaphore, #tpu.memory_space<semaphore_mem>> -> memref<!tpu.dma_semaphore, #tpu.memory_space<semaphore_mem>>
    %dma_start3A_386 = arith.constant 656 : i32
    %dma_start3A_387 = arith.constant 0 : i32
    %dma_start3A_388 = arith.constant 0 : i32
    %dma_start3A_389 = tpu.memref_slice %arg1[%dma_start3A_386, %dma_start3A_387, %dma_start3A_388] : memref<1024x200x128xf32, #tpu.memory_space<hbm>> -> memref<16x200x128xf32, #tpu.memory_space<hbm>>
    tpu.enqueue_dma source(%arg2 : memref<16x200x128xf32, #tpu.memory_space<vmem>>) target(%dma_start3A_389 : memref<16x200x128xf32, #tpu.memory_space<hbm>>) target_semaphore(%dma_start3A_385 : memref<!tpu.dma_semaphore, #tpu.memory_space<semaphore_mem>>)
    %dma_start3A_390 = arith.constant 0 : i32
    %dma_start3A_391 = tpu.memref_slice %arg3[%dma_start3A_390] : memref<2x!tpu.dma_semaphore, #tpu.memory_space<semaphore_mem>> -> memref<1x!tpu.dma_semaphore, #tpu.memory_space<semaphore_mem>>
    %dma_start3A_392 = tpu.memref_squeeze %dma_start3A_391 : memref<1x!tpu.dma_semaphore, #tpu.memory_space<semaphore_mem>> -> memref<!tpu.dma_semaphore, #tpu.memory_space<semaphore_mem>>
    %dma_start3A_393 = arith.constant 672 : i32
    %dma_start3A_394 = arith.constant 0 : i32
    %dma_start3A_395 = arith.constant 0 : i32
    %dma_start3A_396 = tpu.memref_slice %arg1[%dma_start3A_393, %dma_start3A_394, %dma_start3A_395] : memref<1024x200x128xf32, #tpu.memory_space<hbm>> -> memref<16x200x128xf32, #tpu.memory_space<hbm>>
    tpu.enqueue_dma source(%arg2 : memref<16x200x128xf32, #tpu.memory_space<vmem>>) target(%dma_start3A_396 : memref<16x200x128xf32, #tpu.memory_space<hbm>>) target_semaphore(%dma_start3A_392 : memref<!tpu.dma_semaphore, #tpu.memory_space<semaphore_mem>>)
    %dma_start3A_397 = arith.constant 1 : i32
    %dma_start3A_398 = tpu.memref_slice %arg3[%dma_start3A_397] : memref<2x!tpu.dma_semaphore, #tpu.memory_space<semaphore_mem>> -> memref<1x!tpu.dma_semaphore, #tpu.memory_space<semaphore_mem>>
    %dma_start3A_399 = tpu.memref_squeeze %dma_start3A_398 : memref<1x!tpu.dma_semaphore, #tpu.memory_space<semaphore_mem>> -> memref<!tpu.dma_semaphore, #tpu.memory_space<semaphore_mem>>
    %dma_start3A_400 = arith.constant 688 : i32
    %dma_start3A_401 = arith.constant 0 : i32
    %dma_start3A_402 = arith.constant 0 : i32
    %dma_start3A_403 = tpu.memref_slice %arg1[%dma_start3A_400, %dma_start3A_401, %dma_start3A_402] : memref<1024x200x128xf32, #tpu.memory_space<hbm>> -> memref<16x200x128xf32, #tpu.memory_space<hbm>>
    tpu.enqueue_dma source(%arg2 : memref<16x200x128xf32, #tpu.memory_space<vmem>>) target(%dma_start3A_403 : memref<16x200x128xf32, #tpu.memory_space<hbm>>) target_semaphore(%dma_start3A_399 : memref<!tpu.dma_semaphore, #tpu.memory_space<semaphore_mem>>)
    %dma_start3A_404 = arith.constant 0 : i32
    %dma_start3A_405 = tpu.memref_slice %arg3[%dma_start3A_404] : memref<2x!tpu.dma_semaphore, #tpu.memory_space<semaphore_mem>> -> memref<1x!tpu.dma_semaphore, #tpu.memory_space<semaphore_mem>>
    %dma_start3A_406 = tpu.memref_squeeze %dma_start3A_405 : memref<1x!tpu.dma_semaphore, #tpu.memory_space<semaphore_mem>> -> memref<!tpu.dma_semaphore, #tpu.memory_space<semaphore_mem>>
    %dma_start3A_407 = arith.constant 704 : i32
    %dma_start3A_408 = arith.constant 0 : i32
    %dma_start3A_409 = arith.constant 0 : i32
    %dma_start3A_410 = tpu.memref_slice %arg1[%dma_start3A_407, %dma_start3A_408, %dma_start3A_409] : memref<1024x200x128xf32, #tpu.memory_space<hbm>> -> memref<16x200x128xf32, #tpu.memory_space<hbm>>
    tpu.enqueue_dma source(%arg2 : memref<16x200x128xf32, #tpu.memory_space<vmem>>) target(%dma_start3A_410 : memref<16x200x128xf32, #tpu.memory_space<hbm>>) target_semaphore(%dma_start3A_406 : memref<!tpu.dma_semaphore, #tpu.memory_space<semaphore_mem>>)
    %dma_start3A_411 = arith.constant 1 : i32
    %dma_start3A_412 = tpu.memref_slice %arg3[%dma_start3A_411] : memref<2x!tpu.dma_semaphore, #tpu.memory_space<semaphore_mem>> -> memref<1x!tpu.dma_semaphore, #tpu.memory_space<semaphore_mem>>
    %dma_start3A_413 = tpu.memref_squeeze %dma_start3A_412 : memref<1x!tpu.dma_semaphore, #tpu.memory_space<semaphore_mem>> -> memref<!tpu.dma_semaphore, #tpu.memory_space<semaphore_mem>>
    %dma_start3A_414 = arith.constant 720 : i32
    %dma_start3A_415 = arith.constant 0 : i32
    %dma_start3A_416 = arith.constant 0 : i32
    %dma_start3A_417 = tpu.memref_slice %arg1[%dma_start3A_414, %dma_start3A_415, %dma_start3A_416] : memref<1024x200x128xf32, #tpu.memory_space<hbm>> -> memref<16x200x128xf32, #tpu.memory_space<hbm>>
    tpu.enqueue_dma source(%arg2 : memref<16x200x128xf32, #tpu.memory_space<vmem>>) target(%dma_start3A_417 : memref<16x200x128xf32, #tpu.memory_space<hbm>>) target_semaphore(%dma_start3A_413 : memref<!tpu.dma_semaphore, #tpu.memory_space<semaphore_mem>>)
    %dma_start3A_418 = arith.constant 0 : i32
    %dma_start3A_419 = tpu.memref_slice %arg3[%dma_start3A_418] : memref<2x!tpu.dma_semaphore, #tpu.memory_space<semaphore_mem>> -> memref<1x!tpu.dma_semaphore, #tpu.memory_space<semaphore_mem>>
    %dma_start3A_420 = tpu.memref_squeeze %dma_start3A_419 : memref<1x!tpu.dma_semaphore, #tpu.memory_space<semaphore_mem>> -> memref<!tpu.dma_semaphore, #tpu.memory_space<semaphore_mem>>
    %dma_start3A_421 = arith.constant 736 : i32
    %dma_start3A_422 = arith.constant 0 : i32
    %dma_start3A_423 = arith.constant 0 : i32
    %dma_start3A_424 = tpu.memref_slice %arg1[%dma_start3A_421, %dma_start3A_422, %dma_start3A_423] : memref<1024x200x128xf32, #tpu.memory_space<hbm>> -> memref<16x200x128xf32, #tpu.memory_space<hbm>>
    tpu.enqueue_dma source(%arg2 : memref<16x200x128xf32, #tpu.memory_space<vmem>>) target(%dma_start3A_424 : memref<16x200x128xf32, #tpu.memory_space<hbm>>) target_semaphore(%dma_start3A_420 : memref<!tpu.dma_semaphore, #tpu.memory_space<semaphore_mem>>)
    %dma_start3A_425 = arith.constant 1 : i32
    %dma_start3A_426 = tpu.memref_slice %arg3[%dma_start3A_425] : memref<2x!tpu.dma_semaphore, #tpu.memory_space<semaphore_mem>> -> memref<1x!tpu.dma_semaphore, #tpu.memory_space<semaphore_mem>>
    %dma_start3A_427 = tpu.memref_squeeze %dma_start3A_426 : memref<1x!tpu.dma_semaphore, #tpu.memory_space<semaphore_mem>> -> memref<!tpu.dma_semaphore, #tpu.memory_space<semaphore_mem>>
    %dma_start3A_428 = arith.constant 752 : i32
    %dma_start3A_429 = arith.constant 0 : i32
    %dma_start3A_430 = arith.constant 0 : i32
    %dma_start3A_431 = tpu.memref_slice %arg1[%dma_start3A_428, %dma_start3A_429, %dma_start3A_430] : memref<1024x200x128xf32, #tpu.memory_space<hbm>> -> memref<16x200x128xf32, #tpu.memory_space<hbm>>
    tpu.enqueue_dma source(%arg2 : memref<16x200x128xf32, #tpu.memory_space<vmem>>) target(%dma_start3A_431 : memref<16x200x128xf32, #tpu.memory_space<hbm>>) target_semaphore(%dma_start3A_427 : memref<!tpu.dma_semaphore, #tpu.memory_space<semaphore_mem>>)
    %dma_start3A_432 = arith.constant 0 : i32
    %dma_start3A_433 = tpu.memref_slice %arg3[%dma_start3A_432] : memref<2x!tpu.dma_semaphore, #tpu.memory_space<semaphore_mem>> -> memref<1x!tpu.dma_semaphore, #tpu.memory_space<semaphore_mem>>
    %dma_start3A_434 = tpu.memref_squeeze %dma_start3A_433 : memref<1x!tpu.dma_semaphore, #tpu.memory_space<semaphore_mem>> -> memref<!tpu.dma_semaphore, #tpu.memory_space<semaphore_mem>>
    %dma_start3A_435 = arith.constant 768 : i32
    %dma_start3A_436 = arith.constant 0 : i32
    %dma_start3A_437 = arith.constant 0 : i32
    %dma_start3A_438 = tpu.memref_slice %arg1[%dma_start3A_435, %dma_start3A_436, %dma_start3A_437] : memref<1024x200x128xf32, #tpu.memory_space<hbm>> -> memref<16x200x128xf32, #tpu.memory_space<hbm>>
    tpu.enqueue_dma source(%arg2 : memref<16x200x128xf32, #tpu.memory_space<vmem>>) target(%dma_start3A_438 : memref<16x200x128xf32, #tpu.memory_space<hbm>>) target_semaphore(%dma_start3A_434 : memref<!tpu.dma_semaphore, #tpu.memory_space<semaphore_mem>>)
    %dma_start3A_439 = arith.constant 1 : i32
    %dma_start3A_440 = tpu.memref_slice %arg3[%dma_start3A_439] : memref<2x!tpu.dma_semaphore, #tpu.memory_space<semaphore_mem>> -> memref<1x!tpu.dma_semaphore, #tpu.memory_space<semaphore_mem>>
    %dma_start3A_441 = tpu.memref_squeeze %dma_start3A_440 : memref<1x!tpu.dma_semaphore, #tpu.memory_space<semaphore_mem>> -> memref<!tpu.dma_semaphore, #tpu.memory_space<semaphore_mem>>
    %dma_start3A_442 = arith.constant 784 : i32
    %dma_start3A_443 = arith.constant 0 : i32
    %dma_start3A_444 = arith.constant 0 : i32
    %dma_start3A_445 = tpu.memref_slice %arg1[%dma_start3A_442, %dma_start3A_443, %dma_start3A_444] : memref<1024x200x128xf32, #tpu.memory_space<hbm>> -> memref<16x200x128xf32, #tpu.memory_space<hbm>>
    tpu.enqueue_dma source(%arg2 : memref<16x200x128xf32, #tpu.memory_space<vmem>>) target(%dma_start3A_445 : memref<16x200x128xf32, #tpu.memory_space<hbm>>) target_semaphore(%dma_start3A_441 : memref<!tpu.dma_semaphore, #tpu.memory_space<semaphore_mem>>)
    %dma_start3A_446 = arith.constant 0 : i32
    %dma_start3A_447 = tpu.memref_slice %arg3[%dma_start3A_446] : memref<2x!tpu.dma_semaphore, #tpu.memory_space<semaphore_mem>> -> memref<1x!tpu.dma_semaphore, #tpu.memory_space<semaphore_mem>>
    %dma_start3A_448 = tpu.memref_squeeze %dma_start3A_447 : memref<1x!tpu.dma_semaphore, #tpu.memory_space<semaphore_mem>> -> memref<!tpu.dma_semaphore, #tpu.memory_space<semaphore_mem>>
    %dma_start3A_449 = arith.constant 800 : i32
    %dma_start3A_450 = arith.constant 0 : i32
    %dma_start3A_451 = arith.constant 0 : i32
    %dma_start3A_452 = tpu.memref_slice %arg1[%dma_start3A_449, %dma_start3A_450, %dma_start3A_451] : memref<1024x200x128xf32, #tpu.memory_space<hbm>> -> memref<16x200x128xf32, #tpu.memory_space<hbm>>
    tpu.enqueue_dma source(%arg2 : memref<16x200x128xf32, #tpu.memory_space<vmem>>) target(%dma_start3A_452 : memref<16x200x128xf32, #tpu.memory_space<hbm>>) target_semaphore(%dma_start3A_448 : memref<!tpu.dma_semaphore, #tpu.memory_space<semaphore_mem>>)
    %dma_start3A_453 = arith.constant 1 : i32
    %dma_start3A_454 = tpu.memref_slice %arg3[%dma_start3A_453] : memref<2x!tpu.dma_semaphore, #tpu.memory_space<semaphore_mem>> -> memref<1x!tpu.dma_semaphore, #tpu.memory_space<semaphore_mem>>
    %dma_start3A_455 = tpu.memref_squeeze %dma_start3A_454 : memref<1x!tpu.dma_semaphore, #tpu.memory_space<semaphore_mem>> -> memref<!tpu.dma_semaphore, #tpu.memory_space<semaphore_mem>>
    %dma_start3A_456 = arith.constant 816 : i32
    %dma_start3A_457 = arith.constant 0 : i32
    %dma_start3A_458 = arith.constant 0 : i32
    %dma_start3A_459 = tpu.memref_slice %arg1[%dma_start3A_456, %dma_start3A_457, %dma_start3A_458] : memref<1024x200x128xf32, #tpu.memory_space<hbm>> -> memref<16x200x128xf32, #tpu.memory_space<hbm>>
    tpu.enqueue_dma source(%arg2 : memref<16x200x128xf32, #tpu.memory_space<vmem>>) target(%dma_start3A_459 : memref<16x200x128xf32, #tpu.memory_space<hbm>>) target_semaphore(%dma_start3A_455 : memref<!tpu.dma_semaphore, #tpu.memory_space<semaphore_mem>>)
    %dma_start3A_460 = arith.constant 0 : i32
    %dma_start3A_461 = tpu.memref_slice %arg3[%dma_start3A_460] : memref<2x!tpu.dma_semaphore, #tpu.memory_space<semaphore_mem>> -> memref<1x!tpu.dma_semaphore, #tpu.memory_space<semaphore_mem>>
    %dma_start3A_462 = tpu.memref_squeeze %dma_start3A_461 : memref<1x!tpu.dma_semaphore, #tpu.memory_space<semaphore_mem>> -> memref<!tpu.dma_semaphore, #tpu.memory_space<semaphore_mem>>
    %dma_start3A_463 = arith.constant 832 : i32
    %dma_start3A_464 = arith.constant 0 : i32
    %dma_start3A_465 = arith.constant 0 : i32
    %dma_start3A_466 = tpu.memref_slice %arg1[%dma_start3A_463, %dma_start3A_464, %dma_start3A_465] : memref<1024x200x128xf32, #tpu.memory_space<hbm>> -> memref<16x200x128xf32, #tpu.memory_space<hbm>>
    tpu.enqueue_dma source(%arg2 : memref<16x200x128xf32, #tpu.memory_space<vmem>>) target(%dma_start3A_466 : memref<16x200x128xf32, #tpu.memory_space<hbm>>) target_semaphore(%dma_start3A_462 : memref<!tpu.dma_semaphore, #tpu.memory_space<semaphore_mem>>)
    %dma_start3A_467 = arith.constant 1 : i32
    %dma_start3A_468 = tpu.memref_slice %arg3[%dma_start3A_467] : memref<2x!tpu.dma_semaphore, #tpu.memory_space<semaphore_mem>> -> memref<1x!tpu.dma_semaphore, #tpu.memory_space<semaphore_mem>>
    %dma_start3A_469 = tpu.memref_squeeze %dma_start3A_468 : memref<1x!tpu.dma_semaphore, #tpu.memory_space<semaphore_mem>> -> memref<!tpu.dma_semaphore, #tpu.memory_space<semaphore_mem>>
    %dma_start3A_470 = arith.constant 848 : i32
    %dma_start3A_471 = arith.constant 0 : i32
    %dma_start3A_472 = arith.constant 0 : i32
    %dma_start3A_473 = tpu.memref_slice %arg1[%dma_start3A_470, %dma_start3A_471, %dma_start3A_472] : memref<1024x200x128xf32, #tpu.memory_space<hbm>> -> memref<16x200x128xf32, #tpu.memory_space<hbm>>
    tpu.enqueue_dma source(%arg2 : memref<16x200x128xf32, #tpu.memory_space<vmem>>) target(%dma_start3A_473 : memref<16x200x128xf32, #tpu.memory_space<hbm>>) target_semaphore(%dma_start3A_469 : memref<!tpu.dma_semaphore, #tpu.memory_space<semaphore_mem>>)
    %dma_start3A_474 = arith.constant 0 : i32
    %dma_start3A_475 = tpu.memref_slice %arg3[%dma_start3A_474] : memref<2x!tpu.dma_semaphore, #tpu.memory_space<semaphore_mem>> -> memref<1x!tpu.dma_semaphore, #tpu.memory_space<semaphore_mem>>
    %dma_start3A_476 = tpu.memref_squeeze %dma_start3A_475 : memref<1x!tpu.dma_semaphore, #tpu.memory_space<semaphore_mem>> -> memref<!tpu.dma_semaphore, #tpu.memory_space<semaphore_mem>>
    %dma_start3A_477 = arith.constant 864 : i32
    %dma_start3A_478 = arith.constant 0 : i32
    %dma_start3A_479 = arith.constant 0 : i32
    %dma_start3A_480 = tpu.memref_slice %arg1[%dma_start3A_477, %dma_start3A_478, %dma_start3A_479] : memref<1024x200x128xf32, #tpu.memory_space<hbm>> -> memref<16x200x128xf32, #tpu.memory_space<hbm>>
    tpu.enqueue_dma source(%arg2 : memref<16x200x128xf32, #tpu.memory_space<vmem>>) target(%dma_start3A_480 : memref<16x200x128xf32, #tpu.memory_space<hbm>>) target_semaphore(%dma_start3A_476 : memref<!tpu.dma_semaphore, #tpu.memory_space<semaphore_mem>>)
    %dma_start3A_481 = arith.constant 1 : i32
    %dma_start3A_482 = tpu.memref_slice %arg3[%dma_start3A_481] : memref<2x!tpu.dma_semaphore, #tpu.memory_space<semaphore_mem>> -> memref<1x!tpu.dma_semaphore, #tpu.memory_space<semaphore_mem>>
    %dma_start3A_483 = tpu.memref_squeeze %dma_start3A_482 : memref<1x!tpu.dma_semaphore, #tpu.memory_space<semaphore_mem>> -> memref<!tpu.dma_semaphore, #tpu.memory_space<semaphore_mem>>
    %dma_start3A_484 = arith.constant 880 : i32
    %dma_start3A_485 = arith.constant 0 : i32
    %dma_start3A_486 = arith.constant 0 : i32
    %dma_start3A_487 = tpu.memref_slice %arg1[%dma_start3A_484, %dma_start3A_485, %dma_start3A_486] : memref<1024x200x128xf32, #tpu.memory_space<hbm>> -> memref<16x200x128xf32, #tpu.memory_space<hbm>>
    tpu.enqueue_dma source(%arg2 : memref<16x200x128xf32, #tpu.memory_space<vmem>>) target(%dma_start3A_487 : memref<16x200x128xf32, #tpu.memory_space<hbm>>) target_semaphore(%dma_start3A_483 : memref<!tpu.dma_semaphore, #tpu.memory_space<semaphore_mem>>)
    %dma_start3A_488 = arith.constant 0 : i32
    %dma_start3A_489 = tpu.memref_slice %arg3[%dma_start3A_488] : memref<2x!tpu.dma_semaphore, #tpu.memory_space<semaphore_mem>> -> memref<1x!tpu.dma_semaphore, #tpu.memory_space<semaphore_mem>>
    %dma_start3A_490 = tpu.memref_squeeze %dma_start3A_489 : memref<1x!tpu.dma_semaphore, #tpu.memory_space<semaphore_mem>> -> memref<!tpu.dma_semaphore, #tpu.memory_space<semaphore_mem>>
    %dma_start3A_491 = arith.constant 896 : i32
    %dma_start3A_492 = arith.constant 0 : i32
    %dma_start3A_493 = arith.constant 0 : i32
    %dma_start3A_494 = tpu.memref_slice %arg1[%dma_start3A_491, %dma_start3A_492, %dma_start3A_493] : memref<1024x200x128xf32, #tpu.memory_space<hbm>> -> memref<16x200x128xf32, #tpu.memory_space<hbm>>
    tpu.enqueue_dma source(%arg2 : memref<16x200x128xf32, #tpu.memory_space<vmem>>) target(%dma_start3A_494 : memref<16x200x128xf32, #tpu.memory_space<hbm>>) target_semaphore(%dma_start3A_490 : memref<!tpu.dma_semaphore, #tpu.memory_space<semaphore_mem>>)
    %dma_start3A_495 = arith.constant 1 : i32
    %dma_start3A_496 = tpu.memref_slice %arg3[%dma_start3A_495] : memref<2x!tpu.dma_semaphore, #tpu.memory_space<semaphore_mem>> -> memref<1x!tpu.dma_semaphore, #tpu.memory_space<semaphore_mem>>
    %dma_start3A_497 = tpu.memref_squeeze %dma_start3A_496 : memref<1x!tpu.dma_semaphore, #tpu.memory_space<semaphore_mem>> -> memref<!tpu.dma_semaphore, #tpu.memory_space<semaphore_mem>>
    %dma_start3A_498 = arith.constant 912 : i32
    %dma_start3A_499 = arith.constant 0 : i32
    %dma_start3A_500 = arith.constant 0 : i32
    %dma_start3A_501 = tpu.memref_slice %arg1[%dma_start3A_498, %dma_start3A_499, %dma_start3A_500] : memref<1024x200x128xf32, #tpu.memory_space<hbm>> -> memref<16x200x128xf32, #tpu.memory_space<hbm>>
    tpu.enqueue_dma source(%arg2 : memref<16x200x128xf32, #tpu.memory_space<vmem>>) target(%dma_start3A_501 : memref<16x200x128xf32, #tpu.memory_space<hbm>>) target_semaphore(%dma_start3A_497 : memref<!tpu.dma_semaphore, #tpu.memory_space<semaphore_mem>>)
    %dma_start3A_502 = arith.constant 0 : i32
    %dma_start3A_503 = tpu.memref_slice %arg3[%dma_start3A_502] : memref<2x!tpu.dma_semaphore, #tpu.memory_space<semaphore_mem>> -> memref<1x!tpu.dma_semaphore, #tpu.memory_space<semaphore_mem>>
    %dma_start3A_504 = tpu.memref_squeeze %dma_start3A_503 : memref<1x!tpu.dma_semaphore, #tpu.memory_space<semaphore_mem>> -> memref<!tpu.dma_semaphore, #tpu.memory_space<semaphore_mem>>
    %dma_start3A_505 = arith.constant 928 : i32
    %dma_start3A_506 = arith.constant 0 : i32
    %dma_start3A_507 = arith.constant 0 : i32
    %dma_start3A_508 = tpu.memref_slice %arg1[%dma_start3A_505, %dma_start3A_506, %dma_start3A_507] : memref<1024x200x128xf32, #tpu.memory_space<hbm>> -> memref<16x200x128xf32, #tpu.memory_space<hbm>>
    tpu.enqueue_dma source(%arg2 : memref<16x200x128xf32, #tpu.memory_space<vmem>>) target(%dma_start3A_508 : memref<16x200x128xf32, #tpu.memory_space<hbm>>) target_semaphore(%dma_start3A_504 : memref<!tpu.dma_semaphore, #tpu.memory_space<semaphore_mem>>)
    %dma_start3A_509 = arith.constant 1 : i32
    %dma_start3A_510 = tpu.memref_slice %arg3[%dma_start3A_509] : memref<2x!tpu.dma_semaphore, #tpu.memory_space<semaphore_mem>> -> memref<1x!tpu.dma_semaphore, #tpu.memory_space<semaphore_mem>>
    %dma_start3A_511 = tpu.memref_squeeze %dma_start3A_510 : memref<1x!tpu.dma_semaphore, #tpu.memory_space<semaphore_mem>> -> memref<!tpu.dma_semaphore, #tpu.memory_space<semaphore_mem>>
    %dma_start3A_512 = arith.constant 944 : i32
    %dma_start3A_513 = arith.constant 0 : i32
    %dma_start3A_514 = arith.constant 0 : i32
    %dma_start3A_515 = tpu.memref_slice %arg1[%dma_start3A_512, %dma_start3A_513, %dma_start3A_514] : memref<1024x200x128xf32, #tpu.memory_space<hbm>> -> memref<16x200x128xf32, #tpu.memory_space<hbm>>
    tpu.enqueue_dma source(%arg2 : memref<16x200x128xf32, #tpu.memory_space<vmem>>) target(%dma_start3A_515 : memref<16x200x128xf32, #tpu.memory_space<hbm>>) target_semaphore(%dma_start3A_511 : memref<!tpu.dma_semaphore, #tpu.memory_space<semaphore_mem>>)
    %dma_start3A_516 = arith.constant 0 : i32
    %dma_start3A_517 = tpu.memref_slice %arg3[%dma_start3A_516] : memref<2x!tpu.dma_semaphore, #tpu.memory_space<semaphore_mem>> -> memref<1x!tpu.dma_semaphore, #tpu.memory_space<semaphore_mem>>
    %dma_start3A_518 = tpu.memref_squeeze %dma_start3A_517 : memref<1x!tpu.dma_semaphore, #tpu.memory_space<semaphore_mem>> -> memref<!tpu.dma_semaphore, #tpu.memory_space<semaphore_mem>>
    %dma_start3A_519 = arith.constant 960 : i32
    %dma_start3A_520 = arith.constant 0 : i32
    %dma_start3A_521 = arith.constant 0 : i32
    %dma_start3A_522 = tpu.memref_slice %arg1[%dma_start3A_519, %dma_start3A_520, %dma_start3A_521] : memref<1024x200x128xf32, #tpu.memory_space<hbm>> -> memref<16x200x128xf32, #tpu.memory_space<hbm>>
    tpu.enqueue_dma source(%arg2 : memref<16x200x128xf32, #tpu.memory_space<vmem>>) target(%dma_start3A_522 : memref<16x200x128xf32, #tpu.memory_space<hbm>>) target_semaphore(%dma_start3A_518 : memref<!tpu.dma_semaphore, #tpu.memory_space<semaphore_mem>>)
    %dma_start3A_523 = arith.constant 1 : i32
    %dma_start3A_524 = tpu.memref_slice %arg3[%dma_start3A_523] : memref<2x!tpu.dma_semaphore, #tpu.memory_space<semaphore_mem>> -> memref<1x!tpu.dma_semaphore, #tpu.memory_space<semaphore_mem>>
    %dma_start3A_525 = tpu.memref_squeeze %dma_start3A_524 : memref<1x!tpu.dma_semaphore, #tpu.memory_space<semaphore_mem>> -> memref<!tpu.dma_semaphore, #tpu.memory_space<semaphore_mem>>
    %dma_start3A_526 = arith.constant 976 : i32
    %dma_start3A_527 = arith.constant 0 : i32
    %dma_start3A_528 = arith.constant 0 : i32
    %dma_start3A_529 = tpu.memref_slice %arg1[%dma_start3A_526, %dma_start3A_527, %dma_start3A_528] : memref<1024x200x128xf32, #tpu.memory_space<hbm>> -> memref<16x200x128xf32, #tpu.memory_space<hbm>>
    tpu.enqueue_dma source(%arg2 : memref<16x200x128xf32, #tpu.memory_space<vmem>>) target(%dma_start3A_529 : memref<16x200x128xf32, #tpu.memory_space<hbm>>) target_semaphore(%dma_start3A_525 : memref<!tpu.dma_semaphore, #tpu.memory_space<semaphore_mem>>)
    %dma_start3A_530 = arith.constant 0 : i32
    %dma_start3A_531 = tpu.memref_slice %arg3[%dma_start3A_530] : memref<2x!tpu.dma_semaphore, #tpu.memory_space<semaphore_mem>> -> memref<1x!tpu.dma_semaphore, #tpu.memory_space<semaphore_mem>>
    %dma_start3A_532 = tpu.memref_squeeze %dma_start3A_531 : memref<1x!tpu.dma_semaphore, #tpu.memory_space<semaphore_mem>> -> memref<!tpu.dma_semaphore, #tpu.memory_space<semaphore_mem>>
    %dma_start3A_533 = arith.constant 992 : i32
    %dma_start3A_534 = arith.constant 0 : i32
    %dma_start3A_535 = arith.constant 0 : i32
    %dma_start3A_536 = tpu.memref_slice %arg1[%dma_start3A_533, %dma_start3A_534, %dma_start3A_535] : memref<1024x200x128xf32, #tpu.memory_space<hbm>> -> memref<16x200x128xf32, #tpu.memory_space<hbm>>
    tpu.enqueue_dma source(%arg2 : memref<16x200x128xf32, #tpu.memory_space<vmem>>) target(%dma_start3A_536 : memref<16x200x128xf32, #tpu.memory_space<hbm>>) target_semaphore(%dma_start3A_532 : memref<!tpu.dma_semaphore, #tpu.memory_space<semaphore_mem>>)
    %dma_start3A_537 = arith.constant 1 : i32
    %dma_start3A_538 = tpu.memref_slice %arg3[%dma_start3A_537] : memref<2x!tpu.dma_semaphore, #tpu.memory_space<semaphore_mem>> -> memref<1x!tpu.dma_semaphore, #tpu.memory_space<semaphore_mem>>
    %dma_start3A_539 = tpu.memref_squeeze %dma_start3A_538 : memref<1x!tpu.dma_semaphore, #tpu.memory_space<semaphore_mem>> -> memref<!tpu.dma_semaphore, #tpu.memory_space<semaphore_mem>>
    %dma_start3A_540 = arith.constant 1008 : i32
    %dma_start3A_541 = arith.constant 0 : i32
    %dma_start3A_542 = arith.constant 0 : i32
    %dma_start3A_543 = tpu.memref_slice %arg1[%dma_start3A_540, %dma_start3A_541, %dma_start3A_542] : memref<1024x200x128xf32, #tpu.memory_space<hbm>> -> memref<16x200x128xf32, #tpu.memory_space<hbm>>
    tpu.enqueue_dma source(%arg2 : memref<16x200x128xf32, #tpu.memory_space<vmem>>) target(%dma_start3A_543 : memref<16x200x128xf32, #tpu.memory_space<hbm>>) target_semaphore(%dma_start3A_539 : memref<!tpu.dma_semaphore, #tpu.memory_space<semaphore_mem>>)
    %dma_wait3A = arith.constant 0 : i32
    %dma_wait3A_544 = tpu.memref_slice %arg3[%dma_wait3A] : memref<2x!tpu.dma_semaphore, #tpu.memory_space<semaphore_mem>> -> memref<1x!tpu.dma_semaphore, #tpu.memory_space<semaphore_mem>>
    %dma_wait3A_545 = tpu.memref_squeeze %dma_wait3A_544 : memref<1x!tpu.dma_semaphore, #tpu.memory_space<semaphore_mem>> -> memref<!tpu.dma_semaphore, #tpu.memory_space<semaphore_mem>>
    %dma_wait3A_546 = arith.constant 0 : i32
    %dma_wait3A_547 = arith.constant 0 : i32
    %dma_wait3A_548 = arith.constant 0 : i32
    %dma_wait3A_549 = tpu.memref_slice %arg1[%dma_wait3A_546, %dma_wait3A_547, %dma_wait3A_548] : memref<1024x200x128xf32, #tpu.memory_space<hbm>> -> memref<16x200x128xf32, #tpu.memory_space<hbm>>
    tpu.wait_dma2 semaphore(%dma_wait3A_545 : memref<!tpu.dma_semaphore, #tpu.memory_space<semaphore_mem>>) src(%arg2 : memref<16x200x128xf32, #tpu.memory_space<vmem>>) dst(%dma_wait3A_549 : memref<16x200x128xf32, #tpu.memory_space<hbm>>)
    %dma_wait3A_550 = arith.constant 1 : i32
    %dma_wait3A_551 = tpu.memref_slice %arg3[%dma_wait3A_550] : memref<2x!tpu.dma_semaphore, #tpu.memory_space<semaphore_mem>> -> memref<1x!tpu.dma_semaphore, #tpu.memory_space<semaphore_mem>>
    %dma_wait3A_552 = tpu.memref_squeeze %dma_wait3A_551 : memref<1x!tpu.dma_semaphore, #tpu.memory_space<semaphore_mem>> -> memref<!tpu.dma_semaphore, #tpu.memory_space<semaphore_mem>>
    %dma_wait3A_553 = arith.constant 16 : i32
    %dma_wait3A_554 = arith.constant 0 : i32
    %dma_wait3A_555 = arith.constant 0 : i32
    %dma_wait3A_556 = tpu.memref_slice %arg1[%dma_wait3A_553, %dma_wait3A_554, %dma_wait3A_555] : memref<1024x200x128xf32, #tpu.memory_space<hbm>> -> memref<16x200x128xf32, #tpu.memory_space<hbm>>
    tpu.wait_dma2 semaphore(%dma_wait3A_552 : memref<!tpu.dma_semaphore, #tpu.memory_space<semaphore_mem>>) src(%arg2 : memref<16x200x128xf32, #tpu.memory_space<vmem>>) dst(%dma_wait3A_556 : memref<16x200x128xf32, #tpu.memory_space<hbm>>)
    %dma_wait3A_557 = arith.constant 0 : i32
    %dma_wait3A_558 = tpu.memref_slice %arg3[%dma_wait3A_557] : memref<2x!tpu.dma_semaphore, #tpu.memory_space<semaphore_mem>> -> memref<1x!tpu.dma_semaphore, #tpu.memory_space<semaphore_mem>>
    %dma_wait3A_559 = tpu.memref_squeeze %dma_wait3A_558 : memref<1x!tpu.dma_semaphore, #tpu.memory_space<semaphore_mem>> -> memref<!tpu.dma_semaphore, #tpu.memory_space<semaphore_mem>>
    %dma_wait3A_560 = arith.constant 32 : i32
    %dma_wait3A_561 = arith.constant 0 : i32
    %dma_wait3A_562 = arith.constant 0 : i32
    %dma_wait3A_563 = tpu.memref_slice %arg1[%dma_wait3A_560, %dma_wait3A_561, %dma_wait3A_562] : memref<1024x200x128xf32, #tpu.memory_space<hbm>> -> memref<16x200x128xf32, #tpu.memory_space<hbm>>
    tpu.wait_dma2 semaphore(%dma_wait3A_559 : memref<!tpu.dma_semaphore, #tpu.memory_space<semaphore_mem>>) src(%arg2 : memref<16x200x128xf32, #tpu.memory_space<vmem>>) dst(%dma_wait3A_563 : memref<16x200x128xf32, #tpu.memory_space<hbm>>)
    %dma_wait3A_564 = arith.constant 1 : i32
    %dma_wait3A_565 = tpu.memref_slice %arg3[%dma_wait3A_564] : memref<2x!tpu.dma_semaphore, #tpu.memory_space<semaphore_mem>> -> memref<1x!tpu.dma_semaphore, #tpu.memory_space<semaphore_mem>>
    %dma_wait3A_566 = tpu.memref_squeeze %dma_wait3A_565 : memref<1x!tpu.dma_semaphore, #tpu.memory_space<semaphore_mem>> -> memref<!tpu.dma_semaphore, #tpu.memory_space<semaphore_mem>>
    %dma_wait3A_567 = arith.constant 48 : i32
    %dma_wait3A_568 = arith.constant 0 : i32
    %dma_wait3A_569 = arith.constant 0 : i32
    %dma_wait3A_570 = tpu.memref_slice %arg1[%dma_wait3A_567, %dma_wait3A_568, %dma_wait3A_569] : memref<1024x200x128xf32, #tpu.memory_space<hbm>> -> memref<16x200x128xf32, #tpu.memory_space<hbm>>
    tpu.wait_dma2 semaphore(%dma_wait3A_566 : memref<!tpu.dma_semaphore, #tpu.memory_space<semaphore_mem>>) src(%arg2 : memref<16x200x128xf32, #tpu.memory_space<vmem>>) dst(%dma_wait3A_570 : memref<16x200x128xf32, #tpu.memory_space<hbm>>)
    %dma_wait3A_571 = arith.constant 0 : i32
    %dma_wait3A_572 = tpu.memref_slice %arg3[%dma_wait3A_571] : memref<2x!tpu.dma_semaphore, #tpu.memory_space<semaphore_mem>> -> memref<1x!tpu.dma_semaphore, #tpu.memory_space<semaphore_mem>>
    %dma_wait3A_573 = tpu.memref_squeeze %dma_wait3A_572 : memref<1x!tpu.dma_semaphore, #tpu.memory_space<semaphore_mem>> -> memref<!tpu.dma_semaphore, #tpu.memory_space<semaphore_mem>>
    %dma_wait3A_574 = arith.constant 64 : i32
    %dma_wait3A_575 = arith.constant 0 : i32
    %dma_wait3A_576 = arith.constant 0 : i32
    %dma_wait3A_577 = tpu.memref_slice %arg1[%dma_wait3A_574, %dma_wait3A_575, %dma_wait3A_576] : memref<1024x200x128xf32, #tpu.memory_space<hbm>> -> memref<16x200x128xf32, #tpu.memory_space<hbm>>
    tpu.wait_dma2 semaphore(%dma_wait3A_573 : memref<!tpu.dma_semaphore, #tpu.memory_space<semaphore_mem>>) src(%arg2 : memref<16x200x128xf32, #tpu.memory_space<vmem>>) dst(%dma_wait3A_577 : memref<16x200x128xf32, #tpu.memory_space<hbm>>)
    %dma_wait3A_578 = arith.constant 1 : i32
    %dma_wait3A_579 = tpu.memref_slice %arg3[%dma_wait3A_578] : memref<2x!tpu.dma_semaphore, #tpu.memory_space<semaphore_mem>> -> memref<1x!tpu.dma_semaphore, #tpu.memory_space<semaphore_mem>>
    %dma_wait3A_580 = tpu.memref_squeeze %dma_wait3A_579 : memref<1x!tpu.dma_semaphore, #tpu.memory_space<semaphore_mem>> -> memref<!tpu.dma_semaphore, #tpu.memory_space<semaphore_mem>>
    %dma_wait3A_581 = arith.constant 80 : i32
    %dma_wait3A_582 = arith.constant 0 : i32
    %dma_wait3A_583 = arith.constant 0 : i32
    %dma_wait3A_584 = tpu.memref_slice %arg1[%dma_wait3A_581, %dma_wait3A_582, %dma_wait3A_583] : memref<1024x200x128xf32, #tpu.memory_space<hbm>> -> memref<16x200x128xf32, #tpu.memory_space<hbm>>
    tpu.wait_dma2 semaphore(%dma_wait3A_580 : memref<!tpu.dma_semaphore, #tpu.memory_space<semaphore_mem>>) src(%arg2 : memref<16x200x128xf32, #tpu.memory_space<vmem>>) dst(%dma_wait3A_584 : memref<16x200x128xf32, #tpu.memory_space<hbm>>)
    %dma_wait3A_585 = arith.constant 0 : i32
    %dma_wait3A_586 = tpu.memref_slice %arg3[%dma_wait3A_585] : memref<2x!tpu.dma_semaphore, #tpu.memory_space<semaphore_mem>> -> memref<1x!tpu.dma_semaphore, #tpu.memory_space<semaphore_mem>>
    %dma_wait3A_587 = tpu.memref_squeeze %dma_wait3A_586 : memref<1x!tpu.dma_semaphore, #tpu.memory_space<semaphore_mem>> -> memref<!tpu.dma_semaphore, #tpu.memory_space<semaphore_mem>>
    %dma_wait3A_588 = arith.constant 96 : i32
    %dma_wait3A_589 = arith.constant 0 : i32
    %dma_wait3A_590 = arith.constant 0 : i32
    %dma_wait3A_591 = tpu.memref_slice %arg1[%dma_wait3A_588, %dma_wait3A_589, %dma_wait3A_590] : memref<1024x200x128xf32, #tpu.memory_space<hbm>> -> memref<16x200x128xf32, #tpu.memory_space<hbm>>
    tpu.wait_dma2 semaphore(%dma_wait3A_587 : memref<!tpu.dma_semaphore, #tpu.memory_space<semaphore_mem>>) src(%arg2 : memref<16x200x128xf32, #tpu.memory_space<vmem>>) dst(%dma_wait3A_591 : memref<16x200x128xf32, #tpu.memory_space<hbm>>)
    %dma_wait3A_592 = arith.constant 1 : i32
    %dma_wait3A_593 = tpu.memref_slice %arg3[%dma_wait3A_592] : memref<2x!tpu.dma_semaphore, #tpu.memory_space<semaphore_mem>> -> memref<1x!tpu.dma_semaphore, #tpu.memory_space<semaphore_mem>>
    %dma_wait3A_594 = tpu.memref_squeeze %dma_wait3A_593 : memref<1x!tpu.dma_semaphore, #tpu.memory_space<semaphore_mem>> -> memref<!tpu.dma_semaphore, #tpu.memory_space<semaphore_mem>>
    %dma_wait3A_595 = arith.constant 112 : i32
    %dma_wait3A_596 = arith.constant 0 : i32
    %dma_wait3A_597 = arith.constant 0 : i32
    %dma_wait3A_598 = tpu.memref_slice %arg1[%dma_wait3A_595, %dma_wait3A_596, %dma_wait3A_597] : memref<1024x200x128xf32, #tpu.memory_space<hbm>> -> memref<16x200x128xf32, #tpu.memory_space<hbm>>
    tpu.wait_dma2 semaphore(%dma_wait3A_594 : memref<!tpu.dma_semaphore, #tpu.memory_space<semaphore_mem>>) src(%arg2 : memref<16x200x128xf32, #tpu.memory_space<vmem>>) dst(%dma_wait3A_598 : memref<16x200x128xf32, #tpu.memory_space<hbm>>)
    %dma_wait3A_599 = arith.constant 0 : i32
    %dma_wait3A_600 = tpu.memref_slice %arg3[%dma_wait3A_599] : memref<2x!tpu.dma_semaphore, #tpu.memory_space<semaphore_mem>> -> memref<1x!tpu.dma_semaphore, #tpu.memory_space<semaphore_mem>>
    %dma_wait3A_601 = tpu.memref_squeeze %dma_wait3A_600 : memref<1x!tpu.dma_semaphore, #tpu.memory_space<semaphore_mem>> -> memref<!tpu.dma_semaphore, #tpu.memory_space<semaphore_mem>>
    %dma_wait3A_602 = arith.constant 128 : i32
    %dma_wait3A_603 = arith.constant 0 : i32
    %dma_wait3A_604 = arith.constant 0 : i32
    %dma_wait3A_605 = tpu.memref_slice %arg1[%dma_wait3A_602, %dma_wait3A_603, %dma_wait3A_604] : memref<1024x200x128xf32, #tpu.memory_space<hbm>> -> memref<16x200x128xf32, #tpu.memory_space<hbm>>
    tpu.wait_dma2 semaphore(%dma_wait3A_601 : memref<!tpu.dma_semaphore, #tpu.memory_space<semaphore_mem>>) src(%arg2 : memref<16x200x128xf32, #tpu.memory_space<vmem>>) dst(%dma_wait3A_605 : memref<16x200x128xf32, #tpu.memory_space<hbm>>)
    %dma_wait3A_606 = arith.constant 1 : i32
    %dma_wait3A_607 = tpu.memref_slice %arg3[%dma_wait3A_606] : memref<2x!tpu.dma_semaphore, #tpu.memory_space<semaphore_mem>> -> memref<1x!tpu.dma_semaphore, #tpu.memory_space<semaphore_mem>>
    %dma_wait3A_608 = tpu.memref_squeeze %dma_wait3A_607 : memref<1x!tpu.dma_semaphore, #tpu.memory_space<semaphore_mem>> -> memref<!tpu.dma_semaphore, #tpu.memory_space<semaphore_mem>>
    %dma_wait3A_609 = arith.constant 144 : i32
    %dma_wait3A_610 = arith.constant 0 : i32
    %dma_wait3A_611 = arith.constant 0 : i32
    %dma_wait3A_612 = tpu.memref_slice %arg1[%dma_wait3A_609, %dma_wait3A_610, %dma_wait3A_611] : memref<1024x200x128xf32, #tpu.memory_space<hbm>> -> memref<16x200x128xf32, #tpu.memory_space<hbm>>
    tpu.wait_dma2 semaphore(%dma_wait3A_608 : memref<!tpu.dma_semaphore, #tpu.memory_space<semaphore_mem>>) src(%arg2 : memref<16x200x128xf32, #tpu.memory_space<vmem>>) dst(%dma_wait3A_612 : memref<16x200x128xf32, #tpu.memory_space<hbm>>)
    %dma_wait3A_613 = arith.constant 0 : i32
    %dma_wait3A_614 = tpu.memref_slice %arg3[%dma_wait3A_613] : memref<2x!tpu.dma_semaphore, #tpu.memory_space<semaphore_mem>> -> memref<1x!tpu.dma_semaphore, #tpu.memory_space<semaphore_mem>>
    %dma_wait3A_615 = tpu.memref_squeeze %dma_wait3A_614 : memref<1x!tpu.dma_semaphore, #tpu.memory_space<semaphore_mem>> -> memref<!tpu.dma_semaphore, #tpu.memory_space<semaphore_mem>>
    %dma_wait3A_616 = arith.constant 160 : i32
    %dma_wait3A_617 = arith.constant 0 : i32
    %dma_wait3A_618 = arith.constant 0 : i32
    %dma_wait3A_619 = tpu.memref_slice %arg1[%dma_wait3A_616, %dma_wait3A_617, %dma_wait3A_618] : memref<1024x200x128xf32, #tpu.memory_space<hbm>> -> memref<16x200x128xf32, #tpu.memory_space<hbm>>
    tpu.wait_dma2 semaphore(%dma_wait3A_615 : memref<!tpu.dma_semaphore, #tpu.memory_space<semaphore_mem>>) src(%arg2 : memref<16x200x128xf32, #tpu.memory_space<vmem>>) dst(%dma_wait3A_619 : memref<16x200x128xf32, #tpu.memory_space<hbm>>)
    %dma_wait3A_620 = arith.constant 1 : i32
    %dma_wait3A_621 = tpu.memref_slice %arg3[%dma_wait3A_620] : memref<2x!tpu.dma_semaphore, #tpu.memory_space<semaphore_mem>> -> memref<1x!tpu.dma_semaphore, #tpu.memory_space<semaphore_mem>>
    %dma_wait3A_622 = tpu.memref_squeeze %dma_wait3A_621 : memref<1x!tpu.dma_semaphore, #tpu.memory_space<semaphore_mem>> -> memref<!tpu.dma_semaphore, #tpu.memory_space<semaphore_mem>>
    %dma_wait3A_623 = arith.constant 176 : i32
    %dma_wait3A_624 = arith.constant 0 : i32
    %dma_wait3A_625 = arith.constant 0 : i32
    %dma_wait3A_626 = tpu.memref_slice %arg1[%dma_wait3A_623, %dma_wait3A_624, %dma_wait3A_625] : memref<1024x200x128xf32, #tpu.memory_space<hbm>> -> memref<16x200x128xf32, #tpu.memory_space<hbm>>
    tpu.wait_dma2 semaphore(%dma_wait3A_622 : memref<!tpu.dma_semaphore, #tpu.memory_space<semaphore_mem>>) src(%arg2 : memref<16x200x128xf32, #tpu.memory_space<vmem>>) dst(%dma_wait3A_626 : memref<16x200x128xf32, #tpu.memory_space<hbm>>)
    %dma_wait3A_627 = arith.constant 0 : i32
    %dma_wait3A_628 = tpu.memref_slice %arg3[%dma_wait3A_627] : memref<2x!tpu.dma_semaphore, #tpu.memory_space<semaphore_mem>> -> memref<1x!tpu.dma_semaphore, #tpu.memory_space<semaphore_mem>>
    %dma_wait3A_629 = tpu.memref_squeeze %dma_wait3A_628 : memref<1x!tpu.dma_semaphore, #tpu.memory_space<semaphore_mem>> -> memref<!tpu.dma_semaphore, #tpu.memory_space<semaphore_mem>>
    %dma_wait3A_630 = arith.constant 192 : i32
    %dma_wait3A_631 = arith.constant 0 : i32
    %dma_wait3A_632 = arith.constant 0 : i32
    %dma_wait3A_633 = tpu.memref_slice %arg1[%dma_wait3A_630, %dma_wait3A_631, %dma_wait3A_632] : memref<1024x200x128xf32, #tpu.memory_space<hbm>> -> memref<16x200x128xf32, #tpu.memory_space<hbm>>
    tpu.wait_dma2 semaphore(%dma_wait3A_629 : memref<!tpu.dma_semaphore, #tpu.memory_space<semaphore_mem>>) src(%arg2 : memref<16x200x128xf32, #tpu.memory_space<vmem>>) dst(%dma_wait3A_633 : memref<16x200x128xf32, #tpu.memory_space<hbm>>)
    %dma_wait3A_634 = arith.constant 1 : i32
    %dma_wait3A_635 = tpu.memref_slice %arg3[%dma_wait3A_634] : memref<2x!tpu.dma_semaphore, #tpu.memory_space<semaphore_mem>> -> memref<1x!tpu.dma_semaphore, #tpu.memory_space<semaphore_mem>>
    %dma_wait3A_636 = tpu.memref_squeeze %dma_wait3A_635 : memref<1x!tpu.dma_semaphore, #tpu.memory_space<semaphore_mem>> -> memref<!tpu.dma_semaphore, #tpu.memory_space<semaphore_mem>>
    %dma_wait3A_637 = arith.constant 208 : i32
    %dma_wait3A_638 = arith.constant 0 : i32
    %dma_wait3A_639 = arith.constant 0 : i32
    %dma_wait3A_640 = tpu.memref_slice %arg1[%dma_wait3A_637, %dma_wait3A_638, %dma_wait3A_639] : memref<1024x200x128xf32, #tpu.memory_space<hbm>> -> memref<16x200x128xf32, #tpu.memory_space<hbm>>
    tpu.wait_dma2 semaphore(%dma_wait3A_636 : memref<!tpu.dma_semaphore, #tpu.memory_space<semaphore_mem>>) src(%arg2 : memref<16x200x128xf32, #tpu.memory_space<vmem>>) dst(%dma_wait3A_640 : memref<16x200x128xf32, #tpu.memory_space<hbm>>)
    %dma_wait3A_641 = arith.constant 0 : i32
    %dma_wait3A_642 = tpu.memref_slice %arg3[%dma_wait3A_641] : memref<2x!tpu.dma_semaphore, #tpu.memory_space<semaphore_mem>> -> memref<1x!tpu.dma_semaphore, #tpu.memory_space<semaphore_mem>>
    %dma_wait3A_643 = tpu.memref_squeeze %dma_wait3A_642 : memref<1x!tpu.dma_semaphore, #tpu.memory_space<semaphore_mem>> -> memref<!tpu.dma_semaphore, #tpu.memory_space<semaphore_mem>>
    %dma_wait3A_644 = arith.constant 224 : i32
    %dma_wait3A_645 = arith.constant 0 : i32
    %dma_wait3A_646 = arith.constant 0 : i32
    %dma_wait3A_647 = tpu.memref_slice %arg1[%dma_wait3A_644, %dma_wait3A_645, %dma_wait3A_646] : memref<1024x200x128xf32, #tpu.memory_space<hbm>> -> memref<16x200x128xf32, #tpu.memory_space<hbm>>
    tpu.wait_dma2 semaphore(%dma_wait3A_643 : memref<!tpu.dma_semaphore, #tpu.memory_space<semaphore_mem>>) src(%arg2 : memref<16x200x128xf32, #tpu.memory_space<vmem>>) dst(%dma_wait3A_647 : memref<16x200x128xf32, #tpu.memory_space<hbm>>)
    %dma_wait3A_648 = arith.constant 1 : i32
    %dma_wait3A_649 = tpu.memref_slice %arg3[%dma_wait3A_648] : memref<2x!tpu.dma_semaphore, #tpu.memory_space<semaphore_mem>> -> memref<1x!tpu.dma_semaphore, #tpu.memory_space<semaphore_mem>>
    %dma_wait3A_650 = tpu.memref_squeeze %dma_wait3A_649 : memref<1x!tpu.dma_semaphore, #tpu.memory_space<semaphore_mem>> -> memref<!tpu.dma_semaphore, #tpu.memory_space<semaphore_mem>>
    %dma_wait3A_651 = arith.constant 240 : i32
    %dma_wait3A_652 = arith.constant 0 : i32
    %dma_wait3A_653 = arith.constant 0 : i32
    %dma_wait3A_654 = tpu.memref_slice %arg1[%dma_wait3A_651, %dma_wait3A_652, %dma_wait3A_653] : memref<1024x200x128xf32, #tpu.memory_space<hbm>> -> memref<16x200x128xf32, #tpu.memory_space<hbm>>
    tpu.wait_dma2 semaphore(%dma_wait3A_650 : memref<!tpu.dma_semaphore, #tpu.memory_space<semaphore_mem>>) src(%arg2 : memref<16x200x128xf32, #tpu.memory_space<vmem>>) dst(%dma_wait3A_654 : memref<16x200x128xf32, #tpu.memory_space<hbm>>)
    %dma_wait3A_655 = arith.constant 0 : i32
    %dma_wait3A_656 = tpu.memref_slice %arg3[%dma_wait3A_655] : memref<2x!tpu.dma_semaphore, #tpu.memory_space<semaphore_mem>> -> memref<1x!tpu.dma_semaphore, #tpu.memory_space<semaphore_mem>>
    %dma_wait3A_657 = tpu.memref_squeeze %dma_wait3A_656 : memref<1x!tpu.dma_semaphore, #tpu.memory_space<semaphore_mem>> -> memref<!tpu.dma_semaphore, #tpu.memory_space<semaphore_mem>>
    %dma_wait3A_658 = arith.constant 256 : i32
    %dma_wait3A_659 = arith.constant 0 : i32
    %dma_wait3A_660 = arith.constant 0 : i32
    %dma_wait3A_661 = tpu.memref_slice %arg1[%dma_wait3A_658, %dma_wait3A_659, %dma_wait3A_660] : memref<1024x200x128xf32, #tpu.memory_space<hbm>> -> memref<16x200x128xf32, #tpu.memory_space<hbm>>
    tpu.wait_dma2 semaphore(%dma_wait3A_657 : memref<!tpu.dma_semaphore, #tpu.memory_space<semaphore_mem>>) src(%arg2 : memref<16x200x128xf32, #tpu.memory_space<vmem>>) dst(%dma_wait3A_661 : memref<16x200x128xf32, #tpu.memory_space<hbm>>)
    %dma_wait3A_662 = arith.constant 1 : i32
    %dma_wait3A_663 = tpu.memref_slice %arg3[%dma_wait3A_662] : memref<2x!tpu.dma_semaphore, #tpu.memory_space<semaphore_mem>> -> memref<1x!tpu.dma_semaphore, #tpu.memory_space<semaphore_mem>>
    %dma_wait3A_664 = tpu.memref_squeeze %dma_wait3A_663 : memref<1x!tpu.dma_semaphore, #tpu.memory_space<semaphore_mem>> -> memref<!tpu.dma_semaphore, #tpu.memory_space<semaphore_mem>>
    %dma_wait3A_665 = arith.constant 272 : i32
    %dma_wait3A_666 = arith.constant 0 : i32
    %dma_wait3A_667 = arith.constant 0 : i32
    %dma_wait3A_668 = tpu.memref_slice %arg1[%dma_wait3A_665, %dma_wait3A_666, %dma_wait3A_667] : memref<1024x200x128xf32, #tpu.memory_space<hbm>> -> memref<16x200x128xf32, #tpu.memory_space<hbm>>
    tpu.wait_dma2 semaphore(%dma_wait3A_664 : memref<!tpu.dma_semaphore, #tpu.memory_space<semaphore_mem>>) src(%arg2 : memref<16x200x128xf32, #tpu.memory_space<vmem>>) dst(%dma_wait3A_668 : memref<16x200x128xf32, #tpu.memory_space<hbm>>)
    %dma_wait3A_669 = arith.constant 0 : i32
    %dma_wait3A_670 = tpu.memref_slice %arg3[%dma_wait3A_669] : memref<2x!tpu.dma_semaphore, #tpu.memory_space<semaphore_mem>> -> memref<1x!tpu.dma_semaphore, #tpu.memory_space<semaphore_mem>>
    %dma_wait3A_671 = tpu.memref_squeeze %dma_wait3A_670 : memref<1x!tpu.dma_semaphore, #tpu.memory_space<semaphore_mem>> -> memref<!tpu.dma_semaphore, #tpu.memory_space<semaphore_mem>>
    %dma_wait3A_672 = arith.constant 288 : i32
    %dma_wait3A_673 = arith.constant 0 : i32
    %dma_wait3A_674 = arith.constant 0 : i32
    %dma_wait3A_675 = tpu.memref_slice %arg1[%dma_wait3A_672, %dma_wait3A_673, %dma_wait3A_674] : memref<1024x200x128xf32, #tpu.memory_space<hbm>> -> memref<16x200x128xf32, #tpu.memory_space<hbm>>
    tpu.wait_dma2 semaphore(%dma_wait3A_671 : memref<!tpu.dma_semaphore, #tpu.memory_space<semaphore_mem>>) src(%arg2 : memref<16x200x128xf32, #tpu.memory_space<vmem>>) dst(%dma_wait3A_675 : memref<16x200x128xf32, #tpu.memory_space<hbm>>)
    %dma_wait3A_676 = arith.constant 1 : i32
    %dma_wait3A_677 = tpu.memref_slice %arg3[%dma_wait3A_676] : memref<2x!tpu.dma_semaphore, #tpu.memory_space<semaphore_mem>> -> memref<1x!tpu.dma_semaphore, #tpu.memory_space<semaphore_mem>>
    %dma_wait3A_678 = tpu.memref_squeeze %dma_wait3A_677 : memref<1x!tpu.dma_semaphore, #tpu.memory_space<semaphore_mem>> -> memref<!tpu.dma_semaphore, #tpu.memory_space<semaphore_mem>>
    %dma_wait3A_679 = arith.constant 304 : i32
    %dma_wait3A_680 = arith.constant 0 : i32
    %dma_wait3A_681 = arith.constant 0 : i32
    %dma_wait3A_682 = tpu.memref_slice %arg1[%dma_wait3A_679, %dma_wait3A_680, %dma_wait3A_681] : memref<1024x200x128xf32, #tpu.memory_space<hbm>> -> memref<16x200x128xf32, #tpu.memory_space<hbm>>
    tpu.wait_dma2 semaphore(%dma_wait3A_678 : memref<!tpu.dma_semaphore, #tpu.memory_space<semaphore_mem>>) src(%arg2 : memref<16x200x128xf32, #tpu.memory_space<vmem>>) dst(%dma_wait3A_682 : memref<16x200x128xf32, #tpu.memory_space<hbm>>)
    %dma_wait3A_683 = arith.constant 0 : i32
    %dma_wait3A_684 = tpu.memref_slice %arg3[%dma_wait3A_683] : memref<2x!tpu.dma_semaphore, #tpu.memory_space<semaphore_mem>> -> memref<1x!tpu.dma_semaphore, #tpu.memory_space<semaphore_mem>>
    %dma_wait3A_685 = tpu.memref_squeeze %dma_wait3A_684 : memref<1x!tpu.dma_semaphore, #tpu.memory_space<semaphore_mem>> -> memref<!tpu.dma_semaphore, #tpu.memory_space<semaphore_mem>>
    %dma_wait3A_686 = arith.constant 320 : i32
    %dma_wait3A_687 = arith.constant 0 : i32
    %dma_wait3A_688 = arith.constant 0 : i32
    %dma_wait3A_689 = tpu.memref_slice %arg1[%dma_wait3A_686, %dma_wait3A_687, %dma_wait3A_688] : memref<1024x200x128xf32, #tpu.memory_space<hbm>> -> memref<16x200x128xf32, #tpu.memory_space<hbm>>
    tpu.wait_dma2 semaphore(%dma_wait3A_685 : memref<!tpu.dma_semaphore, #tpu.memory_space<semaphore_mem>>) src(%arg2 : memref<16x200x128xf32, #tpu.memory_space<vmem>>) dst(%dma_wait3A_689 : memref<16x200x128xf32, #tpu.memory_space<hbm>>)
    %dma_wait3A_690 = arith.constant 1 : i32
    %dma_wait3A_691 = tpu.memref_slice %arg3[%dma_wait3A_690] : memref<2x!tpu.dma_semaphore, #tpu.memory_space<semaphore_mem>> -> memref<1x!tpu.dma_semaphore, #tpu.memory_space<semaphore_mem>>
    %dma_wait3A_692 = tpu.memref_squeeze %dma_wait3A_691 : memref<1x!tpu.dma_semaphore, #tpu.memory_space<semaphore_mem>> -> memref<!tpu.dma_semaphore, #tpu.memory_space<semaphore_mem>>
    %dma_wait3A_693 = arith.constant 336 : i32
    %dma_wait3A_694 = arith.constant 0 : i32
    %dma_wait3A_695 = arith.constant 0 : i32
    %dma_wait3A_696 = tpu.memref_slice %arg1[%dma_wait3A_693, %dma_wait3A_694, %dma_wait3A_695] : memref<1024x200x128xf32, #tpu.memory_space<hbm>> -> memref<16x200x128xf32, #tpu.memory_space<hbm>>
    tpu.wait_dma2 semaphore(%dma_wait3A_692 : memref<!tpu.dma_semaphore, #tpu.memory_space<semaphore_mem>>) src(%arg2 : memref<16x200x128xf32, #tpu.memory_space<vmem>>) dst(%dma_wait3A_696 : memref<16x200x128xf32, #tpu.memory_space<hbm>>)
    %dma_wait3A_697 = arith.constant 0 : i32
    %dma_wait3A_698 = tpu.memref_slice %arg3[%dma_wait3A_697] : memref<2x!tpu.dma_semaphore, #tpu.memory_space<semaphore_mem>> -> memref<1x!tpu.dma_semaphore, #tpu.memory_space<semaphore_mem>>
    %dma_wait3A_699 = tpu.memref_squeeze %dma_wait3A_698 : memref<1x!tpu.dma_semaphore, #tpu.memory_space<semaphore_mem>> -> memref<!tpu.dma_semaphore, #tpu.memory_space<semaphore_mem>>
    %dma_wait3A_700 = arith.constant 352 : i32
    %dma_wait3A_701 = arith.constant 0 : i32
    %dma_wait3A_702 = arith.constant 0 : i32
    %dma_wait3A_703 = tpu.memref_slice %arg1[%dma_wait3A_700, %dma_wait3A_701, %dma_wait3A_702] : memref<1024x200x128xf32, #tpu.memory_space<hbm>> -> memref<16x200x128xf32, #tpu.memory_space<hbm>>
    tpu.wait_dma2 semaphore(%dma_wait3A_699 : memref<!tpu.dma_semaphore, #tpu.memory_space<semaphore_mem>>) src(%arg2 : memref<16x200x128xf32, #tpu.memory_space<vmem>>) dst(%dma_wait3A_703 : memref<16x200x128xf32, #tpu.memory_space<hbm>>)
    %dma_wait3A_704 = arith.constant 1 : i32
    %dma_wait3A_705 = tpu.memref_slice %arg3[%dma_wait3A_704] : memref<2x!tpu.dma_semaphore, #tpu.memory_space<semaphore_mem>> -> memref<1x!tpu.dma_semaphore, #tpu.memory_space<semaphore_mem>>
    %dma_wait3A_706 = tpu.memref_squeeze %dma_wait3A_705 : memref<1x!tpu.dma_semaphore, #tpu.memory_space<semaphore_mem>> -> memref<!tpu.dma_semaphore, #tpu.memory_space<semaphore_mem>>
    %dma_wait3A_707 = arith.constant 368 : i32
    %dma_wait3A_708 = arith.constant 0 : i32
    %dma_wait3A_709 = arith.constant 0 : i32
    %dma_wait3A_710 = tpu.memref_slice %arg1[%dma_wait3A_707, %dma_wait3A_708, %dma_wait3A_709] : memref<1024x200x128xf32, #tpu.memory_space<hbm>> -> memref<16x200x128xf32, #tpu.memory_space<hbm>>
    tpu.wait_dma2 semaphore(%dma_wait3A_706 : memref<!tpu.dma_semaphore, #tpu.memory_space<semaphore_mem>>) src(%arg2 : memref<16x200x128xf32, #tpu.memory_space<vmem>>) dst(%dma_wait3A_710 : memref<16x200x128xf32, #tpu.memory_space<hbm>>)
    %dma_wait3A_711 = arith.constant 0 : i32
    %dma_wait3A_712 = tpu.memref_slice %arg3[%dma_wait3A_711] : memref<2x!tpu.dma_semaphore, #tpu.memory_space<semaphore_mem>> -> memref<1x!tpu.dma_semaphore, #tpu.memory_space<semaphore_mem>>
    %dma_wait3A_713 = tpu.memref_squeeze %dma_wait3A_712 : memref<1x!tpu.dma_semaphore, #tpu.memory_space<semaphore_mem>> -> memref<!tpu.dma_semaphore, #tpu.memory_space<semaphore_mem>>
    %dma_wait3A_714 = arith.constant 384 : i32
    %dma_wait3A_715 = arith.constant 0 : i32
    %dma_wait3A_716 = arith.constant 0 : i32
    %dma_wait3A_717 = tpu.memref_slice %arg1[%dma_wait3A_714, %dma_wait3A_715, %dma_wait3A_716] : memref<1024x200x128xf32, #tpu.memory_space<hbm>> -> memref<16x200x128xf32, #tpu.memory_space<hbm>>
    tpu.wait_dma2 semaphore(%dma_wait3A_713 : memref<!tpu.dma_semaphore, #tpu.memory_space<semaphore_mem>>) src(%arg2 : memref<16x200x128xf32, #tpu.memory_space<vmem>>) dst(%dma_wait3A_717 : memref<16x200x128xf32, #tpu.memory_space<hbm>>)
    %dma_wait3A_718 = arith.constant 1 : i32
    %dma_wait3A_719 = tpu.memref_slice %arg3[%dma_wait3A_718] : memref<2x!tpu.dma_semaphore, #tpu.memory_space<semaphore_mem>> -> memref<1x!tpu.dma_semaphore, #tpu.memory_space<semaphore_mem>>
    %dma_wait3A_720 = tpu.memref_squeeze %dma_wait3A_719 : memref<1x!tpu.dma_semaphore, #tpu.memory_space<semaphore_mem>> -> memref<!tpu.dma_semaphore, #tpu.memory_space<semaphore_mem>>
    %dma_wait3A_721 = arith.constant 400 : i32
    %dma_wait3A_722 = arith.constant 0 : i32
    %dma_wait3A_723 = arith.constant 0 : i32
    %dma_wait3A_724 = tpu.memref_slice %arg1[%dma_wait3A_721, %dma_wait3A_722, %dma_wait3A_723] : memref<1024x200x128xf32, #tpu.memory_space<hbm>> -> memref<16x200x128xf32, #tpu.memory_space<hbm>>
    tpu.wait_dma2 semaphore(%dma_wait3A_720 : memref<!tpu.dma_semaphore, #tpu.memory_space<semaphore_mem>>) src(%arg2 : memref<16x200x128xf32, #tpu.memory_space<vmem>>) dst(%dma_wait3A_724 : memref<16x200x128xf32, #tpu.memory_space<hbm>>)
    %dma_wait3A_725 = arith.constant 0 : i32
    %dma_wait3A_726 = tpu.memref_slice %arg3[%dma_wait3A_725] : memref<2x!tpu.dma_semaphore, #tpu.memory_space<semaphore_mem>> -> memref<1x!tpu.dma_semaphore, #tpu.memory_space<semaphore_mem>>
    %dma_wait3A_727 = tpu.memref_squeeze %dma_wait3A_726 : memref<1x!tpu.dma_semaphore, #tpu.memory_space<semaphore_mem>> -> memref<!tpu.dma_semaphore, #tpu.memory_space<semaphore_mem>>
    %dma_wait3A_728 = arith.constant 416 : i32
    %dma_wait3A_729 = arith.constant 0 : i32
    %dma_wait3A_730 = arith.constant 0 : i32
    %dma_wait3A_731 = tpu.memref_slice %arg1[%dma_wait3A_728, %dma_wait3A_729, %dma_wait3A_730] : memref<1024x200x128xf32, #tpu.memory_space<hbm>> -> memref<16x200x128xf32, #tpu.memory_space<hbm>>
    tpu.wait_dma2 semaphore(%dma_wait3A_727 : memref<!tpu.dma_semaphore, #tpu.memory_space<semaphore_mem>>) src(%arg2 : memref<16x200x128xf32, #tpu.memory_space<vmem>>) dst(%dma_wait3A_731 : memref<16x200x128xf32, #tpu.memory_space<hbm>>)
    %dma_wait3A_732 = arith.constant 1 : i32
    %dma_wait3A_733 = tpu.memref_slice %arg3[%dma_wait3A_732] : memref<2x!tpu.dma_semaphore, #tpu.memory_space<semaphore_mem>> -> memref<1x!tpu.dma_semaphore, #tpu.memory_space<semaphore_mem>>
    %dma_wait3A_734 = tpu.memref_squeeze %dma_wait3A_733 : memref<1x!tpu.dma_semaphore, #tpu.memory_space<semaphore_mem>> -> memref<!tpu.dma_semaphore, #tpu.memory_space<semaphore_mem>>
    %dma_wait3A_735 = arith.constant 432 : i32
    %dma_wait3A_736 = arith.constant 0 : i32
    %dma_wait3A_737 = arith.constant 0 : i32
    %dma_wait3A_738 = tpu.memref_slice %arg1[%dma_wait3A_735, %dma_wait3A_736, %dma_wait3A_737] : memref<1024x200x128xf32, #tpu.memory_space<hbm>> -> memref<16x200x128xf32, #tpu.memory_space<hbm>>
    tpu.wait_dma2 semaphore(%dma_wait3A_734 : memref<!tpu.dma_semaphore, #tpu.memory_space<semaphore_mem>>) src(%arg2 : memref<16x200x128xf32, #tpu.memory_space<vmem>>) dst(%dma_wait3A_738 : memref<16x200x128xf32, #tpu.memory_space<hbm>>)
    %dma_wait3A_739 = arith.constant 0 : i32
    %dma_wait3A_740 = tpu.memref_slice %arg3[%dma_wait3A_739] : memref<2x!tpu.dma_semaphore, #tpu.memory_space<semaphore_mem>> -> memref<1x!tpu.dma_semaphore, #tpu.memory_space<semaphore_mem>>
    %dma_wait3A_741 = tpu.memref_squeeze %dma_wait3A_740 : memref<1x!tpu.dma_semaphore, #tpu.memory_space<semaphore_mem>> -> memref<!tpu.dma_semaphore, #tpu.memory_space<semaphore_mem>>
    %dma_wait3A_742 = arith.constant 448 : i32
    %dma_wait3A_743 = arith.constant 0 : i32
    %dma_wait3A_744 = arith.constant 0 : i32
    %dma_wait3A_745 = tpu.memref_slice %arg1[%dma_wait3A_742, %dma_wait3A_743, %dma_wait3A_744] : memref<1024x200x128xf32, #tpu.memory_space<hbm>> -> memref<16x200x128xf32, #tpu.memory_space<hbm>>
    tpu.wait_dma2 semaphore(%dma_wait3A_741 : memref<!tpu.dma_semaphore, #tpu.memory_space<semaphore_mem>>) src(%arg2 : memref<16x200x128xf32, #tpu.memory_space<vmem>>) dst(%dma_wait3A_745 : memref<16x200x128xf32, #tpu.memory_space<hbm>>)
    %dma_wait3A_746 = arith.constant 1 : i32
    %dma_wait3A_747 = tpu.memref_slice %arg3[%dma_wait3A_746] : memref<2x!tpu.dma_semaphore, #tpu.memory_space<semaphore_mem>> -> memref<1x!tpu.dma_semaphore, #tpu.memory_space<semaphore_mem>>
    %dma_wait3A_748 = tpu.memref_squeeze %dma_wait3A_747 : memref<1x!tpu.dma_semaphore, #tpu.memory_space<semaphore_mem>> -> memref<!tpu.dma_semaphore, #tpu.memory_space<semaphore_mem>>
    %dma_wait3A_749 = arith.constant 464 : i32
    %dma_wait3A_750 = arith.constant 0 : i32
    %dma_wait3A_751 = arith.constant 0 : i32
    %dma_wait3A_752 = tpu.memref_slice %arg1[%dma_wait3A_749, %dma_wait3A_750, %dma_wait3A_751] : memref<1024x200x128xf32, #tpu.memory_space<hbm>> -> memref<16x200x128xf32, #tpu.memory_space<hbm>>
    tpu.wait_dma2 semaphore(%dma_wait3A_748 : memref<!tpu.dma_semaphore, #tpu.memory_space<semaphore_mem>>) src(%arg2 : memref<16x200x128xf32, #tpu.memory_space<vmem>>) dst(%dma_wait3A_752 : memref<16x200x128xf32, #tpu.memory_space<hbm>>)
    %dma_wait3A_753 = arith.constant 0 : i32
    %dma_wait3A_754 = tpu.memref_slice %arg3[%dma_wait3A_753] : memref<2x!tpu.dma_semaphore, #tpu.memory_space<semaphore_mem>> -> memref<1x!tpu.dma_semaphore, #tpu.memory_space<semaphore_mem>>
    %dma_wait3A_755 = tpu.memref_squeeze %dma_wait3A_754 : memref<1x!tpu.dma_semaphore, #tpu.memory_space<semaphore_mem>> -> memref<!tpu.dma_semaphore, #tpu.memory_space<semaphore_mem>>
    %dma_wait3A_756 = arith.constant 480 : i32
    %dma_wait3A_757 = arith.constant 0 : i32
    %dma_wait3A_758 = arith.constant 0 : i32
    %dma_wait3A_759 = tpu.memref_slice %arg1[%dma_wait3A_756, %dma_wait3A_757, %dma_wait3A_758] : memref<1024x200x128xf32, #tpu.memory_space<hbm>> -> memref<16x200x128xf32, #tpu.memory_space<hbm>>
    tpu.wait_dma2 semaphore(%dma_wait3A_755 : memref<!tpu.dma_semaphore, #tpu.memory_space<semaphore_mem>>) src(%arg2 : memref<16x200x128xf32, #tpu.memory_space<vmem>>) dst(%dma_wait3A_759 : memref<16x200x128xf32, #tpu.memory_space<hbm>>)
    %dma_wait3A_760 = arith.constant 1 : i32
    %dma_wait3A_761 = tpu.memref_slice %arg3[%dma_wait3A_760] : memref<2x!tpu.dma_semaphore, #tpu.memory_space<semaphore_mem>> -> memref<1x!tpu.dma_semaphore, #tpu.memory_space<semaphore_mem>>
    %dma_wait3A_762 = tpu.memref_squeeze %dma_wait3A_761 : memref<1x!tpu.dma_semaphore, #tpu.memory_space<semaphore_mem>> -> memref<!tpu.dma_semaphore, #tpu.memory_space<semaphore_mem>>
    %dma_wait3A_763 = arith.constant 496 : i32
    %dma_wait3A_764 = arith.constant 0 : i32
    %dma_wait3A_765 = arith.constant 0 : i32
    %dma_wait3A_766 = tpu.memref_slice %arg1[%dma_wait3A_763, %dma_wait3A_764, %dma_wait3A_765] : memref<1024x200x128xf32, #tpu.memory_space<hbm>> -> memref<16x200x128xf32, #tpu.memory_space<hbm>>
    tpu.wait_dma2 semaphore(%dma_wait3A_762 : memref<!tpu.dma_semaphore, #tpu.memory_space<semaphore_mem>>) src(%arg2 : memref<16x200x128xf32, #tpu.memory_space<vmem>>) dst(%dma_wait3A_766 : memref<16x200x128xf32, #tpu.memory_space<hbm>>)
    %dma_wait3A_767 = arith.constant 0 : i32
    %dma_wait3A_768 = tpu.memref_slice %arg3[%dma_wait3A_767] : memref<2x!tpu.dma_semaphore, #tpu.memory_space<semaphore_mem>> -> memref<1x!tpu.dma_semaphore, #tpu.memory_space<semaphore_mem>>
    %dma_wait3A_769 = tpu.memref_squeeze %dma_wait3A_768 : memref<1x!tpu.dma_semaphore, #tpu.memory_space<semaphore_mem>> -> memref<!tpu.dma_semaphore, #tpu.memory_space<semaphore_mem>>
    %dma_wait3A_770 = arith.constant 512 : i32
    %dma_wait3A_771 = arith.constant 0 : i32
    %dma_wait3A_772 = arith.constant 0 : i32
    %dma_wait3A_773 = tpu.memref_slice %arg1[%dma_wait3A_770, %dma_wait3A_771, %dma_wait3A_772] : memref<1024x200x128xf32, #tpu.memory_space<hbm>> -> memref<16x200x128xf32, #tpu.memory_space<hbm>>
    tpu.wait_dma2 semaphore(%dma_wait3A_769 : memref<!tpu.dma_semaphore, #tpu.memory_space<semaphore_mem>>) src(%arg2 : memref<16x200x128xf32, #tpu.memory_space<vmem>>) dst(%dma_wait3A_773 : memref<16x200x128xf32, #tpu.memory_space<hbm>>)
    %dma_wait3A_774 = arith.constant 1 : i32
    %dma_wait3A_775 = tpu.memref_slice %arg3[%dma_wait3A_774] : memref<2x!tpu.dma_semaphore, #tpu.memory_space<semaphore_mem>> -> memref<1x!tpu.dma_semaphore, #tpu.memory_space<semaphore_mem>>
    %dma_wait3A_776 = tpu.memref_squeeze %dma_wait3A_775 : memref<1x!tpu.dma_semaphore, #tpu.memory_space<semaphore_mem>> -> memref<!tpu.dma_semaphore, #tpu.memory_space<semaphore_mem>>
    %dma_wait3A_777 = arith.constant 528 : i32
    %dma_wait3A_778 = arith.constant 0 : i32
    %dma_wait3A_779 = arith.constant 0 : i32
    %dma_wait3A_780 = tpu.memref_slice %arg1[%dma_wait3A_777, %dma_wait3A_778, %dma_wait3A_779] : memref<1024x200x128xf32, #tpu.memory_space<hbm>> -> memref<16x200x128xf32, #tpu.memory_space<hbm>>
    tpu.wait_dma2 semaphore(%dma_wait3A_776 : memref<!tpu.dma_semaphore, #tpu.memory_space<semaphore_mem>>) src(%arg2 : memref<16x200x128xf32, #tpu.memory_space<vmem>>) dst(%dma_wait3A_780 : memref<16x200x128xf32, #tpu.memory_space<hbm>>)
    %dma_wait3A_781 = arith.constant 0 : i32
    %dma_wait3A_782 = tpu.memref_slice %arg3[%dma_wait3A_781] : memref<2x!tpu.dma_semaphore, #tpu.memory_space<semaphore_mem>> -> memref<1x!tpu.dma_semaphore, #tpu.memory_space<semaphore_mem>>
    %dma_wait3A_783 = tpu.memref_squeeze %dma_wait3A_782 : memref<1x!tpu.dma_semaphore, #tpu.memory_space<semaphore_mem>> -> memref<!tpu.dma_semaphore, #tpu.memory_space<semaphore_mem>>
    %dma_wait3A_784 = arith.constant 544 : i32
    %dma_wait3A_785 = arith.constant 0 : i32
    %dma_wait3A_786 = arith.constant 0 : i32
    %dma_wait3A_787 = tpu.memref_slice %arg1[%dma_wait3A_784, %dma_wait3A_785, %dma_wait3A_786] : memref<1024x200x128xf32, #tpu.memory_space<hbm>> -> memref<16x200x128xf32, #tpu.memory_space<hbm>>
    tpu.wait_dma2 semaphore(%dma_wait3A_783 : memref<!tpu.dma_semaphore, #tpu.memory_space<semaphore_mem>>) src(%arg2 : memref<16x200x128xf32, #tpu.memory_space<vmem>>) dst(%dma_wait3A_787 : memref<16x200x128xf32, #tpu.memory_space<hbm>>)
    %dma_wait3A_788 = arith.constant 1 : i32
    %dma_wait3A_789 = tpu.memref_slice %arg3[%dma_wait3A_788] : memref<2x!tpu.dma_semaphore, #tpu.memory_space<semaphore_mem>> -> memref<1x!tpu.dma_semaphore, #tpu.memory_space<semaphore_mem>>
    %dma_wait3A_790 = tpu.memref_squeeze %dma_wait3A_789 : memref<1x!tpu.dma_semaphore, #tpu.memory_space<semaphore_mem>> -> memref<!tpu.dma_semaphore, #tpu.memory_space<semaphore_mem>>
    %dma_wait3A_791 = arith.constant 560 : i32
    %dma_wait3A_792 = arith.constant 0 : i32
    %dma_wait3A_793 = arith.constant 0 : i32
    %dma_wait3A_794 = tpu.memref_slice %arg1[%dma_wait3A_791, %dma_wait3A_792, %dma_wait3A_793] : memref<1024x200x128xf32, #tpu.memory_space<hbm>> -> memref<16x200x128xf32, #tpu.memory_space<hbm>>
    tpu.wait_dma2 semaphore(%dma_wait3A_790 : memref<!tpu.dma_semaphore, #tpu.memory_space<semaphore_mem>>) src(%arg2 : memref<16x200x128xf32, #tpu.memory_space<vmem>>) dst(%dma_wait3A_794 : memref<16x200x128xf32, #tpu.memory_space<hbm>>)
    %dma_wait3A_795 = arith.constant 0 : i32
    %dma_wait3A_796 = tpu.memref_slice %arg3[%dma_wait3A_795] : memref<2x!tpu.dma_semaphore, #tpu.memory_space<semaphore_mem>> -> memref<1x!tpu.dma_semaphore, #tpu.memory_space<semaphore_mem>>
    %dma_wait3A_797 = tpu.memref_squeeze %dma_wait3A_796 : memref<1x!tpu.dma_semaphore, #tpu.memory_space<semaphore_mem>> -> memref<!tpu.dma_semaphore, #tpu.memory_space<semaphore_mem>>
    %dma_wait3A_798 = arith.constant 576 : i32
    %dma_wait3A_799 = arith.constant 0 : i32
    %dma_wait3A_800 = arith.constant 0 : i32
    %dma_wait3A_801 = tpu.memref_slice %arg1[%dma_wait3A_798, %dma_wait3A_799, %dma_wait3A_800] : memref<1024x200x128xf32, #tpu.memory_space<hbm>> -> memref<16x200x128xf32, #tpu.memory_space<hbm>>
    tpu.wait_dma2 semaphore(%dma_wait3A_797 : memref<!tpu.dma_semaphore, #tpu.memory_space<semaphore_mem>>) src(%arg2 : memref<16x200x128xf32, #tpu.memory_space<vmem>>) dst(%dma_wait3A_801 : memref<16x200x128xf32, #tpu.memory_space<hbm>>)
    %dma_wait3A_802 = arith.constant 1 : i32
    %dma_wait3A_803 = tpu.memref_slice %arg3[%dma_wait3A_802] : memref<2x!tpu.dma_semaphore, #tpu.memory_space<semaphore_mem>> -> memref<1x!tpu.dma_semaphore, #tpu.memory_space<semaphore_mem>>
    %dma_wait3A_804 = tpu.memref_squeeze %dma_wait3A_803 : memref<1x!tpu.dma_semaphore, #tpu.memory_space<semaphore_mem>> -> memref<!tpu.dma_semaphore, #tpu.memory_space<semaphore_mem>>
    %dma_wait3A_805 = arith.constant 592 : i32
    %dma_wait3A_806 = arith.constant 0 : i32
    %dma_wait3A_807 = arith.constant 0 : i32
    %dma_wait3A_808 = tpu.memref_slice %arg1[%dma_wait3A_805, %dma_wait3A_806, %dma_wait3A_807] : memref<1024x200x128xf32, #tpu.memory_space<hbm>> -> memref<16x200x128xf32, #tpu.memory_space<hbm>>
    tpu.wait_dma2 semaphore(%dma_wait3A_804 : memref<!tpu.dma_semaphore, #tpu.memory_space<semaphore_mem>>) src(%arg2 : memref<16x200x128xf32, #tpu.memory_space<vmem>>) dst(%dma_wait3A_808 : memref<16x200x128xf32, #tpu.memory_space<hbm>>)
    %dma_wait3A_809 = arith.constant 0 : i32
    %dma_wait3A_810 = tpu.memref_slice %arg3[%dma_wait3A_809] : memref<2x!tpu.dma_semaphore, #tpu.memory_space<semaphore_mem>> -> memref<1x!tpu.dma_semaphore, #tpu.memory_space<semaphore_mem>>
    %dma_wait3A_811 = tpu.memref_squeeze %dma_wait3A_810 : memref<1x!tpu.dma_semaphore, #tpu.memory_space<semaphore_mem>> -> memref<!tpu.dma_semaphore, #tpu.memory_space<semaphore_mem>>
    %dma_wait3A_812 = arith.constant 608 : i32
    %dma_wait3A_813 = arith.constant 0 : i32
    %dma_wait3A_814 = arith.constant 0 : i32
    %dma_wait3A_815 = tpu.memref_slice %arg1[%dma_wait3A_812, %dma_wait3A_813, %dma_wait3A_814] : memref<1024x200x128xf32, #tpu.memory_space<hbm>> -> memref<16x200x128xf32, #tpu.memory_space<hbm>>
    tpu.wait_dma2 semaphore(%dma_wait3A_811 : memref<!tpu.dma_semaphore, #tpu.memory_space<semaphore_mem>>) src(%arg2 : memref<16x200x128xf32, #tpu.memory_space<vmem>>) dst(%dma_wait3A_815 : memref<16x200x128xf32, #tpu.memory_space<hbm>>)
    %dma_wait3A_816 = arith.constant 1 : i32
    %dma_wait3A_817 = tpu.memref_slice %arg3[%dma_wait3A_816] : memref<2x!tpu.dma_semaphore, #tpu.memory_space<semaphore_mem>> -> memref<1x!tpu.dma_semaphore, #tpu.memory_space<semaphore_mem>>
    %dma_wait3A_818 = tpu.memref_squeeze %dma_wait3A_817 : memref<1x!tpu.dma_semaphore, #tpu.memory_space<semaphore_mem>> -> memref<!tpu.dma_semaphore, #tpu.memory_space<semaphore_mem>>
    %dma_wait3A_819 = arith.constant 624 : i32
    %dma_wait3A_820 = arith.constant 0 : i32
    %dma_wait3A_821 = arith.constant 0 : i32
    %dma_wait3A_822 = tpu.memref_slice %arg1[%dma_wait3A_819, %dma_wait3A_820, %dma_wait3A_821] : memref<1024x200x128xf32, #tpu.memory_space<hbm>> -> memref<16x200x128xf32, #tpu.memory_space<hbm>>
    tpu.wait_dma2 semaphore(%dma_wait3A_818 : memref<!tpu.dma_semaphore, #tpu.memory_space<semaphore_mem>>) src(%arg2 : memref<16x200x128xf32, #tpu.memory_space<vmem>>) dst(%dma_wait3A_822 : memref<16x200x128xf32, #tpu.memory_space<hbm>>)
    %dma_wait3A_823 = arith.constant 0 : i32
    %dma_wait3A_824 = tpu.memref_slice %arg3[%dma_wait3A_823] : memref<2x!tpu.dma_semaphore, #tpu.memory_space<semaphore_mem>> -> memref<1x!tpu.dma_semaphore, #tpu.memory_space<semaphore_mem>>
    %dma_wait3A_825 = tpu.memref_squeeze %dma_wait3A_824 : memref<1x!tpu.dma_semaphore, #tpu.memory_space<semaphore_mem>> -> memref<!tpu.dma_semaphore, #tpu.memory_space<semaphore_mem>>
    %dma_wait3A_826 = arith.constant 640 : i32
    %dma_wait3A_827 = arith.constant 0 : i32
    %dma_wait3A_828 = arith.constant 0 : i32
    %dma_wait3A_829 = tpu.memref_slice %arg1[%dma_wait3A_826, %dma_wait3A_827, %dma_wait3A_828] : memref<1024x200x128xf32, #tpu.memory_space<hbm>> -> memref<16x200x128xf32, #tpu.memory_space<hbm>>
    tpu.wait_dma2 semaphore(%dma_wait3A_825 : memref<!tpu.dma_semaphore, #tpu.memory_space<semaphore_mem>>) src(%arg2 : memref<16x200x128xf32, #tpu.memory_space<vmem>>) dst(%dma_wait3A_829 : memref<16x200x128xf32, #tpu.memory_space<hbm>>)
    %dma_wait3A_830 = arith.constant 1 : i32
    %dma_wait3A_831 = tpu.memref_slice %arg3[%dma_wait3A_830] : memref<2x!tpu.dma_semaphore, #tpu.memory_space<semaphore_mem>> -> memref<1x!tpu.dma_semaphore, #tpu.memory_space<semaphore_mem>>
    %dma_wait3A_832 = tpu.memref_squeeze %dma_wait3A_831 : memref<1x!tpu.dma_semaphore, #tpu.memory_space<semaphore_mem>> -> memref<!tpu.dma_semaphore, #tpu.memory_space<semaphore_mem>>
    %dma_wait3A_833 = arith.constant 656 : i32
    %dma_wait3A_834 = arith.constant 0 : i32
    %dma_wait3A_835 = arith.constant 0 : i32
    %dma_wait3A_836 = tpu.memref_slice %arg1[%dma_wait3A_833, %dma_wait3A_834, %dma_wait3A_835] : memref<1024x200x128xf32, #tpu.memory_space<hbm>> -> memref<16x200x128xf32, #tpu.memory_space<hbm>>
    tpu.wait_dma2 semaphore(%dma_wait3A_832 : memref<!tpu.dma_semaphore, #tpu.memory_space<semaphore_mem>>) src(%arg2 : memref<16x200x128xf32, #tpu.memory_space<vmem>>) dst(%dma_wait3A_836 : memref<16x200x128xf32, #tpu.memory_space<hbm>>)
    %dma_wait3A_837 = arith.constant 0 : i32
    %dma_wait3A_838 = tpu.memref_slice %arg3[%dma_wait3A_837] : memref<2x!tpu.dma_semaphore, #tpu.memory_space<semaphore_mem>> -> memref<1x!tpu.dma_semaphore, #tpu.memory_space<semaphore_mem>>
    %dma_wait3A_839 = tpu.memref_squeeze %dma_wait3A_838 : memref<1x!tpu.dma_semaphore, #tpu.memory_space<semaphore_mem>> -> memref<!tpu.dma_semaphore, #tpu.memory_space<semaphore_mem>>
    %dma_wait3A_840 = arith.constant 672 : i32
    %dma_wait3A_841 = arith.constant 0 : i32
    %dma_wait3A_842 = arith.constant 0 : i32
    %dma_wait3A_843 = tpu.memref_slice %arg1[%dma_wait3A_840, %dma_wait3A_841, %dma_wait3A_842] : memref<1024x200x128xf32, #tpu.memory_space<hbm>> -> memref<16x200x128xf32, #tpu.memory_space<hbm>>
    tpu.wait_dma2 semaphore(%dma_wait3A_839 : memref<!tpu.dma_semaphore, #tpu.memory_space<semaphore_mem>>) src(%arg2 : memref<16x200x128xf32, #tpu.memory_space<vmem>>) dst(%dma_wait3A_843 : memref<16x200x128xf32, #tpu.memory_space<hbm>>)
    %dma_wait3A_844 = arith.constant 1 : i32
    %dma_wait3A_845 = tpu.memref_slice %arg3[%dma_wait3A_844] : memref<2x!tpu.dma_semaphore, #tpu.memory_space<semaphore_mem>> -> memref<1x!tpu.dma_semaphore, #tpu.memory_space<semaphore_mem>>
    %dma_wait3A_846 = tpu.memref_squeeze %dma_wait3A_845 : memref<1x!tpu.dma_semaphore, #tpu.memory_space<semaphore_mem>> -> memref<!tpu.dma_semaphore, #tpu.memory_space<semaphore_mem>>
    %dma_wait3A_847 = arith.constant 688 : i32
    %dma_wait3A_848 = arith.constant 0 : i32
    %dma_wait3A_849 = arith.constant 0 : i32
    %dma_wait3A_850 = tpu.memref_slice %arg1[%dma_wait3A_847, %dma_wait3A_848, %dma_wait3A_849] : memref<1024x200x128xf32, #tpu.memory_space<hbm>> -> memref<16x200x128xf32, #tpu.memory_space<hbm>>
    tpu.wait_dma2 semaphore(%dma_wait3A_846 : memref<!tpu.dma_semaphore, #tpu.memory_space<semaphore_mem>>) src(%arg2 : memref<16x200x128xf32, #tpu.memory_space<vmem>>) dst(%dma_wait3A_850 : memref<16x200x128xf32, #tpu.memory_space<hbm>>)
    %dma_wait3A_851 = arith.constant 0 : i32
    %dma_wait3A_852 = tpu.memref_slice %arg3[%dma_wait3A_851] : memref<2x!tpu.dma_semaphore, #tpu.memory_space<semaphore_mem>> -> memref<1x!tpu.dma_semaphore, #tpu.memory_space<semaphore_mem>>
    %dma_wait3A_853 = tpu.memref_squeeze %dma_wait3A_852 : memref<1x!tpu.dma_semaphore, #tpu.memory_space<semaphore_mem>> -> memref<!tpu.dma_semaphore, #tpu.memory_space<semaphore_mem>>
    %dma_wait3A_854 = arith.constant 704 : i32
    %dma_wait3A_855 = arith.constant 0 : i32
    %dma_wait3A_856 = arith.constant 0 : i32
    %dma_wait3A_857 = tpu.memref_slice %arg1[%dma_wait3A_854, %dma_wait3A_855, %dma_wait3A_856] : memref<1024x200x128xf32, #tpu.memory_space<hbm>> -> memref<16x200x128xf32, #tpu.memory_space<hbm>>
    tpu.wait_dma2 semaphore(%dma_wait3A_853 : memref<!tpu.dma_semaphore, #tpu.memory_space<semaphore_mem>>) src(%arg2 : memref<16x200x128xf32, #tpu.memory_space<vmem>>) dst(%dma_wait3A_857 : memref<16x200x128xf32, #tpu.memory_space<hbm>>)
    %dma_wait3A_858 = arith.constant 1 : i32
    %dma_wait3A_859 = tpu.memref_slice %arg3[%dma_wait3A_858] : memref<2x!tpu.dma_semaphore, #tpu.memory_space<semaphore_mem>> -> memref<1x!tpu.dma_semaphore, #tpu.memory_space<semaphore_mem>>
    %dma_wait3A_860 = tpu.memref_squeeze %dma_wait3A_859 : memref<1x!tpu.dma_semaphore, #tpu.memory_space<semaphore_mem>> -> memref<!tpu.dma_semaphore, #tpu.memory_space<semaphore_mem>>
    %dma_wait3A_861 = arith.constant 720 : i32
    %dma_wait3A_862 = arith.constant 0 : i32
    %dma_wait3A_863 = arith.constant 0 : i32
    %dma_wait3A_864 = tpu.memref_slice %arg1[%dma_wait3A_861, %dma_wait3A_862, %dma_wait3A_863] : memref<1024x200x128xf32, #tpu.memory_space<hbm>> -> memref<16x200x128xf32, #tpu.memory_space<hbm>>
    tpu.wait_dma2 semaphore(%dma_wait3A_860 : memref<!tpu.dma_semaphore, #tpu.memory_space<semaphore_mem>>) src(%arg2 : memref<16x200x128xf32, #tpu.memory_space<vmem>>) dst(%dma_wait3A_864 : memref<16x200x128xf32, #tpu.memory_space<hbm>>)
    %dma_wait3A_865 = arith.constant 0 : i32
    %dma_wait3A_866 = tpu.memref_slice %arg3[%dma_wait3A_865] : memref<2x!tpu.dma_semaphore, #tpu.memory_space<semaphore_mem>> -> memref<1x!tpu.dma_semaphore, #tpu.memory_space<semaphore_mem>>
    %dma_wait3A_867 = tpu.memref_squeeze %dma_wait3A_866 : memref<1x!tpu.dma_semaphore, #tpu.memory_space<semaphore_mem>> -> memref<!tpu.dma_semaphore, #tpu.memory_space<semaphore_mem>>
    %dma_wait3A_868 = arith.constant 736 : i32
    %dma_wait3A_869 = arith.constant 0 : i32
    %dma_wait3A_870 = arith.constant 0 : i32
    %dma_wait3A_871 = tpu.memref_slice %arg1[%dma_wait3A_868, %dma_wait3A_869, %dma_wait3A_870] : memref<1024x200x128xf32, #tpu.memory_space<hbm>> -> memref<16x200x128xf32, #tpu.memory_space<hbm>>
    tpu.wait_dma2 semaphore(%dma_wait3A_867 : memref<!tpu.dma_semaphore, #tpu.memory_space<semaphore_mem>>) src(%arg2 : memref<16x200x128xf32, #tpu.memory_space<vmem>>) dst(%dma_wait3A_871 : memref<16x200x128xf32, #tpu.memory_space<hbm>>)
    %dma_wait3A_872 = arith.constant 1 : i32
    %dma_wait3A_873 = tpu.memref_slice %arg3[%dma_wait3A_872] : memref<2x!tpu.dma_semaphore, #tpu.memory_space<semaphore_mem>> -> memref<1x!tpu.dma_semaphore, #tpu.memory_space<semaphore_mem>>
    %dma_wait3A_874 = tpu.memref_squeeze %dma_wait3A_873 : memref<1x!tpu.dma_semaphore, #tpu.memory_space<semaphore_mem>> -> memref<!tpu.dma_semaphore, #tpu.memory_space<semaphore_mem>>
    %dma_wait3A_875 = arith.constant 752 : i32
    %dma_wait3A_876 = arith.constant 0 : i32
    %dma_wait3A_877 = arith.constant 0 : i32
    %dma_wait3A_878 = tpu.memref_slice %arg1[%dma_wait3A_875, %dma_wait3A_876, %dma_wait3A_877] : memref<1024x200x128xf32, #tpu.memory_space<hbm>> -> memref<16x200x128xf32, #tpu.memory_space<hbm>>
    tpu.wait_dma2 semaphore(%dma_wait3A_874 : memref<!tpu.dma_semaphore, #tpu.memory_space<semaphore_mem>>) src(%arg2 : memref<16x200x128xf32, #tpu.memory_space<vmem>>) dst(%dma_wait3A_878 : memref<16x200x128xf32, #tpu.memory_space<hbm>>)
    %dma_wait3A_879 = arith.constant 0 : i32
    %dma_wait3A_880 = tpu.memref_slice %arg3[%dma_wait3A_879] : memref<2x!tpu.dma_semaphore, #tpu.memory_space<semaphore_mem>> -> memref<1x!tpu.dma_semaphore, #tpu.memory_space<semaphore_mem>>
    %dma_wait3A_881 = tpu.memref_squeeze %dma_wait3A_880 : memref<1x!tpu.dma_semaphore, #tpu.memory_space<semaphore_mem>> -> memref<!tpu.dma_semaphore, #tpu.memory_space<semaphore_mem>>
    %dma_wait3A_882 = arith.constant 768 : i32
    %dma_wait3A_883 = arith.constant 0 : i32
    %dma_wait3A_884 = arith.constant 0 : i32
    %dma_wait3A_885 = tpu.memref_slice %arg1[%dma_wait3A_882, %dma_wait3A_883, %dma_wait3A_884] : memref<1024x200x128xf32, #tpu.memory_space<hbm>> -> memref<16x200x128xf32, #tpu.memory_space<hbm>>
    tpu.wait_dma2 semaphore(%dma_wait3A_881 : memref<!tpu.dma_semaphore, #tpu.memory_space<semaphore_mem>>) src(%arg2 : memref<16x200x128xf32, #tpu.memory_space<vmem>>) dst(%dma_wait3A_885 : memref<16x200x128xf32, #tpu.memory_space<hbm>>)
    %dma_wait3A_886 = arith.constant 1 : i32
    %dma_wait3A_887 = tpu.memref_slice %arg3[%dma_wait3A_886] : memref<2x!tpu.dma_semaphore, #tpu.memory_space<semaphore_mem>> -> memref<1x!tpu.dma_semaphore, #tpu.memory_space<semaphore_mem>>
    %dma_wait3A_888 = tpu.memref_squeeze %dma_wait3A_887 : memref<1x!tpu.dma_semaphore, #tpu.memory_space<semaphore_mem>> -> memref<!tpu.dma_semaphore, #tpu.memory_space<semaphore_mem>>
    %dma_wait3A_889 = arith.constant 784 : i32
    %dma_wait3A_890 = arith.constant 0 : i32
    %dma_wait3A_891 = arith.constant 0 : i32
    %dma_wait3A_892 = tpu.memref_slice %arg1[%dma_wait3A_889, %dma_wait3A_890, %dma_wait3A_891] : memref<1024x200x128xf32, #tpu.memory_space<hbm>> -> memref<16x200x128xf32, #tpu.memory_space<hbm>>
    tpu.wait_dma2 semaphore(%dma_wait3A_888 : memref<!tpu.dma_semaphore, #tpu.memory_space<semaphore_mem>>) src(%arg2 : memref<16x200x128xf32, #tpu.memory_space<vmem>>) dst(%dma_wait3A_892 : memref<16x200x128xf32, #tpu.memory_space<hbm>>)
    %dma_wait3A_893 = arith.constant 0 : i32
    %dma_wait3A_894 = tpu.memref_slice %arg3[%dma_wait3A_893] : memref<2x!tpu.dma_semaphore, #tpu.memory_space<semaphore_mem>> -> memref<1x!tpu.dma_semaphore, #tpu.memory_space<semaphore_mem>>
    %dma_wait3A_895 = tpu.memref_squeeze %dma_wait3A_894 : memref<1x!tpu.dma_semaphore, #tpu.memory_space<semaphore_mem>> -> memref<!tpu.dma_semaphore, #tpu.memory_space<semaphore_mem>>
    %dma_wait3A_896 = arith.constant 800 : i32
    %dma_wait3A_897 = arith.constant 0 : i32
    %dma_wait3A_898 = arith.constant 0 : i32
    %dma_wait3A_899 = tpu.memref_slice %arg1[%dma_wait3A_896, %dma_wait3A_897, %dma_wait3A_898] : memref<1024x200x128xf32, #tpu.memory_space<hbm>> -> memref<16x200x128xf32, #tpu.memory_space<hbm>>
    tpu.wait_dma2 semaphore(%dma_wait3A_895 : memref<!tpu.dma_semaphore, #tpu.memory_space<semaphore_mem>>) src(%arg2 : memref<16x200x128xf32, #tpu.memory_space<vmem>>) dst(%dma_wait3A_899 : memref<16x200x128xf32, #tpu.memory_space<hbm>>)
    %dma_wait3A_900 = arith.constant 1 : i32
    %dma_wait3A_901 = tpu.memref_slice %arg3[%dma_wait3A_900] : memref<2x!tpu.dma_semaphore, #tpu.memory_space<semaphore_mem>> -> memref<1x!tpu.dma_semaphore, #tpu.memory_space<semaphore_mem>>
    %dma_wait3A_902 = tpu.memref_squeeze %dma_wait3A_901 : memref<1x!tpu.dma_semaphore, #tpu.memory_space<semaphore_mem>> -> memref<!tpu.dma_semaphore, #tpu.memory_space<semaphore_mem>>
    %dma_wait3A_903 = arith.constant 816 : i32
    %dma_wait3A_904 = arith.constant 0 : i32
    %dma_wait3A_905 = arith.constant 0 : i32
    %dma_wait3A_906 = tpu.memref_slice %arg1[%dma_wait3A_903, %dma_wait3A_904, %dma_wait3A_905] : memref<1024x200x128xf32, #tpu.memory_space<hbm>> -> memref<16x200x128xf32, #tpu.memory_space<hbm>>
    tpu.wait_dma2 semaphore(%dma_wait3A_902 : memref<!tpu.dma_semaphore, #tpu.memory_space<semaphore_mem>>) src(%arg2 : memref<16x200x128xf32, #tpu.memory_space<vmem>>) dst(%dma_wait3A_906 : memref<16x200x128xf32, #tpu.memory_space<hbm>>)
    %dma_wait3A_907 = arith.constant 0 : i32
    %dma_wait3A_908 = tpu.memref_slice %arg3[%dma_wait3A_907] : memref<2x!tpu.dma_semaphore, #tpu.memory_space<semaphore_mem>> -> memref<1x!tpu.dma_semaphore, #tpu.memory_space<semaphore_mem>>
    %dma_wait3A_909 = tpu.memref_squeeze %dma_wait3A_908 : memref<1x!tpu.dma_semaphore, #tpu.memory_space<semaphore_mem>> -> memref<!tpu.dma_semaphore, #tpu.memory_space<semaphore_mem>>
    %dma_wait3A_910 = arith.constant 832 : i32
    %dma_wait3A_911 = arith.constant 0 : i32
    %dma_wait3A_912 = arith.constant 0 : i32
    %dma_wait3A_913 = tpu.memref_slice %arg1[%dma_wait3A_910, %dma_wait3A_911, %dma_wait3A_912] : memref<1024x200x128xf32, #tpu.memory_space<hbm>> -> memref<16x200x128xf32, #tpu.memory_space<hbm>>
    tpu.wait_dma2 semaphore(%dma_wait3A_909 : memref<!tpu.dma_semaphore, #tpu.memory_space<semaphore_mem>>) src(%arg2 : memref<16x200x128xf32, #tpu.memory_space<vmem>>) dst(%dma_wait3A_913 : memref<16x200x128xf32, #tpu.memory_space<hbm>>)
    %dma_wait3A_914 = arith.constant 1 : i32
    %dma_wait3A_915 = tpu.memref_slice %arg3[%dma_wait3A_914] : memref<2x!tpu.dma_semaphore, #tpu.memory_space<semaphore_mem>> -> memref<1x!tpu.dma_semaphore, #tpu.memory_space<semaphore_mem>>
    %dma_wait3A_916 = tpu.memref_squeeze %dma_wait3A_915 : memref<1x!tpu.dma_semaphore, #tpu.memory_space<semaphore_mem>> -> memref<!tpu.dma_semaphore, #tpu.memory_space<semaphore_mem>>
    %dma_wait3A_917 = arith.constant 848 : i32
    %dma_wait3A_918 = arith.constant 0 : i32
    %dma_wait3A_919 = arith.constant 0 : i32
    %dma_wait3A_920 = tpu.memref_slice %arg1[%dma_wait3A_917, %dma_wait3A_918, %dma_wait3A_919] : memref<1024x200x128xf32, #tpu.memory_space<hbm>> -> memref<16x200x128xf32, #tpu.memory_space<hbm>>
    tpu.wait_dma2 semaphore(%dma_wait3A_916 : memref<!tpu.dma_semaphore, #tpu.memory_space<semaphore_mem>>) src(%arg2 : memref<16x200x128xf32, #tpu.memory_space<vmem>>) dst(%dma_wait3A_920 : memref<16x200x128xf32, #tpu.memory_space<hbm>>)
    %dma_wait3A_921 = arith.constant 0 : i32
    %dma_wait3A_922 = tpu.memref_slice %arg3[%dma_wait3A_921] : memref<2x!tpu.dma_semaphore, #tpu.memory_space<semaphore_mem>> -> memref<1x!tpu.dma_semaphore, #tpu.memory_space<semaphore_mem>>
    %dma_wait3A_923 = tpu.memref_squeeze %dma_wait3A_922 : memref<1x!tpu.dma_semaphore, #tpu.memory_space<semaphore_mem>> -> memref<!tpu.dma_semaphore, #tpu.memory_space<semaphore_mem>>
    %dma_wait3A_924 = arith.constant 864 : i32
    %dma_wait3A_925 = arith.constant 0 : i32
    %dma_wait3A_926 = arith.constant 0 : i32
    %dma_wait3A_927 = tpu.memref_slice %arg1[%dma_wait3A_924, %dma_wait3A_925, %dma_wait3A_926] : memref<1024x200x128xf32, #tpu.memory_space<hbm>> -> memref<16x200x128xf32, #tpu.memory_space<hbm>>
    tpu.wait_dma2 semaphore(%dma_wait3A_923 : memref<!tpu.dma_semaphore, #tpu.memory_space<semaphore_mem>>) src(%arg2 : memref<16x200x128xf32, #tpu.memory_space<vmem>>) dst(%dma_wait3A_927 : memref<16x200x128xf32, #tpu.memory_space<hbm>>)
    %dma_wait3A_928 = arith.constant 1 : i32
    %dma_wait3A_929 = tpu.memref_slice %arg3[%dma_wait3A_928] : memref<2x!tpu.dma_semaphore, #tpu.memory_space<semaphore_mem>> -> memref<1x!tpu.dma_semaphore, #tpu.memory_space<semaphore_mem>>
    %dma_wait3A_930 = tpu.memref_squeeze %dma_wait3A_929 : memref<1x!tpu.dma_semaphore, #tpu.memory_space<semaphore_mem>> -> memref<!tpu.dma_semaphore, #tpu.memory_space<semaphore_mem>>
    %dma_wait3A_931 = arith.constant 880 : i32
    %dma_wait3A_932 = arith.constant 0 : i32
    %dma_wait3A_933 = arith.constant 0 : i32
    %dma_wait3A_934 = tpu.memref_slice %arg1[%dma_wait3A_931, %dma_wait3A_932, %dma_wait3A_933] : memref<1024x200x128xf32, #tpu.memory_space<hbm>> -> memref<16x200x128xf32, #tpu.memory_space<hbm>>
    tpu.wait_dma2 semaphore(%dma_wait3A_930 : memref<!tpu.dma_semaphore, #tpu.memory_space<semaphore_mem>>) src(%arg2 : memref<16x200x128xf32, #tpu.memory_space<vmem>>) dst(%dma_wait3A_934 : memref<16x200x128xf32, #tpu.memory_space<hbm>>)
    %dma_wait3A_935 = arith.constant 0 : i32
    %dma_wait3A_936 = tpu.memref_slice %arg3[%dma_wait3A_935] : memref<2x!tpu.dma_semaphore, #tpu.memory_space<semaphore_mem>> -> memref<1x!tpu.dma_semaphore, #tpu.memory_space<semaphore_mem>>
    %dma_wait3A_937 = tpu.memref_squeeze %dma_wait3A_936 : memref<1x!tpu.dma_semaphore, #tpu.memory_space<semaphore_mem>> -> memref<!tpu.dma_semaphore, #tpu.memory_space<semaphore_mem>>
    %dma_wait3A_938 = arith.constant 896 : i32
    %dma_wait3A_939 = arith.constant 0 : i32
    %dma_wait3A_940 = arith.constant 0 : i32
    %dma_wait3A_941 = tpu.memref_slice %arg1[%dma_wait3A_938, %dma_wait3A_939, %dma_wait3A_940] : memref<1024x200x128xf32, #tpu.memory_space<hbm>> -> memref<16x200x128xf32, #tpu.memory_space<hbm>>
    tpu.wait_dma2 semaphore(%dma_wait3A_937 : memref<!tpu.dma_semaphore, #tpu.memory_space<semaphore_mem>>) src(%arg2 : memref<16x200x128xf32, #tpu.memory_space<vmem>>) dst(%dma_wait3A_941 : memref<16x200x128xf32, #tpu.memory_space<hbm>>)
    %dma_wait3A_942 = arith.constant 1 : i32
    %dma_wait3A_943 = tpu.memref_slice %arg3[%dma_wait3A_942] : memref<2x!tpu.dma_semaphore, #tpu.memory_space<semaphore_mem>> -> memref<1x!tpu.dma_semaphore, #tpu.memory_space<semaphore_mem>>
    %dma_wait3A_944 = tpu.memref_squeeze %dma_wait3A_943 : memref<1x!tpu.dma_semaphore, #tpu.memory_space<semaphore_mem>> -> memref<!tpu.dma_semaphore, #tpu.memory_space<semaphore_mem>>
    %dma_wait3A_945 = arith.constant 912 : i32
    %dma_wait3A_946 = arith.constant 0 : i32
    %dma_wait3A_947 = arith.constant 0 : i32
    %dma_wait3A_948 = tpu.memref_slice %arg1[%dma_wait3A_945, %dma_wait3A_946, %dma_wait3A_947] : memref<1024x200x128xf32, #tpu.memory_space<hbm>> -> memref<16x200x128xf32, #tpu.memory_space<hbm>>
    tpu.wait_dma2 semaphore(%dma_wait3A_944 : memref<!tpu.dma_semaphore, #tpu.memory_space<semaphore_mem>>) src(%arg2 : memref<16x200x128xf32, #tpu.memory_space<vmem>>) dst(%dma_wait3A_948 : memref<16x200x128xf32, #tpu.memory_space<hbm>>)
    %dma_wait3A_949 = arith.constant 0 : i32
    %dma_wait3A_950 = tpu.memref_slice %arg3[%dma_wait3A_949] : memref<2x!tpu.dma_semaphore, #tpu.memory_space<semaphore_mem>> -> memref<1x!tpu.dma_semaphore, #tpu.memory_space<semaphore_mem>>
    %dma_wait3A_951 = tpu.memref_squeeze %dma_wait3A_950 : memref<1x!tpu.dma_semaphore, #tpu.memory_space<semaphore_mem>> -> memref<!tpu.dma_semaphore, #tpu.memory_space<semaphore_mem>>
    %dma_wait3A_952 = arith.constant 928 : i32
    %dma_wait3A_953 = arith.constant 0 : i32
    %dma_wait3A_954 = arith.constant 0 : i32
    %dma_wait3A_955 = tpu.memref_slice %arg1[%dma_wait3A_952, %dma_wait3A_953, %dma_wait3A_954] : memref<1024x200x128xf32, #tpu.memory_space<hbm>> -> memref<16x200x128xf32, #tpu.memory_space<hbm>>
    tpu.wait_dma2 semaphore(%dma_wait3A_951 : memref<!tpu.dma_semaphore, #tpu.memory_space<semaphore_mem>>) src(%arg2 : memref<16x200x128xf32, #tpu.memory_space<vmem>>) dst(%dma_wait3A_955 : memref<16x200x128xf32, #tpu.memory_space<hbm>>)
    %dma_wait3A_956 = arith.constant 1 : i32
    %dma_wait3A_957 = tpu.memref_slice %arg3[%dma_wait3A_956] : memref<2x!tpu.dma_semaphore, #tpu.memory_space<semaphore_mem>> -> memref<1x!tpu.dma_semaphore, #tpu.memory_space<semaphore_mem>>
    %dma_wait3A_958 = tpu.memref_squeeze %dma_wait3A_957 : memref<1x!tpu.dma_semaphore, #tpu.memory_space<semaphore_mem>> -> memref<!tpu.dma_semaphore, #tpu.memory_space<semaphore_mem>>
    %dma_wait3A_959 = arith.constant 944 : i32
    %dma_wait3A_960 = arith.constant 0 : i32
    %dma_wait3A_961 = arith.constant 0 : i32
    %dma_wait3A_962 = tpu.memref_slice %arg1[%dma_wait3A_959, %dma_wait3A_960, %dma_wait3A_961] : memref<1024x200x128xf32, #tpu.memory_space<hbm>> -> memref<16x200x128xf32, #tpu.memory_space<hbm>>
    tpu.wait_dma2 semaphore(%dma_wait3A_958 : memref<!tpu.dma_semaphore, #tpu.memory_space<semaphore_mem>>) src(%arg2 : memref<16x200x128xf32, #tpu.memory_space<vmem>>) dst(%dma_wait3A_962 : memref<16x200x128xf32, #tpu.memory_space<hbm>>)
    %dma_wait3A_963 = arith.constant 0 : i32
    %dma_wait3A_964 = tpu.memref_slice %arg3[%dma_wait3A_963] : memref<2x!tpu.dma_semaphore, #tpu.memory_space<semaphore_mem>> -> memref<1x!tpu.dma_semaphore, #tpu.memory_space<semaphore_mem>>
    %dma_wait3A_965 = tpu.memref_squeeze %dma_wait3A_964 : memref<1x!tpu.dma_semaphore, #tpu.memory_space<semaphore_mem>> -> memref<!tpu.dma_semaphore, #tpu.memory_space<semaphore_mem>>
    %dma_wait3A_966 = arith.constant 960 : i32
    %dma_wait3A_967 = arith.constant 0 : i32
    %dma_wait3A_968 = arith.constant 0 : i32
    %dma_wait3A_969 = tpu.memref_slice %arg1[%dma_wait3A_966, %dma_wait3A_967, %dma_wait3A_968] : memref<1024x200x128xf32, #tpu.memory_space<hbm>> -> memref<16x200x128xf32, #tpu.memory_space<hbm>>
    tpu.wait_dma2 semaphore(%dma_wait3A_965 : memref<!tpu.dma_semaphore, #tpu.memory_space<semaphore_mem>>) src(%arg2 : memref<16x200x128xf32, #tpu.memory_space<vmem>>) dst(%dma_wait3A_969 : memref<16x200x128xf32, #tpu.memory_space<hbm>>)
    %dma_wait3A_970 = arith.constant 1 : i32
    %dma_wait3A_971 = tpu.memref_slice %arg3[%dma_wait3A_970] : memref<2x!tpu.dma_semaphore, #tpu.memory_space<semaphore_mem>> -> memref<1x!tpu.dma_semaphore, #tpu.memory_space<semaphore_mem>>
    %dma_wait3A_972 = tpu.memref_squeeze %dma_wait3A_971 : memref<1x!tpu.dma_semaphore, #tpu.memory_space<semaphore_mem>> -> memref<!tpu.dma_semaphore, #tpu.memory_space<semaphore_mem>>
    %dma_wait3A_973 = arith.constant 976 : i32
    %dma_wait3A_974 = arith.constant 0 : i32
    %dma_wait3A_975 = arith.constant 0 : i32
    %dma_wait3A_976 = tpu.memref_slice %arg1[%dma_wait3A_973, %dma_wait3A_974, %dma_wait3A_975] : memref<1024x200x128xf32, #tpu.memory_space<hbm>> -> memref<16x200x128xf32, #tpu.memory_space<hbm>>
    tpu.wait_dma2 semaphore(%dma_wait3A_972 : memref<!tpu.dma_semaphore, #tpu.memory_space<semaphore_mem>>) src(%arg2 : memref<16x200x128xf32, #tpu.memory_space<vmem>>) dst(%dma_wait3A_976 : memref<16x200x128xf32, #tpu.memory_space<hbm>>)
    %dma_wait3A_977 = arith.constant 0 : i32
    %dma_wait3A_978 = tpu.memref_slice %arg3[%dma_wait3A_977] : memref<2x!tpu.dma_semaphore, #tpu.memory_space<semaphore_mem>> -> memref<1x!tpu.dma_semaphore, #tpu.memory_space<semaphore_mem>>
    %dma_wait3A_979 = tpu.memref_squeeze %dma_wait3A_978 : memref<1x!tpu.dma_semaphore, #tpu.memory_space<semaphore_mem>> -> memref<!tpu.dma_semaphore, #tpu.memory_space<semaphore_mem>>
    %dma_wait3A_980 = arith.constant 992 : i32
    %dma_wait3A_981 = arith.constant 0 : i32
    %dma_wait3A_982 = arith.constant 0 : i32
    %dma_wait3A_983 = tpu.memref_slice %arg1[%dma_wait3A_980, %dma_wait3A_981, %dma_wait3A_982] : memref<1024x200x128xf32, #tpu.memory_space<hbm>> -> memref<16x200x128xf32, #tpu.memory_space<hbm>>
    tpu.wait_dma2 semaphore(%dma_wait3A_979 : memref<!tpu.dma_semaphore, #tpu.memory_space<semaphore_mem>>) src(%arg2 : memref<16x200x128xf32, #tpu.memory_space<vmem>>) dst(%dma_wait3A_983 : memref<16x200x128xf32, #tpu.memory_space<hbm>>)
    %dma_wait3A_984 = arith.constant 1 : i32
    %dma_wait3A_985 = tpu.memref_slice %arg3[%dma_wait3A_984] : memref<2x!tpu.dma_semaphore, #tpu.memory_space<semaphore_mem>> -> memref<1x!tpu.dma_semaphore, #tpu.memory_space<semaphore_mem>>
    %dma_wait3A_986 = tpu.memref_squeeze %dma_wait3A_985 : memref<1x!tpu.dma_semaphore, #tpu.memory_space<semaphore_mem>> -> memref<!tpu.dma_semaphore, #tpu.memory_space<semaphore_mem>>
    %dma_wait3A_987 = arith.constant 1008 : i32
    %dma_wait3A_988 = arith.constant 0 : i32
    %dma_wait3A_989 = arith.constant 0 : i32
    %dma_wait3A_990 = tpu.memref_slice %arg1[%dma_wait3A_987, %dma_wait3A_988, %dma_wait3A_989] : memref<1024x200x128xf32, #tpu.memory_space<hbm>> -> memref<16x200x128xf32, #tpu.memory_space<hbm>>
    tpu.wait_dma2 semaphore(%dma_wait3A_986 : memref<!tpu.dma_semaphore, #tpu.memory_space<semaphore_mem>>) src(%arg2 : memref<16x200x128xf32, #tpu.memory_space<vmem>>) dst(%dma_wait3A_990 : memref<16x200x128xf32, #tpu.memory_space<hbm>>)
    return
  }
}

</mosaic_0001>

<sc_bundles>
// kernel: kernel.4.cloned.1.call-start
scs
__scs_entry_jumppad:
0x0: {  	(pc) =	sbr.rel $0x88, $3  }
0x1: {  	(tag) =	ssettag $0x0;
	lr =	simm.s32 $0x1  }
0x2: {  	[smem:$0x3FA0] =	sst lr;
	_ =	strace $0xD0000000  }
0x3: {  	_ = 	snop  }
0x4: {  	_ = 	snop  }
0x5: {  	_ = 	snop  }
0x6: {  	_ = 	snop  }
0x7: {  	_ = 	snop  }
__scs_overlays_trampoline_lowered:
0x8: {  	[smem:$0x3FAF] =	sst s0  }
0x9: {  	[smem:$0x3FB0] =	sst s1  }
0xa: {  	[smem:$0x3FB1] =	sst s2  }
0xb: {  	[smem:$0x3FB2] =	sst s3  }
0xc: {  	[smem:$0x3FB3] =	sst s4  }
0xd: {  	[smem:$0x3FB4] =	sst s5  }
0xe: {  	[smem:$0x3FB5] =	sst s6  }
0xf: {  	[smem:$0x3FB6] =	sst s7  }
0x10: {  	[smem:$0x3FB7] =	sst s8  }
0x11: {  	[smem:$0x3FB8] =	sst s9;
	s0 =	simm.s32 @!p0 $0x0  }
0x12: {  	s1 =	sld [smem:$0x3F9E];
	s0 =	simm.s32 @p0 $0x1  }
0x13: {  	[smem:$0x3FB9] =	sst s0;
	s0 =	simm.s32 @!p1 $0x0  }
0x14: {  	s2 =	sld [smem:$0x3F9D];
	s0 =	simm.s32 @p1 $0x1  }
0x15: {  	[smem:$0x3FBA] =	sst s0;
	s0 =	simm.s32 @!p2 $0x0  }
0x16: {  	s3 =	sld [smem:$0x3FDB];
	s0 =	simm.s32 @p2 $0x1  }
0x17: {  	s4 =	simm.s32 $0x1BF5;
	[smem:$0x3FBC] =	sst s0  }
0x18: {  	s0 =	sld [smem:$0x3F9F];
	_ =	swait.ge [sflag:s4], $0x0  }
0x19: {  	s7 =	sld [smem:$0x3FA0]  }
0x1a: {  	s8 =	sadd.s32 $0xFFFFE003, lr  }
0x1b: {  	s9 =	sadd.s32 $0xFFFFFEF7, lr;
	s5 =	simm.s32 $0xFFFFFFFF;
	p2 =	slt.u32 s8, $0xFFFFF086  }
0x1c: {  	p1 =	slt.u32 s9, $0xF7A;
	s5 =	simm.s32 @!p2 $0x0  }
0x1d: {  	s5 =	simm.s32 @p1 $0x1;
	p0 =	seq.s32 s7, s2  }
0x1e: {  	s7 =	smul.u32 @!p0 $0xF7A, s2;
	p2 =	seq.s32 @!p0 s5, $0x0  }
0x1f: {  	s9 =	smul.u32 $0xF7A, s1;
	s8 =	simm.s32 @!p0 $0x1BF5;
	p2 =	por !p2, p0  }
0x20: {  	[sflag:s8] =	ssyncset.s32 @!p0 $0xFFFFF086;
	s6 =	sadd.s32 @!p0 s3, s7;
	s7 =	simm.s32 @!p0 $0x108  }
0x21: {  	s3 =	sadd.s32 s3, s9;
	s6 =	sadd.s32 @!p0 $0x88, s6;
	s7 =	simm.s32 @p2 $0x1082  }
0x22: {  	[simem:s7], [sflag:s8] =	dma.local @!p0 [hbm:s6], $0xF7A  }
0x23: {  	s9 =	sor.u32 $0xD0000000, s2;
	s6 =	simm.s32 $0x108;
	_ =	swait.ge @!p0 [sflag:s8], $0x0  }
0x24: {  	s3 =	sadd.s32 $0x88, s3;
	s6 =	simm.s32 @!p1 $0x1082;
	[sflag:s4] =	ssyncset.s32 $0xFFFFF086  }
0x25: {  	[simem:s6], [sflag:s4] =	dma.local [hbm:s3], $0xF7A  }
0x26: {  	[smem:$0x3FA0] =	sst s1;
	(tag) =	ssettag s2;
	_ =	strace s9  }
0x27: {  	s1 =	sld [smem:$0x3FB0]  }
0x28: {  	s2 =	sld [smem:$0x3FB1]  }
0x29: {  	s4 =	sld [smem:$0x3FB3]  }
0x2a: {  	p0 =	seq.s32 s5, $0x0;
	s5 =	sld [smem:$0x3FB4]  }
0x2b: {  	s6 =	sld [smem:$0x3FB5]  }
0x2c: {  	s7 =	sld [smem:$0x3FB6]  }
0x2d: {  	s3 =	simm.s32 $0x108;
	s8 =	sld [smem:$0x3FB7]  }
0x2e: {  	s3 =	simm.s32 @!p0 $0x1082;
	s9 =	sld [smem:$0x3FB8]  }
0x2f: {  	lr =	sadd.s32 s0, s3;
	s0 =	sld [smem:$0x3FAF]  }
0x30: {  	s3 =	sld [smem:$0x3FB2]  }
0x31: {  	[smem:$0x3FBB] =	sst s10  }
0x32: {  	s10 =	sld [smem:$0x3FB9];
	_ =	sdelay $0x3  }
0x33: {  	p0 =	seq.s32 s10, $0x1;
	s10 =	sld [smem:$0x3FBB];
	_ =	sdelay $0x3  }
0x34: {  	[smem:$0x3FBB] =	sst s10  }
0x35: {  	s10 =	sld [smem:$0x3FBA];
	_ =	sdelay $0x3  }
0x36: {  	p1 =	seq.s32 s10, $0x1;
	s10 =	sld [smem:$0x3FBB];
	_ =	sdelay $0x3  }
0x37: {  	[smem:$0x3FBB] =	sst s10  }
0x38: {  	s10 =	sld [smem:$0x3FBC]  }
0x39: {  	_ = 	snop;
	(pc) =	sbr.ind lr, $3  }
0x3a: {  	_ = 	snop  }
0x3b: {  	_ = 	snop  }
0x3c: {  	p2 =	seq.s32 s10, $0x1;
	s10 =	sld [smem:$0x3FBB]  }
0x3d: {  	_ =	shalt  }
0x3e: {  	_ =	shalt  }
0x3f: {  	_ =	shalt  }
0x40: {  	_ =	shalt  }
0x41: {  	_ =	shalt  }
0x42: {  	_ =	shalt  }
0x43: {  	_ =	shalt  }
0x44: {  	_ =	shalt  }
0x45: {  	_ =	shalt  }
0x46: {  	_ =	shalt  }
0x47: {  	_ =	shalt  }
0x48: {  	_ =	shalt  }
0x49: {  	_ =	shalt  }
0x4a: {  	_ =	shalt  }
0x4b: {  	_ =	shalt  }
0x4c: {  	_ =	shalt  }
0x4d: {  	_ =	shalt  }
0x4e: {  	_ =	shalt  }
0x4f: {  	_ =	shalt  }
0x50: {  	_ =	shalt  }
0x51: {  	_ =	shalt  }
0x52: {  	_ =	shalt  }
0x53: {  	_ =	shalt  }
0x54: {  	_ =	shalt  }
0x55: {  	_ =	shalt  }
0x56: {  	_ =	shalt  }
0x57: {  	_ =	shalt  }
0x58: {  	_ =	shalt  }
0x59: {  	_ =	shalt  }
0x5a: {  	_ =	shalt  }
0x5b: {  	_ =	shalt  }
0x5c: {  	_ =	shalt  }
0x5d: {  	_ =	shalt  }
0x5e: {  	_ =	shalt  }
0x5f: {  	_ =	shalt  }
0x60: {  	_ =	shalt  }
0x61: {  	_ =	shalt  }
0x62: {  	_ =	shalt  }
0x63: {  	_ =	shalt  }
0x64: {  	_ =	shalt  }
0x65: {  	_ =	shalt  }
0x66: {  	_ =	shalt  }
0x67: {  	_ =	shalt  }
0x68: {  	_ =	shalt  }
0x69: {  	_ =	shalt  }
0x6a: {  	_ =	shalt  }
0x6b: {  	_ =	shalt  }
0x6c: {  	_ =	shalt  }
0x6d: {  	_ =	shalt  }
0x6e: {  	_ =	shalt  }
0x6f: {  	_ =	shalt  }
0x70: {  	_ =	shalt  }
0x71: {  	_ =	shalt  }
0x72: {  	_ =	shalt  }
0x73: {  	_ =	shalt  }
0x74: {  	_ =	shalt  }
0x75: {  	_ =	shalt  }
0x76: {  	_ =	shalt  }
0x77: {  	_ =	shalt  }
0x78: {  	_ =	shalt  }
0x79: {  	_ =	shalt  }
0x7a: {  	_ =	shalt  }
0x7b: {  	_ =	shalt  }
0x7c: {  	_ =	shalt  }
0x7d: {  	_ =	shalt  }
0x7e: {  	_ =	shalt  }
0x7f: {  	_ =	shalt  }
0x80: {  	_ =	shalt  }
0x81: {  	_ =	shalt  }
0x82: {  	_ =	shalt  }
0x83: {  	_ =	shalt  }
0x84: {  	_ =	shalt  }
0x85: {  	_ =	shalt  }
0x86: {  	_ =	shalt  }
0x87: {  	_ =	shalt  }
.Lfunc_end0:
.L_simem_size_0:
called_computation_lowered:
.L_overlay_start_0:
0x88: {  	s2 =	sld [smem:$0x3FD9]  }
0x89: {  	s3 =	sld [smem:$0x3FFE];
	_ =	sdelay $0x1  }
0x8a: {  	s1 =	srdreg.scid  }
0x8b: {  	s0 =	sand.u32 $0x1, s1  }
0x8c: {  	s28 =	sshll.u32 s0, $0xA;
	s2 =	sadd.s32 s3, s2  }
0x8d: {  	s2 =	sadd.s32 s2, s28  }
0x8e: {  	s4 =	simm.s32 $0x0;
	[smem:$0x3FC7] =	sst s2  }
0x8f: {  	[smem:$0xF] =	sst s4  }
0x90: {  	s3 =	sld [smem:$0x3FC9]  }
0x91: {  	s2 =	sld [smem:$0x3FD0];
	(tm) =	ssettm $0x1  }
0x92: {  	s29 =	sld [smem:$0x3FFB];
	_ =	sdelay $0x3  }
0x93: {  	_ =	strace s29  }
0x94: {  	s4 =	sld [smem:$0x3FFC];
	_ =	sdelay $0x3  }
0x95: {  	_ =	strace s4  }
0x96: {  	s4 =	sld [smem:$0x3FFD];
	_ =	sdelay $0x3  }
0x97: {  	_ =	strace s4  }
0x98: {  	s30 =	simm.s32 $0x1B8B;
	_ =	strace $0x8FFFFFFF  }
0x99: {  	p0 =	seq.s32 s0, $0x1;
	_ =	swait.ge [sflag:s30], $0x1  }
.Ltmp0:
0x9a: {  	[sflag:s30] =	ssyncset.done $0x0;
	(pc) =	sbr.rel @p0 .LBB1_2-.Ltmp0, $3  }
0x9b: {  	s31 =	simm.s32 $0x1B8E;
	[sflag:s30] =	ssyncadd.s32 $0xFFFFFFFF  }
0x9c: {  	[smem:$0x3FD2] =	sst s31  }
0x9d: {  	_ =	strace $0x80000046  }
0x9e: {  	s4 =	simm.s32 $0x9;
	s5 =	sadd.s32 $0x10, s2  }
0x9f: {  	s14 =	sadd.s32 $0x20, s2;
	s15 =	sadd.s32 $0x30, s2;
	s16 =	sadd.s32 $0x40, s2  }
0xa0: {  	s17 =	sadd.s32 $0x50, s2;
	s18 =	sadd.s32 $0x60, s2;
	s19 =	sadd.s32 $0x70, s2  }
0xa1: {  	s20 =	sadd.s32 $0x10, s3;
	s6 =	sadd.s32 $0x80, s2;
	s21 =	sadd.s32 $0x90, s2  }
0xa2: {  	s22 =	sadd.s32 $0xA0, s2;
	s23 =	sadd.s32 $0xB0, s2;
	s24 =	sadd.s32 $0xC0, s2  }
0xa3: {  	s25 =	sadd.s32 $0xD0, s2;
	s26 =	sadd.s32 $0xE0, s2;
	s28 =	sadd.s32 $0xF0, s2  }
0xa4: {  	s29 =	sadd.s32 $0x20, s3;
	s30 =	sadd.s32 $0x100, s2;
	s31 =	sadd.s32 $0x110, s2  }
0xa5: {  	s7 =	sadd.s32 $0x120, s2;
	s8 =	sadd.s32 $0x130, s2;
	s9 =	sadd.s32 $0x140, s2  }
0xa6: {  	s10 =	sadd.s32 $0x150, s2;
	s11 =	sadd.s32 $0x160, s2;
	s12 =	sadd.s32 $0x170, s2  }
0xa7: {  	[hbm:s2], [sflag:s4] =	dma.local [hbm:s3], $0x10  }
0xa8: {  	[hbm:s5], [sflag:s4] =	dma.local [hbm:s3], $0x10  }
0xa9: {  	[hbm:s14], [sflag:s4] =	dma.local [hbm:s3], $0x10  }
0xaa: {  	[hbm:s15], [sflag:s4] =	dma.local [hbm:s3], $0x10  }
0xab: {  	s13 =	sadd.s32 $0x30, s3;
	s14 =	sadd.s32 $0x180, s2;
	s15 =	sadd.s32 $0x190, s2  }
0xac: {  	[hbm:s16], [sflag:s4] =	dma.local [hbm:s3], $0x10  }
0xad: {  	[hbm:s17], [sflag:s4] =	dma.local [hbm:s3], $0x10  }
0xae: {  	[hbm:s18], [sflag:s4] =	dma.local [hbm:s3], $0x10  }
0xaf: {  	s16 =	sadd.s32 $0x1A0, s2;
	s17 =	sadd.s32 $0x1B0, s2;
	s18 =	sadd.s32 $0x1C0, s2  }
0xb0: {  	[hbm:s19], [sflag:s4] =	dma.local [hbm:s3], $0x10  }
0xb1: {  	[hbm:s6], [sflag:s4] =	dma.local [hbm:s20], $0x10  }
0xb2: {  	[hbm:s21], [sflag:s4] =	dma.local [hbm:s20], $0x10  }
0xb3: {  	[hbm:s22], [sflag:s4] =	dma.local [hbm:s20], $0x10  }
0xb4: {  	s19 =	sadd.s32 $0x1D0, s2;
	s21 =	sadd.s32 $0x1F0, s2;
	s22 =	sadd.s32 $0x40, s3  }
0xb5: {  	[hbm:s23], [sflag:s4] =	dma.local [hbm:s20], $0x10  }
0xb6: {  	[hbm:s24], [sflag:s4] =	dma.local [hbm:s20], $0x10  }
0xb7: {  	[hbm:s25], [sflag:s4] =	dma.local [hbm:s20], $0x10  }
0xb8: {  	s23 =	sadd.s32 $0x200, s2;
	s24 =	sadd.s32 $0x210, s2;
	s25 =	sadd.s32 $0x220, s2  }
0xb9: {  	[hbm:s26], [sflag:s4] =	dma.local [hbm:s20], $0x10  }
0xba: {  	[hbm:s28], [sflag:s4] =	dma.local [hbm:s20], $0x10  }
0xbb: {  	s26 =	sadd.s32 $0x230, s2;
	s20 =	sadd.s32 $0x1E0, s2;
	s28 =	sadd.s32 $0x240, s2  }
0xbc: {  	[hbm:s30], [sflag:s4] =	dma.local [hbm:s29], $0x10  }
0xbd: {  	[hbm:s31], [sflag:s4] =	dma.local [hbm:s29], $0x10  }
0xbe: {  	[hbm:s7], [sflag:s4] =	dma.local [hbm:s29], $0x10  }
0xbf: {  	s30 =	sadd.s32 $0x260, s2;
	s31 =	sadd.s32 $0x270, s2;
	s7 =	sadd.s32 $0x50, s3  }
0xc0: {  	[hbm:s8], [sflag:s4] =	dma.local [hbm:s29], $0x10  }
0xc1: {  	[hbm:s9], [sflag:s4] =	dma.local [hbm:s29], $0x10  }
0xc2: {  	[hbm:s10], [sflag:s4] =	dma.local [hbm:s29], $0x10  }
0xc3: {  	s8 =	sadd.s32 $0x280, s2;
	s9 =	sadd.s32 $0x290, s2;
	s10 =	sadd.s32 $0x2A0, s2  }
0xc4: {  	[hbm:s11], [sflag:s4] =	dma.local [hbm:s29], $0x10  }
0xc5: {  	[hbm:s12], [sflag:s4] =	dma.local [hbm:s29], $0x10  }
0xc6: {  	s11 =	sadd.s32 $0x2B0, s2;
	s29 =	sadd.s32 $0x250, s2;
	s12 =	sadd.s32 $0x2C0, s2  }
0xc7: {  	[hbm:s14], [sflag:s4] =	dma.local [hbm:s13], $0x10  }
0xc8: {  	[hbm:s15], [sflag:s4] =	dma.local [hbm:s13], $0x10  }
0xc9: {  	[hbm:s16], [sflag:s4] =	dma.local [hbm:s13], $0x10  }
0xca: {  	s14 =	sadd.s32 $0x2E0, s2;
	s15 =	sadd.s32 $0x2F0, s2;
	s16 =	sadd.s32 $0x60, s3  }
0xcb: {  	[hbm:s17], [sflag:s4] =	dma.local [hbm:s13], $0x10  }
0xcc: {  	[hbm:s18], [sflag:s4] =	dma.local [hbm:s13], $0x10  }
0xcd: {  	[hbm:s19], [sflag:s4] =	dma.local [hbm:s13], $0x10  }
0xce: {  	s17 =	sadd.s32 $0x300, s2;
	s18 =	sadd.s32 $0x310, s2;
	s19 =	sadd.s32 $0x320, s2  }
0xcf: {  	[hbm:s20], [sflag:s4] =	dma.local [hbm:s13], $0x10  }
0xd0: {  	[hbm:s21], [sflag:s4] =	dma.local [hbm:s13], $0x10  }
0xd1: {  	s20 =	sadd.s32 $0x330, s2;
	s13 =	sadd.s32 $0x2D0, s2;
	s21 =	sadd.s32 $0x340, s2  }
0xd2: {  	[hbm:s23], [sflag:s4] =	dma.local [hbm:s22], $0x10  }
0xd3: {  	[hbm:s24], [sflag:s4] =	dma.local [hbm:s22], $0x10  }
0xd4: {  	[hbm:s25], [sflag:s4] =	dma.local [hbm:s22], $0x10  }
0xd5: {  	s23 =	sadd.s32 $0x360, s2;
	s24 =	sadd.s32 $0x370, s2;
	s25 =	sadd.s32 $0x70, s3  }
0xd6: {  	[hbm:s26], [sflag:s4] =	dma.local [hbm:s22], $0x10  }
0xd7: {  	[hbm:s28], [sflag:s4] =	dma.local [hbm:s22], $0x10  }
0xd8: {  	[hbm:s29], [sflag:s4] =	dma.local [hbm:s22], $0x10  }
0xd9: {  	s26 =	sadd.s32 $0x380, s2;
	s28 =	sadd.s32 $0x390, s2;
	s29 =	sadd.s32 $0x3A0, s2  }
0xda: {  	[hbm:s30], [sflag:s4] =	dma.local [hbm:s22], $0x10  }
0xdb: {  	[hbm:s31], [sflag:s4] =	dma.local [hbm:s22], $0x10  }
0xdc: {  	s30 =	sadd.s32 $0x3B0, s2;
	s22 =	sadd.s32 $0x350, s2;
	s31 =	sadd.s32 $0x3C0, s2  }
0xdd: {  	[hbm:s8], [sflag:s4] =	dma.local [hbm:s7], $0x10  }
0xde: {  	[hbm:s9], [sflag:s4] =	dma.local [hbm:s7], $0x10  }
0xdf: {  	[hbm:s10], [sflag:s4] =	dma.local [hbm:s7], $0x10  }
0xe0: {  	s8 =	sadd.s32 $0x3E0, s2;
	s9 =	sadd.s32 $0x3F0, s2;
	s10 =	sadd.s32 $0x80, s3  }
0xe1: {  	[hbm:s11], [sflag:s4] =	dma.local [hbm:s7], $0x10  }
0xe2: {  	[hbm:s12], [sflag:s4] =	dma.local [hbm:s7], $0x10  }
0xe3: {  	[hbm:s13], [sflag:s4] =	dma.local [hbm:s7], $0x10  }
0xe4: {  	s11 =	sadd.s32 $0x400, s2;
	s12 =	sadd.s32 $0x410, s2;
	s13 =	sadd.s32 $0x420, s2  }
0xe5: {  	[hbm:s14], [sflag:s4] =	dma.local [hbm:s7], $0x10  }
0xe6: {  	[hbm:s15], [sflag:s4] =	dma.local [hbm:s7], $0x10  }
0xe7: {  	s14 =	sadd.s32 $0x430, s2;
	s7 =	sadd.s32 $0x3D0, s2;
	s15 =	sadd.s32 $0x440, s2  }
0xe8: {  	[hbm:s17], [sflag:s4] =	dma.local [hbm:s16], $0x10  }
0xe9: {  	[hbm:s18], [sflag:s4] =	dma.local [hbm:s16], $0x10  }
0xea: {  	[hbm:s19], [sflag:s4] =	dma.local [hbm:s16], $0x10  }
0xeb: {  	s17 =	sadd.s32 $0x460, s2;
	s18 =	sadd.s32 $0x470, s2;
	s19 =	sadd.s32 $0x90, s3  }
0xec: {  	[hbm:s20], [sflag:s4] =	dma.local [hbm:s16], $0x10  }
0xed: {  	[hbm:s21], [sflag:s4] =	dma.local [hbm:s16], $0x10  }
0xee: {  	[hbm:s22], [sflag:s4] =	dma.local [hbm:s16], $0x10  }
0xef: {  	s20 =	sadd.s32 $0x480, s2;
	s21 =	sadd.s32 $0x490, s2;
	s22 =	sadd.s32 $0x4A0, s2  }
0xf0: {  	[hbm:s23], [sflag:s4] =	dma.local [hbm:s16], $0x10  }
0xf1: {  	[hbm:s24], [sflag:s4] =	dma.local [hbm:s16], $0x10  }
0xf2: {  	s23 =	sadd.s32 $0x4B0, s2;
	s16 =	sadd.s32 $0x450, s2;
	s24 =	sadd.s32 $0x4C0, s2  }
0xf3: {  	[hbm:s26], [sflag:s4] =	dma.local [hbm:s25], $0x10  }
0xf4: {  	[hbm:s28], [sflag:s4] =	dma.local [hbm:s25], $0x10  }
0xf5: {  	[hbm:s29], [sflag:s4] =	dma.local [hbm:s25], $0x10  }
0xf6: {  	s26 =	sadd.s32 $0x4E0, s2;
	s28 =	sadd.s32 $0x4F0, s2;
	s29 =	sadd.s32 $0xA0, s3  }
0xf7: {  	[hbm:s30], [sflag:s4] =	dma.local [hbm:s25], $0x10  }
0xf8: {  	[hbm:s31], [sflag:s4] =	dma.local [hbm:s25], $0x10  }
0xf9: {  	[hbm:s7], [sflag:s4] =	dma.local [hbm:s25], $0x10  }
0xfa: {  	s30 =	sadd.s32 $0x500, s2;
	s31 =	sadd.s32 $0x510, s2;
	s7 =	sadd.s32 $0x520, s2  }
0xfb: {  	[hbm:s8], [sflag:s4] =	dma.local [hbm:s25], $0x10  }
0xfc: {  	[hbm:s9], [sflag:s4] =	dma.local [hbm:s25], $0x10  }
0xfd: {  	s8 =	sadd.s32 $0x530, s2;
	s25 =	sadd.s32 $0x4D0, s2;
	s9 =	sadd.s32 $0x540, s2  }
0xfe: {  	[hbm:s11], [sflag:s4] =	dma.local [hbm:s10], $0x10  }
0xff: {  	[hbm:s12], [sflag:s4] =	dma.local [hbm:s10], $0x10  }
0x100: {  	[hbm:s13], [sflag:s4] =	dma.local [hbm:s10], $0x10  }
0x101: {  	s11 =	sadd.s32 $0x560, s2;
	s12 =	sadd.s32 $0x570, s2;
	s13 =	sadd.s32 $0xB0, s3  }
0x102: {  	[hbm:s14], [sflag:s4] =	dma.local [hbm:s10], $0x10  }
0x103: {  	[hbm:s15], [sflag:s4] =	dma.local [hbm:s10], $0x10  }
0x104: {  	[hbm:s16], [sflag:s4] =	dma.local [hbm:s10], $0x10  }
0x105: {  	s14 =	sadd.s32 $0x580, s2;
	s15 =	sadd.s32 $0x590, s2;
	s16 =	sadd.s32 $0x5A0, s2  }
0x106: {  	[hbm:s17], [sflag:s4] =	dma.local [hbm:s10], $0x10  }
0x107: {  	[hbm:s18], [sflag:s4] =	dma.local [hbm:s10], $0x10  }
0x108: {  	s17 =	sadd.s32 $0x5B0, s2;
	s10 =	sadd.s32 $0x550, s2;
	s18 =	sadd.s32 $0x5C0, s2  }
0x109: {  	[hbm:s20], [sflag:s4] =	dma.local [hbm:s19], $0x10  }
0x10a: {  	[hbm:s21], [sflag:s4] =	dma.local [hbm:s19], $0x10  }
0x10b: {  	[hbm:s22], [sflag:s4] =	dma.local [hbm:s19], $0x10  }
0x10c: {  	s20 =	sadd.s32 $0x5E0, s2;
	s21 =	sadd.s32 $0x5F0, s2;
	s22 =	sadd.s32 $0xC0, s3  }
0x10d: {  	[hbm:s23], [sflag:s4] =	dma.local [hbm:s19], $0x10  }
0x10e: {  	[hbm:s24], [sflag:s4] =	dma.local [hbm:s19], $0x10  }
0x10f: {  	[hbm:s25], [sflag:s4] =	dma.local [hbm:s19], $0x10  }
0x110: {  	s23 =	sadd.s32 $0x600, s2;
	s24 =	sadd.s32 $0x610, s2;
	s25 =	sadd.s32 $0x620, s2  }
0x111: {  	[hbm:s26], [sflag:s4] =	dma.local [hbm:s19], $0x10  }
0x112: {  	[hbm:s28], [sflag:s4] =	dma.local [hbm:s19], $0x10  }
0x113: {  	s26 =	sadd.s32 $0x630, s2;
	s19 =	sadd.s32 $0x5D0, s2;
	s28 =	sadd.s32 $0x640, s2  }
0x114: {  	[hbm:s30], [sflag:s4] =	dma.local [hbm:s29], $0x10  }
0x115: {  	[hbm:s31], [sflag:s4] =	dma.local [hbm:s29], $0x10  }
0x116: {  	[hbm:s7], [sflag:s4] =	dma.local [hbm:s29], $0x10  }
0x117: {  	[hbm:s8], [sflag:s4] =	dma.local [hbm:s29], $0x10  }
0x118: {  	[hbm:s9], [sflag:s4] =	dma.local [hbm:s29], $0x10  }
0x119: {  	[hbm:s10], [sflag:s4] =	dma.local [hbm:s29], $0x10  }
0x11a: {  	[hbm:s11], [sflag:s4] =	dma.local [hbm:s29], $0x10  }
0x11b: {  	[hbm:s12], [sflag:s4] =	dma.local [hbm:s29], $0x10  }
0x11c: {  	s30 =	sadd.s32 $0x660, s2;
	s31 =	sadd.s32 $0x670, s2;
	s29 =	sadd.s32 $0x650, s2  }
0x11d: {  	[hbm:s14], [sflag:s4] =	dma.local [hbm:s13], $0x10  }
0x11e: {  	[hbm:s15], [sflag:s4] =	dma.local [hbm:s13], $0x10  }
0x11f: {  	[hbm:s16], [sflag:s4] =	dma.local [hbm:s13], $0x10  }
0x120: {  	[hbm:s17], [sflag:s4] =	dma.local [hbm:s13], $0x10  }
0x121: {  	[hbm:s18], [sflag:s4] =	dma.local [hbm:s13], $0x10  }
0x122: {  	[hbm:s19], [sflag:s4] =	dma.local [hbm:s13], $0x10  }
0x123: {  	[hbm:s20], [sflag:s4] =	dma.local [hbm:s13], $0x10  }
0x124: {  	[hbm:s21], [sflag:s4] =	dma.local [hbm:s13], $0x10  }
0x125: {  	[hbm:s23], [sflag:s4] =	dma.local [hbm:s22], $0x10  }
0x126: {  	[hbm:s24], [sflag:s4] =	dma.local [hbm:s22], $0x10  }
0x127: {  	[hbm:s25], [sflag:s4] =	dma.local [hbm:s22], $0x10  }
0x128: {  	[hbm:s26], [sflag:s4] =	dma.local [hbm:s22], $0x10  }
0x129: {  	[hbm:s28], [sflag:s4] =	dma.local [hbm:s22], $0x10  }
0x12a: {  	[hbm:s29], [sflag:s4] =	dma.local [hbm:s22], $0x10  }
0x12b: {  	[hbm:s30], [sflag:s4] =	dma.local [hbm:s22], $0x10  }
0x12c: {  	[hbm:s31], [sflag:s4] =	dma.local [hbm:s22], $0x10  }
0x12d: {  	_ =	swait.ge [sflag:s4], $0x10  }
0x12e: {  	[sflag:s4] =	ssyncset.done $0x0  }
0x12f: {  	[sflag:s4] =	ssyncadd.s32 $0xFFFFFFF0;
	_ =	sdelay $0x2  }
0x130: {  	_ =	swait.ge [sflag:s4], $0x10  }
0x131: {  	[sflag:s4] =	ssyncset.done $0x0  }
0x132: {  	[sflag:s4] =	ssyncadd.s32 $0xFFFFFFF0;
	_ =	sdelay $0x2  }
0x133: {  	_ =	swait.ge [sflag:s4], $0x10  }
0x134: {  	[sflag:s4] =	ssyncset.done $0x0  }
0x135: {  	[sflag:s4] =	ssyncadd.s32 $0xFFFFFFF0;
	_ =	sdelay $0x2  }
0x136: {  	_ =	swait.ge [sflag:s4], $0x10  }
0x137: {  	[sflag:s4] =	ssyncset.done $0x0  }
0x138: {  	[sflag:s4] =	ssyncadd.s32 $0xFFFFFFF0;
	_ =	sdelay $0x2  }
0x139: {  	_ =	swait.ge [sflag:s4], $0x10  }
0x13a: {  	[sflag:s4] =	ssyncset.done $0x0  }
0x13b: {  	[sflag:s4] =	ssyncadd.s32 $0xFFFFFFF0;
	_ =	sdelay $0x2  }
0x13c: {  	_ =	swait.ge [sflag:s4], $0x10  }
0x13d: {  	[sflag:s4] =	ssyncset.done $0x0  }
0x13e: {  	[sflag:s4] =	ssyncadd.s32 $0xFFFFFFF0;
	_ =	sdelay $0x2  }
0x13f: {  	_ =	swait.ge [sflag:s4], $0x10  }
0x140: {  	[sflag:s4] =	ssyncset.done $0x0  }
0x141: {  	[sflag:s4] =	ssyncadd.s32 $0xFFFFFFF0;
	_ =	sdelay $0x2  }
0x142: {  	_ =	swait.ge [sflag:s4], $0x10  }
0x143: {  	[sflag:s4] =	ssyncset.done $0x0  }
0x144: {  	[sflag:s4] =	ssyncadd.s32 $0xFFFFFFF0;
	_ =	sdelay $0x2  }
0x145: {  	_ =	swait.ge [sflag:s4], $0x10  }
0x146: {  	[sflag:s4] =	ssyncset.done $0x0  }
0x147: {  	[sflag:s4] =	ssyncadd.s32 $0xFFFFFFF0;
	_ =	sdelay $0x2  }
0x148: {  	_ =	swait.ge [sflag:s4], $0x10  }
0x149: {  	[sflag:s4] =	ssyncset.done $0x0  }
0x14a: {  	[sflag:s4] =	ssyncadd.s32 $0xFFFFFFF0;
	_ =	sdelay $0x2  }
0x14b: {  	_ =	swait.ge [sflag:s4], $0x10  }
0x14c: {  	[sflag:s4] =	ssyncset.done $0x0  }
0x14d: {  	[sflag:s4] =	ssyncadd.s32 $0xFFFFFFF0;
	_ =	sdelay $0x2  }
0x14e: {  	_ =	swait.ge [sflag:s4], $0x10  }
0x14f: {  	[sflag:s4] =	ssyncset.done $0x0  }
0x150: {  	[sflag:s4] =	ssyncadd.s32 $0xFFFFFFF0;
	_ =	sdelay $0x2  }
0x151: {  	_ =	swait.ge [sflag:s4], $0x10  }
0x152: {  	[sflag:s4] =	ssyncset.done $0x0  }
0x153: {  	[sflag:s4] =	ssyncadd.s32 $0xFFFFFFF0;
	_ =	sdelay $0x2  }
0x154: {  	_ =	swait.ge [sflag:s4], $0x10  }
0x155: {  	[sflag:s4] =	ssyncset.done $0x0  }
0x156: {  	[sflag:s4] =	ssyncadd.s32 $0xFFFFFFF0;
	_ =	sdelay $0x2  }
0x157: {  	_ =	swait.ge [sflag:s4], $0x10  }
0x158: {  	[sflag:s4] =	ssyncset.done $0x0  }
0x159: {  	[sflag:s4] =	ssyncadd.s32 $0xFFFFFFF0;
	_ =	sdelay $0x2  }
0x15a: {  	_ =	swait.ge [sflag:s4], $0x10  }
0x15b: {  	[sflag:s4] =	ssyncset.done $0x0  }
0x15c: {  	[sflag:s4] =	ssyncadd.s32 $0xFFFFFFF0;
	_ =	sdelay $0x2  }
0x15d: {  	_ =	swait.ge [sflag:s4], $0x10  }
0x15e: {  	[sflag:s4] =	ssyncset.done $0x0  }
0x15f: {  	[sflag:s4] =	ssyncadd.s32 $0xFFFFFFF0;
	_ =	sdelay $0x2  }
0x160: {  	_ =	swait.ge [sflag:s4], $0x10  }
0x161: {  	[sflag:s4] =	ssyncset.done $0x0  }
0x162: {  	[sflag:s4] =	ssyncadd.s32 $0xFFFFFFF0;
	_ =	sdelay $0x2  }
0x163: {  	_ =	swait.ge [sflag:s4], $0x10  }
0x164: {  	[sflag:s4] =	ssyncset.done $0x0  }
0x165: {  	[sflag:s4] =	ssyncadd.s32 $0xFFFFFFF0;
	_ =	sdelay $0x2  }
0x166: {  	_ =	swait.ge [sflag:s4], $0x10  }
0x167: {  	[sflag:s4] =	ssyncset.done $0x0  }
0x168: {  	[sflag:s4] =	ssyncadd.s32 $0xFFFFFFF0;
	_ =	sdelay $0x2  }
0x169: {  	_ =	swait.ge [sflag:s4], $0x10  }
0x16a: {  	[sflag:s4] =	ssyncset.done $0x0  }
0x16b: {  	[sflag:s4] =	ssyncadd.s32 $0xFFFFFFF0;
	_ =	sdelay $0x2  }
0x16c: {  	_ =	swait.ge [sflag:s4], $0x10  }
0x16d: {  	[sflag:s4] =	ssyncset.done $0x0  }
0x16e: {  	[sflag:s4] =	ssyncadd.s32 $0xFFFFFFF0;
	_ =	sdelay $0x2  }
0x16f: {  	_ =	swait.ge [sflag:s4], $0x10  }
0x170: {  	[sflag:s4] =	ssyncset.done $0x0  }
0x171: {  	[sflag:s4] =	ssyncadd.s32 $0xFFFFFFF0;
	_ =	sdelay $0x2  }
0x172: {  	_ =	swait.ge [sflag:s4], $0x10  }
0x173: {  	[sflag:s4] =	ssyncset.done $0x0  }
0x174: {  	[sflag:s4] =	ssyncadd.s32 $0xFFFFFFF0;
	_ =	sdelay $0x2  }
0x175: {  	_ =	swait.ge [sflag:s4], $0x10  }
0x176: {  	[sflag:s4] =	ssyncset.done $0x0  }
0x177: {  	[sflag:s4] =	ssyncadd.s32 $0xFFFFFFF0;
	_ =	sdelay $0x2  }
0x178: {  	_ =	swait.ge [sflag:s4], $0x10  }
0x179: {  	[sflag:s4] =	ssyncset.done $0x0  }
0x17a: {  	[sflag:s4] =	ssyncadd.s32 $0xFFFFFFF0;
	_ =	sdelay $0x2  }
0x17b: {  	_ =	swait.ge [sflag:s4], $0x10  }
0x17c: {  	[sflag:s4] =	ssyncset.done $0x0  }
0x17d: {  	[sflag:s4] =	ssyncadd.s32 $0xFFFFFFF0;
	_ =	sdelay $0x2  }
0x17e: {  	_ =	swait.ge [sflag:s4], $0x10  }
0x17f: {  	[sflag:s4] =	ssyncset.done $0x0  }
0x180: {  	[sflag:s4] =	ssyncadd.s32 $0xFFFFFFF0;
	_ =	sdelay $0x2  }
0x181: {  	_ =	swait.ge [sflag:s4], $0x10  }
0x182: {  	[sflag:s4] =	ssyncset.done $0x0  }
0x183: {  	[sflag:s4] =	ssyncadd.s32 $0xFFFFFFF0;
	_ =	sdelay $0x2  }
0x184: {  	_ =	swait.ge [sflag:s4], $0x10  }
0x185: {  	[sflag:s4] =	ssyncset.done $0x0  }
0x186: {  	[sflag:s4] =	ssyncadd.s32 $0xFFFFFFF0;
	_ =	sdelay $0x2  }
0x187: {  	_ =	swait.ge [sflag:s4], $0x10  }
0x188: {  	[sflag:s4] =	ssyncset.done $0x0  }
0x189: {  	[sflag:s4] =	ssyncadd.s32 $0xFFFFFFF0;
	_ =	sdelay $0x2  }
0x18a: {  	_ =	swait.ge [sflag:s4], $0x10  }
0x18b: {  	[sflag:s4] =	ssyncset.done $0x0  }
0x18c: {  	[sflag:s4] =	ssyncadd.s32 $0xFFFFFFF0;
	_ =	sdelay $0x2  }
0x18d: {  	_ =	swait.ge [sflag:s4], $0x10  }
0x18e: {  	[sflag:s4] =	ssyncset.done $0x0  }
0x18f: {  	[sflag:s4] =	ssyncadd.s32 $0xFFFFFFF0;
	_ =	sdelay $0x2  }
0x190: {  	_ =	swait.ge [sflag:s4], $0x10  }
0x191: {  	[sflag:s4] =	ssyncset.done $0x0  }
0x192: {  	[sflag:s4] =	ssyncadd.s32 $0xFFFFFFF0;
	_ =	sdelay $0x2  }
0x193: {  	_ =	swait.ge [sflag:s4], $0x10  }
0x194: {  	[sflag:s4] =	ssyncset.done $0x0  }
0x195: {  	[sflag:s4] =	ssyncadd.s32 $0xFFFFFFF0;
	_ =	sdelay $0x2  }
0x196: {  	_ =	swait.ge [sflag:s4], $0x10  }
0x197: {  	[sflag:s4] =	ssyncset.done $0x0  }
0x198: {  	[sflag:s4] =	ssyncadd.s32 $0xFFFFFFF0;
	_ =	sdelay $0x2  }
0x199: {  	_ =	swait.ge [sflag:s4], $0x10  }
0x19a: {  	[sflag:s4] =	ssyncset.done $0x0  }
0x19b: {  	[sflag:s4] =	ssyncadd.s32 $0xFFFFFFF0;
	_ =	sdelay $0x2  }
0x19c: {  	_ =	swait.ge [sflag:s4], $0x10  }
0x19d: {  	[sflag:s4] =	ssyncset.done $0x0  }
0x19e: {  	[sflag:s4] =	ssyncadd.s32 $0xFFFFFFF0;
	_ =	sdelay $0x2  }
0x19f: {  	_ =	swait.ge [sflag:s4], $0x10  }
0x1a0: {  	[sflag:s4] =	ssyncset.done $0x0  }
0x1a1: {  	[sflag:s4] =	ssyncadd.s32 $0xFFFFFFF0;
	_ =	sdelay $0x2  }
0x1a2: {  	_ =	swait.ge [sflag:s4], $0x10  }
0x1a3: {  	[sflag:s4] =	ssyncset.done $0x0  }
0x1a4: {  	[sflag:s4] =	ssyncadd.s32 $0xFFFFFFF0;
	_ =	sdelay $0x2  }
0x1a5: {  	_ =	swait.ge [sflag:s4], $0x10  }
0x1a6: {  	[sflag:s4] =	ssyncset.done $0x0  }
0x1a7: {  	[sflag:s4] =	ssyncadd.s32 $0xFFFFFFF0;
	_ =	sdelay $0x2  }
0x1a8: {  	_ =	swait.ge [sflag:s4], $0x10  }
0x1a9: {  	[sflag:s4] =	ssyncset.done $0x0  }
0x1aa: {  	[sflag:s4] =	ssyncadd.s32 $0xFFFFFFF0;
	_ =	sdelay $0x2  }
0x1ab: {  	_ =	swait.ge [sflag:s4], $0x10  }
0x1ac: {  	[sflag:s4] =	ssyncset.done $0x0  }
0x1ad: {  	[sflag:s4] =	ssyncadd.s32 $0xFFFFFFF0;
	_ =	sdelay $0x2  }
0x1ae: {  	_ =	swait.ge [sflag:s4], $0x10  }
0x1af: {  	[sflag:s4] =	ssyncset.done $0x0  }
0x1b0: {  	[sflag:s4] =	ssyncadd.s32 $0xFFFFFFF0;
	_ =	sdelay $0x2  }
0x1b1: {  	_ =	swait.ge [sflag:s4], $0x10  }
0x1b2: {  	[sflag:s4] =	ssyncset.done $0x0  }
0x1b3: {  	[sflag:s4] =	ssyncadd.s32 $0xFFFFFFF0;
	_ =	sdelay $0x2  }
0x1b4: {  	_ =	swait.ge [sflag:s4], $0x10  }
0x1b5: {  	[sflag:s4] =	ssyncset.done $0x0  }
0x1b6: {  	[sflag:s4] =	ssyncadd.s32 $0xFFFFFFF0;
	_ =	sdelay $0x2  }
0x1b7: {  	_ =	swait.ge [sflag:s4], $0x10  }
0x1b8: {  	[sflag:s4] =	ssyncset.done $0x0  }
0x1b9: {  	[sflag:s4] =	ssyncadd.s32 $0xFFFFFFF0;
	_ =	sdelay $0x2  }
0x1ba: {  	_ =	swait.ge [sflag:s4], $0x10  }
0x1bb: {  	[sflag:s4] =	ssyncset.done $0x0  }
0x1bc: {  	[sflag:s4] =	ssyncadd.s32 $0xFFFFFFF0;
	_ =	sdelay $0x2  }
0x1bd: {  	_ =	swait.ge [sflag:s4], $0x10  }
0x1be: {  	[sflag:s4] =	ssyncset.done $0x0  }
0x1bf: {  	[sflag:s4] =	ssyncadd.s32 $0xFFFFFFF0;
	_ =	sdelay $0x2  }
0x1c0: {  	_ =	swait.ge [sflag:s4], $0x10  }
0x1c1: {  	[sflag:s4] =	ssyncset.done $0x0  }
0x1c2: {  	[sflag:s4] =	ssyncadd.s32 $0xFFFFFFF0;
	_ =	sdelay $0x2  }
0x1c3: {  	_ =	swait.ge [sflag:s4], $0x10  }
0x1c4: {  	[sflag:s4] =	ssyncset.done $0x0  }
0x1c5: {  	[sflag:s4] =	ssyncadd.s32 $0xFFFFFFF0;
	_ =	sdelay $0x2  }
0x1c6: {  	_ =	swait.ge [sflag:s4], $0x10  }
0x1c7: {  	[sflag:s4] =	ssyncset.done $0x0  }
0x1c8: {  	[sflag:s4] =	ssyncadd.s32 $0xFFFFFFF0;
	_ =	sdelay $0x2  }
0x1c9: {  	_ =	swait.ge [sflag:s4], $0x10  }
0x1ca: {  	[sflag:s4] =	ssyncset.done $0x0  }
0x1cb: {  	[sflag:s4] =	ssyncadd.s32 $0xFFFFFFF0;
	_ =	sdelay $0x2  }
0x1cc: {  	_ =	swait.ge [sflag:s4], $0x10  }
0x1cd: {  	[sflag:s4] =	ssyncset.done $0x0  }
0x1ce: {  	[sflag:s4] =	ssyncadd.s32 $0xFFFFFFF0;
	_ =	sdelay $0x2  }
0x1cf: {  	_ =	swait.ge [sflag:s4], $0x10  }
0x1d0: {  	[sflag:s4] =	ssyncset.done $0x0  }
0x1d1: {  	[sflag:s4] =	ssyncadd.s32 $0xFFFFFFF0;
	_ =	sdelay $0x2  }
0x1d2: {  	_ =	swait.ge [sflag:s4], $0x10  }
0x1d3: {  	[sflag:s4] =	ssyncset.done $0x0  }
0x1d4: {  	[sflag:s4] =	ssyncadd.s32 $0xFFFFFFF0;
	_ =	sdelay $0x2  }
0x1d5: {  	_ =	swait.ge [sflag:s4], $0x10  }
0x1d6: {  	[sflag:s4] =	ssyncset.done $0x0  }
0x1d7: {  	[sflag:s4] =	ssyncadd.s32 $0xFFFFFFF0;
	_ =	sdelay $0x2  }
0x1d8: {  	_ =	swait.ge [sflag:s4], $0x10  }
0x1d9: {  	[sflag:s4] =	ssyncset.done $0x0  }
0x1da: {  	[sflag:s4] =	ssyncadd.s32 $0xFFFFFFF0;
	_ =	sdelay $0x2  }
0x1db: {  	_ =	swait.ge [sflag:s4], $0x10  }
0x1dc: {  	[sflag:s4] =	ssyncset.done $0x0  }
0x1dd: {  	[sflag:s4] =	ssyncadd.s32 $0xFFFFFFF0;
	_ =	sdelay $0x2  }
0x1de: {  	_ =	swait.ge [sflag:s4], $0x10  }
0x1df: {  	[sflag:s4] =	ssyncset.done $0x0  }
0x1e0: {  	[sflag:s4] =	ssyncadd.s32 $0xFFFFFFF0;
	_ =	sdelay $0x2  }
0x1e1: {  	_ =	swait.ge [sflag:s4], $0x10  }
0x1e2: {  	[sflag:s4] =	ssyncset.done $0x0  }
0x1e3: {  	[sflag:s4] =	ssyncadd.s32 $0xFFFFFFF0;
	_ =	sdelay $0x2  }
0x1e4: {  	_ =	swait.ge [sflag:s4], $0x10  }
0x1e5: {  	[sflag:s4] =	ssyncset.done $0x0  }
0x1e6: {  	[sflag:s4] =	ssyncadd.s32 $0xFFFFFFF0;
	_ =	sdelay $0x2  }
0x1e7: {  	_ =	swait.ge [sflag:s4], $0x10  }
0x1e8: {  	[sflag:s4] =	ssyncset.done $0x0  }
0x1e9: {  	[sflag:s4] =	ssyncadd.s32 $0xFFFFFFF0;
	_ =	sdelay $0x2  }
0x1ea: {  	_ =	swait.ge [sflag:s4], $0x10  }
0x1eb: {  	[sflag:s4] =	ssyncset.done $0x0  }
0x1ec: {  	[sflag:s4] =	ssyncadd.s32 $0xFFFFFFF0;
	_ =	sdelay $0x2  }
0x1ed: {  	_ =	swait.ge [sflag:s4], $0x10  }
0x1ee: {  	[sflag:s4] =	ssyncset.done $0x0  }
0x1ef: {  	[sflag:s4] =	ssyncadd.s32 $0xFFFFFFF0;
	_ =	sdelay $0x2  }
0x1f0: {  	_ =	swait.ge [sflag:s4], $0x10  }
0x1f1: {  	[sflag:s4] =	ssyncset.done $0x0  }
0x1f2: {  	[sflag:s4] =	ssyncadd.s32 $0xFFFFFFF0;
	_ =	sdelay $0x2  }
0x1f3: {  	_ =	swait.ge [sflag:s4], $0x10  }
0x1f4: {  	[sflag:s4] =	ssyncset.done $0x0  }
0x1f5: {  	[sflag:s4] =	ssyncadd.s32 $0xFFFFFFF0;
	_ =	sdelay $0x2  }
0x1f6: {  	_ =	swait.ge [sflag:s4], $0x10  }
0x1f7: {  	[sflag:s4] =	ssyncset.done $0x0  }
0x1f8: {  	[sflag:s4] =	ssyncadd.s32 $0xFFFFFFF0;
	_ =	sdelay $0x2  }
0x1f9: {  	_ =	swait.ge [sflag:s4], $0x10  }
0x1fa: {  	[sflag:s4] =	ssyncset.done $0x0  }
0x1fb: {  	[sflag:s4] =	ssyncadd.s32 $0xFFFFFFF0;
	_ =	sdelay $0x2  }
0x1fc: {  	_ =	swait.ge [sflag:s4], $0x10  }
0x1fd: {  	[sflag:s4] =	ssyncset.done $0x0  }
0x1fe: {  	[sflag:s4] =	ssyncadd.s32 $0xFFFFFFF0;
	_ =	sdelay $0x2  }
0x1ff: {  	_ =	swait.ge [sflag:s4], $0x10  }
0x200: {  	[sflag:s4] =	ssyncset.done $0x0  }
0x201: {  	[sflag:s4] =	ssyncadd.s32 $0xFFFFFFF0;
	_ =	sdelay $0x2  }
0x202: {  	_ =	swait.ge [sflag:s4], $0x10  }
0x203: {  	[sflag:s4] =	ssyncset.done $0x0  }
0x204: {  	[sflag:s4] =	ssyncadd.s32 $0xFFFFFFF0;
	_ =	sdelay $0x2  }
0x205: {  	_ =	swait.ge [sflag:s4], $0x10  }
0x206: {  	[sflag:s4] =	ssyncset.done $0x0  }
0x207: {  	[sflag:s4] =	ssyncadd.s32 $0xFFFFFFF0;
	_ =	sdelay $0x2  }
0x208: {  	_ =	swait.ge [sflag:s4], $0x10  }
0x209: {  	[sflag:s4] =	ssyncset.done $0x0  }
0x20a: {  	[sflag:s4] =	ssyncadd.s32 $0xFFFFFFF0;
	_ =	sdelay $0x2  }
0x20b: {  	_ =	swait.ge [sflag:s4], $0x10  }
0x20c: {  	[sflag:s4] =	ssyncset.done $0x0  }
0x20d: {  	[sflag:s4] =	ssyncadd.s32 $0xFFFFFFF0;
	_ =	sdelay $0x2  }
0x20e: {  	_ =	swait.ge [sflag:s4], $0x10  }
0x20f: {  	[sflag:s4] =	ssyncset.done $0x0  }
0x210: {  	[sflag:s4] =	ssyncadd.s32 $0xFFFFFFF0;
	_ =	sdelay $0x2  }
0x211: {  	_ =	swait.ge [sflag:s4], $0x10  }
0x212: {  	[sflag:s4] =	ssyncset.done $0x0  }
0x213: {  	[sflag:s4] =	ssyncadd.s32 $0xFFFFFFF0;
	_ =	sdelay $0x2  }
0x214: {  	_ =	swait.ge [sflag:s4], $0x10  }
0x215: {  	[sflag:s4] =	ssyncset.done $0x0  }
0x216: {  	[sflag:s4] =	ssyncadd.s32 $0xFFFFFFF0;
	_ =	sdelay $0x2  }
0x217: {  	_ =	swait.ge [sflag:s4], $0x10  }
0x218: {  	[sflag:s4] =	ssyncset.done $0x0  }
0x219: {  	[sflag:s4] =	ssyncadd.s32 $0xFFFFFFF0;
	_ =	sdelay $0x2  }
0x21a: {  	_ =	swait.ge [sflag:s4], $0x10  }
0x21b: {  	[sflag:s4] =	ssyncset.done $0x0  }
0x21c: {  	[sflag:s4] =	ssyncadd.s32 $0xFFFFFFF0;
	_ =	sdelay $0x2  }
0x21d: {  	_ =	swait.ge [sflag:s4], $0x10  }
0x21e: {  	[sflag:s4] =	ssyncset.done $0x0  }
0x21f: {  	[sflag:s4] =	ssyncadd.s32 $0xFFFFFFF0;
	_ =	sdelay $0x2  }
0x220: {  	_ =	swait.ge [sflag:s4], $0x10  }
0x221: {  	[sflag:s4] =	ssyncset.done $0x0  }
0x222: {  	[sflag:s4] =	ssyncadd.s32 $0xFFFFFFF0;
	_ =	sdelay $0x2  }
0x223: {  	_ =	swait.ge [sflag:s4], $0x10  }
0x224: {  	[sflag:s4] =	ssyncset.done $0x0  }
0x225: {  	[sflag:s4] =	ssyncadd.s32 $0xFFFFFFF0;
	_ =	sdelay $0x2  }
0x226: {  	_ =	swait.ge [sflag:s4], $0x10  }
0x227: {  	[sflag:s4] =	ssyncset.done $0x0  }
0x228: {  	[sflag:s4] =	ssyncadd.s32 $0xFFFFFFF0;
	_ =	sdelay $0x2  }
0x229: {  	_ =	swait.ge [sflag:s4], $0x10  }
0x22a: {  	[sflag:s4] =	ssyncset.done $0x0  }
0x22b: {  	[sflag:s4] =	ssyncadd.s32 $0xFFFFFFF0;
	_ =	sdelay $0x2  }
0x22c: {  	_ =	swait.ge [sflag:s4], $0x10  }
0x22d: {  	[sflag:s4] =	ssyncset.done $0x0  }
0x22e: {  	[sflag:s4] =	ssyncadd.s32 $0xFFFFFFF0;
	_ =	sdelay $0x2  }
0x22f: {  	_ =	swait.ge [sflag:s4], $0x10  }
0x230: {  	[sflag:s4] =	ssyncset.done $0x0  }
0x231: {  	[sflag:s4] =	ssyncadd.s32 $0xFFFFFFF0;
	_ =	sdelay $0x2  }
0x232: {  	_ =	swait.ge [sflag:s4], $0x10  }
0x233: {  	[sflag:s4] =	ssyncset.done $0x0  }
0x234: {  	[sflag:s4] =	ssyncadd.s32 $0xFFFFFFF0;
	_ =	sdelay $0x2  }
0x235: {  	_ =	swait.ge [sflag:s4], $0x10  }
0x236: {  	[sflag:s4] =	ssyncset.done $0x0  }
0x237: {  	[sflag:s4] =	ssyncadd.s32 $0xFFFFFFF0;
	_ =	sdelay $0x2  }
0x238: {  	_ =	swait.ge [sflag:s4], $0x10  }
0x239: {  	[sflag:s4] =	ssyncset.done $0x0  }
0x23a: {  	[sflag:s4] =	ssyncadd.s32 $0xFFFFFFF0;
	_ =	sdelay $0x2  }
0x23b: {  	_ =	swait.ge [sflag:s4], $0x10  }
0x23c: {  	[sflag:s4] =	ssyncset.done $0x0  }
0x23d: {  	[sflag:s4] =	ssyncadd.s32 $0xFFFFFFF0;
	_ =	sdelay $0x2  }
0x23e: {  	_ =	swait.ge [sflag:s4], $0x10  }
0x23f: {  	[sflag:s4] =	ssyncset.done $0x0  }
0x240: {  	[sflag:s4] =	ssyncadd.s32 $0xFFFFFFF0;
	_ =	sdelay $0x2  }
0x241: {  	_ =	swait.ge [sflag:s4], $0x10  }
0x242: {  	[sflag:s4] =	ssyncset.done $0x0  }
0x243: {  	[sflag:s4] =	ssyncadd.s32 $0xFFFFFFF0;
	_ =	sdelay $0x2  }
0x244: {  	_ =	swait.ge [sflag:s4], $0x10  }
0x245: {  	[sflag:s4] =	ssyncset.done $0x0  }
0x246: {  	[sflag:s4] =	ssyncadd.s32 $0xFFFFFFF0;
	_ =	sdelay $0x2  }
0x247: {  	_ =	swait.ge [sflag:s4], $0x10  }
0x248: {  	[sflag:s4] =	ssyncset.done $0x0  }
0x249: {  	[sflag:s4] =	ssyncadd.s32 $0xFFFFFFF0;
	_ =	sdelay $0x2  }
0x24a: {  	_ =	swait.ge [sflag:s4], $0x10  }
0x24b: {  	[sflag:s4] =	ssyncset.done $0x0  }
0x24c: {  	[sflag:s4] =	ssyncadd.s32 $0xFFFFFFF0;
	_ =	sdelay $0x2  }
0x24d: {  	_ =	swait.ge [sflag:s4], $0x10  }
0x24e: {  	[sflag:s4] =	ssyncset.done $0x0  }
0x24f: {  	[sflag:s4] =	ssyncadd.s32 $0xFFFFFFF0;
	_ =	sdelay $0x2  }
0x250: {  	_ =	swait.ge [sflag:s4], $0x10  }
0x251: {  	[sflag:s4] =	ssyncset.done $0x0  }
0x252: {  	[sflag:s4] =	ssyncadd.s32 $0xFFFFFFF0;
	_ =	sdelay $0x2  }
0x253: {  	_ =	swait.ge [sflag:s4], $0x10  }
0x254: {  	[sflag:s4] =	ssyncset.done $0x0  }
0x255: {  	[sflag:s4] =	ssyncadd.s32 $0xFFFFFFF0;
	_ =	sdelay $0x2  }
0x256: {  	_ =	swait.ge [sflag:s4], $0x10  }
0x257: {  	[sflag:s4] =	ssyncset.done $0x0  }
0x258: {  	[sflag:s4] =	ssyncadd.s32 $0xFFFFFFF0;
	_ =	sdelay $0x2  }
0x259: {  	_ =	swait.ge [sflag:s4], $0x10  }
0x25a: {  	[sflag:s4] =	ssyncset.done $0x0  }
0x25b: {  	[sflag:s4] =	ssyncadd.s32 $0xFFFFFFF0;
	_ =	sdelay $0x2  }
0x25c: {  	_ =	swait.ge [sflag:s4], $0x10  }
0x25d: {  	[sflag:s4] =	ssyncset.done $0x0  }
0x25e: {  	[sflag:s4] =	ssyncadd.s32 $0xFFFFFFF0;
	_ =	sdelay $0x2  }
0x25f: {  	_ =	swait.ge [sflag:s4], $0x10  }
0x260: {  	[sflag:s4] =	ssyncset.done $0x0  }
0x261: {  	[sflag:s4] =	ssyncadd.s32 $0xFFFFFFF0  }
0x262: {  	p0 =	seq.s32 s0, $0x0  }
.Ltmp1:
0x263: {  	_ = 	snop;
	(pc) =	sbr.rel @p0 .LBB1_3-.Ltmp1, $3  }
0x264: {  	_ =	swait.ge [sflag:s4], $0x10  }
0x265: {  	[sflag:s4] =	ssyncset.done $0x0  }
0x266: {  	[sflag:s4] =	ssyncadd.s32 $0xFFFFFFF0  }
.LBB1_2:
0x267: {  	s5 =	sadd.s32 $0xD0, s3  }
0x268: {  	s6 =	sadd.s32 $0x680, s2;
	s4 =	simm.s32 $0x9;
	s21 =	sadd.s32 $0x690, s2  }
0x269: {  	s22 =	sadd.s32 $0x6A0, s2;
	s23 =	sadd.s32 $0x6B0, s2;
	s24 =	sadd.s32 $0x6C0, s2  }
0x26a: {  	s25 =	sadd.s32 $0x6D0, s2;
	s26 =	sadd.s32 $0x6E0, s2;
	s28 =	sadd.s32 $0x6F0, s2  }
0x26b: {  	s29 =	sadd.s32 $0xE0, s3;
	s30 =	sadd.s32 $0x700, s2;
	s31 =	sadd.s32 $0x710, s2  }
0x26c: {  	s7 =	sadd.s32 $0x720, s2;
	s8 =	sadd.s32 $0x730, s2;
	s9 =	sadd.s32 $0x740, s2  }
0x26d: {  	s10 =	sadd.s32 $0x750, s2;
	s11 =	sadd.s32 $0x760, s2;
	s12 =	sadd.s32 $0x770, s2  }
0x26e: {  	s13 =	sadd.s32 $0xF0, s3;
	s14 =	sadd.s32 $0x780, s2;
	s15 =	sadd.s32 $0x790, s2  }
0x26f: {  	s16 =	sadd.s32 $0x7A0, s2;
	s17 =	sadd.s32 $0x7B0, s2;
	s18 =	sadd.s32 $0x7C0, s2  }
0x270: {  	[hbm:s6], [sflag:s4] =	dma.local [hbm:s5], $0x10  }
0x271: {  	[hbm:s21], [sflag:s4] =	dma.local [hbm:s5], $0x10  }
0x272: {  	s19 =	sadd.s32 $0x7D0, s2;
	s20 =	sadd.s32 $0x7E0, s2;
	s21 =	sadd.s32 $0x7F0, s2  }
0x273: {  	[hbm:s22], [sflag:s4] =	dma.local [hbm:s5], $0x10  }
0x274: {  	[hbm:s23], [sflag:s4] =	dma.local [hbm:s5], $0x10  }
0x275: {  	[hbm:s24], [sflag:s4] =	dma.local [hbm:s5], $0x10  }
0x276: {  	s22 =	sadd.s32 $0x100, s3;
	s23 =	sadd.s32 $0x800, s2;
	s24 =	sadd.s32 $0x810, s2  }
0x277: {  	[hbm:s25], [sflag:s4] =	dma.local [hbm:s5], $0x10  }
0x278: {  	[hbm:s26], [sflag:s4] =	dma.local [hbm:s5], $0x10  }
0x279: {  	[hbm:s28], [sflag:s4] =	dma.local [hbm:s5], $0x10  }
0x27a: {  	s25 =	sadd.s32 $0x820, s2;
	s26 =	sadd.s32 $0x830, s2;
	s28 =	sadd.s32 $0x840, s2  }
0x27b: {  	[hbm:s30], [sflag:s4] =	dma.local [hbm:s29], $0x10  }
0x27c: {  	[hbm:s31], [sflag:s4] =	dma.local [hbm:s29], $0x10  }
0x27d: {  	[hbm:s7], [sflag:s4] =	dma.local [hbm:s29], $0x10  }
0x27e: {  	s30 =	sadd.s32 $0x860, s2;
	s31 =	sadd.s32 $0x870, s2;
	s7 =	sadd.s32 $0x110, s3  }
0x27f: {  	[hbm:s8], [sflag:s4] =	dma.local [hbm:s29], $0x10  }
0x280: {  	[hbm:s9], [sflag:s4] =	dma.local [hbm:s29], $0x10  }
0x281: {  	[hbm:s10], [sflag:s4] =	dma.local [hbm:s29], $0x10  }
0x282: {  	s8 =	sadd.s32 $0x880, s2;
	s9 =	sadd.s32 $0x890, s2;
	s10 =	sadd.s32 $0x8A0, s2  }
0x283: {  	[hbm:s11], [sflag:s4] =	dma.local [hbm:s29], $0x10  }
0x284: {  	[hbm:s12], [sflag:s4] =	dma.local [hbm:s29], $0x10  }
0x285: {  	s11 =	sadd.s32 $0x8B0, s2;
	s29 =	sadd.s32 $0x850, s2;
	s12 =	sadd.s32 $0x8C0, s2  }
0x286: {  	[hbm:s14], [sflag:s4] =	dma.local [hbm:s13], $0x10  }
0x287: {  	[hbm:s15], [sflag:s4] =	dma.local [hbm:s13], $0x10  }
0x288: {  	[hbm:s16], [sflag:s4] =	dma.local [hbm:s13], $0x10  }
0x289: {  	s14 =	sadd.s32 $0x8E0, s2;
	s15 =	sadd.s32 $0x8F0, s2;
	s16 =	sadd.s32 $0x120, s3  }
0x28a: {  	[hbm:s17], [sflag:s4] =	dma.local [hbm:s13], $0x10  }
0x28b: {  	[hbm:s18], [sflag:s4] =	dma.local [hbm:s13], $0x10  }
0x28c: {  	[hbm:s19], [sflag:s4] =	dma.local [hbm:s13], $0x10  }
0x28d: {  	s17 =	sadd.s32 $0x900, s2;
	s18 =	sadd.s32 $0x910, s2;
	s19 =	sadd.s32 $0x920, s2  }
0x28e: {  	[hbm:s20], [sflag:s4] =	dma.local [hbm:s13], $0x10  }
0x28f: {  	[hbm:s21], [sflag:s4] =	dma.local [hbm:s13], $0x10  }
0x290: {  	s20 =	sadd.s32 $0x930, s2;
	s13 =	sadd.s32 $0x8D0, s2;
	s21 =	sadd.s32 $0x940, s2  }
0x291: {  	[hbm:s23], [sflag:s4] =	dma.local [hbm:s22], $0x10  }
0x292: {  	[hbm:s24], [sflag:s4] =	dma.local [hbm:s22], $0x10  }
0x293: {  	[hbm:s25], [sflag:s4] =	dma.local [hbm:s22], $0x10  }
0x294: {  	s23 =	sadd.s32 $0x960, s2;
	s24 =	sadd.s32 $0x970, s2;
	s25 =	sadd.s32 $0x130, s3  }
0x295: {  	[hbm:s26], [sflag:s4] =	dma.local [hbm:s22], $0x10  }
0x296: {  	[hbm:s28], [sflag:s4] =	dma.local [hbm:s22], $0x10  }
0x297: {  	[hbm:s29], [sflag:s4] =	dma.local [hbm:s22], $0x10  }
0x298: {  	s26 =	sadd.s32 $0x980, s2;
	s28 =	sadd.s32 $0x990, s2;
	s29 =	sadd.s32 $0x9A0, s2  }
0x299: {  	[hbm:s30], [sflag:s4] =	dma.local [hbm:s22], $0x10  }
0x29a: {  	[hbm:s31], [sflag:s4] =	dma.local [hbm:s22], $0x10  }
0x29b: {  	s30 =	sadd.s32 $0x9B0, s2;
	s22 =	sadd.s32 $0x950, s2;
	s31 =	sadd.s32 $0x9C0, s2  }
0x29c: {  	[hbm:s8], [sflag:s4] =	dma.local [hbm:s7], $0x10  }
0x29d: {  	[hbm:s9], [sflag:s4] =	dma.local [hbm:s7], $0x10  }
0x29e: {  	[hbm:s10], [sflag:s4] =	dma.local [hbm:s7], $0x10  }
0x29f: {  	s8 =	sadd.s32 $0x9E0, s2;
	s9 =	sadd.s32 $0x9F0, s2;
	s10 =	sadd.s32 $0x140, s3  }
0x2a0: {  	[hbm:s11], [sflag:s4] =	dma.local [hbm:s7], $0x10  }
0x2a1: {  	[hbm:s12], [sflag:s4] =	dma.local [hbm:s7], $0x10  }
0x2a2: {  	[hbm:s13], [sflag:s4] =	dma.local [hbm:s7], $0x10  }
0x2a3: {  	s11 =	sadd.s32 $0xA00, s2;
	s12 =	sadd.s32 $0xA10, s2;
	s13 =	sadd.s32 $0xA20, s2  }
0x2a4: {  	[hbm:s14], [sflag:s4] =	dma.local [hbm:s7], $0x10  }
0x2a5: {  	[hbm:s15], [sflag:s4] =	dma.local [hbm:s7], $0x10  }
0x2a6: {  	s14 =	sadd.s32 $0xA30, s2;
	s7 =	sadd.s32 $0x9D0, s2;
	s15 =	sadd.s32 $0xA40, s2  }
0x2a7: {  	[hbm:s17], [sflag:s4] =	dma.local [hbm:s16], $0x10  }
0x2a8: {  	[hbm:s18], [sflag:s4] =	dma.local [hbm:s16], $0x10  }
0x2a9: {  	[hbm:s19], [sflag:s4] =	dma.local [hbm:s16], $0x10  }
0x2aa: {  	s17 =	sadd.s32 $0xA60, s2;
	s18 =	sadd.s32 $0xA70, s2;
	s19 =	sadd.s32 $0x150, s3  }
0x2ab: {  	[hbm:s20], [sflag:s4] =	dma.local [hbm:s16], $0x10  }
0x2ac: {  	[hbm:s21], [sflag:s4] =	dma.local [hbm:s16], $0x10  }
0x2ad: {  	[hbm:s22], [sflag:s4] =	dma.local [hbm:s16], $0x10  }
0x2ae: {  	s20 =	sadd.s32 $0xA80, s2;
	s21 =	sadd.s32 $0xA90, s2;
	s22 =	sadd.s32 $0xAA0, s2  }
0x2af: {  	[hbm:s23], [sflag:s4] =	dma.local [hbm:s16], $0x10  }
0x2b0: {  	[hbm:s24], [sflag:s4] =	dma.local [hbm:s16], $0x10  }
0x2b1: {  	s23 =	sadd.s32 $0xAB0, s2;
	s16 =	sadd.s32 $0xA50, s2;
	s24 =	sadd.s32 $0xAC0, s2  }
0x2b2: {  	[hbm:s26], [sflag:s4] =	dma.local [hbm:s25], $0x10  }
0x2b3: {  	[hbm:s28], [sflag:s4] =	dma.local [hbm:s25], $0x10  }
0x2b4: {  	[hbm:s29], [sflag:s4] =	dma.local [hbm:s25], $0x10  }
0x2b5: {  	s26 =	sadd.s32 $0xAE0, s2;
	s28 =	sadd.s32 $0xAF0, s2;
	s29 =	sadd.s32 $0x160, s3  }
0x2b6: {  	[hbm:s30], [sflag:s4] =	dma.local [hbm:s25], $0x10  }
0x2b7: {  	[hbm:s31], [sflag:s4] =	dma.local [hbm:s25], $0x10  }
0x2b8: {  	[hbm:s7], [sflag:s4] =	dma.local [hbm:s25], $0x10  }
0x2b9: {  	s30 =	sadd.s32 $0xB00, s2;
	s31 =	sadd.s32 $0xB10, s2;
	s7 =	sadd.s32 $0xB20, s2  }
0x2ba: {  	[hbm:s8], [sflag:s4] =	dma.local [hbm:s25], $0x10  }
0x2bb: {  	[hbm:s9], [sflag:s4] =	dma.local [hbm:s25], $0x10  }
0x2bc: {  	s8 =	sadd.s32 $0xB30, s2;
	s25 =	sadd.s32 $0xAD0, s2;
	s9 =	sadd.s32 $0xB40, s2  }
0x2bd: {  	[hbm:s11], [sflag:s4] =	dma.local [hbm:s10], $0x10  }
0x2be: {  	[hbm:s12], [sflag:s4] =	dma.local [hbm:s10], $0x10  }
0x2bf: {  	[hbm:s13], [sflag:s4] =	dma.local [hbm:s10], $0x10  }
0x2c0: {  	s11 =	sadd.s32 $0xB60, s2;
	s12 =	sadd.s32 $0xB70, s2;
	s13 =	sadd.s32 $0x170, s3  }
0x2c1: {  	[hbm:s14], [sflag:s4] =	dma.local [hbm:s10], $0x10  }
0x2c2: {  	[hbm:s15], [sflag:s4] =	dma.local [hbm:s10], $0x10  }
0x2c3: {  	[hbm:s16], [sflag:s4] =	dma.local [hbm:s10], $0x10  }
0x2c4: {  	s14 =	sadd.s32 $0xB80, s2;
	s15 =	sadd.s32 $0xB90, s2;
	s16 =	sadd.s32 $0xBA0, s2  }
0x2c5: {  	[hbm:s17], [sflag:s4] =	dma.local [hbm:s10], $0x10  }
0x2c6: {  	[hbm:s18], [sflag:s4] =	dma.local [hbm:s10], $0x10  }
0x2c7: {  	s17 =	sadd.s32 $0xBB0, s2;
	s10 =	sadd.s32 $0xB50, s2;
	s18 =	sadd.s32 $0xBC0, s2  }
0x2c8: {  	[hbm:s20], [sflag:s4] =	dma.local [hbm:s19], $0x10  }
0x2c9: {  	[hbm:s21], [sflag:s4] =	dma.local [hbm:s19], $0x10  }
0x2ca: {  	[hbm:s22], [sflag:s4] =	dma.local [hbm:s19], $0x10  }
0x2cb: {  	s20 =	sadd.s32 $0xBE0, s2;
	s21 =	sadd.s32 $0xBF0, s2;
	s22 =	sadd.s32 $0x180, s3  }
0x2cc: {  	[hbm:s23], [sflag:s4] =	dma.local [hbm:s19], $0x10  }
0x2cd: {  	[hbm:s24], [sflag:s4] =	dma.local [hbm:s19], $0x10  }
0x2ce: {  	[hbm:s25], [sflag:s4] =	dma.local [hbm:s19], $0x10  }
0x2cf: {  	s23 =	sadd.s32 $0xC00, s2;
	s24 =	sadd.s32 $0xC10, s2;
	s25 =	sadd.s32 $0xC20, s2  }
0x2d0: {  	[hbm:s26], [sflag:s4] =	dma.local [hbm:s19], $0x10  }
0x2d1: {  	[hbm:s28], [sflag:s4] =	dma.local [hbm:s19], $0x10  }
0x2d2: {  	s26 =	sadd.s32 $0xC30, s2;
	s19 =	sadd.s32 $0xBD0, s2;
	s28 =	sadd.s32 $0xC40, s2  }
0x2d3: {  	[hbm:s30], [sflag:s4] =	dma.local [hbm:s29], $0x10  }
0x2d4: {  	[hbm:s31], [sflag:s4] =	dma.local [hbm:s29], $0x10  }
0x2d5: {  	[hbm:s7], [sflag:s4] =	dma.local [hbm:s29], $0x10  }
0x2d6: {  	[hbm:s8], [sflag:s4] =	dma.local [hbm:s29], $0x10  }
0x2d7: {  	[hbm:s9], [sflag:s4] =	dma.local [hbm:s29], $0x10  }
0x2d8: {  	[hbm:s10], [sflag:s4] =	dma.local [hbm:s29], $0x10  }
0x2d9: {  	[hbm:s11], [sflag:s4] =	dma.local [hbm:s29], $0x10  }
0x2da: {  	[hbm:s12], [sflag:s4] =	dma.local [hbm:s29], $0x10  }
0x2db: {  	s30 =	sadd.s32 $0xC60, s2;
	s31 =	sadd.s32 $0xC70, s2;
	s29 =	sadd.s32 $0xC50, s2  }
0x2dc: {  	[hbm:s14], [sflag:s4] =	dma.local [hbm:s13], $0x10  }
0x2dd: {  	[hbm:s15], [sflag:s4] =	dma.local [hbm:s13], $0x10  }
0x2de: {  	[hbm:s16], [sflag:s4] =	dma.local [hbm:s13], $0x10  }
0x2df: {  	[hbm:s17], [sflag:s4] =	dma.local [hbm:s13], $0x10  }
0x2e0: {  	[hbm:s18], [sflag:s4] =	dma.local [hbm:s13], $0x10  }
0x2e1: {  	[hbm:s19], [sflag:s4] =	dma.local [hbm:s13], $0x10  }
0x2e2: {  	[hbm:s20], [sflag:s4] =	dma.local [hbm:s13], $0x10  }
0x2e3: {  	[hbm:s21], [sflag:s4] =	dma.local [hbm:s13], $0x10  }
0x2e4: {  	[hbm:s23], [sflag:s4] =	dma.local [hbm:s22], $0x10  }
0x2e5: {  	[hbm:s24], [sflag:s4] =	dma.local [hbm:s22], $0x10  }
0x2e6: {  	[hbm:s25], [sflag:s4] =	dma.local [hbm:s22], $0x10  }
0x2e7: {  	[hbm:s26], [sflag:s4] =	dma.local [hbm:s22], $0x10  }
0x2e8: {  	[hbm:s28], [sflag:s4] =	dma.local [hbm:s22], $0x10  }
0x2e9: {  	[hbm:s29], [sflag:s4] =	dma.local [hbm:s22], $0x10  }
0x2ea: {  	[hbm:s30], [sflag:s4] =	dma.local [hbm:s22], $0x10  }
0x2eb: {  	[hbm:s31], [sflag:s4] =	dma.local [hbm:s22], $0x10  }
0x2ec: {  	_ =	swait.ge [sflag:s4], $0x10  }
0x2ed: {  	[sflag:s4] =	ssyncset.done $0x0  }
0x2ee: {  	[sflag:s4] =	ssyncadd.s32 $0xFFFFFFF0;
	_ =	sdelay $0x2  }
0x2ef: {  	_ =	swait.ge [sflag:s4], $0x10  }
0x2f0: {  	[sflag:s4] =	ssyncset.done $0x0  }
0x2f1: {  	[sflag:s4] =	ssyncadd.s32 $0xFFFFFFF0;
	_ =	sdelay $0x2  }
0x2f2: {  	_ =	swait.ge [sflag:s4], $0x10  }
0x2f3: {  	[sflag:s4] =	ssyncset.done $0x0  }
0x2f4: {  	[sflag:s4] =	ssyncadd.s32 $0xFFFFFFF0;
	_ =	sdelay $0x2  }
0x2f5: {  	_ =	swait.ge [sflag:s4], $0x10  }
0x2f6: {  	[sflag:s4] =	ssyncset.done $0x0  }
0x2f7: {  	[sflag:s4] =	ssyncadd.s32 $0xFFFFFFF0;
	_ =	sdelay $0x2  }
0x2f8: {  	_ =	swait.ge [sflag:s4], $0x10  }
0x2f9: {  	[sflag:s4] =	ssyncset.done $0x0  }
0x2fa: {  	[sflag:s4] =	ssyncadd.s32 $0xFFFFFFF0;
	_ =	sdelay $0x2  }
0x2fb: {  	_ =	swait.ge [sflag:s4], $0x10  }
0x2fc: {  	[sflag:s4] =	ssyncset.done $0x0  }
0x2fd: {  	[sflag:s4] =	ssyncadd.s32 $0xFFFFFFF0;
	_ =	sdelay $0x2  }
0x2fe: {  	_ =	swait.ge [sflag:s4], $0x10  }
0x2ff: {  	[sflag:s4] =	ssyncset.done $0x0  }
0x300: {  	[sflag:s4] =	ssyncadd.s32 $0xFFFFFFF0;
	_ =	sdelay $0x2  }
0x301: {  	_ =	swait.ge [sflag:s4], $0x10  }
0x302: {  	[sflag:s4] =	ssyncset.done $0x0  }
0x303: {  	[sflag:s4] =	ssyncadd.s32 $0xFFFFFFF0;
	_ =	sdelay $0x2  }
0x304: {  	_ =	swait.ge [sflag:s4], $0x10  }
0x305: {  	[sflag:s4] =	ssyncset.done $0x0  }
0x306: {  	[sflag:s4] =	ssyncadd.s32 $0xFFFFFFF0;
	_ =	sdelay $0x2  }
0x307: {  	_ =	swait.ge [sflag:s4], $0x10  }
0x308: {  	[sflag:s4] =	ssyncset.done $0x0  }
0x309: {  	[sflag:s4] =	ssyncadd.s32 $0xFFFFFFF0;
	_ =	sdelay $0x2  }
0x30a: {  	_ =	swait.ge [sflag:s4], $0x10  }
0x30b: {  	[sflag:s4] =	ssyncset.done $0x0  }
0x30c: {  	[sflag:s4] =	ssyncadd.s32 $0xFFFFFFF0;
	_ =	sdelay $0x2  }
0x30d: {  	_ =	swait.ge [sflag:s4], $0x10  }
0x30e: {  	[sflag:s4] =	ssyncset.done $0x0  }
0x30f: {  	[sflag:s4] =	ssyncadd.s32 $0xFFFFFFF0;
	_ =	sdelay $0x2  }
0x310: {  	_ =	swait.ge [sflag:s4], $0x10  }
0x311: {  	[sflag:s4] =	ssyncset.done $0x0  }
0x312: {  	[sflag:s4] =	ssyncadd.s32 $0xFFFFFFF0;
	_ =	sdelay $0x2  }
0x313: {  	_ =	swait.ge [sflag:s4], $0x10  }
0x314: {  	[sflag:s4] =	ssyncset.done $0x0  }
0x315: {  	[sflag:s4] =	ssyncadd.s32 $0xFFFFFFF0;
	_ =	sdelay $0x2  }
0x316: {  	_ =	swait.ge [sflag:s4], $0x10  }
0x317: {  	[sflag:s4] =	ssyncset.done $0x0  }
0x318: {  	[sflag:s4] =	ssyncadd.s32 $0xFFFFFFF0;
	_ =	sdelay $0x2  }
0x319: {  	_ =	swait.ge [sflag:s4], $0x10  }
0x31a: {  	[sflag:s4] =	ssyncset.done $0x0  }
0x31b: {  	[sflag:s4] =	ssyncadd.s32 $0xFFFFFFF0;
	_ =	sdelay $0x2  }
0x31c: {  	_ =	swait.ge [sflag:s4], $0x10  }
0x31d: {  	[sflag:s4] =	ssyncset.done $0x0  }
0x31e: {  	[sflag:s4] =	ssyncadd.s32 $0xFFFFFFF0;
	_ =	sdelay $0x2  }
0x31f: {  	_ =	swait.ge [sflag:s4], $0x10  }
0x320: {  	[sflag:s4] =	ssyncset.done $0x0  }
0x321: {  	[sflag:s4] =	ssyncadd.s32 $0xFFFFFFF0;
	_ =	sdelay $0x2  }
0x322: {  	_ =	swait.ge [sflag:s4], $0x10  }
0x323: {  	[sflag:s4] =	ssyncset.done $0x0  }
0x324: {  	[sflag:s4] =	ssyncadd.s32 $0xFFFFFFF0;
	_ =	sdelay $0x2  }
0x325: {  	_ =	swait.ge [sflag:s4], $0x10  }
0x326: {  	[sflag:s4] =	ssyncset.done $0x0  }
0x327: {  	[sflag:s4] =	ssyncadd.s32 $0xFFFFFFF0;
	_ =	sdelay $0x2  }
0x328: {  	_ =	swait.ge [sflag:s4], $0x10  }
0x329: {  	[sflag:s4] =	ssyncset.done $0x0  }
0x32a: {  	[sflag:s4] =	ssyncadd.s32 $0xFFFFFFF0;
	_ =	sdelay $0x2  }
0x32b: {  	_ =	swait.ge [sflag:s4], $0x10  }
0x32c: {  	[sflag:s4] =	ssyncset.done $0x0  }
0x32d: {  	[sflag:s4] =	ssyncadd.s32 $0xFFFFFFF0;
	_ =	sdelay $0x2  }
0x32e: {  	_ =	swait.ge [sflag:s4], $0x10  }
0x32f: {  	[sflag:s4] =	ssyncset.done $0x0  }
0x330: {  	[sflag:s4] =	ssyncadd.s32 $0xFFFFFFF0;
	_ =	sdelay $0x2  }
0x331: {  	_ =	swait.ge [sflag:s4], $0x10  }
0x332: {  	[sflag:s4] =	ssyncset.done $0x0  }
0x333: {  	[sflag:s4] =	ssyncadd.s32 $0xFFFFFFF0;
	_ =	sdelay $0x2  }
0x334: {  	_ =	swait.ge [sflag:s4], $0x10  }
0x335: {  	[sflag:s4] =	ssyncset.done $0x0  }
0x336: {  	[sflag:s4] =	ssyncadd.s32 $0xFFFFFFF0;
	_ =	sdelay $0x2  }
0x337: {  	_ =	swait.ge [sflag:s4], $0x10  }
0x338: {  	[sflag:s4] =	ssyncset.done $0x0  }
0x339: {  	[sflag:s4] =	ssyncadd.s32 $0xFFFFFFF0;
	_ =	sdelay $0x2  }
0x33a: {  	_ =	swait.ge [sflag:s4], $0x10  }
0x33b: {  	[sflag:s4] =	ssyncset.done $0x0  }
0x33c: {  	[sflag:s4] =	ssyncadd.s32 $0xFFFFFFF0;
	_ =	sdelay $0x2  }
0x33d: {  	_ =	swait.ge [sflag:s4], $0x10  }
0x33e: {  	[sflag:s4] =	ssyncset.done $0x0  }
0x33f: {  	[sflag:s4] =	ssyncadd.s32 $0xFFFFFFF0;
	_ =	sdelay $0x2  }
0x340: {  	_ =	swait.ge [sflag:s4], $0x10  }
0x341: {  	[sflag:s4] =	ssyncset.done $0x0  }
0x342: {  	[sflag:s4] =	ssyncadd.s32 $0xFFFFFFF0;
	_ =	sdelay $0x2  }
0x343: {  	_ =	swait.ge [sflag:s4], $0x10  }
0x344: {  	[sflag:s4] =	ssyncset.done $0x0  }
0x345: {  	[sflag:s4] =	ssyncadd.s32 $0xFFFFFFF0;
	_ =	sdelay $0x2  }
0x346: {  	_ =	swait.ge [sflag:s4], $0x10  }
0x347: {  	[sflag:s4] =	ssyncset.done $0x0  }
0x348: {  	[sflag:s4] =	ssyncadd.s32 $0xFFFFFFF0;
	_ =	sdelay $0x2  }
0x349: {  	_ =	swait.ge [sflag:s4], $0x10  }
0x34a: {  	[sflag:s4] =	ssyncset.done $0x0  }
0x34b: {  	[sflag:s4] =	ssyncadd.s32 $0xFFFFFFF0;
	_ =	sdelay $0x2  }
0x34c: {  	_ =	swait.ge [sflag:s4], $0x10  }
0x34d: {  	[sflag:s4] =	ssyncset.done $0x0  }
0x34e: {  	[sflag:s4] =	ssyncadd.s32 $0xFFFFFFF0;
	_ =	sdelay $0x2  }
0x34f: {  	_ =	swait.ge [sflag:s4], $0x10  }
0x350: {  	[sflag:s4] =	ssyncset.done $0x0  }
0x351: {  	[sflag:s4] =	ssyncadd.s32 $0xFFFFFFF0;
	_ =	sdelay $0x2  }
0x352: {  	_ =	swait.ge [sflag:s4], $0x10  }
0x353: {  	[sflag:s4] =	ssyncset.done $0x0  }
0x354: {  	[sflag:s4] =	ssyncadd.s32 $0xFFFFFFF0;
	_ =	sdelay $0x2  }
0x355: {  	_ =	swait.ge [sflag:s4], $0x10  }
0x356: {  	[sflag:s4] =	ssyncset.done $0x0  }
0x357: {  	[sflag:s4] =	ssyncadd.s32 $0xFFFFFFF0;
	_ =	sdelay $0x2  }
0x358: {  	_ =	swait.ge [sflag:s4], $0x10  }
0x359: {  	[sflag:s4] =	ssyncset.done $0x0  }
0x35a: {  	[sflag:s4] =	ssyncadd.s32 $0xFFFFFFF0;
	_ =	sdelay $0x2  }
0x35b: {  	_ =	swait.ge [sflag:s4], $0x10  }
0x35c: {  	[sflag:s4] =	ssyncset.done $0x0  }
0x35d: {  	[sflag:s4] =	ssyncadd.s32 $0xFFFFFFF0;
	_ =	sdelay $0x2  }
0x35e: {  	_ =	swait.ge [sflag:s4], $0x10  }
0x35f: {  	[sflag:s4] =	ssyncset.done $0x0  }
0x360: {  	[sflag:s4] =	ssyncadd.s32 $0xFFFFFFF0;
	_ =	sdelay $0x2  }
0x361: {  	_ =	swait.ge [sflag:s4], $0x10  }
0x362: {  	[sflag:s4] =	ssyncset.done $0x0  }
0x363: {  	[sflag:s4] =	ssyncadd.s32 $0xFFFFFFF0;
	_ =	sdelay $0x2  }
0x364: {  	_ =	swait.ge [sflag:s4], $0x10  }
0x365: {  	[sflag:s4] =	ssyncset.done $0x0  }
0x366: {  	[sflag:s4] =	ssyncadd.s32 $0xFFFFFFF0;
	_ =	sdelay $0x2  }
0x367: {  	_ =	swait.ge [sflag:s4], $0x10  }
0x368: {  	[sflag:s4] =	ssyncset.done $0x0  }
0x369: {  	[sflag:s4] =	ssyncadd.s32 $0xFFFFFFF0;
	_ =	sdelay $0x2  }
0x36a: {  	_ =	swait.ge [sflag:s4], $0x10  }
0x36b: {  	[sflag:s4] =	ssyncset.done $0x0  }
0x36c: {  	[sflag:s4] =	ssyncadd.s32 $0xFFFFFFF0;
	_ =	sdelay $0x2  }
0x36d: {  	_ =	swait.ge [sflag:s4], $0x10  }
0x36e: {  	[sflag:s4] =	ssyncset.done $0x0  }
0x36f: {  	[sflag:s4] =	ssyncadd.s32 $0xFFFFFFF0;
	_ =	sdelay $0x2  }
0x370: {  	_ =	swait.ge [sflag:s4], $0x10  }
0x371: {  	[sflag:s4] =	ssyncset.done $0x0  }
0x372: {  	[sflag:s4] =	ssyncadd.s32 $0xFFFFFFF0;
	_ =	sdelay $0x2  }
0x373: {  	_ =	swait.ge [sflag:s4], $0x10  }
0x374: {  	[sflag:s4] =	ssyncset.done $0x0  }
0x375: {  	[sflag:s4] =	ssyncadd.s32 $0xFFFFFFF0;
	_ =	sdelay $0x2  }
0x376: {  	_ =	swait.ge [sflag:s4], $0x10  }
0x377: {  	[sflag:s4] =	ssyncset.done $0x0  }
0x378: {  	[sflag:s4] =	ssyncadd.s32 $0xFFFFFFF0;
	_ =	sdelay $0x2  }
0x379: {  	_ =	swait.ge [sflag:s4], $0x10  }
0x37a: {  	[sflag:s4] =	ssyncset.done $0x0  }
0x37b: {  	[sflag:s4] =	ssyncadd.s32 $0xFFFFFFF0;
	_ =	sdelay $0x2  }
0x37c: {  	_ =	swait.ge [sflag:s4], $0x10  }
0x37d: {  	[sflag:s4] =	ssyncset.done $0x0  }
0x37e: {  	[sflag:s4] =	ssyncadd.s32 $0xFFFFFFF0;
	_ =	sdelay $0x2  }
0x37f: {  	_ =	swait.ge [sflag:s4], $0x10  }
0x380: {  	[sflag:s4] =	ssyncset.done $0x0  }
0x381: {  	[sflag:s4] =	ssyncadd.s32 $0xFFFFFFF0;
	_ =	sdelay $0x2  }
0x382: {  	_ =	swait.ge [sflag:s4], $0x10  }
0x383: {  	[sflag:s4] =	ssyncset.done $0x0  }
0x384: {  	[sflag:s4] =	ssyncadd.s32 $0xFFFFFFF0;
	_ =	sdelay $0x2  }
0x385: {  	_ =	swait.ge [sflag:s4], $0x10  }
0x386: {  	[sflag:s4] =	ssyncset.done $0x0  }
0x387: {  	[sflag:s4] =	ssyncadd.s32 $0xFFFFFFF0;
	_ =	sdelay $0x2  }
0x388: {  	_ =	swait.ge [sflag:s4], $0x10  }
0x389: {  	[sflag:s4] =	ssyncset.done $0x0  }
0x38a: {  	[sflag:s4] =	ssyncadd.s32 $0xFFFFFFF0;
	_ =	sdelay $0x2  }
0x38b: {  	_ =	swait.ge [sflag:s4], $0x10  }
0x38c: {  	[sflag:s4] =	ssyncset.done $0x0  }
0x38d: {  	[sflag:s4] =	ssyncadd.s32 $0xFFFFFFF0;
	_ =	sdelay $0x2  }
0x38e: {  	_ =	swait.ge [sflag:s4], $0x10  }
0x38f: {  	[sflag:s4] =	ssyncset.done $0x0  }
0x390: {  	[sflag:s4] =	ssyncadd.s32 $0xFFFFFFF0;
	_ =	sdelay $0x2  }
0x391: {  	_ =	swait.ge [sflag:s4], $0x10  }
0x392: {  	[sflag:s4] =	ssyncset.done $0x0  }
0x393: {  	[sflag:s4] =	ssyncadd.s32 $0xFFFFFFF0;
	_ =	sdelay $0x2  }
0x394: {  	_ =	swait.ge [sflag:s4], $0x10  }
0x395: {  	[sflag:s4] =	ssyncset.done $0x0  }
0x396: {  	[sflag:s4] =	ssyncadd.s32 $0xFFFFFFF0;
	_ =	sdelay $0x2  }
0x397: {  	_ =	swait.ge [sflag:s4], $0x10  }
0x398: {  	[sflag:s4] =	ssyncset.done $0x0  }
0x399: {  	[sflag:s4] =	ssyncadd.s32 $0xFFFFFFF0;
	_ =	sdelay $0x2  }
0x39a: {  	_ =	swait.ge [sflag:s4], $0x10  }
0x39b: {  	[sflag:s4] =	ssyncset.done $0x0  }
0x39c: {  	[sflag:s4] =	ssyncadd.s32 $0xFFFFFFF0;
	_ =	sdelay $0x2  }
0x39d: {  	_ =	swait.ge [sflag:s4], $0x10  }
0x39e: {  	[sflag:s4] =	ssyncset.done $0x0  }
0x39f: {  	[sflag:s4] =	ssyncadd.s32 $0xFFFFFFF0;
	_ =	sdelay $0x2  }
0x3a0: {  	_ =	swait.ge [sflag:s4], $0x10  }
0x3a1: {  	[sflag:s4] =	ssyncset.done $0x0  }
0x3a2: {  	[sflag:s4] =	ssyncadd.s32 $0xFFFFFFF0;
	_ =	sdelay $0x2  }
0x3a3: {  	_ =	swait.ge [sflag:s4], $0x10  }
0x3a4: {  	[sflag:s4] =	ssyncset.done $0x0  }
0x3a5: {  	[sflag:s4] =	ssyncadd.s32 $0xFFFFFFF0;
	_ =	sdelay $0x2  }
0x3a6: {  	_ =	swait.ge [sflag:s4], $0x10  }
0x3a7: {  	[sflag:s4] =	ssyncset.done $0x0  }
0x3a8: {  	[sflag:s4] =	ssyncadd.s32 $0xFFFFFFF0;
	_ =	sdelay $0x2  }
0x3a9: {  	_ =	swait.ge [sflag:s4], $0x10  }
0x3aa: {  	[sflag:s4] =	ssyncset.done $0x0  }
0x3ab: {  	[sflag:s4] =	ssyncadd.s32 $0xFFFFFFF0;
	_ =	sdelay $0x2  }
0x3ac: {  	_ =	swait.ge [sflag:s4], $0x10  }
0x3ad: {  	[sflag:s4] =	ssyncset.done $0x0  }
0x3ae: {  	[sflag:s4] =	ssyncadd.s32 $0xFFFFFFF0;
	_ =	sdelay $0x2  }
0x3af: {  	_ =	swait.ge [sflag:s4], $0x10  }
0x3b0: {  	[sflag:s4] =	ssyncset.done $0x0  }
0x3b1: {  	[sflag:s4] =	ssyncadd.s32 $0xFFFFFFF0;
	_ =	sdelay $0x2  }
0x3b2: {  	_ =	swait.ge [sflag:s4], $0x10  }
0x3b3: {  	[sflag:s4] =	ssyncset.done $0x0  }
0x3b4: {  	[sflag:s4] =	ssyncadd.s32 $0xFFFFFFF0;
	_ =	sdelay $0x2  }
0x3b5: {  	_ =	swait.ge [sflag:s4], $0x10  }
0x3b6: {  	[sflag:s4] =	ssyncset.done $0x0  }
0x3b7: {  	[sflag:s4] =	ssyncadd.s32 $0xFFFFFFF0;
	_ =	sdelay $0x2  }
0x3b8: {  	_ =	swait.ge [sflag:s4], $0x10  }
0x3b9: {  	[sflag:s4] =	ssyncset.done $0x0  }
0x3ba: {  	[sflag:s4] =	ssyncadd.s32 $0xFFFFFFF0;
	_ =	sdelay $0x2  }
0x3bb: {  	_ =	swait.ge [sflag:s4], $0x10  }
0x3bc: {  	[sflag:s4] =	ssyncset.done $0x0  }
0x3bd: {  	[sflag:s4] =	ssyncadd.s32 $0xFFFFFFF0;
	_ =	sdelay $0x2  }
0x3be: {  	_ =	swait.ge [sflag:s4], $0x10  }
0x3bf: {  	[sflag:s4] =	ssyncset.done $0x0  }
0x3c0: {  	[sflag:s4] =	ssyncadd.s32 $0xFFFFFFF0;
	_ =	sdelay $0x2  }
0x3c1: {  	_ =	swait.ge [sflag:s4], $0x10  }
0x3c2: {  	[sflag:s4] =	ssyncset.done $0x0  }
0x3c3: {  	[sflag:s4] =	ssyncadd.s32 $0xFFFFFFF0;
	_ =	sdelay $0x2  }
0x3c4: {  	_ =	swait.ge [sflag:s4], $0x10  }
0x3c5: {  	[sflag:s4] =	ssyncset.done $0x0  }
0x3c6: {  	[sflag:s4] =	ssyncadd.s32 $0xFFFFFFF0;
	_ =	sdelay $0x2  }
0x3c7: {  	_ =	swait.ge [sflag:s4], $0x10  }
0x3c8: {  	[sflag:s4] =	ssyncset.done $0x0  }
0x3c9: {  	[sflag:s4] =	ssyncadd.s32 $0xFFFFFFF0;
	_ =	sdelay $0x2  }
0x3ca: {  	_ =	swait.ge [sflag:s4], $0x10  }
0x3cb: {  	[sflag:s4] =	ssyncset.done $0x0  }
0x3cc: {  	[sflag:s4] =	ssyncadd.s32 $0xFFFFFFF0;
	_ =	sdelay $0x2  }
0x3cd: {  	_ =	swait.ge [sflag:s4], $0x10  }
0x3ce: {  	[sflag:s4] =	ssyncset.done $0x0  }
0x3cf: {  	[sflag:s4] =	ssyncadd.s32 $0xFFFFFFF0;
	_ =	sdelay $0x2  }
0x3d0: {  	_ =	swait.ge [sflag:s4], $0x10  }
0x3d1: {  	[sflag:s4] =	ssyncset.done $0x0  }
0x3d2: {  	[sflag:s4] =	ssyncadd.s32 $0xFFFFFFF0;
	_ =	sdelay $0x2  }
0x3d3: {  	_ =	swait.ge [sflag:s4], $0x10  }
0x3d4: {  	[sflag:s4] =	ssyncset.done $0x0  }
0x3d5: {  	[sflag:s4] =	ssyncadd.s32 $0xFFFFFFF0;
	_ =	sdelay $0x2  }
0x3d6: {  	_ =	swait.ge [sflag:s4], $0x10  }
0x3d7: {  	[sflag:s4] =	ssyncset.done $0x0  }
0x3d8: {  	[sflag:s4] =	ssyncadd.s32 $0xFFFFFFF0;
	_ =	sdelay $0x2  }
0x3d9: {  	_ =	swait.ge [sflag:s4], $0x10  }
0x3da: {  	[sflag:s4] =	ssyncset.done $0x0  }
0x3db: {  	[sflag:s4] =	ssyncadd.s32 $0xFFFFFFF0;
	_ =	sdelay $0x2  }
0x3dc: {  	_ =	swait.ge [sflag:s4], $0x10  }
0x3dd: {  	[sflag:s4] =	ssyncset.done $0x0  }
0x3de: {  	[sflag:s4] =	ssyncadd.s32 $0xFFFFFFF0;
	_ =	sdelay $0x2  }
0x3df: {  	_ =	swait.ge [sflag:s4], $0x10  }
0x3e0: {  	[sflag:s4] =	ssyncset.done $0x0  }
0x3e1: {  	[sflag:s4] =	ssyncadd.s32 $0xFFFFFFF0;
	_ =	sdelay $0x2  }
0x3e2: {  	_ =	swait.ge [sflag:s4], $0x10  }
0x3e3: {  	[sflag:s4] =	ssyncset.done $0x0  }
0x3e4: {  	[sflag:s4] =	ssyncadd.s32 $0xFFFFFFF0;
	_ =	sdelay $0x2  }
0x3e5: {  	_ =	swait.ge [sflag:s4], $0x10  }
0x3e6: {  	[sflag:s4] =	ssyncset.done $0x0  }
0x3e7: {  	[sflag:s4] =	ssyncadd.s32 $0xFFFFFFF0;
	_ =	sdelay $0x2  }
0x3e8: {  	_ =	swait.ge [sflag:s4], $0x10  }
0x3e9: {  	[sflag:s4] =	ssyncset.done $0x0  }
0x3ea: {  	[sflag:s4] =	ssyncadd.s32 $0xFFFFFFF0;
	_ =	sdelay $0x2  }
0x3eb: {  	_ =	swait.ge [sflag:s4], $0x10  }
0x3ec: {  	[sflag:s4] =	ssyncset.done $0x0  }
0x3ed: {  	[sflag:s4] =	ssyncadd.s32 $0xFFFFFFF0;
	_ =	sdelay $0x2  }
0x3ee: {  	_ =	swait.ge [sflag:s4], $0x10  }
0x3ef: {  	[sflag:s4] =	ssyncset.done $0x0  }
0x3f0: {  	[sflag:s4] =	ssyncadd.s32 $0xFFFFFFF0;
	_ =	sdelay $0x2  }
0x3f1: {  	_ =	swait.ge [sflag:s4], $0x10  }
0x3f2: {  	[sflag:s4] =	ssyncset.done $0x0  }
0x3f3: {  	[sflag:s4] =	ssyncadd.s32 $0xFFFFFFF0;
	_ =	sdelay $0x2  }
0x3f4: {  	_ =	swait.ge [sflag:s4], $0x10  }
0x3f5: {  	[sflag:s4] =	ssyncset.done $0x0  }
0x3f6: {  	[sflag:s4] =	ssyncadd.s32 $0xFFFFFFF0;
	_ =	sdelay $0x2  }
0x3f7: {  	_ =	swait.ge [sflag:s4], $0x10  }
0x3f8: {  	[sflag:s4] =	ssyncset.done $0x0  }
0x3f9: {  	[sflag:s4] =	ssyncadd.s32 $0xFFFFFFF0;
	_ =	sdelay $0x2  }
0x3fa: {  	_ =	swait.ge [sflag:s4], $0x10  }
0x3fb: {  	[sflag:s4] =	ssyncset.done $0x0  }
0x3fc: {  	[sflag:s4] =	ssyncadd.s32 $0xFFFFFFF0;
	_ =	sdelay $0x2  }
0x3fd: {  	_ =	swait.ge [sflag:s4], $0x10  }
0x3fe: {  	[sflag:s4] =	ssyncset.done $0x0  }
0x3ff: {  	[sflag:s4] =	ssyncadd.s32 $0xFFFFFFF0;
	_ =	sdelay $0x2  }
0x400: {  	_ =	swait.ge [sflag:s4], $0x10  }
0x401: {  	[sflag:s4] =	ssyncset.done $0x0  }
0x402: {  	[sflag:s4] =	ssyncadd.s32 $0xFFFFFFF0;
	_ =	sdelay $0x2  }
0x403: {  	_ =	swait.ge [sflag:s4], $0x10  }
0x404: {  	[sflag:s4] =	ssyncset.done $0x0  }
0x405: {  	[sflag:s4] =	ssyncadd.s32 $0xFFFFFFF0;
	_ =	sdelay $0x2  }
0x406: {  	_ =	swait.ge [sflag:s4], $0x10  }
0x407: {  	[sflag:s4] =	ssyncset.done $0x0  }
0x408: {  	[sflag:s4] =	ssyncadd.s32 $0xFFFFFFF0;
	_ =	sdelay $0x2  }
0x409: {  	_ =	swait.ge [sflag:s4], $0x10  }
0x40a: {  	[sflag:s4] =	ssyncset.done $0x0  }
0x40b: {  	[sflag:s4] =	ssyncadd.s32 $0xFFFFFFF0  }
.LBB1_3:
0x40c: {  	_ =	strace $0x90000046  }
0x40d: {  	_ =	sfence  }
0x40e: {  	s2 =	sld [smem:$0x0];
	_ =	sdelay $0x2  }
0x40f: {  	s3 =	sshll.u32 s1, $0xD;
	s31 =	sshrl.u32 s1, $0x2  }
0x410: {  	s3 =	sand.u32 $0x4000, s3;
	s1 =	sadd.s32 s31, s2  }
0x411: {  	s0 =	sor.u32 s3, s0;
	s1 =	sshll.u32 s1, $0x11  }
0x412: {  	s0 =	sor.u32 s1, s0  }
0x413: {  	s0 =	sadd.s32 $0x8F2B, s0;
	(pc) =	sbr.abs _section_cstart, $3  }
0x414: {  	[sflag:s0] =	ssyncadd.remote.s32 $0x1  }
0x415: {  	_ =	strace $0x9FFFFFFF  }
0x416: {  	(tm) =	ssettm $0x7FFFFFFF  }
0x417: {  	_ =	shalt  }

</sc_bundles>
